<compile_context>
chip_gen: v7x
topology: tpu7x:2x2x1
jax: 0.10.2.dev20260603
libtpu: 0.0.44.dev20260713+nightly
codegen_flags: <defaults>
</compile_context>

<pallas_src>
import functools

import jax
import jax.numpy as jnp
from jax import lax
from jax.experimental import pallas as pl
from jax.experimental.pallas import tpu as pltpu
from jax.experimental.pallas import tpu_sc as plsc

_LANES = 16
_RING = 8


@functools.lru_cache(maxsize=None)
def _build(V, D, B):
    info = plsc.get_sparse_core_info()
    NC, NS = info.num_cores, info.num_subcores
    NW = NC * NS
    b_per_w = B // NW
    mesh = plsc.VectorSubcoreMesh(core_axis_name="c", subcore_axis_name="s")
    n_chunk = D // _LANES

    @functools.partial(
        pl.kernel,
        mesh=mesh,
        out_type=jax.ShapeDtypeStruct((2, D, B), jnp.float32),
        scratch_types=[
            pltpu.SMEM((2, b_per_w), jnp.int32),
            pltpu.VMEM((2 * b_per_w,), jnp.int32),
            pltpu.VMEM((_RING, D, 128), jnp.float32),
            pltpu.VMEM((D, b_per_w), jnp.float32),
            pltpu.SemaphoreType.DMA((_RING,)),
            pltpu.SemaphoreType.DMA,
        ],
        compiler_params=pltpu.CompilerParams(needs_layout_passes=False),
    )
    def k(wtT_hbm, ctT_hbm, words_hbm, ctx_hbm, out_hbm, idx_s, idx_v,
          blk_v, rows_v, ring_sem, out_sem):
        wid = lax.axis_index("s") * NC + lax.axis_index("c")
        base = wid * b_per_w

        pltpu.sync_copy(words_hbm.at[pl.ds(base, b_per_w)],
                        idx_v.at[pl.ds(0, b_per_w)])
        pltpu.sync_copy(ctx_hbm.at[pl.ds(base, b_per_w)],
                        idx_v.at[pl.ds(b_per_w, b_per_w)])

        tables = (wtT_hbm, ctT_hbm)
        lane = lax.iota(jnp.int32, _LANES)

        for t in range(2):
            def stage(g, t=t):
                vec = plsc.load_gather(
                    idx_v, [t * b_per_w + g * _LANES + lane]
                )
                for l in range(_LANES):
                    s = lax.reduce_max(
                        jnp.where(lane == l, vec, jnp.int32(-2147483648)),
                        axes=(0,),
                    )
                    idx_s[t, g * _LANES + l] = s
            pl.loop(0, b_per_w // _LANES)(stage)

        def fire(t, j, slot):
            i = jnp.clip(idx_s[t, j], 0, V - 1)
            blk = pl.multiple_of((i >> 7) * 128, 128)
            return pltpu.async_copy(
                tables[t].at[:, pl.ds(blk, 128)],
                blk_v.at[slot],
                ring_sem.at[slot],
            )

        def extract(t, j, slot):
            i = idx_s[t, j]
            col = jnp.full((_LANES,), i & 127, dtype=jnp.int32)
            jcol = jnp.full((_LANES,), j, dtype=jnp.int32)
            for c in range(n_chunk):
                dvec = lane + c * _LANES
                vals = plsc.load_gather(blk_v.at[slot], [dvec, col])
                plsc.store_scatter(rows_v, [dvec, jcol], vals)

        n_grp = b_per_w // _RING
        for t in range(2):
            for r in range(_RING):
                fire(t, r, r)

            def grp(g, t=t):
                for r in range(_RING):
                    j = g * _RING + r
                    pltpu.make_async_copy(
                        tables[t].at[:, pl.ds(0, 128)],
                        blk_v.at[r],
                        ring_sem.at[r],
                    ).wait()
                    extract(t, j, r)

                    @pl.when(g < n_grp - 1)
                    def _():
                        fire(t, j + _RING, r)

            pl.loop(0, n_grp)(grp)

            pltpu.sync_copy(
                rows_v, out_hbm.at[t, :, pl.ds(base, b_per_w)]
            )

    return k


def kernel(words, contexts, w_table, c_table):
    V, D = w_table.shape
    B = words.shape[0]
    k = _build(V, D, B)
    out_t = k(
        jnp.swapaxes(w_table, 0, 1),
        jnp.swapaxes(c_table, 0, 1),
        words,
        contexts,
    )
    return jnp.swapaxes(out_t, 1, 2)

# --- scband reference (transcript-rebuilt; emitter-appended) ---
"""Pipeline reference for scband-sgnsmodel-25159918420893 (READ-ONLY COPY).

The authoritative reference and input builder live on the scoring server;
editing this copy changes nothing except your own understanding.
"""

import jax, jax.numpy as jnp
import numpy as np

VOCAB = 1000000
EMBED = 64
BATCH = 16384

def setup_inputs(seed: int = 0) -> dict:
    key = jax.random.key(seed)
    k_w, k_c, k_wt, k_ct = jax.random.split(key, 4)
    words = jax.random.randint(k_w, (BATCH,), 0, VOCAB, dtype=jnp.int64 if jax.config.jax_enable_x64 else jnp.int32).astype(jnp.int32)
    contexts = jax.random.randint(k_c, (BATCH,), 0, VOCAB, dtype=jnp.int32)
    w_table = jax.random.normal(k_wt, (VOCAB, EMBED), dtype=jnp.float32)
    c_table = jax.random.normal(k_ct, (VOCAB, EMBED), dtype=jnp.float32)
    return {"words": words, "contexts": contexts, "w_table": w_table, "c_table": c_table}

def reference(words, contexts, w_table, c_table):
    # SGNSModel.forward_w: w_embeds = self.w_embeddings(words)
    w_embeds = jnp.take(w_table, words, axis=0)
    # SGNSModel.forward_c: c_embeds = self.c_embeddings(contexts)
    c_embeds = jnp.take(c_table, contexts, axis=0)
    # Stack the two lookup outputs into a single array [2, B, D]
    return jnp.stack([w_embeds, c_embeds], axis=0)

if __name__ == "__main__":
    import jax
    _d = setup_inputs()
    print(jax.jit(kernel)(*tuple(_d.values())))

</pallas_src>

<mosaic_0001>
#map = affine_map<(d0, d1) -> (0, 0)>
#map1 = affine_map<(d0, d1) -> (0)>
#map2 = affine_map<(d0, d1) -> (0, 0, 0)>
module attributes {stable_mosaic.version = 14 : i64} {
  func.func @k(%arg0: i32, %arg1: i32, %arg2: memref<64x1000000xf32, #tpu.memory_space<hbm>>, %arg3: memref<64x1000000xf32, #tpu.memory_space<hbm>>, %arg4: memref<16384xi32, #tpu.memory_space<hbm>>, %arg5: memref<16384xi32, #tpu.memory_space<hbm>>, %arg6: memref<2x64x16384xf32, #tpu.memory_space<hbm>>, %arg7: memref<2x512xi32, #tpu.memory_space<smem>>, %arg8: memref<1024xi32, #tpu.memory_space<vmem>>, %arg9: memref<8x64x128xf32, #tpu.memory_space<vmem>>, %arg10: memref<64x512xf32, #tpu.memory_space<vmem>>, %arg11: memref<8x!tpu.dma_semaphore, #tpu.memory_space<semaphore_mem>>, %arg12: memref<!tpu.dma_semaphore, #tpu.memory_space<semaphore_mem>>) attributes {dimension_semantics = [#tpu.dimension_semantics<core_parallel>, #tpu.dimension_semantics<subcore_parallel>], iteration_bounds = array<i64: 2, 16>, scalar_prefetch = 0 : i64, scratch_operands = 6 : i64, tpu.core_type = #tpu.core_type<sc_vector_subcore>, window_params = [{transform_indices = #map}, {transform_indices = #map}, {transform_indices = #map1}, {transform_indices = #map1}, {transform_indices = #map2}]} {
    %mul3A = arith.constant 2 : i32
    %mul3A_0 = arith.muli %arg1, %mul3A : i32
    %add3A = arith.addi %mul3A_0, %arg0 : i32
    %mul3A_1 = arith.constant 512 : i32
    %mul3A_2 = arith.muli %add3A, %mul3A_1 : i32
    "tpu.region"() ({
      %run_scoped3A_496 = tpu.sem_alloc : memref<!tpu.dma_semaphore, #tpu.memory_space<semaphore_mem>>
      %dma_start3A_497 = arith.constant 0 : i32
      %dma_start3A_498 = tpu.memref_slice %arg8[%dma_start3A_497] : memref<1024xi32, #tpu.memory_space<vmem>> -> memref<512xi32, #tpu.memory_space<vmem>>
      %dma_start3A_499 = tpu.memref_slice %arg4[%mul3A_2] : memref<16384xi32, #tpu.memory_space<hbm>> -> memref<512xi32, #tpu.memory_space<hbm>>
      %dma_start3A_500 = arith.constant 0 : i32
      %dma_start3A_501 = tpu.memref_slice %arg8[%dma_start3A_500] : memref<1024xi32, #tpu.memory_space<vmem>> -> memref<512xi32, #tpu.memory_space<vmem>>
      %dma_start3A_502 = tpu.memref_slice %arg4[%mul3A_2] : memref<16384xi32, #tpu.memory_space<hbm>> -> memref<512xi32, #tpu.memory_space<hbm>>
      tpu.enqueue_dma source(%dma_start3A_502 : memref<512xi32, #tpu.memory_space<hbm>>) target(%dma_start3A_501 : memref<512xi32, #tpu.memory_space<vmem>>) target_semaphore(%run_scoped3A_496 : memref<!tpu.dma_semaphore, #tpu.memory_space<semaphore_mem>>)
      %dma_wait3A = arith.constant 0 : i32
      %dma_wait3A_503 = tpu.memref_slice %arg8[%dma_wait3A] : memref<1024xi32, #tpu.memory_space<vmem>> -> memref<512xi32, #tpu.memory_space<vmem>>
      %dma_wait3A_504 = tpu.memref_slice %arg4[%mul3A_2] : memref<16384xi32, #tpu.memory_space<hbm>> -> memref<512xi32, #tpu.memory_space<hbm>>
      %dma_wait3A_505 = arith.constant 0 : i32
      %dma_wait3A_506 = tpu.memref_slice %arg8[%dma_wait3A_505] : memref<1024xi32, #tpu.memory_space<vmem>> -> memref<512xi32, #tpu.memory_space<vmem>>
      %dma_wait3A_507 = tpu.memref_slice %arg4[%mul3A_2] : memref<16384xi32, #tpu.memory_space<hbm>> -> memref<512xi32, #tpu.memory_space<hbm>>
      tpu.wait_dma2 semaphore(%run_scoped3A_496 : memref<!tpu.dma_semaphore, #tpu.memory_space<semaphore_mem>>) src(%dma_wait3A_507 : memref<512xi32, #tpu.memory_space<hbm>>) dst(%dma_wait3A_506 : memref<512xi32, #tpu.memory_space<vmem>>)
      tpu.yield
    }) : () -> ()
    "tpu.region"() ({
      %run_scoped3A_496 = tpu.sem_alloc : memref<!tpu.dma_semaphore, #tpu.memory_space<semaphore_mem>>
      %dma_start3A_497 = arith.constant 512 : i32
      %dma_start3A_498 = tpu.memref_slice %arg8[%dma_start3A_497] : memref<1024xi32, #tpu.memory_space<vmem>> -> memref<512xi32, #tpu.memory_space<vmem>>
      %dma_start3A_499 = tpu.memref_slice %arg5[%mul3A_2] : memref<16384xi32, #tpu.memory_space<hbm>> -> memref<512xi32, #tpu.memory_space<hbm>>
      %dma_start3A_500 = arith.constant 512 : i32
      %dma_start3A_501 = tpu.memref_slice %arg8[%dma_start3A_500] : memref<1024xi32, #tpu.memory_space<vmem>> -> memref<512xi32, #tpu.memory_space<vmem>>
      %dma_start3A_502 = tpu.memref_slice %arg5[%mul3A_2] : memref<16384xi32, #tpu.memory_space<hbm>> -> memref<512xi32, #tpu.memory_space<hbm>>
      tpu.enqueue_dma source(%dma_start3A_502 : memref<512xi32, #tpu.memory_space<hbm>>) target(%dma_start3A_501 : memref<512xi32, #tpu.memory_space<vmem>>) target_semaphore(%run_scoped3A_496 : memref<!tpu.dma_semaphore, #tpu.memory_space<semaphore_mem>>)
      %dma_wait3A = arith.constant 512 : i32
      %dma_wait3A_503 = tpu.memref_slice %arg8[%dma_wait3A] : memref<1024xi32, #tpu.memory_space<vmem>> -> memref<512xi32, #tpu.memory_space<vmem>>
      %dma_wait3A_504 = tpu.memref_slice %arg5[%mul3A_2] : memref<16384xi32, #tpu.memory_space<hbm>> -> memref<512xi32, #tpu.memory_space<hbm>>
      %dma_wait3A_505 = arith.constant 512 : i32
      %dma_wait3A_506 = tpu.memref_slice %arg8[%dma_wait3A_505] : memref<1024xi32, #tpu.memory_space<vmem>> -> memref<512xi32, #tpu.memory_space<vmem>>
      %dma_wait3A_507 = tpu.memref_slice %arg5[%mul3A_2] : memref<16384xi32, #tpu.memory_space<hbm>> -> memref<512xi32, #tpu.memory_space<hbm>>
      tpu.wait_dma2 semaphore(%run_scoped3A_496 : memref<!tpu.dma_semaphore, #tpu.memory_space<semaphore_mem>>) src(%dma_wait3A_507 : memref<512xi32, #tpu.memory_space<hbm>>) dst(%dma_wait3A_506 : memref<512xi32, #tpu.memory_space<vmem>>)
      tpu.yield
    }) : () -> ()
    %iota3A = tpu.iota {dimensions = array<i32: 0>} : vector<16xi32>
    %scan3A = arith.constant 0 : i32
    %scan3A_3 = arith.constant 32 : i32
    %scan3A_4 = arith.addi %scan3A, %scan3A_3 : i32
    %scan3A_5 = arith.constant 1 : i32
    scf.for %scan3A_496 = %scan3A to %scan3A_4 step %scan3A_5  : i32 {
      %mul3A_497 = arith.constant 1 : i32
      %mul3A_498 = arith.muli %scan3A_496, %mul3A_497 : i32
      %add3A_499 = arith.constant 0 : i32
      %add3A_500 = arith.addi %add3A_499, %mul3A_498 : i32
      %mul3A_501 = arith.constant 16 : i32
      %mul3A_502 = arith.muli %add3A_500, %mul3A_501 : i32
      %add3A_503 = arith.constant 0 : i32
      %add3A_504 = arith.addi %add3A_503, %mul3A_502 : i32
      %add3A_505 = vector.broadcast %add3A_504 : i32 to vector<16xi32>
      %add3A_506 = arith.addi %add3A_505, %iota3A : vector<16xi32>
      %gather3A = tpu.vector_load_idx %arg8[%add3A_506] : memref<1024xi32, #tpu.memory_space<vmem>>[vector<16xi32>], vector<16xi32>,
      %eq3A = arith.constant 0 : i32
      %eq3A_507 = vector.broadcast %eq3A : i32 to vector<16xi32>
      %eq3A_508 = arith.cmpi eq, %iota3A, %eq3A_507 : vector<16xi32>
      %jit3A_509 = arith.constant -2147483648 : i32
      %broadcast_in_dim3A = vector.broadcast %jit3A_509 : i32 to vector<16xi32>
      %select_n3A = arith.select %eq3A_508, %gather3A, %broadcast_in_dim3A : vector<16xi1>, vector<16xi32>
      %reduce_max3A = arith.constant true
      %reduce_max3A_510 = vector.broadcast %reduce_max3A : i1 to vector<16xi1>
      %reduce_max3A_511 = arith.constant -2147483648 : i32
      %reduce_max3A_512 = vector.broadcast %reduce_max3A_511 : i32 to vector<16xi32>
      %reduce_max3A_513 = arith.xori %select_n3A, %reduce_max3A_512 : vector<16xi32>
      %reduce_max3A_514 = tpu.scan <max>, %reduce_max3A_513 masked %reduce_max3A_510 : vector<16xi32>, vector<16xi1> -> vector<16xi32>
      %reduce_max3A_515 = arith.xori %reduce_max3A_514, %reduce_max3A_512 : vector<16xi32>
      %reduce_max3A_516 = vector.extract %reduce_max3A_515[15] : i32 from vector<16xi32>
      %mul3A_517 = arith.constant 16 : i32
      %mul3A_518 = arith.muli %add3A_500, %mul3A_517 : i32
      %add3A_519 = arith.constant 0 : i32
      %add3A_520 = arith.addi %mul3A_518, %add3A_519 : i32
      %swap3A = arith.constant 0 : i32
      %swap3A_521 = arith.index_cast %swap3A : i32 to index
      %swap3A_522 = arith.index_cast %add3A_520 : i32 to index
      %swap3A_523 = memref.load %arg7[%swap3A_521, %swap3A_522] : memref<2x512xi32, #tpu.memory_space<smem>>
      memref.store %reduce_max3A_516, %arg7[%swap3A_521, %swap3A_522] : memref<2x512xi32, #tpu.memory_space<smem>>
      %eq3A_524 = arith.constant 1 : i32
      %eq3A_525 = vector.broadcast %eq3A_524 : i32 to vector<16xi32>
      %eq3A_526 = arith.cmpi eq, %iota3A, %eq3A_525 : vector<16xi32>
      %jit3A_527 = arith.constant -2147483648 : i32
      %broadcast_in_dim3A_528 = vector.broadcast %jit3A_527 : i32 to vector<16xi32>
      %select_n3A_529 = arith.select %eq3A_526, %gather3A, %broadcast_in_dim3A_528 : vector<16xi1>, vector<16xi32>
      %reduce_max3A_530 = arith.constant true
      %reduce_max3A_531 = vector.broadcast %reduce_max3A_530 : i1 to vector<16xi1>
      %reduce_max3A_532 = arith.constant -2147483648 : i32
      %reduce_max3A_533 = vector.broadcast %reduce_max3A_532 : i32 to vector<16xi32>
      %reduce_max3A_534 = arith.xori %select_n3A_529, %reduce_max3A_533 : vector<16xi32>
      %reduce_max3A_535 = tpu.scan <max>, %reduce_max3A_534 masked %reduce_max3A_531 : vector<16xi32>, vector<16xi1> -> vector<16xi32>
      %reduce_max3A_536 = arith.xori %reduce_max3A_535, %reduce_max3A_533 : vector<16xi32>
      %reduce_max3A_537 = vector.extract %reduce_max3A_536[15] : i32 from vector<16xi32>
      %mul3A_538 = arith.constant 16 : i32
      %mul3A_539 = arith.muli %add3A_500, %mul3A_538 : i32
      %add3A_540 = arith.constant 1 : i32
      %add3A_541 = arith.addi %mul3A_539, %add3A_540 : i32
      %swap3A_542 = arith.constant 0 : i32
      %swap3A_543 = arith.index_cast %swap3A_542 : i32 to index
      %swap3A_544 = arith.index_cast %add3A_541 : i32 to index
      %swap3A_545 = memref.load %arg7[%swap3A_543, %swap3A_544] : memref<2x512xi32, #tpu.memory_space<smem>>
      memref.store %reduce_max3A_537, %arg7[%swap3A_543, %swap3A_544] : memref<2x512xi32, #tpu.memory_space<smem>>
      %eq3A_546 = arith.constant 2 : i32
      %eq3A_547 = vector.broadcast %eq3A_546 : i32 to vector<16xi32>
      %eq3A_548 = arith.cmpi eq, %iota3A, %eq3A_547 : vector<16xi32>
      %jit3A_549 = arith.constant -2147483648 : i32
      %broadcast_in_dim3A_550 = vector.broadcast %jit3A_549 : i32 to vector<16xi32>
      %select_n3A_551 = arith.select %eq3A_548, %gather3A, %broadcast_in_dim3A_550 : vector<16xi1>, vector<16xi32>
      %reduce_max3A_552 = arith.constant true
      %reduce_max3A_553 = vector.broadcast %reduce_max3A_552 : i1 to vector<16xi1>
      %reduce_max3A_554 = arith.constant -2147483648 : i32
      %reduce_max3A_555 = vector.broadcast %reduce_max3A_554 : i32 to vector<16xi32>
      %reduce_max3A_556 = arith.xori %select_n3A_551, %reduce_max3A_555 : vector<16xi32>
      %reduce_max3A_557 = tpu.scan <max>, %reduce_max3A_556 masked %reduce_max3A_553 : vector<16xi32>, vector<16xi1> -> vector<16xi32>
      %reduce_max3A_558 = arith.xori %reduce_max3A_557, %reduce_max3A_555 : vector<16xi32>
      %reduce_max3A_559 = vector.extract %reduce_max3A_558[15] : i32 from vector<16xi32>
      %mul3A_560 = arith.constant 16 : i32
      %mul3A_561 = arith.muli %add3A_500, %mul3A_560 : i32
      %add3A_562 = arith.constant 2 : i32
      %add3A_563 = arith.addi %mul3A_561, %add3A_562 : i32
      %swap3A_564 = arith.constant 0 : i32
      %swap3A_565 = arith.index_cast %swap3A_564 : i32 to index
      %swap3A_566 = arith.index_cast %add3A_563 : i32 to index
      %swap3A_567 = memref.load %arg7[%swap3A_565, %swap3A_566] : memref<2x512xi32, #tpu.memory_space<smem>>
      memref.store %reduce_max3A_559, %arg7[%swap3A_565, %swap3A_566] : memref<2x512xi32, #tpu.memory_space<smem>>
      %eq3A_568 = arith.constant 3 : i32
      %eq3A_569 = vector.broadcast %eq3A_568 : i32 to vector<16xi32>
      %eq3A_570 = arith.cmpi eq, %iota3A, %eq3A_569 : vector<16xi32>
      %jit3A_571 = arith.constant -2147483648 : i32
      %broadcast_in_dim3A_572 = vector.broadcast %jit3A_571 : i32 to vector<16xi32>
      %select_n3A_573 = arith.select %eq3A_570, %gather3A, %broadcast_in_dim3A_572 : vector<16xi1>, vector<16xi32>
      %reduce_max3A_574 = arith.constant true
      %reduce_max3A_575 = vector.broadcast %reduce_max3A_574 : i1 to vector<16xi1>
      %reduce_max3A_576 = arith.constant -2147483648 : i32
      %reduce_max3A_577 = vector.broadcast %reduce_max3A_576 : i32 to vector<16xi32>
      %reduce_max3A_578 = arith.xori %select_n3A_573, %reduce_max3A_577 : vector<16xi32>
      %reduce_max3A_579 = tpu.scan <max>, %reduce_max3A_578 masked %reduce_max3A_575 : vector<16xi32>, vector<16xi1> -> vector<16xi32>
      %reduce_max3A_580 = arith.xori %reduce_max3A_579, %reduce_max3A_577 : vector<16xi32>
      %reduce_max3A_581 = vector.extract %reduce_max3A_580[15] : i32 from vector<16xi32>
      %mul3A_582 = arith.constant 16 : i32
      %mul3A_583 = arith.muli %add3A_500, %mul3A_582 : i32
      %add3A_584 = arith.constant 3 : i32
      %add3A_585 = arith.addi %mul3A_583, %add3A_584 : i32
      %swap3A_586 = arith.constant 0 : i32
      %swap3A_587 = arith.index_cast %swap3A_586 : i32 to index
      %swap3A_588 = arith.index_cast %add3A_585 : i32 to index
      %swap3A_589 = memref.load %arg7[%swap3A_587, %swap3A_588] : memref<2x512xi32, #tpu.memory_space<smem>>
      memref.store %reduce_max3A_581, %arg7[%swap3A_587, %swap3A_588] : memref<2x512xi32, #tpu.memory_space<smem>>
      %eq3A_590 = arith.constant 4 : i32
      %eq3A_591 = vector.broadcast %eq3A_590 : i32 to vector<16xi32>
      %eq3A_592 = arith.cmpi eq, %iota3A, %eq3A_591 : vector<16xi32>
      %jit3A_593 = arith.constant -2147483648 : i32
      %broadcast_in_dim3A_594 = vector.broadcast %jit3A_593 : i32 to vector<16xi32>
      %select_n3A_595 = arith.select %eq3A_592, %gather3A, %broadcast_in_dim3A_594 : vector<16xi1>, vector<16xi32>
      %reduce_max3A_596 = arith.constant true
      %reduce_max3A_597 = vector.broadcast %reduce_max3A_596 : i1 to vector<16xi1>
      %reduce_max3A_598 = arith.constant -2147483648 : i32
      %reduce_max3A_599 = vector.broadcast %reduce_max3A_598 : i32 to vector<16xi32>
      %reduce_max3A_600 = arith.xori %select_n3A_595, %reduce_max3A_599 : vector<16xi32>
      %reduce_max3A_601 = tpu.scan <max>, %reduce_max3A_600 masked %reduce_max3A_597 : vector<16xi32>, vector<16xi1> -> vector<16xi32>
      %reduce_max3A_602 = arith.xori %reduce_max3A_601, %reduce_max3A_599 : vector<16xi32>
      %reduce_max3A_603 = vector.extract %reduce_max3A_602[15] : i32 from vector<16xi32>
      %mul3A_604 = arith.constant 16 : i32
      %mul3A_605 = arith.muli %add3A_500, %mul3A_604 : i32
      %add3A_606 = arith.constant 4 : i32
      %add3A_607 = arith.addi %mul3A_605, %add3A_606 : i32
      %swap3A_608 = arith.constant 0 : i32
      %swap3A_609 = arith.index_cast %swap3A_608 : i32 to index
      %swap3A_610 = arith.index_cast %add3A_607 : i32 to index
      %swap3A_611 = memref.load %arg7[%swap3A_609, %swap3A_610] : memref<2x512xi32, #tpu.memory_space<smem>>
      memref.store %reduce_max3A_603, %arg7[%swap3A_609, %swap3A_610] : memref<2x512xi32, #tpu.memory_space<smem>>
      %eq3A_612 = arith.constant 5 : i32
      %eq3A_613 = vector.broadcast %eq3A_612 : i32 to vector<16xi32>
      %eq3A_614 = arith.cmpi eq, %iota3A, %eq3A_613 : vector<16xi32>
      %jit3A_615 = arith.constant -2147483648 : i32
      %broadcast_in_dim3A_616 = vector.broadcast %jit3A_615 : i32 to vector<16xi32>
      %select_n3A_617 = arith.select %eq3A_614, %gather3A, %broadcast_in_dim3A_616 : vector<16xi1>, vector<16xi32>
      %reduce_max3A_618 = arith.constant true
      %reduce_max3A_619 = vector.broadcast %reduce_max3A_618 : i1 to vector<16xi1>
      %reduce_max3A_620 = arith.constant -2147483648 : i32
      %reduce_max3A_621 = vector.broadcast %reduce_max3A_620 : i32 to vector<16xi32>
      %reduce_max3A_622 = arith.xori %select_n3A_617, %reduce_max3A_621 : vector<16xi32>
      %reduce_max3A_623 = tpu.scan <max>, %reduce_max3A_622 masked %reduce_max3A_619 : vector<16xi32>, vector<16xi1> -> vector<16xi32>
      %reduce_max3A_624 = arith.xori %reduce_max3A_623, %reduce_max3A_621 : vector<16xi32>
      %reduce_max3A_625 = vector.extract %reduce_max3A_624[15] : i32 from vector<16xi32>
      %mul3A_626 = arith.constant 16 : i32
      %mul3A_627 = arith.muli %add3A_500, %mul3A_626 : i32
      %add3A_628 = arith.constant 5 : i32
      %add3A_629 = arith.addi %mul3A_627, %add3A_628 : i32
      %swap3A_630 = arith.constant 0 : i32
      %swap3A_631 = arith.index_cast %swap3A_630 : i32 to index
      %swap3A_632 = arith.index_cast %add3A_629 : i32 to index
      %swap3A_633 = memref.load %arg7[%swap3A_631, %swap3A_632] : memref<2x512xi32, #tpu.memory_space<smem>>
      memref.store %reduce_max3A_625, %arg7[%swap3A_631, %swap3A_632] : memref<2x512xi32, #tpu.memory_space<smem>>
      %eq3A_634 = arith.constant 6 : i32
      %eq3A_635 = vector.broadcast %eq3A_634 : i32 to vector<16xi32>
      %eq3A_636 = arith.cmpi eq, %iota3A, %eq3A_635 : vector<16xi32>
      %jit3A_637 = arith.constant -2147483648 : i32
      %broadcast_in_dim3A_638 = vector.broadcast %jit3A_637 : i32 to vector<16xi32>
      %select_n3A_639 = arith.select %eq3A_636, %gather3A, %broadcast_in_dim3A_638 : vector<16xi1>, vector<16xi32>
      %reduce_max3A_640 = arith.constant true
      %reduce_max3A_641 = vector.broadcast %reduce_max3A_640 : i1 to vector<16xi1>
      %reduce_max3A_642 = arith.constant -2147483648 : i32
      %reduce_max3A_643 = vector.broadcast %reduce_max3A_642 : i32 to vector<16xi32>
      %reduce_max3A_644 = arith.xori %select_n3A_639, %reduce_max3A_643 : vector<16xi32>
      %reduce_max3A_645 = tpu.scan <max>, %reduce_max3A_644 masked %reduce_max3A_641 : vector<16xi32>, vector<16xi1> -> vector<16xi32>
      %reduce_max3A_646 = arith.xori %reduce_max3A_645, %reduce_max3A_643 : vector<16xi32>
      %reduce_max3A_647 = vector.extract %reduce_max3A_646[15] : i32 from vector<16xi32>
      %mul3A_648 = arith.constant 16 : i32
      %mul3A_649 = arith.muli %add3A_500, %mul3A_648 : i32
      %add3A_650 = arith.constant 6 : i32
      %add3A_651 = arith.addi %mul3A_649, %add3A_650 : i32
      %swap3A_652 = arith.constant 0 : i32
      %swap3A_653 = arith.index_cast %swap3A_652 : i32 to index
      %swap3A_654 = arith.index_cast %add3A_651 : i32 to index
      %swap3A_655 = memref.load %arg7[%swap3A_653, %swap3A_654] : memref<2x512xi32, #tpu.memory_space<smem>>
      memref.store %reduce_max3A_647, %arg7[%swap3A_653, %swap3A_654] : memref<2x512xi32, #tpu.memory_space<smem>>
      %eq3A_656 = arith.constant 7 : i32
      %eq3A_657 = vector.broadcast %eq3A_656 : i32 to vector<16xi32>
      %eq3A_658 = arith.cmpi eq, %iota3A, %eq3A_657 : vector<16xi32>
      %jit3A_659 = arith.constant -2147483648 : i32
      %broadcast_in_dim3A_660 = vector.broadcast %jit3A_659 : i32 to vector<16xi32>
      %select_n3A_661 = arith.select %eq3A_658, %gather3A, %broadcast_in_dim3A_660 : vector<16xi1>, vector<16xi32>
      %reduce_max3A_662 = arith.constant true
      %reduce_max3A_663 = vector.broadcast %reduce_max3A_662 : i1 to vector<16xi1>
      %reduce_max3A_664 = arith.constant -2147483648 : i32
      %reduce_max3A_665 = vector.broadcast %reduce_max3A_664 : i32 to vector<16xi32>
      %reduce_max3A_666 = arith.xori %select_n3A_661, %reduce_max3A_665 : vector<16xi32>
      %reduce_max3A_667 = tpu.scan <max>, %reduce_max3A_666 masked %reduce_max3A_663 : vector<16xi32>, vector<16xi1> -> vector<16xi32>
      %reduce_max3A_668 = arith.xori %reduce_max3A_667, %reduce_max3A_665 : vector<16xi32>
      %reduce_max3A_669 = vector.extract %reduce_max3A_668[15] : i32 from vector<16xi32>
      %mul3A_670 = arith.constant 16 : i32
      %mul3A_671 = arith.muli %add3A_500, %mul3A_670 : i32
      %add3A_672 = arith.constant 7 : i32
      %add3A_673 = arith.addi %mul3A_671, %add3A_672 : i32
      %swap3A_674 = arith.constant 0 : i32
      %swap3A_675 = arith.index_cast %swap3A_674 : i32 to index
      %swap3A_676 = arith.index_cast %add3A_673 : i32 to index
      %swap3A_677 = memref.load %arg7[%swap3A_675, %swap3A_676] : memref<2x512xi32, #tpu.memory_space<smem>>
      memref.store %reduce_max3A_669, %arg7[%swap3A_675, %swap3A_676] : memref<2x512xi32, #tpu.memory_space<smem>>
      %eq3A_678 = arith.constant 8 : i32
      %eq3A_679 = vector.broadcast %eq3A_678 : i32 to vector<16xi32>
      %eq3A_680 = arith.cmpi eq, %iota3A, %eq3A_679 : vector<16xi32>
      %jit3A_681 = arith.constant -2147483648 : i32
      %broadcast_in_dim3A_682 = vector.broadcast %jit3A_681 : i32 to vector<16xi32>
      %select_n3A_683 = arith.select %eq3A_680, %gather3A, %broadcast_in_dim3A_682 : vector<16xi1>, vector<16xi32>
      %reduce_max3A_684 = arith.constant true
      %reduce_max3A_685 = vector.broadcast %reduce_max3A_684 : i1 to vector<16xi1>
      %reduce_max3A_686 = arith.constant -2147483648 : i32
      %reduce_max3A_687 = vector.broadcast %reduce_max3A_686 : i32 to vector<16xi32>
      %reduce_max3A_688 = arith.xori %select_n3A_683, %reduce_max3A_687 : vector<16xi32>
      %reduce_max3A_689 = tpu.scan <max>, %reduce_max3A_688 masked %reduce_max3A_685 : vector<16xi32>, vector<16xi1> -> vector<16xi32>
      %reduce_max3A_690 = arith.xori %reduce_max3A_689, %reduce_max3A_687 : vector<16xi32>
      %reduce_max3A_691 = vector.extract %reduce_max3A_690[15] : i32 from vector<16xi32>
      %mul3A_692 = arith.constant 16 : i32
      %mul3A_693 = arith.muli %add3A_500, %mul3A_692 : i32
      %add3A_694 = arith.constant 8 : i32
      %add3A_695 = arith.addi %mul3A_693, %add3A_694 : i32
      %swap3A_696 = arith.constant 0 : i32
      %swap3A_697 = arith.index_cast %swap3A_696 : i32 to index
      %swap3A_698 = arith.index_cast %add3A_695 : i32 to index
      %swap3A_699 = memref.load %arg7[%swap3A_697, %swap3A_698] : memref<2x512xi32, #tpu.memory_space<smem>>
      memref.store %reduce_max3A_691, %arg7[%swap3A_697, %swap3A_698] : memref<2x512xi32, #tpu.memory_space<smem>>
      %eq3A_700 = arith.constant 9 : i32
      %eq3A_701 = vector.broadcast %eq3A_700 : i32 to vector<16xi32>
      %eq3A_702 = arith.cmpi eq, %iota3A, %eq3A_701 : vector<16xi32>
      %jit3A_703 = arith.constant -2147483648 : i32
      %broadcast_in_dim3A_704 = vector.broadcast %jit3A_703 : i32 to vector<16xi32>
      %select_n3A_705 = arith.select %eq3A_702, %gather3A, %broadcast_in_dim3A_704 : vector<16xi1>, vector<16xi32>
      %reduce_max3A_706 = arith.constant true
      %reduce_max3A_707 = vector.broadcast %reduce_max3A_706 : i1 to vector<16xi1>
      %reduce_max3A_708 = arith.constant -2147483648 : i32
      %reduce_max3A_709 = vector.broadcast %reduce_max3A_708 : i32 to vector<16xi32>
      %reduce_max3A_710 = arith.xori %select_n3A_705, %reduce_max3A_709 : vector<16xi32>
      %reduce_max3A_711 = tpu.scan <max>, %reduce_max3A_710 masked %reduce_max3A_707 : vector<16xi32>, vector<16xi1> -> vector<16xi32>
      %reduce_max3A_712 = arith.xori %reduce_max3A_711, %reduce_max3A_709 : vector<16xi32>
      %reduce_max3A_713 = vector.extract %reduce_max3A_712[15] : i32 from vector<16xi32>
      %mul3A_714 = arith.constant 16 : i32
      %mul3A_715 = arith.muli %add3A_500, %mul3A_714 : i32
      %add3A_716 = arith.constant 9 : i32
      %add3A_717 = arith.addi %mul3A_715, %add3A_716 : i32
      %swap3A_718 = arith.constant 0 : i32
      %swap3A_719 = arith.index_cast %swap3A_718 : i32 to index
      %swap3A_720 = arith.index_cast %add3A_717 : i32 to index
      %swap3A_721 = memref.load %arg7[%swap3A_719, %swap3A_720] : memref<2x512xi32, #tpu.memory_space<smem>>
      memref.store %reduce_max3A_713, %arg7[%swap3A_719, %swap3A_720] : memref<2x512xi32, #tpu.memory_space<smem>>
      %eq3A_722 = arith.constant 10 : i32
      %eq3A_723 = vector.broadcast %eq3A_722 : i32 to vector<16xi32>
      %eq3A_724 = arith.cmpi eq, %iota3A, %eq3A_723 : vector<16xi32>
      %jit3A_725 = arith.constant -2147483648 : i32
      %broadcast_in_dim3A_726 = vector.broadcast %jit3A_725 : i32 to vector<16xi32>
      %select_n3A_727 = arith.select %eq3A_724, %gather3A, %broadcast_in_dim3A_726 : vector<16xi1>, vector<16xi32>
      %reduce_max3A_728 = arith.constant true
      %reduce_max3A_729 = vector.broadcast %reduce_max3A_728 : i1 to vector<16xi1>
      %reduce_max3A_730 = arith.constant -2147483648 : i32
      %reduce_max3A_731 = vector.broadcast %reduce_max3A_730 : i32 to vector<16xi32>
      %reduce_max3A_732 = arith.xori %select_n3A_727, %reduce_max3A_731 : vector<16xi32>
      %reduce_max3A_733 = tpu.scan <max>, %reduce_max3A_732 masked %reduce_max3A_729 : vector<16xi32>, vector<16xi1> -> vector<16xi32>
      %reduce_max3A_734 = arith.xori %reduce_max3A_733, %reduce_max3A_731 : vector<16xi32>
      %reduce_max3A_735 = vector.extract %reduce_max3A_734[15] : i32 from vector<16xi32>
      %mul3A_736 = arith.constant 16 : i32
      %mul3A_737 = arith.muli %add3A_500, %mul3A_736 : i32
      %add3A_738 = arith.constant 10 : i32
      %add3A_739 = arith.addi %mul3A_737, %add3A_738 : i32
      %swap3A_740 = arith.constant 0 : i32
      %swap3A_741 = arith.index_cast %swap3A_740 : i32 to index
      %swap3A_742 = arith.index_cast %add3A_739 : i32 to index
      %swap3A_743 = memref.load %arg7[%swap3A_741, %swap3A_742] : memref<2x512xi32, #tpu.memory_space<smem>>
      memref.store %reduce_max3A_735, %arg7[%swap3A_741, %swap3A_742] : memref<2x512xi32, #tpu.memory_space<smem>>
      %eq3A_744 = arith.constant 11 : i32
      %eq3A_745 = vector.broadcast %eq3A_744 : i32 to vector<16xi32>
      %eq3A_746 = arith.cmpi eq, %iota3A, %eq3A_745 : vector<16xi32>
      %jit3A_747 = arith.constant -2147483648 : i32
      %broadcast_in_dim3A_748 = vector.broadcast %jit3A_747 : i32 to vector<16xi32>
      %select_n3A_749 = arith.select %eq3A_746, %gather3A, %broadcast_in_dim3A_748 : vector<16xi1>, vector<16xi32>
      %reduce_max3A_750 = arith.constant true
      %reduce_max3A_751 = vector.broadcast %reduce_max3A_750 : i1 to vector<16xi1>
      %reduce_max3A_752 = arith.constant -2147483648 : i32
      %reduce_max3A_753 = vector.broadcast %reduce_max3A_752 : i32 to vector<16xi32>
      %reduce_max3A_754 = arith.xori %select_n3A_749, %reduce_max3A_753 : vector<16xi32>
      %reduce_max3A_755 = tpu.scan <max>, %reduce_max3A_754 masked %reduce_max3A_751 : vector<16xi32>, vector<16xi1> -> vector<16xi32>
      %reduce_max3A_756 = arith.xori %reduce_max3A_755, %reduce_max3A_753 : vector<16xi32>
      %reduce_max3A_757 = vector.extract %reduce_max3A_756[15] : i32 from vector<16xi32>
      %mul3A_758 = arith.constant 16 : i32
      %mul3A_759 = arith.muli %add3A_500, %mul3A_758 : i32
      %add3A_760 = arith.constant 11 : i32
      %add3A_761 = arith.addi %mul3A_759, %add3A_760 : i32
      %swap3A_762 = arith.constant 0 : i32
      %swap3A_763 = arith.index_cast %swap3A_762 : i32 to index
      %swap3A_764 = arith.index_cast %add3A_761 : i32 to index
      %swap3A_765 = memref.load %arg7[%swap3A_763, %swap3A_764] : memref<2x512xi32, #tpu.memory_space<smem>>
      memref.store %reduce_max3A_757, %arg7[%swap3A_763, %swap3A_764] : memref<2x512xi32, #tpu.memory_space<smem>>
      %eq3A_766 = arith.constant 12 : i32
      %eq3A_767 = vector.broadcast %eq3A_766 : i32 to vector<16xi32>
      %eq3A_768 = arith.cmpi eq, %iota3A, %eq3A_767 : vector<16xi32>
      %jit3A_769 = arith.constant -2147483648 : i32
      %broadcast_in_dim3A_770 = vector.broadcast %jit3A_769 : i32 to vector<16xi32>
      %select_n3A_771 = arith.select %eq3A_768, %gather3A, %broadcast_in_dim3A_770 : vector<16xi1>, vector<16xi32>
      %reduce_max3A_772 = arith.constant true
      %reduce_max3A_773 = vector.broadcast %reduce_max3A_772 : i1 to vector<16xi1>
      %reduce_max3A_774 = arith.constant -2147483648 : i32
      %reduce_max3A_775 = vector.broadcast %reduce_max3A_774 : i32 to vector<16xi32>
      %reduce_max3A_776 = arith.xori %select_n3A_771, %reduce_max3A_775 : vector<16xi32>
      %reduce_max3A_777 = tpu.scan <max>, %reduce_max3A_776 masked %reduce_max3A_773 : vector<16xi32>, vector<16xi1> -> vector<16xi32>
      %reduce_max3A_778 = arith.xori %reduce_max3A_777, %reduce_max3A_775 : vector<16xi32>
      %reduce_max3A_779 = vector.extract %reduce_max3A_778[15] : i32 from vector<16xi32>
      %mul3A_780 = arith.constant 16 : i32
      %mul3A_781 = arith.muli %add3A_500, %mul3A_780 : i32
      %add3A_782 = arith.constant 12 : i32
      %add3A_783 = arith.addi %mul3A_781, %add3A_782 : i32
      %swap3A_784 = arith.constant 0 : i32
      %swap3A_785 = arith.index_cast %swap3A_784 : i32 to index
      %swap3A_786 = arith.index_cast %add3A_783 : i32 to index
      %swap3A_787 = memref.load %arg7[%swap3A_785, %swap3A_786] : memref<2x512xi32, #tpu.memory_space<smem>>
      memref.store %reduce_max3A_779, %arg7[%swap3A_785, %swap3A_786] : memref<2x512xi32, #tpu.memory_space<smem>>
      %eq3A_788 = arith.constant 13 : i32
      %eq3A_789 = vector.broadcast %eq3A_788 : i32 to vector<16xi32>
      %eq3A_790 = arith.cmpi eq, %iota3A, %eq3A_789 : vector<16xi32>
      %jit3A_791 = arith.constant -2147483648 : i32
      %broadcast_in_dim3A_792 = vector.broadcast %jit3A_791 : i32 to vector<16xi32>
      %select_n3A_793 = arith.select %eq3A_790, %gather3A, %broadcast_in_dim3A_792 : vector<16xi1>, vector<16xi32>
      %reduce_max3A_794 = arith.constant true
      %reduce_max3A_795 = vector.broadcast %reduce_max3A_794 : i1 to vector<16xi1>
      %reduce_max3A_796 = arith.constant -2147483648 : i32
      %reduce_max3A_797 = vector.broadcast %reduce_max3A_796 : i32 to vector<16xi32>
      %reduce_max3A_798 = arith.xori %select_n3A_793, %reduce_max3A_797 : vector<16xi32>
      %reduce_max3A_799 = tpu.scan <max>, %reduce_max3A_798 masked %reduce_max3A_795 : vector<16xi32>, vector<16xi1> -> vector<16xi32>
      %reduce_max3A_800 = arith.xori %reduce_max3A_799, %reduce_max3A_797 : vector<16xi32>
      %reduce_max3A_801 = vector.extract %reduce_max3A_800[15] : i32 from vector<16xi32>
      %mul3A_802 = arith.constant 16 : i32
      %mul3A_803 = arith.muli %add3A_500, %mul3A_802 : i32
      %add3A_804 = arith.constant 13 : i32
      %add3A_805 = arith.addi %mul3A_803, %add3A_804 : i32
      %swap3A_806 = arith.constant 0 : i32
      %swap3A_807 = arith.index_cast %swap3A_806 : i32 to index
      %swap3A_808 = arith.index_cast %add3A_805 : i32 to index
      %swap3A_809 = memref.load %arg7[%swap3A_807, %swap3A_808] : memref<2x512xi32, #tpu.memory_space<smem>>
      memref.store %reduce_max3A_801, %arg7[%swap3A_807, %swap3A_808] : memref<2x512xi32, #tpu.memory_space<smem>>
      %eq3A_810 = arith.constant 14 : i32
      %eq3A_811 = vector.broadcast %eq3A_810 : i32 to vector<16xi32>
      %eq3A_812 = arith.cmpi eq, %iota3A, %eq3A_811 : vector<16xi32>
      %jit3A_813 = arith.constant -2147483648 : i32
      %broadcast_in_dim3A_814 = vector.broadcast %jit3A_813 : i32 to vector<16xi32>
      %select_n3A_815 = arith.select %eq3A_812, %gather3A, %broadcast_in_dim3A_814 : vector<16xi1>, vector<16xi32>
      %reduce_max3A_816 = arith.constant true
      %reduce_max3A_817 = vector.broadcast %reduce_max3A_816 : i1 to vector<16xi1>
      %reduce_max3A_818 = arith.constant -2147483648 : i32
      %reduce_max3A_819 = vector.broadcast %reduce_max3A_818 : i32 to vector<16xi32>
      %reduce_max3A_820 = arith.xori %select_n3A_815, %reduce_max3A_819 : vector<16xi32>
      %reduce_max3A_821 = tpu.scan <max>, %reduce_max3A_820 masked %reduce_max3A_817 : vector<16xi32>, vector<16xi1> -> vector<16xi32>
      %reduce_max3A_822 = arith.xori %reduce_max3A_821, %reduce_max3A_819 : vector<16xi32>
      %reduce_max3A_823 = vector.extract %reduce_max3A_822[15] : i32 from vector<16xi32>
      %mul3A_824 = arith.constant 16 : i32
      %mul3A_825 = arith.muli %add3A_500, %mul3A_824 : i32
      %add3A_826 = arith.constant 14 : i32
      %add3A_827 = arith.addi %mul3A_825, %add3A_826 : i32
      %swap3A_828 = arith.constant 0 : i32
      %swap3A_829 = arith.index_cast %swap3A_828 : i32 to index
      %swap3A_830 = arith.index_cast %add3A_827 : i32 to index
      %swap3A_831 = memref.load %arg7[%swap3A_829, %swap3A_830] : memref<2x512xi32, #tpu.memory_space<smem>>
      memref.store %reduce_max3A_823, %arg7[%swap3A_829, %swap3A_830] : memref<2x512xi32, #tpu.memory_space<smem>>
      %eq3A_832 = arith.constant 15 : i32
      %eq3A_833 = vector.broadcast %eq3A_832 : i32 to vector<16xi32>
      %eq3A_834 = arith.cmpi eq, %iota3A, %eq3A_833 : vector<16xi32>
      %jit3A_835 = arith.constant -2147483648 : i32
      %broadcast_in_dim3A_836 = vector.broadcast %jit3A_835 : i32 to vector<16xi32>
      %select_n3A_837 = arith.select %eq3A_834, %gather3A, %broadcast_in_dim3A_836 : vector<16xi1>, vector<16xi32>
      %reduce_max3A_838 = arith.constant true
      %reduce_max3A_839 = vector.broadcast %reduce_max3A_838 : i1 to vector<16xi1>
      %reduce_max3A_840 = arith.constant -2147483648 : i32
      %reduce_max3A_841 = vector.broadcast %reduce_max3A_840 : i32 to vector<16xi32>
      %reduce_max3A_842 = arith.xori %select_n3A_837, %reduce_max3A_841 : vector<16xi32>
      %reduce_max3A_843 = tpu.scan <max>, %reduce_max3A_842 masked %reduce_max3A_839 : vector<16xi32>, vector<16xi1> -> vector<16xi32>
      %reduce_max3A_844 = arith.xori %reduce_max3A_843, %reduce_max3A_841 : vector<16xi32>
      %reduce_max3A_845 = vector.extract %reduce_max3A_844[15] : i32 from vector<16xi32>
      %mul3A_846 = arith.constant 16 : i32
      %mul3A_847 = arith.muli %add3A_500, %mul3A_846 : i32
      %add3A_848 = arith.constant 15 : i32
      %add3A_849 = arith.addi %mul3A_847, %add3A_848 : i32
      %swap3A_850 = arith.constant 0 : i32
      %swap3A_851 = arith.index_cast %swap3A_850 : i32 to index
      %swap3A_852 = arith.index_cast %add3A_849 : i32 to index
      %swap3A_853 = memref.load %arg7[%swap3A_851, %swap3A_852] : memref<2x512xi32, #tpu.memory_space<smem>>
      memref.store %reduce_max3A_845, %arg7[%swap3A_851, %swap3A_852] : memref<2x512xi32, #tpu.memory_space<smem>>
    }
    %scan3A_6 = arith.constant 32 : i32
    %scan3A_7 = arith.constant 0 : i32
    %scan3A_8 = arith.constant 32 : i32
    %scan3A_9 = arith.addi %scan3A_7, %scan3A_8 : i32
    %scan3A_10 = arith.constant 1 : i32
    scf.for %scan3A_496 = %scan3A_7 to %scan3A_9 step %scan3A_10  : i32 {
      %mul3A_497 = arith.constant 1 : i32
      %mul3A_498 = arith.muli %scan3A_496, %mul3A_497 : i32
      %add3A_499 = arith.constant 0 : i32
      %add3A_500 = arith.addi %add3A_499, %mul3A_498 : i32
      %mul3A_501 = arith.constant 16 : i32
      %mul3A_502 = arith.muli %add3A_500, %mul3A_501 : i32
      %add3A_503 = arith.constant 512 : i32
      %add3A_504 = arith.addi %add3A_503, %mul3A_502 : i32
      %add3A_505 = vector.broadcast %add3A_504 : i32 to vector<16xi32>
      %add3A_506 = arith.addi %add3A_505, %iota3A : vector<16xi32>
      %gather3A = tpu.vector_load_idx %arg8[%add3A_506] : memref<1024xi32, #tpu.memory_space<vmem>>[vector<16xi32>], vector<16xi32>,
      %eq3A = arith.constant 0 : i32
      %eq3A_507 = vector.broadcast %eq3A : i32 to vector<16xi32>
      %eq3A_508 = arith.cmpi eq, %iota3A, %eq3A_507 : vector<16xi32>
      %jit3A_509 = arith.constant -2147483648 : i32
      %broadcast_in_dim3A = vector.broadcast %jit3A_509 : i32 to vector<16xi32>
      %select_n3A = arith.select %eq3A_508, %gather3A, %broadcast_in_dim3A : vector<16xi1>, vector<16xi32>
      %reduce_max3A = arith.constant true
      %reduce_max3A_510 = vector.broadcast %reduce_max3A : i1 to vector<16xi1>
      %reduce_max3A_511 = arith.constant -2147483648 : i32
      %reduce_max3A_512 = vector.broadcast %reduce_max3A_511 : i32 to vector<16xi32>
      %reduce_max3A_513 = arith.xori %select_n3A, %reduce_max3A_512 : vector<16xi32>
      %reduce_max3A_514 = tpu.scan <max>, %reduce_max3A_513 masked %reduce_max3A_510 : vector<16xi32>, vector<16xi1> -> vector<16xi32>
      %reduce_max3A_515 = arith.xori %reduce_max3A_514, %reduce_max3A_512 : vector<16xi32>
      %reduce_max3A_516 = vector.extract %reduce_max3A_515[15] : i32 from vector<16xi32>
      %mul3A_517 = arith.constant 16 : i32
      %mul3A_518 = arith.muli %add3A_500, %mul3A_517 : i32
      %add3A_519 = arith.constant 0 : i32
      %add3A_520 = arith.addi %mul3A_518, %add3A_519 : i32
      %swap3A = arith.constant 1 : i32
      %swap3A_521 = arith.index_cast %swap3A : i32 to index
      %swap3A_522 = arith.index_cast %add3A_520 : i32 to index
      %swap3A_523 = memref.load %arg7[%swap3A_521, %swap3A_522] : memref<2x512xi32, #tpu.memory_space<smem>>
      memref.store %reduce_max3A_516, %arg7[%swap3A_521, %swap3A_522] : memref<2x512xi32, #tpu.memory_space<smem>>
      %eq3A_524 = arith.constant 1 : i32
      %eq3A_525 = vector.broadcast %eq3A_524 : i32 to vector<16xi32>
      %eq3A_526 = arith.cmpi eq, %iota3A, %eq3A_525 : vector<16xi32>
      %jit3A_527 = arith.constant -2147483648 : i32
      %broadcast_in_dim3A_528 = vector.broadcast %jit3A_527 : i32 to vector<16xi32>
      %select_n3A_529 = arith.select %eq3A_526, %gather3A, %broadcast_in_dim3A_528 : vector<16xi1>, vector<16xi32>
      %reduce_max3A_530 = arith.constant true
      %reduce_max3A_531 = vector.broadcast %reduce_max3A_530 : i1 to vector<16xi1>
      %reduce_max3A_532 = arith.constant -2147483648 : i32
      %reduce_max3A_533 = vector.broadcast %reduce_max3A_532 : i32 to vector<16xi32>
      %reduce_max3A_534 = arith.xori %select_n3A_529, %reduce_max3A_533 : vector<16xi32>
      %reduce_max3A_535 = tpu.scan <max>, %reduce_max3A_534 masked %reduce_max3A_531 : vector<16xi32>, vector<16xi1> -> vector<16xi32>
      %reduce_max3A_536 = arith.xori %reduce_max3A_535, %reduce_max3A_533 : vector<16xi32>
      %reduce_max3A_537 = vector.extract %reduce_max3A_536[15] : i32 from vector<16xi32>
      %mul3A_538 = arith.constant 16 : i32
      %mul3A_539 = arith.muli %add3A_500, %mul3A_538 : i32
      %add3A_540 = arith.constant 1 : i32
      %add3A_541 = arith.addi %mul3A_539, %add3A_540 : i32
      %swap3A_542 = arith.constant 1 : i32
      %swap3A_543 = arith.index_cast %swap3A_542 : i32 to index
      %swap3A_544 = arith.index_cast %add3A_541 : i32 to index
      %swap3A_545 = memref.load %arg7[%swap3A_543, %swap3A_544] : memref<2x512xi32, #tpu.memory_space<smem>>
      memref.store %reduce_max3A_537, %arg7[%swap3A_543, %swap3A_544] : memref<2x512xi32, #tpu.memory_space<smem>>
      %eq3A_546 = arith.constant 2 : i32
      %eq3A_547 = vector.broadcast %eq3A_546 : i32 to vector<16xi32>
      %eq3A_548 = arith.cmpi eq, %iota3A, %eq3A_547 : vector<16xi32>
      %jit3A_549 = arith.constant -2147483648 : i32
      %broadcast_in_dim3A_550 = vector.broadcast %jit3A_549 : i32 to vector<16xi32>
      %select_n3A_551 = arith.select %eq3A_548, %gather3A, %broadcast_in_dim3A_550 : vector<16xi1>, vector<16xi32>
      %reduce_max3A_552 = arith.constant true
      %reduce_max3A_553 = vector.broadcast %reduce_max3A_552 : i1 to vector<16xi1>
      %reduce_max3A_554 = arith.constant -2147483648 : i32
      %reduce_max3A_555 = vector.broadcast %reduce_max3A_554 : i32 to vector<16xi32>
      %reduce_max3A_556 = arith.xori %select_n3A_551, %reduce_max3A_555 : vector<16xi32>
      %reduce_max3A_557 = tpu.scan <max>, %reduce_max3A_556 masked %reduce_max3A_553 : vector<16xi32>, vector<16xi1> -> vector<16xi32>
      %reduce_max3A_558 = arith.xori %reduce_max3A_557, %reduce_max3A_555 : vector<16xi32>
      %reduce_max3A_559 = vector.extract %reduce_max3A_558[15] : i32 from vector<16xi32>
      %mul3A_560 = arith.constant 16 : i32
      %mul3A_561 = arith.muli %add3A_500, %mul3A_560 : i32
      %add3A_562 = arith.constant 2 : i32
      %add3A_563 = arith.addi %mul3A_561, %add3A_562 : i32
      %swap3A_564 = arith.constant 1 : i32
      %swap3A_565 = arith.index_cast %swap3A_564 : i32 to index
      %swap3A_566 = arith.index_cast %add3A_563 : i32 to index
      %swap3A_567 = memref.load %arg7[%swap3A_565, %swap3A_566] : memref<2x512xi32, #tpu.memory_space<smem>>
      memref.store %reduce_max3A_559, %arg7[%swap3A_565, %swap3A_566] : memref<2x512xi32, #tpu.memory_space<smem>>
      %eq3A_568 = arith.constant 3 : i32
      %eq3A_569 = vector.broadcast %eq3A_568 : i32 to vector<16xi32>
      %eq3A_570 = arith.cmpi eq, %iota3A, %eq3A_569 : vector<16xi32>
      %jit3A_571 = arith.constant -2147483648 : i32
      %broadcast_in_dim3A_572 = vector.broadcast %jit3A_571 : i32 to vector<16xi32>
      %select_n3A_573 = arith.select %eq3A_570, %gather3A, %broadcast_in_dim3A_572 : vector<16xi1>, vector<16xi32>
      %reduce_max3A_574 = arith.constant true
      %reduce_max3A_575 = vector.broadcast %reduce_max3A_574 : i1 to vector<16xi1>
      %reduce_max3A_576 = arith.constant -2147483648 : i32
      %reduce_max3A_577 = vector.broadcast %reduce_max3A_576 : i32 to vector<16xi32>
      %reduce_max3A_578 = arith.xori %select_n3A_573, %reduce_max3A_577 : vector<16xi32>
      %reduce_max3A_579 = tpu.scan <max>, %reduce_max3A_578 masked %reduce_max3A_575 : vector<16xi32>, vector<16xi1> -> vector<16xi32>
      %reduce_max3A_580 = arith.xori %reduce_max3A_579, %reduce_max3A_577 : vector<16xi32>
      %reduce_max3A_581 = vector.extract %reduce_max3A_580[15] : i32 from vector<16xi32>
      %mul3A_582 = arith.constant 16 : i32
      %mul3A_583 = arith.muli %add3A_500, %mul3A_582 : i32
      %add3A_584 = arith.constant 3 : i32
      %add3A_585 = arith.addi %mul3A_583, %add3A_584 : i32
      %swap3A_586 = arith.constant 1 : i32
      %swap3A_587 = arith.index_cast %swap3A_586 : i32 to index
      %swap3A_588 = arith.index_cast %add3A_585 : i32 to index
      %swap3A_589 = memref.load %arg7[%swap3A_587, %swap3A_588] : memref<2x512xi32, #tpu.memory_space<smem>>
      memref.store %reduce_max3A_581, %arg7[%swap3A_587, %swap3A_588] : memref<2x512xi32, #tpu.memory_space<smem>>
      %eq3A_590 = arith.constant 4 : i32
      %eq3A_591 = vector.broadcast %eq3A_590 : i32 to vector<16xi32>
      %eq3A_592 = arith.cmpi eq, %iota3A, %eq3A_591 : vector<16xi32>
      %jit3A_593 = arith.constant -2147483648 : i32
      %broadcast_in_dim3A_594 = vector.broadcast %jit3A_593 : i32 to vector<16xi32>
      %select_n3A_595 = arith.select %eq3A_592, %gather3A, %broadcast_in_dim3A_594 : vector<16xi1>, vector<16xi32>
      %reduce_max3A_596 = arith.constant true
      %reduce_max3A_597 = vector.broadcast %reduce_max3A_596 : i1 to vector<16xi1>
      %reduce_max3A_598 = arith.constant -2147483648 : i32
      %reduce_max3A_599 = vector.broadcast %reduce_max3A_598 : i32 to vector<16xi32>
      %reduce_max3A_600 = arith.xori %select_n3A_595, %reduce_max3A_599 : vector<16xi32>
      %reduce_max3A_601 = tpu.scan <max>, %reduce_max3A_600 masked %reduce_max3A_597 : vector<16xi32>, vector<16xi1> -> vector<16xi32>
      %reduce_max3A_602 = arith.xori %reduce_max3A_601, %reduce_max3A_599 : vector<16xi32>
      %reduce_max3A_603 = vector.extract %reduce_max3A_602[15] : i32 from vector<16xi32>
      %mul3A_604 = arith.constant 16 : i32
      %mul3A_605 = arith.muli %add3A_500, %mul3A_604 : i32
      %add3A_606 = arith.constant 4 : i32
      %add3A_607 = arith.addi %mul3A_605, %add3A_606 : i32
      %swap3A_608 = arith.constant 1 : i32
      %swap3A_609 = arith.index_cast %swap3A_608 : i32 to index
      %swap3A_610 = arith.index_cast %add3A_607 : i32 to index
      %swap3A_611 = memref.load %arg7[%swap3A_609, %swap3A_610] : memref<2x512xi32, #tpu.memory_space<smem>>
      memref.store %reduce_max3A_603, %arg7[%swap3A_609, %swap3A_610] : memref<2x512xi32, #tpu.memory_space<smem>>
      %eq3A_612 = arith.constant 5 : i32
      %eq3A_613 = vector.broadcast %eq3A_612 : i32 to vector<16xi32>
      %eq3A_614 = arith.cmpi eq, %iota3A, %eq3A_613 : vector<16xi32>
      %jit3A_615 = arith.constant -2147483648 : i32
      %broadcast_in_dim3A_616 = vector.broadcast %jit3A_615 : i32 to vector<16xi32>
      %select_n3A_617 = arith.select %eq3A_614, %gather3A, %broadcast_in_dim3A_616 : vector<16xi1>, vector<16xi32>
      %reduce_max3A_618 = arith.constant true
      %reduce_max3A_619 = vector.broadcast %reduce_max3A_618 : i1 to vector<16xi1>
      %reduce_max3A_620 = arith.constant -2147483648 : i32
      %reduce_max3A_621 = vector.broadcast %reduce_max3A_620 : i32 to vector<16xi32>
      %reduce_max3A_622 = arith.xori %select_n3A_617, %reduce_max3A_621 : vector<16xi32>
      %reduce_max3A_623 = tpu.scan <max>, %reduce_max3A_622 masked %reduce_max3A_619 : vector<16xi32>, vector<16xi1> -> vector<16xi32>
      %reduce_max3A_624 = arith.xori %reduce_max3A_623, %reduce_max3A_621 : vector<16xi32>
      %reduce_max3A_625 = vector.extract %reduce_max3A_624[15] : i32 from vector<16xi32>
      %mul3A_626 = arith.constant 16 : i32
      %mul3A_627 = arith.muli %add3A_500, %mul3A_626 : i32
      %add3A_628 = arith.constant 5 : i32
      %add3A_629 = arith.addi %mul3A_627, %add3A_628 : i32
      %swap3A_630 = arith.constant 1 : i32
      %swap3A_631 = arith.index_cast %swap3A_630 : i32 to index
      %swap3A_632 = arith.index_cast %add3A_629 : i32 to index
      %swap3A_633 = memref.load %arg7[%swap3A_631, %swap3A_632] : memref<2x512xi32, #tpu.memory_space<smem>>
      memref.store %reduce_max3A_625, %arg7[%swap3A_631, %swap3A_632] : memref<2x512xi32, #tpu.memory_space<smem>>
      %eq3A_634 = arith.constant 6 : i32
      %eq3A_635 = vector.broadcast %eq3A_634 : i32 to vector<16xi32>
      %eq3A_636 = arith.cmpi eq, %iota3A, %eq3A_635 : vector<16xi32>
      %jit3A_637 = arith.constant -2147483648 : i32
      %broadcast_in_dim3A_638 = vector.broadcast %jit3A_637 : i32 to vector<16xi32>
      %select_n3A_639 = arith.select %eq3A_636, %gather3A, %broadcast_in_dim3A_638 : vector<16xi1>, vector<16xi32>
      %reduce_max3A_640 = arith.constant true
      %reduce_max3A_641 = vector.broadcast %reduce_max3A_640 : i1 to vector<16xi1>
      %reduce_max3A_642 = arith.constant -2147483648 : i32
      %reduce_max3A_643 = vector.broadcast %reduce_max3A_642 : i32 to vector<16xi32>
      %reduce_max3A_644 = arith.xori %select_n3A_639, %reduce_max3A_643 : vector<16xi32>
      %reduce_max3A_645 = tpu.scan <max>, %reduce_max3A_644 masked %reduce_max3A_641 : vector<16xi32>, vector<16xi1> -> vector<16xi32>
      %reduce_max3A_646 = arith.xori %reduce_max3A_645, %reduce_max3A_643 : vector<16xi32>
      %reduce_max3A_647 = vector.extract %reduce_max3A_646[15] : i32 from vector<16xi32>
      %mul3A_648 = arith.constant 16 : i32
      %mul3A_649 = arith.muli %add3A_500, %mul3A_648 : i32
      %add3A_650 = arith.constant 6 : i32
      %add3A_651 = arith.addi %mul3A_649, %add3A_650 : i32
      %swap3A_652 = arith.constant 1 : i32
      %swap3A_653 = arith.index_cast %swap3A_652 : i32 to index
      %swap3A_654 = arith.index_cast %add3A_651 : i32 to index
      %swap3A_655 = memref.load %arg7[%swap3A_653, %swap3A_654] : memref<2x512xi32, #tpu.memory_space<smem>>
      memref.store %reduce_max3A_647, %arg7[%swap3A_653, %swap3A_654] : memref<2x512xi32, #tpu.memory_space<smem>>
      %eq3A_656 = arith.constant 7 : i32
      %eq3A_657 = vector.broadcast %eq3A_656 : i32 to vector<16xi32>
      %eq3A_658 = arith.cmpi eq, %iota3A, %eq3A_657 : vector<16xi32>
      %jit3A_659 = arith.constant -2147483648 : i32
      %broadcast_in_dim3A_660 = vector.broadcast %jit3A_659 : i32 to vector<16xi32>
      %select_n3A_661 = arith.select %eq3A_658, %gather3A, %broadcast_in_dim3A_660 : vector<16xi1>, vector<16xi32>
      %reduce_max3A_662 = arith.constant true
      %reduce_max3A_663 = vector.broadcast %reduce_max3A_662 : i1 to vector<16xi1>
      %reduce_max3A_664 = arith.constant -2147483648 : i32
      %reduce_max3A_665 = vector.broadcast %reduce_max3A_664 : i32 to vector<16xi32>
      %reduce_max3A_666 = arith.xori %select_n3A_661, %reduce_max3A_665 : vector<16xi32>
      %reduce_max3A_667 = tpu.scan <max>, %reduce_max3A_666 masked %reduce_max3A_663 : vector<16xi32>, vector<16xi1> -> vector<16xi32>
      %reduce_max3A_668 = arith.xori %reduce_max3A_667, %reduce_max3A_665 : vector<16xi32>
      %reduce_max3A_669 = vector.extract %reduce_max3A_668[15] : i32 from vector<16xi32>
      %mul3A_670 = arith.constant 16 : i32
      %mul3A_671 = arith.muli %add3A_500, %mul3A_670 : i32
      %add3A_672 = arith.constant 7 : i32
      %add3A_673 = arith.addi %mul3A_671, %add3A_672 : i32
      %swap3A_674 = arith.constant 1 : i32
      %swap3A_675 = arith.index_cast %swap3A_674 : i32 to index
      %swap3A_676 = arith.index_cast %add3A_673 : i32 to index
      %swap3A_677 = memref.load %arg7[%swap3A_675, %swap3A_676] : memref<2x512xi32, #tpu.memory_space<smem>>
      memref.store %reduce_max3A_669, %arg7[%swap3A_675, %swap3A_676] : memref<2x512xi32, #tpu.memory_space<smem>>
      %eq3A_678 = arith.constant 8 : i32
      %eq3A_679 = vector.broadcast %eq3A_678 : i32 to vector<16xi32>
      %eq3A_680 = arith.cmpi eq, %iota3A, %eq3A_679 : vector<16xi32>
      %jit3A_681 = arith.constant -2147483648 : i32
      %broadcast_in_dim3A_682 = vector.broadcast %jit3A_681 : i32 to vector<16xi32>
      %select_n3A_683 = arith.select %eq3A_680, %gather3A, %broadcast_in_dim3A_682 : vector<16xi1>, vector<16xi32>
      %reduce_max3A_684 = arith.constant true
      %reduce_max3A_685 = vector.broadcast %reduce_max3A_684 : i1 to vector<16xi1>
      %reduce_max3A_686 = arith.constant -2147483648 : i32
      %reduce_max3A_687 = vector.broadcast %reduce_max3A_686 : i32 to vector<16xi32>
      %reduce_max3A_688 = arith.xori %select_n3A_683, %reduce_max3A_687 : vector<16xi32>
      %reduce_max3A_689 = tpu.scan <max>, %reduce_max3A_688 masked %reduce_max3A_685 : vector<16xi32>, vector<16xi1> -> vector<16xi32>
      %reduce_max3A_690 = arith.xori %reduce_max3A_689, %reduce_max3A_687 : vector<16xi32>
      %reduce_max3A_691 = vector.extract %reduce_max3A_690[15] : i32 from vector<16xi32>
      %mul3A_692 = arith.constant 16 : i32
      %mul3A_693 = arith.muli %add3A_500, %mul3A_692 : i32
      %add3A_694 = arith.constant 8 : i32
      %add3A_695 = arith.addi %mul3A_693, %add3A_694 : i32
      %swap3A_696 = arith.constant 1 : i32
      %swap3A_697 = arith.index_cast %swap3A_696 : i32 to index
      %swap3A_698 = arith.index_cast %add3A_695 : i32 to index
      %swap3A_699 = memref.load %arg7[%swap3A_697, %swap3A_698] : memref<2x512xi32, #tpu.memory_space<smem>>
      memref.store %reduce_max3A_691, %arg7[%swap3A_697, %swap3A_698] : memref<2x512xi32, #tpu.memory_space<smem>>
      %eq3A_700 = arith.constant 9 : i32
      %eq3A_701 = vector.broadcast %eq3A_700 : i32 to vector<16xi32>
      %eq3A_702 = arith.cmpi eq, %iota3A, %eq3A_701 : vector<16xi32>
      %jit3A_703 = arith.constant -2147483648 : i32
      %broadcast_in_dim3A_704 = vector.broadcast %jit3A_703 : i32 to vector<16xi32>
      %select_n3A_705 = arith.select %eq3A_702, %gather3A, %broadcast_in_dim3A_704 : vector<16xi1>, vector<16xi32>
      %reduce_max3A_706 = arith.constant true
      %reduce_max3A_707 = vector.broadcast %reduce_max3A_706 : i1 to vector<16xi1>
      %reduce_max3A_708 = arith.constant -2147483648 : i32
      %reduce_max3A_709 = vector.broadcast %reduce_max3A_708 : i32 to vector<16xi32>
      %reduce_max3A_710 = arith.xori %select_n3A_705, %reduce_max3A_709 : vector<16xi32>
      %reduce_max3A_711 = tpu.scan <max>, %reduce_max3A_710 masked %reduce_max3A_707 : vector<16xi32>, vector<16xi1> -> vector<16xi32>
      %reduce_max3A_712 = arith.xori %reduce_max3A_711, %reduce_max3A_709 : vector<16xi32>
      %reduce_max3A_713 = vector.extract %reduce_max3A_712[15] : i32 from vector<16xi32>
      %mul3A_714 = arith.constant 16 : i32
      %mul3A_715 = arith.muli %add3A_500, %mul3A_714 : i32
      %add3A_716 = arith.constant 9 : i32
      %add3A_717 = arith.addi %mul3A_715, %add3A_716 : i32
      %swap3A_718 = arith.constant 1 : i32
      %swap3A_719 = arith.index_cast %swap3A_718 : i32 to index
      %swap3A_720 = arith.index_cast %add3A_717 : i32 to index
      %swap3A_721 = memref.load %arg7[%swap3A_719, %swap3A_720] : memref<2x512xi32, #tpu.memory_space<smem>>
      memref.store %reduce_max3A_713, %arg7[%swap3A_719, %swap3A_720] : memref<2x512xi32, #tpu.memory_space<smem>>
      %eq3A_722 = arith.constant 10 : i32
      %eq3A_723 = vector.broadcast %eq3A_722 : i32 to vector<16xi32>
      %eq3A_724 = arith.cmpi eq, %iota3A, %eq3A_723 : vector<16xi32>
      %jit3A_725 = arith.constant -2147483648 : i32
      %broadcast_in_dim3A_726 = vector.broadcast %jit3A_725 : i32 to vector<16xi32>
      %select_n3A_727 = arith.select %eq3A_724, %gather3A, %broadcast_in_dim3A_726 : vector<16xi1>, vector<16xi32>
      %reduce_max3A_728 = arith.constant true
      %reduce_max3A_729 = vector.broadcast %reduce_max3A_728 : i1 to vector<16xi1>
      %reduce_max3A_730 = arith.constant -2147483648 : i32
      %reduce_max3A_731 = vector.broadcast %reduce_max3A_730 : i32 to vector<16xi32>
      %reduce_max3A_732 = arith.xori %select_n3A_727, %reduce_max3A_731 : vector<16xi32>
      %reduce_max3A_733 = tpu.scan <max>, %reduce_max3A_732 masked %reduce_max3A_729 : vector<16xi32>, vector<16xi1> -> vector<16xi32>
      %reduce_max3A_734 = arith.xori %reduce_max3A_733, %reduce_max3A_731 : vector<16xi32>
      %reduce_max3A_735 = vector.extract %reduce_max3A_734[15] : i32 from vector<16xi32>
      %mul3A_736 = arith.constant 16 : i32
      %mul3A_737 = arith.muli %add3A_500, %mul3A_736 : i32
      %add3A_738 = arith.constant 10 : i32
      %add3A_739 = arith.addi %mul3A_737, %add3A_738 : i32
      %swap3A_740 = arith.constant 1 : i32
      %swap3A_741 = arith.index_cast %swap3A_740 : i32 to index
      %swap3A_742 = arith.index_cast %add3A_739 : i32 to index
      %swap3A_743 = memref.load %arg7[%swap3A_741, %swap3A_742] : memref<2x512xi32, #tpu.memory_space<smem>>
      memref.store %reduce_max3A_735, %arg7[%swap3A_741, %swap3A_742] : memref<2x512xi32, #tpu.memory_space<smem>>
      %eq3A_744 = arith.constant 11 : i32
      %eq3A_745 = vector.broadcast %eq3A_744 : i32 to vector<16xi32>
      %eq3A_746 = arith.cmpi eq, %iota3A, %eq3A_745 : vector<16xi32>
      %jit3A_747 = arith.constant -2147483648 : i32
      %broadcast_in_dim3A_748 = vector.broadcast %jit3A_747 : i32 to vector<16xi32>
      %select_n3A_749 = arith.select %eq3A_746, %gather3A, %broadcast_in_dim3A_748 : vector<16xi1>, vector<16xi32>
      %reduce_max3A_750 = arith.constant true
      %reduce_max3A_751 = vector.broadcast %reduce_max3A_750 : i1 to vector<16xi1>
      %reduce_max3A_752 = arith.constant -2147483648 : i32
      %reduce_max3A_753 = vector.broadcast %reduce_max3A_752 : i32 to vector<16xi32>
      %reduce_max3A_754 = arith.xori %select_n3A_749, %reduce_max3A_753 : vector<16xi32>
      %reduce_max3A_755 = tpu.scan <max>, %reduce_max3A_754 masked %reduce_max3A_751 : vector<16xi32>, vector<16xi1> -> vector<16xi32>
      %reduce_max3A_756 = arith.xori %reduce_max3A_755, %reduce_max3A_753 : vector<16xi32>
      %reduce_max3A_757 = vector.extract %reduce_max3A_756[15] : i32 from vector<16xi32>
      %mul3A_758 = arith.constant 16 : i32
      %mul3A_759 = arith.muli %add3A_500, %mul3A_758 : i32
      %add3A_760 = arith.constant 11 : i32
      %add3A_761 = arith.addi %mul3A_759, %add3A_760 : i32
      %swap3A_762 = arith.constant 1 : i32
      %swap3A_763 = arith.index_cast %swap3A_762 : i32 to index
      %swap3A_764 = arith.index_cast %add3A_761 : i32 to index
      %swap3A_765 = memref.load %arg7[%swap3A_763, %swap3A_764] : memref<2x512xi32, #tpu.memory_space<smem>>
      memref.store %reduce_max3A_757, %arg7[%swap3A_763, %swap3A_764] : memref<2x512xi32, #tpu.memory_space<smem>>
      %eq3A_766 = arith.constant 12 : i32
      %eq3A_767 = vector.broadcast %eq3A_766 : i32 to vector<16xi32>
      %eq3A_768 = arith.cmpi eq, %iota3A, %eq3A_767 : vector<16xi32>
      %jit3A_769 = arith.constant -2147483648 : i32
      %broadcast_in_dim3A_770 = vector.broadcast %jit3A_769 : i32 to vector<16xi32>
      %select_n3A_771 = arith.select %eq3A_768, %gather3A, %broadcast_in_dim3A_770 : vector<16xi1>, vector<16xi32>
      %reduce_max3A_772 = arith.constant true
      %reduce_max3A_773 = vector.broadcast %reduce_max3A_772 : i1 to vector<16xi1>
      %reduce_max3A_774 = arith.constant -2147483648 : i32
      %reduce_max3A_775 = vector.broadcast %reduce_max3A_774 : i32 to vector<16xi32>
      %reduce_max3A_776 = arith.xori %select_n3A_771, %reduce_max3A_775 : vector<16xi32>
      %reduce_max3A_777 = tpu.scan <max>, %reduce_max3A_776 masked %reduce_max3A_773 : vector<16xi32>, vector<16xi1> -> vector<16xi32>
      %reduce_max3A_778 = arith.xori %reduce_max3A_777, %reduce_max3A_775 : vector<16xi32>
      %reduce_max3A_779 = vector.extract %reduce_max3A_778[15] : i32 from vector<16xi32>
      %mul3A_780 = arith.constant 16 : i32
      %mul3A_781 = arith.muli %add3A_500, %mul3A_780 : i32
      %add3A_782 = arith.constant 12 : i32
      %add3A_783 = arith.addi %mul3A_781, %add3A_782 : i32
      %swap3A_784 = arith.constant 1 : i32
      %swap3A_785 = arith.index_cast %swap3A_784 : i32 to index
      %swap3A_786 = arith.index_cast %add3A_783 : i32 to index
      %swap3A_787 = memref.load %arg7[%swap3A_785, %swap3A_786] : memref<2x512xi32, #tpu.memory_space<smem>>
      memref.store %reduce_max3A_779, %arg7[%swap3A_785, %swap3A_786] : memref<2x512xi32, #tpu.memory_space<smem>>
      %eq3A_788 = arith.constant 13 : i32
      %eq3A_789 = vector.broadcast %eq3A_788 : i32 to vector<16xi32>
      %eq3A_790 = arith.cmpi eq, %iota3A, %eq3A_789 : vector<16xi32>
      %jit3A_791 = arith.constant -2147483648 : i32
      %broadcast_in_dim3A_792 = vector.broadcast %jit3A_791 : i32 to vector<16xi32>
      %select_n3A_793 = arith.select %eq3A_790, %gather3A, %broadcast_in_dim3A_792 : vector<16xi1>, vector<16xi32>
      %reduce_max3A_794 = arith.constant true
      %reduce_max3A_795 = vector.broadcast %reduce_max3A_794 : i1 to vector<16xi1>
      %reduce_max3A_796 = arith.constant -2147483648 : i32
      %reduce_max3A_797 = vector.broadcast %reduce_max3A_796 : i32 to vector<16xi32>
      %reduce_max3A_798 = arith.xori %select_n3A_793, %reduce_max3A_797 : vector<16xi32>
      %reduce_max3A_799 = tpu.scan <max>, %reduce_max3A_798 masked %reduce_max3A_795 : vector<16xi32>, vector<16xi1> -> vector<16xi32>
      %reduce_max3A_800 = arith.xori %reduce_max3A_799, %reduce_max3A_797 : vector<16xi32>
      %reduce_max3A_801 = vector.extract %reduce_max3A_800[15] : i32 from vector<16xi32>
      %mul3A_802 = arith.constant 16 : i32
      %mul3A_803 = arith.muli %add3A_500, %mul3A_802 : i32
      %add3A_804 = arith.constant 13 : i32
      %add3A_805 = arith.addi %mul3A_803, %add3A_804 : i32
      %swap3A_806 = arith.constant 1 : i32
      %swap3A_807 = arith.index_cast %swap3A_806 : i32 to index
      %swap3A_808 = arith.index_cast %add3A_805 : i32 to index
      %swap3A_809 = memref.load %arg7[%swap3A_807, %swap3A_808] : memref<2x512xi32, #tpu.memory_space<smem>>
      memref.store %reduce_max3A_801, %arg7[%swap3A_807, %swap3A_808] : memref<2x512xi32, #tpu.memory_space<smem>>
      %eq3A_810 = arith.constant 14 : i32
      %eq3A_811 = vector.broadcast %eq3A_810 : i32 to vector<16xi32>
      %eq3A_812 = arith.cmpi eq, %iota3A, %eq3A_811 : vector<16xi32>
      %jit3A_813 = arith.constant -2147483648 : i32
      %broadcast_in_dim3A_814 = vector.broadcast %jit3A_813 : i32 to vector<16xi32>
      %select_n3A_815 = arith.select %eq3A_812, %gather3A, %broadcast_in_dim3A_814 : vector<16xi1>, vector<16xi32>
      %reduce_max3A_816 = arith.constant true
      %reduce_max3A_817 = vector.broadcast %reduce_max3A_816 : i1 to vector<16xi1>
      %reduce_max3A_818 = arith.constant -2147483648 : i32
      %reduce_max3A_819 = vector.broadcast %reduce_max3A_818 : i32 to vector<16xi32>
      %reduce_max3A_820 = arith.xori %select_n3A_815, %reduce_max3A_819 : vector<16xi32>
      %reduce_max3A_821 = tpu.scan <max>, %reduce_max3A_820 masked %reduce_max3A_817 : vector<16xi32>, vector<16xi1> -> vector<16xi32>
      %reduce_max3A_822 = arith.xori %reduce_max3A_821, %reduce_max3A_819 : vector<16xi32>
      %reduce_max3A_823 = vector.extract %reduce_max3A_822[15] : i32 from vector<16xi32>
      %mul3A_824 = arith.constant 16 : i32
      %mul3A_825 = arith.muli %add3A_500, %mul3A_824 : i32
      %add3A_826 = arith.constant 14 : i32
      %add3A_827 = arith.addi %mul3A_825, %add3A_826 : i32
      %swap3A_828 = arith.constant 1 : i32
      %swap3A_829 = arith.index_cast %swap3A_828 : i32 to index
      %swap3A_830 = arith.index_cast %add3A_827 : i32 to index
      %swap3A_831 = memref.load %arg7[%swap3A_829, %swap3A_830] : memref<2x512xi32, #tpu.memory_space<smem>>
      memref.store %reduce_max3A_823, %arg7[%swap3A_829, %swap3A_830] : memref<2x512xi32, #tpu.memory_space<smem>>
      %eq3A_832 = arith.constant 15 : i32
      %eq3A_833 = vector.broadcast %eq3A_832 : i32 to vector<16xi32>
      %eq3A_834 = arith.cmpi eq, %iota3A, %eq3A_833 : vector<16xi32>
      %jit3A_835 = arith.constant -2147483648 : i32
      %broadcast_in_dim3A_836 = vector.broadcast %jit3A_835 : i32 to vector<16xi32>
      %select_n3A_837 = arith.select %eq3A_834, %gather3A, %broadcast_in_dim3A_836 : vector<16xi1>, vector<16xi32>
      %reduce_max3A_838 = arith.constant true
      %reduce_max3A_839 = vector.broadcast %reduce_max3A_838 : i1 to vector<16xi1>
      %reduce_max3A_840 = arith.constant -2147483648 : i32
      %reduce_max3A_841 = vector.broadcast %reduce_max3A_840 : i32 to vector<16xi32>
      %reduce_max3A_842 = arith.xori %select_n3A_837, %reduce_max3A_841 : vector<16xi32>
      %reduce_max3A_843 = tpu.scan <max>, %reduce_max3A_842 masked %reduce_max3A_839 : vector<16xi32>, vector<16xi1> -> vector<16xi32>
      %reduce_max3A_844 = arith.xori %reduce_max3A_843, %reduce_max3A_841 : vector<16xi32>
      %reduce_max3A_845 = vector.extract %reduce_max3A_844[15] : i32 from vector<16xi32>
      %mul3A_846 = arith.constant 16 : i32
      %mul3A_847 = arith.muli %add3A_500, %mul3A_846 : i32
      %add3A_848 = arith.constant 15 : i32
      %add3A_849 = arith.addi %mul3A_847, %add3A_848 : i32
      %swap3A_850 = arith.constant 1 : i32
      %swap3A_851 = arith.index_cast %swap3A_850 : i32 to index
      %swap3A_852 = arith.index_cast %add3A_849 : i32 to index
      %swap3A_853 = memref.load %arg7[%swap3A_851, %swap3A_852] : memref<2x512xi32, #tpu.memory_space<smem>>
      memref.store %reduce_max3A_845, %arg7[%swap3A_851, %swap3A_852] : memref<2x512xi32, #tpu.memory_space<smem>>
    }
    %scan3A_11 = arith.constant 32 : i32
    %get3A = arith.constant 0 : i32
    %get3A_12 = arith.constant 0 : i32
    %get3A_13 = arith.index_cast %get3A : i32 to index
    %get3A_14 = arith.index_cast %get3A_12 : i32 to index
    %get3A_15 = memref.load %arg7[%get3A_13, %get3A_14] : memref<2x512xi32, #tpu.memory_space<smem>>
    %jit3A = arith.constant 0 : i32
    %jit3A_16 = arith.constant 999999 : i32
    %max3A = arith.maxsi %jit3A, %get3A_15 : i32
    %min3A = arith.minsi %jit3A_16, %max3A : i32
    %shift_right_arithmetic3A = arith.constant 7 : i32
    %shift_right_arithmetic3A_17 = arith.shrsi %min3A, %shift_right_arithmetic3A : i32
    %mul3A_18 = arith.constant 128 : i32
    %mul3A_19 = arith.muli %shift_right_arithmetic3A_17, %mul3A_18 : i32
    %multiple_of3A = tpu.assume_multiple %mul3A_19, 128 : i32
    %dma_start3A = arith.constant 0 : i32
    %dma_start3A_20 = arith.constant 0 : i32
    %dma_start3A_21 = arith.constant 0 : i32
    %dma_start3A_22 = arith.constant 0 : i32
    %dma_start3A_23 = tpu.memref_slice %arg9[%dma_start3A, %dma_start3A_21, %dma_start3A_22] : memref<8x64x128xf32, #tpu.memory_space<vmem>> -> memref<1x64x128xf32, #tpu.memory_space<vmem>>
    %dma_start3A_24 = tpu.memref_squeeze %dma_start3A_23 : memref<1x64x128xf32, #tpu.memory_space<vmem>> -> memref<64x128xf32, #tpu.memory_space<vmem>>
    %dma_start3A_25 = arith.constant 0 : i32
    %dma_start3A_26 = tpu.memref_slice %arg2[%dma_start3A_25, %multiple_of3A] : memref<64x1000000xf32, #tpu.memory_space<hbm>> -> memref<64x128xf32, #tpu.memory_space<hbm>>
    %dma_start3A_27 = tpu.memref_slice %arg11[%dma_start3A_20] : memref<8x!tpu.dma_semaphore, #tpu.memory_space<semaphore_mem>> -> memref<1x!tpu.dma_semaphore, #tpu.memory_space<semaphore_mem>>
    %dma_start3A_28 = tpu.memref_squeeze %dma_start3A_27 : memref<1x!tpu.dma_semaphore, #tpu.memory_space<semaphore_mem>> -> memref<!tpu.dma_semaphore, #tpu.memory_space<semaphore_mem>>
    %dma_start3A_29 = arith.constant 0 : i32
    %dma_start3A_30 = arith.constant 0 : i32
    %dma_start3A_31 = tpu.memref_slice %arg9[%dma_start3A, %dma_start3A_29, %dma_start3A_30] : memref<8x64x128xf32, #tpu.memory_space<vmem>> -> memref<1x64x128xf32, #tpu.memory_space<vmem>>
    %dma_start3A_32 = tpu.memref_squeeze %dma_start3A_31 : memref<1x64x128xf32, #tpu.memory_space<vmem>> -> memref<64x128xf32, #tpu.memory_space<vmem>>
    %dma_start3A_33 = arith.constant 0 : i32
    %dma_start3A_34 = tpu.memref_slice %arg2[%dma_start3A_33, %multiple_of3A] : memref<64x1000000xf32, #tpu.memory_space<hbm>> -> memref<64x128xf32, #tpu.memory_space<hbm>>
    tpu.enqueue_dma source(%dma_start3A_34 : memref<64x128xf32, #tpu.memory_space<hbm>>) target(%dma_start3A_32 : memref<64x128xf32, #tpu.memory_space<vmem>>) target_semaphore(%dma_start3A_28 : memref<!tpu.dma_semaphore, #tpu.memory_space<semaphore_mem>>)
    %get3A_35 = arith.constant 0 : i32
    %get3A_36 = arith.constant 1 : i32
    %get3A_37 = arith.index_cast %get3A_35 : i32 to index
    %get3A_38 = arith.index_cast %get3A_36 : i32 to index
    %get3A_39 = memref.load %arg7[%get3A_37, %get3A_38] : memref<2x512xi32, #tpu.memory_space<smem>>
    %jit3A_40 = arith.constant 0 : i32
    %jit3A_41 = arith.constant 999999 : i32
    %max3A_42 = arith.maxsi %jit3A_40, %get3A_39 : i32
    %min3A_43 = arith.minsi %jit3A_41, %max3A_42 : i32
    %shift_right_arithmetic3A_44 = arith.constant 7 : i32
    %shift_right_arithmetic3A_45 = arith.shrsi %min3A_43, %shift_right_arithmetic3A_44 : i32
    %mul3A_46 = arith.constant 128 : i32
    %mul3A_47 = arith.muli %shift_right_arithmetic3A_45, %mul3A_46 : i32
    %multiple_of3A_48 = tpu.assume_multiple %mul3A_47, 128 : i32
    %dma_start3A_49 = arith.constant 1 : i32
    %dma_start3A_50 = arith.constant 1 : i32
    %dma_start3A_51 = arith.constant 0 : i32
    %dma_start3A_52 = arith.constant 0 : i32
    %dma_start3A_53 = tpu.memref_slice %arg9[%dma_start3A_49, %dma_start3A_51, %dma_start3A_52] : memref<8x64x128xf32, #tpu.memory_space<vmem>> -> memref<1x64x128xf32, #tpu.memory_space<vmem>>
    %dma_start3A_54 = tpu.memref_squeeze %dma_start3A_53 : memref<1x64x128xf32, #tpu.memory_space<vmem>> -> memref<64x128xf32, #tpu.memory_space<vmem>>
    %dma_start3A_55 = arith.constant 0 : i32
    %dma_start3A_56 = tpu.memref_slice %arg2[%dma_start3A_55, %multiple_of3A_48] : memref<64x1000000xf32, #tpu.memory_space<hbm>> -> memref<64x128xf32, #tpu.memory_space<hbm>>
    %dma_start3A_57 = tpu.memref_slice %arg11[%dma_start3A_50] : memref<8x!tpu.dma_semaphore, #tpu.memory_space<semaphore_mem>> -> memref<1x!tpu.dma_semaphore, #tpu.memory_space<semaphore_mem>>
    %dma_start3A_58 = tpu.memref_squeeze %dma_start3A_57 : memref<1x!tpu.dma_semaphore, #tpu.memory_space<semaphore_mem>> -> memref<!tpu.dma_semaphore, #tpu.memory_space<semaphore_mem>>
    %dma_start3A_59 = arith.constant 0 : i32
    %dma_start3A_60 = arith.constant 0 : i32
    %dma_start3A_61 = tpu.memref_slice %arg9[%dma_start3A_49, %dma_start3A_59, %dma_start3A_60] : memref<8x64x128xf32, #tpu.memory_space<vmem>> -> memref<1x64x128xf32, #tpu.memory_space<vmem>>
    %dma_start3A_62 = tpu.memref_squeeze %dma_start3A_61 : memref<1x64x128xf32, #tpu.memory_space<vmem>> -> memref<64x128xf32, #tpu.memory_space<vmem>>
    %dma_start3A_63 = arith.constant 0 : i32
    %dma_start3A_64 = tpu.memref_slice %arg2[%dma_start3A_63, %multiple_of3A_48] : memref<64x1000000xf32, #tpu.memory_space<hbm>> -> memref<64x128xf32, #tpu.memory_space<hbm>>
    tpu.enqueue_dma source(%dma_start3A_64 : memref<64x128xf32, #tpu.memory_space<hbm>>) target(%dma_start3A_62 : memref<64x128xf32, #tpu.memory_space<vmem>>) target_semaphore(%dma_start3A_58 : memref<!tpu.dma_semaphore, #tpu.memory_space<semaphore_mem>>)
    %get3A_65 = arith.constant 0 : i32
    %get3A_66 = arith.constant 2 : i32
    %get3A_67 = arith.index_cast %get3A_65 : i32 to index
    %get3A_68 = arith.index_cast %get3A_66 : i32 to index
    %get3A_69 = memref.load %arg7[%get3A_67, %get3A_68] : memref<2x512xi32, #tpu.memory_space<smem>>
    %jit3A_70 = arith.constant 0 : i32
    %jit3A_71 = arith.constant 999999 : i32
    %max3A_72 = arith.maxsi %jit3A_70, %get3A_69 : i32
    %min3A_73 = arith.minsi %jit3A_71, %max3A_72 : i32
    %shift_right_arithmetic3A_74 = arith.constant 7 : i32
    %shift_right_arithmetic3A_75 = arith.shrsi %min3A_73, %shift_right_arithmetic3A_74 : i32
    %mul3A_76 = arith.constant 128 : i32
    %mul3A_77 = arith.muli %shift_right_arithmetic3A_75, %mul3A_76 : i32
    %multiple_of3A_78 = tpu.assume_multiple %mul3A_77, 128 : i32
    %dma_start3A_79 = arith.constant 2 : i32
    %dma_start3A_80 = arith.constant 2 : i32
    %dma_start3A_81 = arith.constant 0 : i32
    %dma_start3A_82 = arith.constant 0 : i32
    %dma_start3A_83 = tpu.memref_slice %arg9[%dma_start3A_79, %dma_start3A_81, %dma_start3A_82] : memref<8x64x128xf32, #tpu.memory_space<vmem>> -> memref<1x64x128xf32, #tpu.memory_space<vmem>>
    %dma_start3A_84 = tpu.memref_squeeze %dma_start3A_83 : memref<1x64x128xf32, #tpu.memory_space<vmem>> -> memref<64x128xf32, #tpu.memory_space<vmem>>
    %dma_start3A_85 = arith.constant 0 : i32
    %dma_start3A_86 = tpu.memref_slice %arg2[%dma_start3A_85, %multiple_of3A_78] : memref<64x1000000xf32, #tpu.memory_space<hbm>> -> memref<64x128xf32, #tpu.memory_space<hbm>>
    %dma_start3A_87 = tpu.memref_slice %arg11[%dma_start3A_80] : memref<8x!tpu.dma_semaphore, #tpu.memory_space<semaphore_mem>> -> memref<1x!tpu.dma_semaphore, #tpu.memory_space<semaphore_mem>>
    %dma_start3A_88 = tpu.memref_squeeze %dma_start3A_87 : memref<1x!tpu.dma_semaphore, #tpu.memory_space<semaphore_mem>> -> memref<!tpu.dma_semaphore, #tpu.memory_space<semaphore_mem>>
    %dma_start3A_89 = arith.constant 0 : i32
    %dma_start3A_90 = arith.constant 0 : i32
    %dma_start3A_91 = tpu.memref_slice %arg9[%dma_start3A_79, %dma_start3A_89, %dma_start3A_90] : memref<8x64x128xf32, #tpu.memory_space<vmem>> -> memref<1x64x128xf32, #tpu.memory_space<vmem>>
    %dma_start3A_92 = tpu.memref_squeeze %dma_start3A_91 : memref<1x64x128xf32, #tpu.memory_space<vmem>> -> memref<64x128xf32, #tpu.memory_space<vmem>>
    %dma_start3A_93 = arith.constant 0 : i32
    %dma_start3A_94 = tpu.memref_slice %arg2[%dma_start3A_93, %multiple_of3A_78] : memref<64x1000000xf32, #tpu.memory_space<hbm>> -> memref<64x128xf32, #tpu.memory_space<hbm>>
    tpu.enqueue_dma source(%dma_start3A_94 : memref<64x128xf32, #tpu.memory_space<hbm>>) target(%dma_start3A_92 : memref<64x128xf32, #tpu.memory_space<vmem>>) target_semaphore(%dma_start3A_88 : memref<!tpu.dma_semaphore, #tpu.memory_space<semaphore_mem>>)
    %get3A_95 = arith.constant 0 : i32
    %get3A_96 = arith.constant 3 : i32
    %get3A_97 = arith.index_cast %get3A_95 : i32 to index
    %get3A_98 = arith.index_cast %get3A_96 : i32 to index
    %get3A_99 = memref.load %arg7[%get3A_97, %get3A_98] : memref<2x512xi32, #tpu.memory_space<smem>>
    %jit3A_100 = arith.constant 0 : i32
    %jit3A_101 = arith.constant 999999 : i32
    %max3A_102 = arith.maxsi %jit3A_100, %get3A_99 : i32
    %min3A_103 = arith.minsi %jit3A_101, %max3A_102 : i32
    %shift_right_arithmetic3A_104 = arith.constant 7 : i32
    %shift_right_arithmetic3A_105 = arith.shrsi %min3A_103, %shift_right_arithmetic3A_104 : i32
    %mul3A_106 = arith.constant 128 : i32
    %mul3A_107 = arith.muli %shift_right_arithmetic3A_105, %mul3A_106 : i32
    %multiple_of3A_108 = tpu.assume_multiple %mul3A_107, 128 : i32
    %dma_start3A_109 = arith.constant 3 : i32
    %dma_start3A_110 = arith.constant 3 : i32
    %dma_start3A_111 = arith.constant 0 : i32
    %dma_start3A_112 = arith.constant 0 : i32
    %dma_start3A_113 = tpu.memref_slice %arg9[%dma_start3A_109, %dma_start3A_111, %dma_start3A_112] : memref<8x64x128xf32, #tpu.memory_space<vmem>> -> memref<1x64x128xf32, #tpu.memory_space<vmem>>
    %dma_start3A_114 = tpu.memref_squeeze %dma_start3A_113 : memref<1x64x128xf32, #tpu.memory_space<vmem>> -> memref<64x128xf32, #tpu.memory_space<vmem>>
    %dma_start3A_115 = arith.constant 0 : i32
    %dma_start3A_116 = tpu.memref_slice %arg2[%dma_start3A_115, %multiple_of3A_108] : memref<64x1000000xf32, #tpu.memory_space<hbm>> -> memref<64x128xf32, #tpu.memory_space<hbm>>
    %dma_start3A_117 = tpu.memref_slice %arg11[%dma_start3A_110] : memref<8x!tpu.dma_semaphore, #tpu.memory_space<semaphore_mem>> -> memref<1x!tpu.dma_semaphore, #tpu.memory_space<semaphore_mem>>
    %dma_start3A_118 = tpu.memref_squeeze %dma_start3A_117 : memref<1x!tpu.dma_semaphore, #tpu.memory_space<semaphore_mem>> -> memref<!tpu.dma_semaphore, #tpu.memory_space<semaphore_mem>>
    %dma_start3A_119 = arith.constant 0 : i32
    %dma_start3A_120 = arith.constant 0 : i32
    %dma_start3A_121 = tpu.memref_slice %arg9[%dma_start3A_109, %dma_start3A_119, %dma_start3A_120] : memref<8x64x128xf32, #tpu.memory_space<vmem>> -> memref<1x64x128xf32, #tpu.memory_space<vmem>>
    %dma_start3A_122 = tpu.memref_squeeze %dma_start3A_121 : memref<1x64x128xf32, #tpu.memory_space<vmem>> -> memref<64x128xf32, #tpu.memory_space<vmem>>
    %dma_start3A_123 = arith.constant 0 : i32
    %dma_start3A_124 = tpu.memref_slice %arg2[%dma_start3A_123, %multiple_of3A_108] : memref<64x1000000xf32, #tpu.memory_space<hbm>> -> memref<64x128xf32, #tpu.memory_space<hbm>>
    tpu.enqueue_dma source(%dma_start3A_124 : memref<64x128xf32, #tpu.memory_space<hbm>>) target(%dma_start3A_122 : memref<64x128xf32, #tpu.memory_space<vmem>>) target_semaphore(%dma_start3A_118 : memref<!tpu.dma_semaphore, #tpu.memory_space<semaphore_mem>>)
    %get3A_125 = arith.constant 0 : i32
    %get3A_126 = arith.constant 4 : i32
    %get3A_127 = arith.index_cast %get3A_125 : i32 to index
    %get3A_128 = arith.index_cast %get3A_126 : i32 to index
    %get3A_129 = memref.load %arg7[%get3A_127, %get3A_128] : memref<2x512xi32, #tpu.memory_space<smem>>
    %jit3A_130 = arith.constant 0 : i32
    %jit3A_131 = arith.constant 999999 : i32
    %max3A_132 = arith.maxsi %jit3A_130, %get3A_129 : i32
    %min3A_133 = arith.minsi %jit3A_131, %max3A_132 : i32
    %shift_right_arithmetic3A_134 = arith.constant 7 : i32
    %shift_right_arithmetic3A_135 = arith.shrsi %min3A_133, %shift_right_arithmetic3A_134 : i32
    %mul3A_136 = arith.constant 128 : i32
    %mul3A_137 = arith.muli %shift_right_arithmetic3A_135, %mul3A_136 : i32
    %multiple_of3A_138 = tpu.assume_multiple %mul3A_137, 128 : i32
    %dma_start3A_139 = arith.constant 4 : i32
    %dma_start3A_140 = arith.constant 4 : i32
    %dma_start3A_141 = arith.constant 0 : i32
    %dma_start3A_142 = arith.constant 0 : i32
    %dma_start3A_143 = tpu.memref_slice %arg9[%dma_start3A_139, %dma_start3A_141, %dma_start3A_142] : memref<8x64x128xf32, #tpu.memory_space<vmem>> -> memref<1x64x128xf32, #tpu.memory_space<vmem>>
    %dma_start3A_144 = tpu.memref_squeeze %dma_start3A_143 : memref<1x64x128xf32, #tpu.memory_space<vmem>> -> memref<64x128xf32, #tpu.memory_space<vmem>>
    %dma_start3A_145 = arith.constant 0 : i32
    %dma_start3A_146 = tpu.memref_slice %arg2[%dma_start3A_145, %multiple_of3A_138] : memref<64x1000000xf32, #tpu.memory_space<hbm>> -> memref<64x128xf32, #tpu.memory_space<hbm>>
    %dma_start3A_147 = tpu.memref_slice %arg11[%dma_start3A_140] : memref<8x!tpu.dma_semaphore, #tpu.memory_space<semaphore_mem>> -> memref<1x!tpu.dma_semaphore, #tpu.memory_space<semaphore_mem>>
    %dma_start3A_148 = tpu.memref_squeeze %dma_start3A_147 : memref<1x!tpu.dma_semaphore, #tpu.memory_space<semaphore_mem>> -> memref<!tpu.dma_semaphore, #tpu.memory_space<semaphore_mem>>
    %dma_start3A_149 = arith.constant 0 : i32
    %dma_start3A_150 = arith.constant 0 : i32
    %dma_start3A_151 = tpu.memref_slice %arg9[%dma_start3A_139, %dma_start3A_149, %dma_start3A_150] : memref<8x64x128xf32, #tpu.memory_space<vmem>> -> memref<1x64x128xf32, #tpu.memory_space<vmem>>
    %dma_start3A_152 = tpu.memref_squeeze %dma_start3A_151 : memref<1x64x128xf32, #tpu.memory_space<vmem>> -> memref<64x128xf32, #tpu.memory_space<vmem>>
    %dma_start3A_153 = arith.constant 0 : i32
    %dma_start3A_154 = tpu.memref_slice %arg2[%dma_start3A_153, %multiple_of3A_138] : memref<64x1000000xf32, #tpu.memory_space<hbm>> -> memref<64x128xf32, #tpu.memory_space<hbm>>
    tpu.enqueue_dma source(%dma_start3A_154 : memref<64x128xf32, #tpu.memory_space<hbm>>) target(%dma_start3A_152 : memref<64x128xf32, #tpu.memory_space<vmem>>) target_semaphore(%dma_start3A_148 : memref<!tpu.dma_semaphore, #tpu.memory_space<semaphore_mem>>)
    %get3A_155 = arith.constant 0 : i32
    %get3A_156 = arith.constant 5 : i32
    %get3A_157 = arith.index_cast %get3A_155 : i32 to index
    %get3A_158 = arith.index_cast %get3A_156 : i32 to index
    %get3A_159 = memref.load %arg7[%get3A_157, %get3A_158] : memref<2x512xi32, #tpu.memory_space<smem>>
    %jit3A_160 = arith.constant 0 : i32
    %jit3A_161 = arith.constant 999999 : i32
    %max3A_162 = arith.maxsi %jit3A_160, %get3A_159 : i32
    %min3A_163 = arith.minsi %jit3A_161, %max3A_162 : i32
    %shift_right_arithmetic3A_164 = arith.constant 7 : i32
    %shift_right_arithmetic3A_165 = arith.shrsi %min3A_163, %shift_right_arithmetic3A_164 : i32
    %mul3A_166 = arith.constant 128 : i32
    %mul3A_167 = arith.muli %shift_right_arithmetic3A_165, %mul3A_166 : i32
    %multiple_of3A_168 = tpu.assume_multiple %mul3A_167, 128 : i32
    %dma_start3A_169 = arith.constant 5 : i32
    %dma_start3A_170 = arith.constant 5 : i32
    %dma_start3A_171 = arith.constant 0 : i32
    %dma_start3A_172 = arith.constant 0 : i32
    %dma_start3A_173 = tpu.memref_slice %arg9[%dma_start3A_169, %dma_start3A_171, %dma_start3A_172] : memref<8x64x128xf32, #tpu.memory_space<vmem>> -> memref<1x64x128xf32, #tpu.memory_space<vmem>>
    %dma_start3A_174 = tpu.memref_squeeze %dma_start3A_173 : memref<1x64x128xf32, #tpu.memory_space<vmem>> -> memref<64x128xf32, #tpu.memory_space<vmem>>
    %dma_start3A_175 = arith.constant 0 : i32
    %dma_start3A_176 = tpu.memref_slice %arg2[%dma_start3A_175, %multiple_of3A_168] : memref<64x1000000xf32, #tpu.memory_space<hbm>> -> memref<64x128xf32, #tpu.memory_space<hbm>>
    %dma_start3A_177 = tpu.memref_slice %arg11[%dma_start3A_170] : memref<8x!tpu.dma_semaphore, #tpu.memory_space<semaphore_mem>> -> memref<1x!tpu.dma_semaphore, #tpu.memory_space<semaphore_mem>>
    %dma_start3A_178 = tpu.memref_squeeze %dma_start3A_177 : memref<1x!tpu.dma_semaphore, #tpu.memory_space<semaphore_mem>> -> memref<!tpu.dma_semaphore, #tpu.memory_space<semaphore_mem>>
    %dma_start3A_179 = arith.constant 0 : i32
    %dma_start3A_180 = arith.constant 0 : i32
    %dma_start3A_181 = tpu.memref_slice %arg9[%dma_start3A_169, %dma_start3A_179, %dma_start3A_180] : memref<8x64x128xf32, #tpu.memory_space<vmem>> -> memref<1x64x128xf32, #tpu.memory_space<vmem>>
    %dma_start3A_182 = tpu.memref_squeeze %dma_start3A_181 : memref<1x64x128xf32, #tpu.memory_space<vmem>> -> memref<64x128xf32, #tpu.memory_space<vmem>>
    %dma_start3A_183 = arith.constant 0 : i32
    %dma_start3A_184 = tpu.memref_slice %arg2[%dma_start3A_183, %multiple_of3A_168] : memref<64x1000000xf32, #tpu.memory_space<hbm>> -> memref<64x128xf32, #tpu.memory_space<hbm>>
    tpu.enqueue_dma source(%dma_start3A_184 : memref<64x128xf32, #tpu.memory_space<hbm>>) target(%dma_start3A_182 : memref<64x128xf32, #tpu.memory_space<vmem>>) target_semaphore(%dma_start3A_178 : memref<!tpu.dma_semaphore, #tpu.memory_space<semaphore_mem>>)
    %get3A_185 = arith.constant 0 : i32
    %get3A_186 = arith.constant 6 : i32
    %get3A_187 = arith.index_cast %get3A_185 : i32 to index
    %get3A_188 = arith.index_cast %get3A_186 : i32 to index
    %get3A_189 = memref.load %arg7[%get3A_187, %get3A_188] : memref<2x512xi32, #tpu.memory_space<smem>>
    %jit3A_190 = arith.constant 0 : i32
    %jit3A_191 = arith.constant 999999 : i32
    %max3A_192 = arith.maxsi %jit3A_190, %get3A_189 : i32
    %min3A_193 = arith.minsi %jit3A_191, %max3A_192 : i32
    %shift_right_arithmetic3A_194 = arith.constant 7 : i32
    %shift_right_arithmetic3A_195 = arith.shrsi %min3A_193, %shift_right_arithmetic3A_194 : i32
    %mul3A_196 = arith.constant 128 : i32
    %mul3A_197 = arith.muli %shift_right_arithmetic3A_195, %mul3A_196 : i32
    %multiple_of3A_198 = tpu.assume_multiple %mul3A_197, 128 : i32
    %dma_start3A_199 = arith.constant 6 : i32
    %dma_start3A_200 = arith.constant 6 : i32
    %dma_start3A_201 = arith.constant 0 : i32
    %dma_start3A_202 = arith.constant 0 : i32
    %dma_start3A_203 = tpu.memref_slice %arg9[%dma_start3A_199, %dma_start3A_201, %dma_start3A_202] : memref<8x64x128xf32, #tpu.memory_space<vmem>> -> memref<1x64x128xf32, #tpu.memory_space<vmem>>
    %dma_start3A_204 = tpu.memref_squeeze %dma_start3A_203 : memref<1x64x128xf32, #tpu.memory_space<vmem>> -> memref<64x128xf32, #tpu.memory_space<vmem>>
    %dma_start3A_205 = arith.constant 0 : i32
    %dma_start3A_206 = tpu.memref_slice %arg2[%dma_start3A_205, %multiple_of3A_198] : memref<64x1000000xf32, #tpu.memory_space<hbm>> -> memref<64x128xf32, #tpu.memory_space<hbm>>
    %dma_start3A_207 = tpu.memref_slice %arg11[%dma_start3A_200] : memref<8x!tpu.dma_semaphore, #tpu.memory_space<semaphore_mem>> -> memref<1x!tpu.dma_semaphore, #tpu.memory_space<semaphore_mem>>
    %dma_start3A_208 = tpu.memref_squeeze %dma_start3A_207 : memref<1x!tpu.dma_semaphore, #tpu.memory_space<semaphore_mem>> -> memref<!tpu.dma_semaphore, #tpu.memory_space<semaphore_mem>>
    %dma_start3A_209 = arith.constant 0 : i32
    %dma_start3A_210 = arith.constant 0 : i32
    %dma_start3A_211 = tpu.memref_slice %arg9[%dma_start3A_199, %dma_start3A_209, %dma_start3A_210] : memref<8x64x128xf32, #tpu.memory_space<vmem>> -> memref<1x64x128xf32, #tpu.memory_space<vmem>>
    %dma_start3A_212 = tpu.memref_squeeze %dma_start3A_211 : memref<1x64x128xf32, #tpu.memory_space<vmem>> -> memref<64x128xf32, #tpu.memory_space<vmem>>
    %dma_start3A_213 = arith.constant 0 : i32
    %dma_start3A_214 = tpu.memref_slice %arg2[%dma_start3A_213, %multiple_of3A_198] : memref<64x1000000xf32, #tpu.memory_space<hbm>> -> memref<64x128xf32, #tpu.memory_space<hbm>>
    tpu.enqueue_dma source(%dma_start3A_214 : memref<64x128xf32, #tpu.memory_space<hbm>>) target(%dma_start3A_212 : memref<64x128xf32, #tpu.memory_space<vmem>>) target_semaphore(%dma_start3A_208 : memref<!tpu.dma_semaphore, #tpu.memory_space<semaphore_mem>>)
    %get3A_215 = arith.constant 0 : i32
    %get3A_216 = arith.constant 7 : i32
    %get3A_217 = arith.index_cast %get3A_215 : i32 to index
    %get3A_218 = arith.index_cast %get3A_216 : i32 to index
    %get3A_219 = memref.load %arg7[%get3A_217, %get3A_218] : memref<2x512xi32, #tpu.memory_space<smem>>
    %jit3A_220 = arith.constant 0 : i32
    %jit3A_221 = arith.constant 999999 : i32
    %max3A_222 = arith.maxsi %jit3A_220, %get3A_219 : i32
    %min3A_223 = arith.minsi %jit3A_221, %max3A_222 : i32
    %shift_right_arithmetic3A_224 = arith.constant 7 : i32
    %shift_right_arithmetic3A_225 = arith.shrsi %min3A_223, %shift_right_arithmetic3A_224 : i32
    %mul3A_226 = arith.constant 128 : i32
    %mul3A_227 = arith.muli %shift_right_arithmetic3A_225, %mul3A_226 : i32
    %multiple_of3A_228 = tpu.assume_multiple %mul3A_227, 128 : i32
    %dma_start3A_229 = arith.constant 7 : i32
    %dma_start3A_230 = arith.constant 7 : i32
    %dma_start3A_231 = arith.constant 0 : i32
    %dma_start3A_232 = arith.constant 0 : i32
    %dma_start3A_233 = tpu.memref_slice %arg9[%dma_start3A_229, %dma_start3A_231, %dma_start3A_232] : memref<8x64x128xf32, #tpu.memory_space<vmem>> -> memref<1x64x128xf32, #tpu.memory_space<vmem>>
    %dma_start3A_234 = tpu.memref_squeeze %dma_start3A_233 : memref<1x64x128xf32, #tpu.memory_space<vmem>> -> memref<64x128xf32, #tpu.memory_space<vmem>>
    %dma_start3A_235 = arith.constant 0 : i32
    %dma_start3A_236 = tpu.memref_slice %arg2[%dma_start3A_235, %multiple_of3A_228] : memref<64x1000000xf32, #tpu.memory_space<hbm>> -> memref<64x128xf32, #tpu.memory_space<hbm>>
    %dma_start3A_237 = tpu.memref_slice %arg11[%dma_start3A_230] : memref<8x!tpu.dma_semaphore, #tpu.memory_space<semaphore_mem>> -> memref<1x!tpu.dma_semaphore, #tpu.memory_space<semaphore_mem>>
    %dma_start3A_238 = tpu.memref_squeeze %dma_start3A_237 : memref<1x!tpu.dma_semaphore, #tpu.memory_space<semaphore_mem>> -> memref<!tpu.dma_semaphore, #tpu.memory_space<semaphore_mem>>
    %dma_start3A_239 = arith.constant 0 : i32
    %dma_start3A_240 = arith.constant 0 : i32
    %dma_start3A_241 = tpu.memref_slice %arg9[%dma_start3A_229, %dma_start3A_239, %dma_start3A_240] : memref<8x64x128xf32, #tpu.memory_space<vmem>> -> memref<1x64x128xf32, #tpu.memory_space<vmem>>
    %dma_start3A_242 = tpu.memref_squeeze %dma_start3A_241 : memref<1x64x128xf32, #tpu.memory_space<vmem>> -> memref<64x128xf32, #tpu.memory_space<vmem>>
    %dma_start3A_243 = arith.constant 0 : i32
    %dma_start3A_244 = tpu.memref_slice %arg2[%dma_start3A_243, %multiple_of3A_228] : memref<64x1000000xf32, #tpu.memory_space<hbm>> -> memref<64x128xf32, #tpu.memory_space<hbm>>
    tpu.enqueue_dma source(%dma_start3A_244 : memref<64x128xf32, #tpu.memory_space<hbm>>) target(%dma_start3A_242 : memref<64x128xf32, #tpu.memory_space<vmem>>) target_semaphore(%dma_start3A_238 : memref<!tpu.dma_semaphore, #tpu.memory_space<semaphore_mem>>)
    %scan3A_245 = arith.constant 0 : i32
    %scan3A_246 = arith.constant 64 : i32
    %scan3A_247 = arith.addi %scan3A_245, %scan3A_246 : i32
    %scan3A_248 = arith.constant 1 : i32
    scf.for %scan3A_496 = %scan3A_245 to %scan3A_247 step %scan3A_248  : i32 {
      %mul3A_497 = arith.constant 1 : i32
      %mul3A_498 = arith.muli %scan3A_496, %mul3A_497 : i32
      %add3A_499 = arith.constant 0 : i32
      %add3A_500 = arith.addi %add3A_499, %mul3A_498 : i32
      %mul3A_501 = arith.constant 8 : i32
      %mul3A_502 = arith.muli %add3A_500, %mul3A_501 : i32
      %add3A_503 = arith.constant 0 : i32
      %add3A_504 = arith.addi %mul3A_502, %add3A_503 : i32
      %dma_wait3A = arith.constant 0 : i32
      %dma_wait3A_505 = arith.constant 0 : i32
      %dma_wait3A_506 = arith.constant 0 : i32
      %dma_wait3A_507 = arith.constant 0 : i32
      %dma_wait3A_508 = tpu.memref_slice %arg9[%dma_wait3A, %dma_wait3A_506, %dma_wait3A_507] : memref<8x64x128xf32, #tpu.memory_space<vmem>> -> memref<1x64x128xf32, #tpu.memory_space<vmem>>
      %dma_wait3A_509 = tpu.memref_squeeze %dma_wait3A_508 : memref<1x64x128xf32, #tpu.memory_space<vmem>> -> memref<64x128xf32, #tpu.memory_space<vmem>>
      %dma_wait3A_510 = arith.constant 0 : i32
      %dma_wait3A_511 = arith.constant 0 : i32
      %dma_wait3A_512 = tpu.memref_slice %arg2[%dma_wait3A_510, %dma_wait3A_511] : memref<64x1000000xf32, #tpu.memory_space<hbm>> -> memref<64x128xf32, #tpu.memory_space<hbm>>
      %dma_wait3A_513 = tpu.memref_slice %arg11[%dma_wait3A_505] : memref<8x!tpu.dma_semaphore, #tpu.memory_space<semaphore_mem>> -> memref<1x!tpu.dma_semaphore, #tpu.memory_space<semaphore_mem>>
      %dma_wait3A_514 = tpu.memref_squeeze %dma_wait3A_513 : memref<1x!tpu.dma_semaphore, #tpu.memory_space<semaphore_mem>> -> memref<!tpu.dma_semaphore, #tpu.memory_space<semaphore_mem>>
      %dma_wait3A_515 = arith.constant 0 : i32
      %dma_wait3A_516 = arith.constant 0 : i32
      %dma_wait3A_517 = tpu.memref_slice %arg9[%dma_wait3A, %dma_wait3A_515, %dma_wait3A_516] : memref<8x64x128xf32, #tpu.memory_space<vmem>> -> memref<1x64x128xf32, #tpu.memory_space<vmem>>
      %dma_wait3A_518 = tpu.memref_squeeze %dma_wait3A_517 : memref<1x64x128xf32, #tpu.memory_space<vmem>> -> memref<64x128xf32, #tpu.memory_space<vmem>>
      %dma_wait3A_519 = arith.constant 0 : i32
      %dma_wait3A_520 = arith.constant 0 : i32
      %dma_wait3A_521 = tpu.memref_slice %arg2[%dma_wait3A_519, %dma_wait3A_520] : memref<64x1000000xf32, #tpu.memory_space<hbm>> -> memref<64x128xf32, #tpu.memory_space<hbm>>
      tpu.wait_dma2 semaphore(%dma_wait3A_514 : memref<!tpu.dma_semaphore, #tpu.memory_space<semaphore_mem>>) src(%dma_wait3A_521 : memref<64x128xf32, #tpu.memory_space<hbm>>) dst(%dma_wait3A_518 : memref<64x128xf32, #tpu.memory_space<vmem>>)
      %get3A_522 = arith.constant 0 : i32
      %get3A_523 = arith.index_cast %get3A_522 : i32 to index
      %get3A_524 = arith.index_cast %add3A_504 : i32 to index
      %get3A_525 = memref.load %arg7[%get3A_523, %get3A_524] : memref<2x512xi32, #tpu.memory_space<smem>>
      %and3A = arith.constant 127 : i32
      %and3A_526 = arith.andi %get3A_525, %and3A : i32
      %broadcast_in_dim3A = vector.broadcast %and3A_526 : i32 to vector<16xi32>
      %broadcast_in_dim3A_527 = vector.broadcast %add3A_504 : i32 to vector<16xi32>
      %add3A_528 = arith.constant 0 : i32
      %add3A_529 = vector.broadcast %add3A_528 : i32 to vector<16xi32>
      %add3A_530 = arith.addi %iota3A, %add3A_529 : vector<16xi32>
      %gather3A = arith.constant 0 : i32
      %gather3A_531 = arith.constant 0 : i32
      %gather3A_532 = arith.constant 0 : i32
      %gather3A_533 = tpu.memref_slice %arg9[%gather3A, %gather3A_531, %gather3A_532] : memref<8x64x128xf32, #tpu.memory_space<vmem>> -> memref<1x64x128xf32, #tpu.memory_space<vmem>>
      %gather3A_534 = tpu.memref_squeeze %gather3A_533 : memref<1x64x128xf32, #tpu.memory_space<vmem>> -> memref<64x128xf32, #tpu.memory_space<vmem>>
      %gather3A_535 = tpu.vector_load_idx %gather3A_534[%add3A_530, %broadcast_in_dim3A] : memref<64x128xf32, #tpu.memory_space<vmem>>[vector<16xi32>, vector<16xi32>], vector<16xf32>,
      tpu.vector_store_idx %arg10[%add3A_530, %broadcast_in_dim3A_527], %gather3A_535 : memref<64x512xf32, #tpu.memory_space<vmem>>[vector<16xi32>, vector<16xi32>], vector<16xf32>,
      %add3A_536 = arith.constant 16 : i32
      %add3A_537 = vector.broadcast %add3A_536 : i32 to vector<16xi32>
      %add3A_538 = arith.addi %iota3A, %add3A_537 : vector<16xi32>
      %gather3A_539 = arith.constant 0 : i32
      %gather3A_540 = arith.constant 0 : i32
      %gather3A_541 = arith.constant 0 : i32
      %gather3A_542 = tpu.memref_slice %arg9[%gather3A_539, %gather3A_540, %gather3A_541] : memref<8x64x128xf32, #tpu.memory_space<vmem>> -> memref<1x64x128xf32, #tpu.memory_space<vmem>>
      %gather3A_543 = tpu.memref_squeeze %gather3A_542 : memref<1x64x128xf32, #tpu.memory_space<vmem>> -> memref<64x128xf32, #tpu.memory_space<vmem>>
      %gather3A_544 = tpu.vector_load_idx %gather3A_543[%add3A_538, %broadcast_in_dim3A] : memref<64x128xf32, #tpu.memory_space<vmem>>[vector<16xi32>, vector<16xi32>], vector<16xf32>,
      tpu.vector_store_idx %arg10[%add3A_538, %broadcast_in_dim3A_527], %gather3A_544 : memref<64x512xf32, #tpu.memory_space<vmem>>[vector<16xi32>, vector<16xi32>], vector<16xf32>,
      %add3A_545 = arith.constant 32 : i32
      %add3A_546 = vector.broadcast %add3A_545 : i32 to vector<16xi32>
      %add3A_547 = arith.addi %iota3A, %add3A_546 : vector<16xi32>
      %gather3A_548 = arith.constant 0 : i32
      %gather3A_549 = arith.constant 0 : i32
      %gather3A_550 = arith.constant 0 : i32
      %gather3A_551 = tpu.memref_slice %arg9[%gather3A_548, %gather3A_549, %gather3A_550] : memref<8x64x128xf32, #tpu.memory_space<vmem>> -> memref<1x64x128xf32, #tpu.memory_space<vmem>>
      %gather3A_552 = tpu.memref_squeeze %gather3A_551 : memref<1x64x128xf32, #tpu.memory_space<vmem>> -> memref<64x128xf32, #tpu.memory_space<vmem>>
      %gather3A_553 = tpu.vector_load_idx %gather3A_552[%add3A_547, %broadcast_in_dim3A] : memref<64x128xf32, #tpu.memory_space<vmem>>[vector<16xi32>, vector<16xi32>], vector<16xf32>,
      tpu.vector_store_idx %arg10[%add3A_547, %broadcast_in_dim3A_527], %gather3A_553 : memref<64x512xf32, #tpu.memory_space<vmem>>[vector<16xi32>, vector<16xi32>], vector<16xf32>,
      %add3A_554 = arith.constant 48 : i32
      %add3A_555 = vector.broadcast %add3A_554 : i32 to vector<16xi32>
      %add3A_556 = arith.addi %iota3A, %add3A_555 : vector<16xi32>
      %gather3A_557 = arith.constant 0 : i32
      %gather3A_558 = arith.constant 0 : i32
      %gather3A_559 = arith.constant 0 : i32
      %gather3A_560 = tpu.memref_slice %arg9[%gather3A_557, %gather3A_558, %gather3A_559] : memref<8x64x128xf32, #tpu.memory_space<vmem>> -> memref<1x64x128xf32, #tpu.memory_space<vmem>>
      %gather3A_561 = tpu.memref_squeeze %gather3A_560 : memref<1x64x128xf32, #tpu.memory_space<vmem>> -> memref<64x128xf32, #tpu.memory_space<vmem>>
      %gather3A_562 = tpu.vector_load_idx %gather3A_561[%add3A_556, %broadcast_in_dim3A] : memref<64x128xf32, #tpu.memory_space<vmem>>[vector<16xi32>, vector<16xi32>], vector<16xf32>,
      tpu.vector_store_idx %arg10[%add3A_556, %broadcast_in_dim3A_527], %gather3A_562 : memref<64x512xf32, #tpu.memory_space<vmem>>[vector<16xi32>, vector<16xi32>], vector<16xf32>,
      %lt3A = arith.constant 63 : i32
      %lt3A_563 = arith.cmpi slt, %add3A_500, %lt3A : i32
      %convert_element_type3A = arith.extui %lt3A_563 : i1 to i32
      %cond3A = arith.constant 0 : i32
      %cond3A_564 = arith.cmpi ne, %convert_element_type3A, %cond3A : i32
      scf.if %cond3A_564 {
        %add3A_1062 = arith.constant 8 : i32
        %add3A_1063 = arith.addi %add3A_504, %add3A_1062 : i32
        %get3A_1064 = arith.constant 0 : i32
        %get3A_1065 = arith.index_cast %get3A_1064 : i32 to index
        %get3A_1066 = arith.index_cast %add3A_1063 : i32 to index
        %get3A_1067 = memref.load %arg7[%get3A_1065, %get3A_1066] : memref<2x512xi32, #tpu.memory_space<smem>>
        %jit3A_1068 = arith.constant 0 : i32
        %jit3A_1069 = arith.constant 999999 : i32
        %max3A_1070 = arith.maxsi %jit3A_1068, %get3A_1067 : i32
        %min3A_1071 = arith.minsi %jit3A_1069, %max3A_1070 : i32
        %shift_right_arithmetic3A_1072 = arith.constant 7 : i32
        %shift_right_arithmetic3A_1073 = arith.shrsi %min3A_1071, %shift_right_arithmetic3A_1072 : i32
        %mul3A_1074 = arith.constant 128 : i32
        %mul3A_1075 = arith.muli %shift_right_arithmetic3A_1073, %mul3A_1074 : i32
        %multiple_of3A_1076 = tpu.assume_multiple %mul3A_1075, 128 : i32
        %dma_start3A_1077 = arith.constant 0 : i32
        %dma_start3A_1078 = arith.constant 0 : i32
        %dma_start3A_1079 = arith.constant 0 : i32
        %dma_start3A_1080 = arith.constant 0 : i32
        %dma_start3A_1081 = tpu.memref_slice %arg9[%dma_start3A_1077, %dma_start3A_1079, %dma_start3A_1080] : memref<8x64x128xf32, #tpu.memory_space<vmem>> -> memref<1x64x128xf32, #tpu.memory_space<vmem>>
        %dma_start3A_1082 = tpu.memref_squeeze %dma_start3A_1081 : memref<1x64x128xf32, #tpu.memory_space<vmem>> -> memref<64x128xf32, #tpu.memory_space<vmem>>
        %dma_start3A_1083 = arith.constant 0 : i32
        %dma_start3A_1084 = tpu.memref_slice %arg2[%dma_start3A_1083, %multiple_of3A_1076] : memref<64x1000000xf32, #tpu.memory_space<hbm>> -> memref<64x128xf32, #tpu.memory_space<hbm>>
        %dma_start3A_1085 = tpu.memref_slice %arg11[%dma_start3A_1078] : memref<8x!tpu.dma_semaphore, #tpu.memory_space<semaphore_mem>> -> memref<1x!tpu.dma_semaphore, #tpu.memory_space<semaphore_mem>>
        %dma_start3A_1086 = tpu.memref_squeeze %dma_start3A_1085 : memref<1x!tpu.dma_semaphore, #tpu.memory_space<semaphore_mem>> -> memref<!tpu.dma_semaphore, #tpu.memory_space<semaphore_mem>>
        %dma_start3A_1087 = arith.constant 0 : i32
        %dma_start3A_1088 = arith.constant 0 : i32
        %dma_start3A_1089 = tpu.memref_slice %arg9[%dma_start3A_1077, %dma_start3A_1087, %dma_start3A_1088] : memref<8x64x128xf32, #tpu.memory_space<vmem>> -> memref<1x64x128xf32, #tpu.memory_space<vmem>>
        %dma_start3A_1090 = tpu.memref_squeeze %dma_start3A_1089 : memref<1x64x128xf32, #tpu.memory_space<vmem>> -> memref<64x128xf32, #tpu.memory_space<vmem>>
        %dma_start3A_1091 = arith.constant 0 : i32
        %dma_start3A_1092 = tpu.memref_slice %arg2[%dma_start3A_1091, %multiple_of3A_1076] : memref<64x1000000xf32, #tpu.memory_space<hbm>> -> memref<64x128xf32, #tpu.memory_space<hbm>>
        tpu.enqueue_dma source(%dma_start3A_1092 : memref<64x128xf32, #tpu.memory_space<hbm>>) target(%dma_start3A_1090 : memref<64x128xf32, #tpu.memory_space<vmem>>) target_semaphore(%dma_start3A_1086 : memref<!tpu.dma_semaphore, #tpu.memory_space<semaphore_mem>>)
      } else {
      }
      %mul3A_565 = arith.constant 8 : i32
      %mul3A_566 = arith.muli %add3A_500, %mul3A_565 : i32
      %add3A_567 = arith.constant 1 : i32
      %add3A_568 = arith.addi %mul3A_566, %add3A_567 : i32
      %dma_wait3A_569 = arith.constant 1 : i32
      %dma_wait3A_570 = arith.constant 1 : i32
      %dma_wait3A_571 = arith.constant 0 : i32
      %dma_wait3A_572 = arith.constant 0 : i32
      %dma_wait3A_573 = tpu.memref_slice %arg9[%dma_wait3A_569, %dma_wait3A_571, %dma_wait3A_572] : memref<8x64x128xf32, #tpu.memory_space<vmem>> -> memref<1x64x128xf32, #tpu.memory_space<vmem>>
      %dma_wait3A_574 = tpu.memref_squeeze %dma_wait3A_573 : memref<1x64x128xf32, #tpu.memory_space<vmem>> -> memref<64x128xf32, #tpu.memory_space<vmem>>
      %dma_wait3A_575 = arith.constant 0 : i32
      %dma_wait3A_576 = arith.constant 0 : i32
      %dma_wait3A_577 = tpu.memref_slice %arg2[%dma_wait3A_575, %dma_wait3A_576] : memref<64x1000000xf32, #tpu.memory_space<hbm>> -> memref<64x128xf32, #tpu.memory_space<hbm>>
      %dma_wait3A_578 = tpu.memref_slice %arg11[%dma_wait3A_570] : memref<8x!tpu.dma_semaphore, #tpu.memory_space<semaphore_mem>> -> memref<1x!tpu.dma_semaphore, #tpu.memory_space<semaphore_mem>>
      %dma_wait3A_579 = tpu.memref_squeeze %dma_wait3A_578 : memref<1x!tpu.dma_semaphore, #tpu.memory_space<semaphore_mem>> -> memref<!tpu.dma_semaphore, #tpu.memory_space<semaphore_mem>>
      %dma_wait3A_580 = arith.constant 0 : i32
      %dma_wait3A_581 = arith.constant 0 : i32
      %dma_wait3A_582 = tpu.memref_slice %arg9[%dma_wait3A_569, %dma_wait3A_580, %dma_wait3A_581] : memref<8x64x128xf32, #tpu.memory_space<vmem>> -> memref<1x64x128xf32, #tpu.memory_space<vmem>>
      %dma_wait3A_583 = tpu.memref_squeeze %dma_wait3A_582 : memref<1x64x128xf32, #tpu.memory_space<vmem>> -> memref<64x128xf32, #tpu.memory_space<vmem>>
      %dma_wait3A_584 = arith.constant 0 : i32
      %dma_wait3A_585 = arith.constant 0 : i32
      %dma_wait3A_586 = tpu.memref_slice %arg2[%dma_wait3A_584, %dma_wait3A_585] : memref<64x1000000xf32, #tpu.memory_space<hbm>> -> memref<64x128xf32, #tpu.memory_space<hbm>>
      tpu.wait_dma2 semaphore(%dma_wait3A_579 : memref<!tpu.dma_semaphore, #tpu.memory_space<semaphore_mem>>) src(%dma_wait3A_586 : memref<64x128xf32, #tpu.memory_space<hbm>>) dst(%dma_wait3A_583 : memref<64x128xf32, #tpu.memory_space<vmem>>)
      %get3A_587 = arith.constant 0 : i32
      %get3A_588 = arith.index_cast %get3A_587 : i32 to index
      %get3A_589 = arith.index_cast %add3A_568 : i32 to index
      %get3A_590 = memref.load %arg7[%get3A_588, %get3A_589] : memref<2x512xi32, #tpu.memory_space<smem>>
      %and3A_591 = arith.constant 127 : i32
      %and3A_592 = arith.andi %get3A_590, %and3A_591 : i32
      %broadcast_in_dim3A_593 = vector.broadcast %and3A_592 : i32 to vector<16xi32>
      %broadcast_in_dim3A_594 = vector.broadcast %add3A_568 : i32 to vector<16xi32>
      %add3A_595 = arith.constant 0 : i32
      %add3A_596 = vector.broadcast %add3A_595 : i32 to vector<16xi32>
      %add3A_597 = arith.addi %iota3A, %add3A_596 : vector<16xi32>
      %gather3A_598 = arith.constant 1 : i32
      %gather3A_599 = arith.constant 0 : i32
      %gather3A_600 = arith.constant 0 : i32
      %gather3A_601 = tpu.memref_slice %arg9[%gather3A_598, %gather3A_599, %gather3A_600] : memref<8x64x128xf32, #tpu.memory_space<vmem>> -> memref<1x64x128xf32, #tpu.memory_space<vmem>>
      %gather3A_602 = tpu.memref_squeeze %gather3A_601 : memref<1x64x128xf32, #tpu.memory_space<vmem>> -> memref<64x128xf32, #tpu.memory_space<vmem>>
      %gather3A_603 = tpu.vector_load_idx %gather3A_602[%add3A_597, %broadcast_in_dim3A_593] : memref<64x128xf32, #tpu.memory_space<vmem>>[vector<16xi32>, vector<16xi32>], vector<16xf32>,
      tpu.vector_store_idx %arg10[%add3A_597, %broadcast_in_dim3A_594], %gather3A_603 : memref<64x512xf32, #tpu.memory_space<vmem>>[vector<16xi32>, vector<16xi32>], vector<16xf32>,
      %add3A_604 = arith.constant 16 : i32
      %add3A_605 = vector.broadcast %add3A_604 : i32 to vector<16xi32>
      %add3A_606 = arith.addi %iota3A, %add3A_605 : vector<16xi32>
      %gather3A_607 = arith.constant 1 : i32
      %gather3A_608 = arith.constant 0 : i32
      %gather3A_609 = arith.constant 0 : i32
      %gather3A_610 = tpu.memref_slice %arg9[%gather3A_607, %gather3A_608, %gather3A_609] : memref<8x64x128xf32, #tpu.memory_space<vmem>> -> memref<1x64x128xf32, #tpu.memory_space<vmem>>
      %gather3A_611 = tpu.memref_squeeze %gather3A_610 : memref<1x64x128xf32, #tpu.memory_space<vmem>> -> memref<64x128xf32, #tpu.memory_space<vmem>>
      %gather3A_612 = tpu.vector_load_idx %gather3A_611[%add3A_606, %broadcast_in_dim3A_593] : memref<64x128xf32, #tpu.memory_space<vmem>>[vector<16xi32>, vector<16xi32>], vector<16xf32>,
      tpu.vector_store_idx %arg10[%add3A_606, %broadcast_in_dim3A_594], %gather3A_612 : memref<64x512xf32, #tpu.memory_space<vmem>>[vector<16xi32>, vector<16xi32>], vector<16xf32>,
      %add3A_613 = arith.constant 32 : i32
      %add3A_614 = vector.broadcast %add3A_613 : i32 to vector<16xi32>
      %add3A_615 = arith.addi %iota3A, %add3A_614 : vector<16xi32>
      %gather3A_616 = arith.constant 1 : i32
      %gather3A_617 = arith.constant 0 : i32
      %gather3A_618 = arith.constant 0 : i32
      %gather3A_619 = tpu.memref_slice %arg9[%gather3A_616, %gather3A_617, %gather3A_618] : memref<8x64x128xf32, #tpu.memory_space<vmem>> -> memref<1x64x128xf32, #tpu.memory_space<vmem>>
      %gather3A_620 = tpu.memref_squeeze %gather3A_619 : memref<1x64x128xf32, #tpu.memory_space<vmem>> -> memref<64x128xf32, #tpu.memory_space<vmem>>
      %gather3A_621 = tpu.vector_load_idx %gather3A_620[%add3A_615, %broadcast_in_dim3A_593] : memref<64x128xf32, #tpu.memory_space<vmem>>[vector<16xi32>, vector<16xi32>], vector<16xf32>,
      tpu.vector_store_idx %arg10[%add3A_615, %broadcast_in_dim3A_594], %gather3A_621 : memref<64x512xf32, #tpu.memory_space<vmem>>[vector<16xi32>, vector<16xi32>], vector<16xf32>,
      %add3A_622 = arith.constant 48 : i32
      %add3A_623 = vector.broadcast %add3A_622 : i32 to vector<16xi32>
      %add3A_624 = arith.addi %iota3A, %add3A_623 : vector<16xi32>
      %gather3A_625 = arith.constant 1 : i32
      %gather3A_626 = arith.constant 0 : i32
      %gather3A_627 = arith.constant 0 : i32
      %gather3A_628 = tpu.memref_slice %arg9[%gather3A_625, %gather3A_626, %gather3A_627] : memref<8x64x128xf32, #tpu.memory_space<vmem>> -> memref<1x64x128xf32, #tpu.memory_space<vmem>>
      %gather3A_629 = tpu.memref_squeeze %gather3A_628 : memref<1x64x128xf32, #tpu.memory_space<vmem>> -> memref<64x128xf32, #tpu.memory_space<vmem>>
      %gather3A_630 = tpu.vector_load_idx %gather3A_629[%add3A_624, %broadcast_in_dim3A_593] : memref<64x128xf32, #tpu.memory_space<vmem>>[vector<16xi32>, vector<16xi32>], vector<16xf32>,
      tpu.vector_store_idx %arg10[%add3A_624, %broadcast_in_dim3A_594], %gather3A_630 : memref<64x512xf32, #tpu.memory_space<vmem>>[vector<16xi32>, vector<16xi32>], vector<16xf32>,
      %lt3A_631 = arith.constant 63 : i32
      %lt3A_632 = arith.cmpi slt, %add3A_500, %lt3A_631 : i32
      %convert_element_type3A_633 = arith.extui %lt3A_632 : i1 to i32
      %cond3A_634 = arith.constant 0 : i32
      %cond3A_635 = arith.cmpi ne, %convert_element_type3A_633, %cond3A_634 : i32
      scf.if %cond3A_635 {
        %add3A_1062 = arith.constant 8 : i32
        %add3A_1063 = arith.addi %add3A_568, %add3A_1062 : i32
        %get3A_1064 = arith.constant 0 : i32
        %get3A_1065 = arith.index_cast %get3A_1064 : i32 to index
        %get3A_1066 = arith.index_cast %add3A_1063 : i32 to index
        %get3A_1067 = memref.load %arg7[%get3A_1065, %get3A_1066] : memref<2x512xi32, #tpu.memory_space<smem>>
        %jit3A_1068 = arith.constant 0 : i32
        %jit3A_1069 = arith.constant 999999 : i32
        %max3A_1070 = arith.maxsi %jit3A_1068, %get3A_1067 : i32
        %min3A_1071 = arith.minsi %jit3A_1069, %max3A_1070 : i32
        %shift_right_arithmetic3A_1072 = arith.constant 7 : i32
        %shift_right_arithmetic3A_1073 = arith.shrsi %min3A_1071, %shift_right_arithmetic3A_1072 : i32
        %mul3A_1074 = arith.constant 128 : i32
        %mul3A_1075 = arith.muli %shift_right_arithmetic3A_1073, %mul3A_1074 : i32
        %multiple_of3A_1076 = tpu.assume_multiple %mul3A_1075, 128 : i32
        %dma_start3A_1077 = arith.constant 1 : i32
        %dma_start3A_1078 = arith.constant 1 : i32
        %dma_start3A_1079 = arith.constant 0 : i32
        %dma_start3A_1080 = arith.constant 0 : i32
        %dma_start3A_1081 = tpu.memref_slice %arg9[%dma_start3A_1077, %dma_start3A_1079, %dma_start3A_1080] : memref<8x64x128xf32, #tpu.memory_space<vmem>> -> memref<1x64x128xf32, #tpu.memory_space<vmem>>
        %dma_start3A_1082 = tpu.memref_squeeze %dma_start3A_1081 : memref<1x64x128xf32, #tpu.memory_space<vmem>> -> memref<64x128xf32, #tpu.memory_space<vmem>>
        %dma_start3A_1083 = arith.constant 0 : i32
        %dma_start3A_1084 = tpu.memref_slice %arg2[%dma_start3A_1083, %multiple_of3A_1076] : memref<64x1000000xf32, #tpu.memory_space<hbm>> -> memref<64x128xf32, #tpu.memory_space<hbm>>
        %dma_start3A_1085 = tpu.memref_slice %arg11[%dma_start3A_1078] : memref<8x!tpu.dma_semaphore, #tpu.memory_space<semaphore_mem>> -> memref<1x!tpu.dma_semaphore, #tpu.memory_space<semaphore_mem>>
        %dma_start3A_1086 = tpu.memref_squeeze %dma_start3A_1085 : memref<1x!tpu.dma_semaphore, #tpu.memory_space<semaphore_mem>> -> memref<!tpu.dma_semaphore, #tpu.memory_space<semaphore_mem>>
        %dma_start3A_1087 = arith.constant 0 : i32
        %dma_start3A_1088 = arith.constant 0 : i32
        %dma_start3A_1089 = tpu.memref_slice %arg9[%dma_start3A_1077, %dma_start3A_1087, %dma_start3A_1088] : memref<8x64x128xf32, #tpu.memory_space<vmem>> -> memref<1x64x128xf32, #tpu.memory_space<vmem>>
        %dma_start3A_1090 = tpu.memref_squeeze %dma_start3A_1089 : memref<1x64x128xf32, #tpu.memory_space<vmem>> -> memref<64x128xf32, #tpu.memory_space<vmem>>
        %dma_start3A_1091 = arith.constant 0 : i32
        %dma_start3A_1092 = tpu.memref_slice %arg2[%dma_start3A_1091, %multiple_of3A_1076] : memref<64x1000000xf32, #tpu.memory_space<hbm>> -> memref<64x128xf32, #tpu.memory_space<hbm>>
        tpu.enqueue_dma source(%dma_start3A_1092 : memref<64x128xf32, #tpu.memory_space<hbm>>) target(%dma_start3A_1090 : memref<64x128xf32, #tpu.memory_space<vmem>>) target_semaphore(%dma_start3A_1086 : memref<!tpu.dma_semaphore, #tpu.memory_space<semaphore_mem>>)
      } else {
      }
      %mul3A_636 = arith.constant 8 : i32
      %mul3A_637 = arith.muli %add3A_500, %mul3A_636 : i32
      %add3A_638 = arith.constant 2 : i32
      %add3A_639 = arith.addi %mul3A_637, %add3A_638 : i32
      %dma_wait3A_640 = arith.constant 2 : i32
      %dma_wait3A_641 = arith.constant 2 : i32
      %dma_wait3A_642 = arith.constant 0 : i32
      %dma_wait3A_643 = arith.constant 0 : i32
      %dma_wait3A_644 = tpu.memref_slice %arg9[%dma_wait3A_640, %dma_wait3A_642, %dma_wait3A_643] : memref<8x64x128xf32, #tpu.memory_space<vmem>> -> memref<1x64x128xf32, #tpu.memory_space<vmem>>
      %dma_wait3A_645 = tpu.memref_squeeze %dma_wait3A_644 : memref<1x64x128xf32, #tpu.memory_space<vmem>> -> memref<64x128xf32, #tpu.memory_space<vmem>>
      %dma_wait3A_646 = arith.constant 0 : i32
      %dma_wait3A_647 = arith.constant 0 : i32
      %dma_wait3A_648 = tpu.memref_slice %arg2[%dma_wait3A_646, %dma_wait3A_647] : memref<64x1000000xf32, #tpu.memory_space<hbm>> -> memref<64x128xf32, #tpu.memory_space<hbm>>
      %dma_wait3A_649 = tpu.memref_slice %arg11[%dma_wait3A_641] : memref<8x!tpu.dma_semaphore, #tpu.memory_space<semaphore_mem>> -> memref<1x!tpu.dma_semaphore, #tpu.memory_space<semaphore_mem>>
      %dma_wait3A_650 = tpu.memref_squeeze %dma_wait3A_649 : memref<1x!tpu.dma_semaphore, #tpu.memory_space<semaphore_mem>> -> memref<!tpu.dma_semaphore, #tpu.memory_space<semaphore_mem>>
      %dma_wait3A_651 = arith.constant 0 : i32
      %dma_wait3A_652 = arith.constant 0 : i32
      %dma_wait3A_653 = tpu.memref_slice %arg9[%dma_wait3A_640, %dma_wait3A_651, %dma_wait3A_652] : memref<8x64x128xf32, #tpu.memory_space<vmem>> -> memref<1x64x128xf32, #tpu.memory_space<vmem>>
      %dma_wait3A_654 = tpu.memref_squeeze %dma_wait3A_653 : memref<1x64x128xf32, #tpu.memory_space<vmem>> -> memref<64x128xf32, #tpu.memory_space<vmem>>
      %dma_wait3A_655 = arith.constant 0 : i32
      %dma_wait3A_656 = arith.constant 0 : i32
      %dma_wait3A_657 = tpu.memref_slice %arg2[%dma_wait3A_655, %dma_wait3A_656] : memref<64x1000000xf32, #tpu.memory_space<hbm>> -> memref<64x128xf32, #tpu.memory_space<hbm>>
      tpu.wait_dma2 semaphore(%dma_wait3A_650 : memref<!tpu.dma_semaphore, #tpu.memory_space<semaphore_mem>>) src(%dma_wait3A_657 : memref<64x128xf32, #tpu.memory_space<hbm>>) dst(%dma_wait3A_654 : memref<64x128xf32, #tpu.memory_space<vmem>>)
      %get3A_658 = arith.constant 0 : i32
      %get3A_659 = arith.index_cast %get3A_658 : i32 to index
      %get3A_660 = arith.index_cast %add3A_639 : i32 to index
      %get3A_661 = memref.load %arg7[%get3A_659, %get3A_660] : memref<2x512xi32, #tpu.memory_space<smem>>
      %and3A_662 = arith.constant 127 : i32
      %and3A_663 = arith.andi %get3A_661, %and3A_662 : i32
      %broadcast_in_dim3A_664 = vector.broadcast %and3A_663 : i32 to vector<16xi32>
      %broadcast_in_dim3A_665 = vector.broadcast %add3A_639 : i32 to vector<16xi32>
      %add3A_666 = arith.constant 0 : i32
      %add3A_667 = vector.broadcast %add3A_666 : i32 to vector<16xi32>
      %add3A_668 = arith.addi %iota3A, %add3A_667 : vector<16xi32>
      %gather3A_669 = arith.constant 2 : i32
      %gather3A_670 = arith.constant 0 : i32
      %gather3A_671 = arith.constant 0 : i32
      %gather3A_672 = tpu.memref_slice %arg9[%gather3A_669, %gather3A_670, %gather3A_671] : memref<8x64x128xf32, #tpu.memory_space<vmem>> -> memref<1x64x128xf32, #tpu.memory_space<vmem>>
      %gather3A_673 = tpu.memref_squeeze %gather3A_672 : memref<1x64x128xf32, #tpu.memory_space<vmem>> -> memref<64x128xf32, #tpu.memory_space<vmem>>
      %gather3A_674 = tpu.vector_load_idx %gather3A_673[%add3A_668, %broadcast_in_dim3A_664] : memref<64x128xf32, #tpu.memory_space<vmem>>[vector<16xi32>, vector<16xi32>], vector<16xf32>,
      tpu.vector_store_idx %arg10[%add3A_668, %broadcast_in_dim3A_665], %gather3A_674 : memref<64x512xf32, #tpu.memory_space<vmem>>[vector<16xi32>, vector<16xi32>], vector<16xf32>,
      %add3A_675 = arith.constant 16 : i32
      %add3A_676 = vector.broadcast %add3A_675 : i32 to vector<16xi32>
      %add3A_677 = arith.addi %iota3A, %add3A_676 : vector<16xi32>
      %gather3A_678 = arith.constant 2 : i32
      %gather3A_679 = arith.constant 0 : i32
      %gather3A_680 = arith.constant 0 : i32
      %gather3A_681 = tpu.memref_slice %arg9[%gather3A_678, %gather3A_679, %gather3A_680] : memref<8x64x128xf32, #tpu.memory_space<vmem>> -> memref<1x64x128xf32, #tpu.memory_space<vmem>>
      %gather3A_682 = tpu.memref_squeeze %gather3A_681 : memref<1x64x128xf32, #tpu.memory_space<vmem>> -> memref<64x128xf32, #tpu.memory_space<vmem>>
      %gather3A_683 = tpu.vector_load_idx %gather3A_682[%add3A_677, %broadcast_in_dim3A_664] : memref<64x128xf32, #tpu.memory_space<vmem>>[vector<16xi32>, vector<16xi32>], vector<16xf32>,
      tpu.vector_store_idx %arg10[%add3A_677, %broadcast_in_dim3A_665], %gather3A_683 : memref<64x512xf32, #tpu.memory_space<vmem>>[vector<16xi32>, vector<16xi32>], vector<16xf32>,
      %add3A_684 = arith.constant 32 : i32
      %add3A_685 = vector.broadcast %add3A_684 : i32 to vector<16xi32>
      %add3A_686 = arith.addi %iota3A, %add3A_685 : vector<16xi32>
      %gather3A_687 = arith.constant 2 : i32
      %gather3A_688 = arith.constant 0 : i32
      %gather3A_689 = arith.constant 0 : i32
      %gather3A_690 = tpu.memref_slice %arg9[%gather3A_687, %gather3A_688, %gather3A_689] : memref<8x64x128xf32, #tpu.memory_space<vmem>> -> memref<1x64x128xf32, #tpu.memory_space<vmem>>
      %gather3A_691 = tpu.memref_squeeze %gather3A_690 : memref<1x64x128xf32, #tpu.memory_space<vmem>> -> memref<64x128xf32, #tpu.memory_space<vmem>>
      %gather3A_692 = tpu.vector_load_idx %gather3A_691[%add3A_686, %broadcast_in_dim3A_664] : memref<64x128xf32, #tpu.memory_space<vmem>>[vector<16xi32>, vector<16xi32>], vector<16xf32>,
      tpu.vector_store_idx %arg10[%add3A_686, %broadcast_in_dim3A_665], %gather3A_692 : memref<64x512xf32, #tpu.memory_space<vmem>>[vector<16xi32>, vector<16xi32>], vector<16xf32>,
      %add3A_693 = arith.constant 48 : i32
      %add3A_694 = vector.broadcast %add3A_693 : i32 to vector<16xi32>
      %add3A_695 = arith.addi %iota3A, %add3A_694 : vector<16xi32>
      %gather3A_696 = arith.constant 2 : i32
      %gather3A_697 = arith.constant 0 : i32
      %gather3A_698 = arith.constant 0 : i32
      %gather3A_699 = tpu.memref_slice %arg9[%gather3A_696, %gather3A_697, %gather3A_698] : memref<8x64x128xf32, #tpu.memory_space<vmem>> -> memref<1x64x128xf32, #tpu.memory_space<vmem>>
      %gather3A_700 = tpu.memref_squeeze %gather3A_699 : memref<1x64x128xf32, #tpu.memory_space<vmem>> -> memref<64x128xf32, #tpu.memory_space<vmem>>
      %gather3A_701 = tpu.vector_load_idx %gather3A_700[%add3A_695, %broadcast_in_dim3A_664] : memref<64x128xf32, #tpu.memory_space<vmem>>[vector<16xi32>, vector<16xi32>], vector<16xf32>,
      tpu.vector_store_idx %arg10[%add3A_695, %broadcast_in_dim3A_665], %gather3A_701 : memref<64x512xf32, #tpu.memory_space<vmem>>[vector<16xi32>, vector<16xi32>], vector<16xf32>,
      %lt3A_702 = arith.constant 63 : i32
      %lt3A_703 = arith.cmpi slt, %add3A_500, %lt3A_702 : i32
      %convert_element_type3A_704 = arith.extui %lt3A_703 : i1 to i32
      %cond3A_705 = arith.constant 0 : i32
      %cond3A_706 = arith.cmpi ne, %convert_element_type3A_704, %cond3A_705 : i32
      scf.if %cond3A_706 {
        %add3A_1062 = arith.constant 8 : i32
        %add3A_1063 = arith.addi %add3A_639, %add3A_1062 : i32
        %get3A_1064 = arith.constant 0 : i32
        %get3A_1065 = arith.index_cast %get3A_1064 : i32 to index
        %get3A_1066 = arith.index_cast %add3A_1063 : i32 to index
        %get3A_1067 = memref.load %arg7[%get3A_1065, %get3A_1066] : memref<2x512xi32, #tpu.memory_space<smem>>
        %jit3A_1068 = arith.constant 0 : i32
        %jit3A_1069 = arith.constant 999999 : i32
        %max3A_1070 = arith.maxsi %jit3A_1068, %get3A_1067 : i32
        %min3A_1071 = arith.minsi %jit3A_1069, %max3A_1070 : i32
        %shift_right_arithmetic3A_1072 = arith.constant 7 : i32
        %shift_right_arithmetic3A_1073 = arith.shrsi %min3A_1071, %shift_right_arithmetic3A_1072 : i32
        %mul3A_1074 = arith.constant 128 : i32
        %mul3A_1075 = arith.muli %shift_right_arithmetic3A_1073, %mul3A_1074 : i32
        %multiple_of3A_1076 = tpu.assume_multiple %mul3A_1075, 128 : i32
        %dma_start3A_1077 = arith.constant 2 : i32
        %dma_start3A_1078 = arith.constant 2 : i32
        %dma_start3A_1079 = arith.constant 0 : i32
        %dma_start3A_1080 = arith.constant 0 : i32
        %dma_start3A_1081 = tpu.memref_slice %arg9[%dma_start3A_1077, %dma_start3A_1079, %dma_start3A_1080] : memref<8x64x128xf32, #tpu.memory_space<vmem>> -> memref<1x64x128xf32, #tpu.memory_space<vmem>>
        %dma_start3A_1082 = tpu.memref_squeeze %dma_start3A_1081 : memref<1x64x128xf32, #tpu.memory_space<vmem>> -> memref<64x128xf32, #tpu.memory_space<vmem>>
        %dma_start3A_1083 = arith.constant 0 : i32
        %dma_start3A_1084 = tpu.memref_slice %arg2[%dma_start3A_1083, %multiple_of3A_1076] : memref<64x1000000xf32, #tpu.memory_space<hbm>> -> memref<64x128xf32, #tpu.memory_space<hbm>>
        %dma_start3A_1085 = tpu.memref_slice %arg11[%dma_start3A_1078] : memref<8x!tpu.dma_semaphore, #tpu.memory_space<semaphore_mem>> -> memref<1x!tpu.dma_semaphore, #tpu.memory_space<semaphore_mem>>
        %dma_start3A_1086 = tpu.memref_squeeze %dma_start3A_1085 : memref<1x!tpu.dma_semaphore, #tpu.memory_space<semaphore_mem>> -> memref<!tpu.dma_semaphore, #tpu.memory_space<semaphore_mem>>
        %dma_start3A_1087 = arith.constant 0 : i32
        %dma_start3A_1088 = arith.constant 0 : i32
        %dma_start3A_1089 = tpu.memref_slice %arg9[%dma_start3A_1077, %dma_start3A_1087, %dma_start3A_1088] : memref<8x64x128xf32, #tpu.memory_space<vmem>> -> memref<1x64x128xf32, #tpu.memory_space<vmem>>
        %dma_start3A_1090 = tpu.memref_squeeze %dma_start3A_1089 : memref<1x64x128xf32, #tpu.memory_space<vmem>> -> memref<64x128xf32, #tpu.memory_space<vmem>>
        %dma_start3A_1091 = arith.constant 0 : i32
        %dma_start3A_1092 = tpu.memref_slice %arg2[%dma_start3A_1091, %multiple_of3A_1076] : memref<64x1000000xf32, #tpu.memory_space<hbm>> -> memref<64x128xf32, #tpu.memory_space<hbm>>
        tpu.enqueue_dma source(%dma_start3A_1092 : memref<64x128xf32, #tpu.memory_space<hbm>>) target(%dma_start3A_1090 : memref<64x128xf32, #tpu.memory_space<vmem>>) target_semaphore(%dma_start3A_1086 : memref<!tpu.dma_semaphore, #tpu.memory_space<semaphore_mem>>)
      } else {
      }
      %mul3A_707 = arith.constant 8 : i32
      %mul3A_708 = arith.muli %add3A_500, %mul3A_707 : i32
      %add3A_709 = arith.constant 3 : i32
      %add3A_710 = arith.addi %mul3A_708, %add3A_709 : i32
      %dma_wait3A_711 = arith.constant 3 : i32
      %dma_wait3A_712 = arith.constant 3 : i32
      %dma_wait3A_713 = arith.constant 0 : i32
      %dma_wait3A_714 = arith.constant 0 : i32
      %dma_wait3A_715 = tpu.memref_slice %arg9[%dma_wait3A_711, %dma_wait3A_713, %dma_wait3A_714] : memref<8x64x128xf32, #tpu.memory_space<vmem>> -> memref<1x64x128xf32, #tpu.memory_space<vmem>>
      %dma_wait3A_716 = tpu.memref_squeeze %dma_wait3A_715 : memref<1x64x128xf32, #tpu.memory_space<vmem>> -> memref<64x128xf32, #tpu.memory_space<vmem>>
      %dma_wait3A_717 = arith.constant 0 : i32
      %dma_wait3A_718 = arith.constant 0 : i32
      %dma_wait3A_719 = tpu.memref_slice %arg2[%dma_wait3A_717, %dma_wait3A_718] : memref<64x1000000xf32, #tpu.memory_space<hbm>> -> memref<64x128xf32, #tpu.memory_space<hbm>>
      %dma_wait3A_720 = tpu.memref_slice %arg11[%dma_wait3A_712] : memref<8x!tpu.dma_semaphore, #tpu.memory_space<semaphore_mem>> -> memref<1x!tpu.dma_semaphore, #tpu.memory_space<semaphore_mem>>
      %dma_wait3A_721 = tpu.memref_squeeze %dma_wait3A_720 : memref<1x!tpu.dma_semaphore, #tpu.memory_space<semaphore_mem>> -> memref<!tpu.dma_semaphore, #tpu.memory_space<semaphore_mem>>
      %dma_wait3A_722 = arith.constant 0 : i32
      %dma_wait3A_723 = arith.constant 0 : i32
      %dma_wait3A_724 = tpu.memref_slice %arg9[%dma_wait3A_711, %dma_wait3A_722, %dma_wait3A_723] : memref<8x64x128xf32, #tpu.memory_space<vmem>> -> memref<1x64x128xf32, #tpu.memory_space<vmem>>
      %dma_wait3A_725 = tpu.memref_squeeze %dma_wait3A_724 : memref<1x64x128xf32, #tpu.memory_space<vmem>> -> memref<64x128xf32, #tpu.memory_space<vmem>>
      %dma_wait3A_726 = arith.constant 0 : i32
      %dma_wait3A_727 = arith.constant 0 : i32
      %dma_wait3A_728 = tpu.memref_slice %arg2[%dma_wait3A_726, %dma_wait3A_727] : memref<64x1000000xf32, #tpu.memory_space<hbm>> -> memref<64x128xf32, #tpu.memory_space<hbm>>
      tpu.wait_dma2 semaphore(%dma_wait3A_721 : memref<!tpu.dma_semaphore, #tpu.memory_space<semaphore_mem>>) src(%dma_wait3A_728 : memref<64x128xf32, #tpu.memory_space<hbm>>) dst(%dma_wait3A_725 : memref<64x128xf32, #tpu.memory_space<vmem>>)
      %get3A_729 = arith.constant 0 : i32
      %get3A_730 = arith.index_cast %get3A_729 : i32 to index
      %get3A_731 = arith.index_cast %add3A_710 : i32 to index
      %get3A_732 = memref.load %arg7[%get3A_730, %get3A_731] : memref<2x512xi32, #tpu.memory_space<smem>>
      %and3A_733 = arith.constant 127 : i32
      %and3A_734 = arith.andi %get3A_732, %and3A_733 : i32
      %broadcast_in_dim3A_735 = vector.broadcast %and3A_734 : i32 to vector<16xi32>
      %broadcast_in_dim3A_736 = vector.broadcast %add3A_710 : i32 to vector<16xi32>
      %add3A_737 = arith.constant 0 : i32
      %add3A_738 = vector.broadcast %add3A_737 : i32 to vector<16xi32>
      %add3A_739 = arith.addi %iota3A, %add3A_738 : vector<16xi32>
      %gather3A_740 = arith.constant 3 : i32
      %gather3A_741 = arith.constant 0 : i32
      %gather3A_742 = arith.constant 0 : i32
      %gather3A_743 = tpu.memref_slice %arg9[%gather3A_740, %gather3A_741, %gather3A_742] : memref<8x64x128xf32, #tpu.memory_space<vmem>> -> memref<1x64x128xf32, #tpu.memory_space<vmem>>
      %gather3A_744 = tpu.memref_squeeze %gather3A_743 : memref<1x64x128xf32, #tpu.memory_space<vmem>> -> memref<64x128xf32, #tpu.memory_space<vmem>>
      %gather3A_745 = tpu.vector_load_idx %gather3A_744[%add3A_739, %broadcast_in_dim3A_735] : memref<64x128xf32, #tpu.memory_space<vmem>>[vector<16xi32>, vector<16xi32>], vector<16xf32>,
      tpu.vector_store_idx %arg10[%add3A_739, %broadcast_in_dim3A_736], %gather3A_745 : memref<64x512xf32, #tpu.memory_space<vmem>>[vector<16xi32>, vector<16xi32>], vector<16xf32>,
      %add3A_746 = arith.constant 16 : i32
      %add3A_747 = vector.broadcast %add3A_746 : i32 to vector<16xi32>
      %add3A_748 = arith.addi %iota3A, %add3A_747 : vector<16xi32>
      %gather3A_749 = arith.constant 3 : i32
      %gather3A_750 = arith.constant 0 : i32
      %gather3A_751 = arith.constant 0 : i32
      %gather3A_752 = tpu.memref_slice %arg9[%gather3A_749, %gather3A_750, %gather3A_751] : memref<8x64x128xf32, #tpu.memory_space<vmem>> -> memref<1x64x128xf32, #tpu.memory_space<vmem>>
      %gather3A_753 = tpu.memref_squeeze %gather3A_752 : memref<1x64x128xf32, #tpu.memory_space<vmem>> -> memref<64x128xf32, #tpu.memory_space<vmem>>
      %gather3A_754 = tpu.vector_load_idx %gather3A_753[%add3A_748, %broadcast_in_dim3A_735] : memref<64x128xf32, #tpu.memory_space<vmem>>[vector<16xi32>, vector<16xi32>], vector<16xf32>,
      tpu.vector_store_idx %arg10[%add3A_748, %broadcast_in_dim3A_736], %gather3A_754 : memref<64x512xf32, #tpu.memory_space<vmem>>[vector<16xi32>, vector<16xi32>], vector<16xf32>,
      %add3A_755 = arith.constant 32 : i32
      %add3A_756 = vector.broadcast %add3A_755 : i32 to vector<16xi32>
      %add3A_757 = arith.addi %iota3A, %add3A_756 : vector<16xi32>
      %gather3A_758 = arith.constant 3 : i32
      %gather3A_759 = arith.constant 0 : i32
      %gather3A_760 = arith.constant 0 : i32
      %gather3A_761 = tpu.memref_slice %arg9[%gather3A_758, %gather3A_759, %gather3A_760] : memref<8x64x128xf32, #tpu.memory_space<vmem>> -> memref<1x64x128xf32, #tpu.memory_space<vmem>>
      %gather3A_762 = tpu.memref_squeeze %gather3A_761 : memref<1x64x128xf32, #tpu.memory_space<vmem>> -> memref<64x128xf32, #tpu.memory_space<vmem>>
      %gather3A_763 = tpu.vector_load_idx %gather3A_762[%add3A_757, %broadcast_in_dim3A_735] : memref<64x128xf32, #tpu.memory_space<vmem>>[vector<16xi32>, vector<16xi32>], vector<16xf32>,
      tpu.vector_store_idx %arg10[%add3A_757, %broadcast_in_dim3A_736], %gather3A_763 : memref<64x512xf32, #tpu.memory_space<vmem>>[vector<16xi32>, vector<16xi32>], vector<16xf32>,
      %add3A_764 = arith.constant 48 : i32
      %add3A_765 = vector.broadcast %add3A_764 : i32 to vector<16xi32>
      %add3A_766 = arith.addi %iota3A, %add3A_765 : vector<16xi32>
      %gather3A_767 = arith.constant 3 : i32
      %gather3A_768 = arith.constant 0 : i32
      %gather3A_769 = arith.constant 0 : i32
      %gather3A_770 = tpu.memref_slice %arg9[%gather3A_767, %gather3A_768, %gather3A_769] : memref<8x64x128xf32, #tpu.memory_space<vmem>> -> memref<1x64x128xf32, #tpu.memory_space<vmem>>
      %gather3A_771 = tpu.memref_squeeze %gather3A_770 : memref<1x64x128xf32, #tpu.memory_space<vmem>> -> memref<64x128xf32, #tpu.memory_space<vmem>>
      %gather3A_772 = tpu.vector_load_idx %gather3A_771[%add3A_766, %broadcast_in_dim3A_735] : memref<64x128xf32, #tpu.memory_space<vmem>>[vector<16xi32>, vector<16xi32>], vector<16xf32>,
      tpu.vector_store_idx %arg10[%add3A_766, %broadcast_in_dim3A_736], %gather3A_772 : memref<64x512xf32, #tpu.memory_space<vmem>>[vector<16xi32>, vector<16xi32>], vector<16xf32>,
      %lt3A_773 = arith.constant 63 : i32
      %lt3A_774 = arith.cmpi slt, %add3A_500, %lt3A_773 : i32
      %convert_element_type3A_775 = arith.extui %lt3A_774 : i1 to i32
      %cond3A_776 = arith.constant 0 : i32
      %cond3A_777 = arith.cmpi ne, %convert_element_type3A_775, %cond3A_776 : i32
      scf.if %cond3A_777 {
        %add3A_1062 = arith.constant 8 : i32
        %add3A_1063 = arith.addi %add3A_710, %add3A_1062 : i32
        %get3A_1064 = arith.constant 0 : i32
        %get3A_1065 = arith.index_cast %get3A_1064 : i32 to index
        %get3A_1066 = arith.index_cast %add3A_1063 : i32 to index
        %get3A_1067 = memref.load %arg7[%get3A_1065, %get3A_1066] : memref<2x512xi32, #tpu.memory_space<smem>>
        %jit3A_1068 = arith.constant 0 : i32
        %jit3A_1069 = arith.constant 999999 : i32
        %max3A_1070 = arith.maxsi %jit3A_1068, %get3A_1067 : i32
        %min3A_1071 = arith.minsi %jit3A_1069, %max3A_1070 : i32
        %shift_right_arithmetic3A_1072 = arith.constant 7 : i32
        %shift_right_arithmetic3A_1073 = arith.shrsi %min3A_1071, %shift_right_arithmetic3A_1072 : i32
        %mul3A_1074 = arith.constant 128 : i32
        %mul3A_1075 = arith.muli %shift_right_arithmetic3A_1073, %mul3A_1074 : i32
        %multiple_of3A_1076 = tpu.assume_multiple %mul3A_1075, 128 : i32
        %dma_start3A_1077 = arith.constant 3 : i32
        %dma_start3A_1078 = arith.constant 3 : i32
        %dma_start3A_1079 = arith.constant 0 : i32
        %dma_start3A_1080 = arith.constant 0 : i32
        %dma_start3A_1081 = tpu.memref_slice %arg9[%dma_start3A_1077, %dma_start3A_1079, %dma_start3A_1080] : memref<8x64x128xf32, #tpu.memory_space<vmem>> -> memref<1x64x128xf32, #tpu.memory_space<vmem>>
        %dma_start3A_1082 = tpu.memref_squeeze %dma_start3A_1081 : memref<1x64x128xf32, #tpu.memory_space<vmem>> -> memref<64x128xf32, #tpu.memory_space<vmem>>
        %dma_start3A_1083 = arith.constant 0 : i32
        %dma_start3A_1084 = tpu.memref_slice %arg2[%dma_start3A_1083, %multiple_of3A_1076] : memref<64x1000000xf32, #tpu.memory_space<hbm>> -> memref<64x128xf32, #tpu.memory_space<hbm>>
        %dma_start3A_1085 = tpu.memref_slice %arg11[%dma_start3A_1078] : memref<8x!tpu.dma_semaphore, #tpu.memory_space<semaphore_mem>> -> memref<1x!tpu.dma_semaphore, #tpu.memory_space<semaphore_mem>>
        %dma_start3A_1086 = tpu.memref_squeeze %dma_start3A_1085 : memref<1x!tpu.dma_semaphore, #tpu.memory_space<semaphore_mem>> -> memref<!tpu.dma_semaphore, #tpu.memory_space<semaphore_mem>>
        %dma_start3A_1087 = arith.constant 0 : i32
        %dma_start3A_1088 = arith.constant 0 : i32
        %dma_start3A_1089 = tpu.memref_slice %arg9[%dma_start3A_1077, %dma_start3A_1087, %dma_start3A_1088] : memref<8x64x128xf32, #tpu.memory_space<vmem>> -> memref<1x64x128xf32, #tpu.memory_space<vmem>>
        %dma_start3A_1090 = tpu.memref_squeeze %dma_start3A_1089 : memref<1x64x128xf32, #tpu.memory_space<vmem>> -> memref<64x128xf32, #tpu.memory_space<vmem>>
        %dma_start3A_1091 = arith.constant 0 : i32
        %dma_start3A_1092 = tpu.memref_slice %arg2[%dma_start3A_1091, %multiple_of3A_1076] : memref<64x1000000xf32, #tpu.memory_space<hbm>> -> memref<64x128xf32, #tpu.memory_space<hbm>>
        tpu.enqueue_dma source(%dma_start3A_1092 : memref<64x128xf32, #tpu.memory_space<hbm>>) target(%dma_start3A_1090 : memref<64x128xf32, #tpu.memory_space<vmem>>) target_semaphore(%dma_start3A_1086 : memref<!tpu.dma_semaphore, #tpu.memory_space<semaphore_mem>>)
      } else {
      }
      %mul3A_778 = arith.constant 8 : i32
      %mul3A_779 = arith.muli %add3A_500, %mul3A_778 : i32
      %add3A_780 = arith.constant 4 : i32
      %add3A_781 = arith.addi %mul3A_779, %add3A_780 : i32
      %dma_wait3A_782 = arith.constant 4 : i32
      %dma_wait3A_783 = arith.constant 4 : i32
      %dma_wait3A_784 = arith.constant 0 : i32
      %dma_wait3A_785 = arith.constant 0 : i32
      %dma_wait3A_786 = tpu.memref_slice %arg9[%dma_wait3A_782, %dma_wait3A_784, %dma_wait3A_785] : memref<8x64x128xf32, #tpu.memory_space<vmem>> -> memref<1x64x128xf32, #tpu.memory_space<vmem>>
      %dma_wait3A_787 = tpu.memref_squeeze %dma_wait3A_786 : memref<1x64x128xf32, #tpu.memory_space<vmem>> -> memref<64x128xf32, #tpu.memory_space<vmem>>
      %dma_wait3A_788 = arith.constant 0 : i32
      %dma_wait3A_789 = arith.constant 0 : i32
      %dma_wait3A_790 = tpu.memref_slice %arg2[%dma_wait3A_788, %dma_wait3A_789] : memref<64x1000000xf32, #tpu.memory_space<hbm>> -> memref<64x128xf32, #tpu.memory_space<hbm>>
      %dma_wait3A_791 = tpu.memref_slice %arg11[%dma_wait3A_783] : memref<8x!tpu.dma_semaphore, #tpu.memory_space<semaphore_mem>> -> memref<1x!tpu.dma_semaphore, #tpu.memory_space<semaphore_mem>>
      %dma_wait3A_792 = tpu.memref_squeeze %dma_wait3A_791 : memref<1x!tpu.dma_semaphore, #tpu.memory_space<semaphore_mem>> -> memref<!tpu.dma_semaphore, #tpu.memory_space<semaphore_mem>>
      %dma_wait3A_793 = arith.constant 0 : i32
      %dma_wait3A_794 = arith.constant 0 : i32
      %dma_wait3A_795 = tpu.memref_slice %arg9[%dma_wait3A_782, %dma_wait3A_793, %dma_wait3A_794] : memref<8x64x128xf32, #tpu.memory_space<vmem>> -> memref<1x64x128xf32, #tpu.memory_space<vmem>>
      %dma_wait3A_796 = tpu.memref_squeeze %dma_wait3A_795 : memref<1x64x128xf32, #tpu.memory_space<vmem>> -> memref<64x128xf32, #tpu.memory_space<vmem>>
      %dma_wait3A_797 = arith.constant 0 : i32
      %dma_wait3A_798 = arith.constant 0 : i32
      %dma_wait3A_799 = tpu.memref_slice %arg2[%dma_wait3A_797, %dma_wait3A_798] : memref<64x1000000xf32, #tpu.memory_space<hbm>> -> memref<64x128xf32, #tpu.memory_space<hbm>>
      tpu.wait_dma2 semaphore(%dma_wait3A_792 : memref<!tpu.dma_semaphore, #tpu.memory_space<semaphore_mem>>) src(%dma_wait3A_799 : memref<64x128xf32, #tpu.memory_space<hbm>>) dst(%dma_wait3A_796 : memref<64x128xf32, #tpu.memory_space<vmem>>)
      %get3A_800 = arith.constant 0 : i32
      %get3A_801 = arith.index_cast %get3A_800 : i32 to index
      %get3A_802 = arith.index_cast %add3A_781 : i32 to index
      %get3A_803 = memref.load %arg7[%get3A_801, %get3A_802] : memref<2x512xi32, #tpu.memory_space<smem>>
      %and3A_804 = arith.constant 127 : i32
      %and3A_805 = arith.andi %get3A_803, %and3A_804 : i32
      %broadcast_in_dim3A_806 = vector.broadcast %and3A_805 : i32 to vector<16xi32>
      %broadcast_in_dim3A_807 = vector.broadcast %add3A_781 : i32 to vector<16xi32>
      %add3A_808 = arith.constant 0 : i32
      %add3A_809 = vector.broadcast %add3A_808 : i32 to vector<16xi32>
      %add3A_810 = arith.addi %iota3A, %add3A_809 : vector<16xi32>
      %gather3A_811 = arith.constant 4 : i32
      %gather3A_812 = arith.constant 0 : i32
      %gather3A_813 = arith.constant 0 : i32
      %gather3A_814 = tpu.memref_slice %arg9[%gather3A_811, %gather3A_812, %gather3A_813] : memref<8x64x128xf32, #tpu.memory_space<vmem>> -> memref<1x64x128xf32, #tpu.memory_space<vmem>>
      %gather3A_815 = tpu.memref_squeeze %gather3A_814 : memref<1x64x128xf32, #tpu.memory_space<vmem>> -> memref<64x128xf32, #tpu.memory_space<vmem>>
      %gather3A_816 = tpu.vector_load_idx %gather3A_815[%add3A_810, %broadcast_in_dim3A_806] : memref<64x128xf32, #tpu.memory_space<vmem>>[vector<16xi32>, vector<16xi32>], vector<16xf32>,
      tpu.vector_store_idx %arg10[%add3A_810, %broadcast_in_dim3A_807], %gather3A_816 : memref<64x512xf32, #tpu.memory_space<vmem>>[vector<16xi32>, vector<16xi32>], vector<16xf32>,
      %add3A_817 = arith.constant 16 : i32
      %add3A_818 = vector.broadcast %add3A_817 : i32 to vector<16xi32>
      %add3A_819 = arith.addi %iota3A, %add3A_818 : vector<16xi32>
      %gather3A_820 = arith.constant 4 : i32
      %gather3A_821 = arith.constant 0 : i32
      %gather3A_822 = arith.constant 0 : i32
      %gather3A_823 = tpu.memref_slice %arg9[%gather3A_820, %gather3A_821, %gather3A_822] : memref<8x64x128xf32, #tpu.memory_space<vmem>> -> memref<1x64x128xf32, #tpu.memory_space<vmem>>
      %gather3A_824 = tpu.memref_squeeze %gather3A_823 : memref<1x64x128xf32, #tpu.memory_space<vmem>> -> memref<64x128xf32, #tpu.memory_space<vmem>>
      %gather3A_825 = tpu.vector_load_idx %gather3A_824[%add3A_819, %broadcast_in_dim3A_806] : memref<64x128xf32, #tpu.memory_space<vmem>>[vector<16xi32>, vector<16xi32>], vector<16xf32>,
      tpu.vector_store_idx %arg10[%add3A_819, %broadcast_in_dim3A_807], %gather3A_825 : memref<64x512xf32, #tpu.memory_space<vmem>>[vector<16xi32>, vector<16xi32>], vector<16xf32>,
      %add3A_826 = arith.constant 32 : i32
      %add3A_827 = vector.broadcast %add3A_826 : i32 to vector<16xi32>
      %add3A_828 = arith.addi %iota3A, %add3A_827 : vector<16xi32>
      %gather3A_829 = arith.constant 4 : i32
      %gather3A_830 = arith.constant 0 : i32
      %gather3A_831 = arith.constant 0 : i32
      %gather3A_832 = tpu.memref_slice %arg9[%gather3A_829, %gather3A_830, %gather3A_831] : memref<8x64x128xf32, #tpu.memory_space<vmem>> -> memref<1x64x128xf32, #tpu.memory_space<vmem>>
      %gather3A_833 = tpu.memref_squeeze %gather3A_832 : memref<1x64x128xf32, #tpu.memory_space<vmem>> -> memref<64x128xf32, #tpu.memory_space<vmem>>
      %gather3A_834 = tpu.vector_load_idx %gather3A_833[%add3A_828, %broadcast_in_dim3A_806] : memref<64x128xf32, #tpu.memory_space<vmem>>[vector<16xi32>, vector<16xi32>], vector<16xf32>,
      tpu.vector_store_idx %arg10[%add3A_828, %broadcast_in_dim3A_807], %gather3A_834 : memref<64x512xf32, #tpu.memory_space<vmem>>[vector<16xi32>, vector<16xi32>], vector<16xf32>,
      %add3A_835 = arith.constant 48 : i32
      %add3A_836 = vector.broadcast %add3A_835 : i32 to vector<16xi32>
      %add3A_837 = arith.addi %iota3A, %add3A_836 : vector<16xi32>
      %gather3A_838 = arith.constant 4 : i32
      %gather3A_839 = arith.constant 0 : i32
      %gather3A_840 = arith.constant 0 : i32
      %gather3A_841 = tpu.memref_slice %arg9[%gather3A_838, %gather3A_839, %gather3A_840] : memref<8x64x128xf32, #tpu.memory_space<vmem>> -> memref<1x64x128xf32, #tpu.memory_space<vmem>>
      %gather3A_842 = tpu.memref_squeeze %gather3A_841 : memref<1x64x128xf32, #tpu.memory_space<vmem>> -> memref<64x128xf32, #tpu.memory_space<vmem>>
      %gather3A_843 = tpu.vector_load_idx %gather3A_842[%add3A_837, %broadcast_in_dim3A_806] : memref<64x128xf32, #tpu.memory_space<vmem>>[vector<16xi32>, vector<16xi32>], vector<16xf32>,
      tpu.vector_store_idx %arg10[%add3A_837, %broadcast_in_dim3A_807], %gather3A_843 : memref<64x512xf32, #tpu.memory_space<vmem>>[vector<16xi32>, vector<16xi32>], vector<16xf32>,
      %lt3A_844 = arith.constant 63 : i32
      %lt3A_845 = arith.cmpi slt, %add3A_500, %lt3A_844 : i32
      %convert_element_type3A_846 = arith.extui %lt3A_845 : i1 to i32
      %cond3A_847 = arith.constant 0 : i32
      %cond3A_848 = arith.cmpi ne, %convert_element_type3A_846, %cond3A_847 : i32
      scf.if %cond3A_848 {
        %add3A_1062 = arith.constant 8 : i32
        %add3A_1063 = arith.addi %add3A_781, %add3A_1062 : i32
        %get3A_1064 = arith.constant 0 : i32
        %get3A_1065 = arith.index_cast %get3A_1064 : i32 to index
        %get3A_1066 = arith.index_cast %add3A_1063 : i32 to index
        %get3A_1067 = memref.load %arg7[%get3A_1065, %get3A_1066] : memref<2x512xi32, #tpu.memory_space<smem>>
        %jit3A_1068 = arith.constant 0 : i32
        %jit3A_1069 = arith.constant 999999 : i32
        %max3A_1070 = arith.maxsi %jit3A_1068, %get3A_1067 : i32
        %min3A_1071 = arith.minsi %jit3A_1069, %max3A_1070 : i32
        %shift_right_arithmetic3A_1072 = arith.constant 7 : i32
        %shift_right_arithmetic3A_1073 = arith.shrsi %min3A_1071, %shift_right_arithmetic3A_1072 : i32
        %mul3A_1074 = arith.constant 128 : i32
        %mul3A_1075 = arith.muli %shift_right_arithmetic3A_1073, %mul3A_1074 : i32
        %multiple_of3A_1076 = tpu.assume_multiple %mul3A_1075, 128 : i32
        %dma_start3A_1077 = arith.constant 4 : i32
        %dma_start3A_1078 = arith.constant 4 : i32
        %dma_start3A_1079 = arith.constant 0 : i32
        %dma_start3A_1080 = arith.constant 0 : i32
        %dma_start3A_1081 = tpu.memref_slice %arg9[%dma_start3A_1077, %dma_start3A_1079, %dma_start3A_1080] : memref<8x64x128xf32, #tpu.memory_space<vmem>> -> memref<1x64x128xf32, #tpu.memory_space<vmem>>
        %dma_start3A_1082 = tpu.memref_squeeze %dma_start3A_1081 : memref<1x64x128xf32, #tpu.memory_space<vmem>> -> memref<64x128xf32, #tpu.memory_space<vmem>>
        %dma_start3A_1083 = arith.constant 0 : i32
        %dma_start3A_1084 = tpu.memref_slice %arg2[%dma_start3A_1083, %multiple_of3A_1076] : memref<64x1000000xf32, #tpu.memory_space<hbm>> -> memref<64x128xf32, #tpu.memory_space<hbm>>
        %dma_start3A_1085 = tpu.memref_slice %arg11[%dma_start3A_1078] : memref<8x!tpu.dma_semaphore, #tpu.memory_space<semaphore_mem>> -> memref<1x!tpu.dma_semaphore, #tpu.memory_space<semaphore_mem>>
        %dma_start3A_1086 = tpu.memref_squeeze %dma_start3A_1085 : memref<1x!tpu.dma_semaphore, #tpu.memory_space<semaphore_mem>> -> memref<!tpu.dma_semaphore, #tpu.memory_space<semaphore_mem>>
        %dma_start3A_1087 = arith.constant 0 : i32
        %dma_start3A_1088 = arith.constant 0 : i32
        %dma_start3A_1089 = tpu.memref_slice %arg9[%dma_start3A_1077, %dma_start3A_1087, %dma_start3A_1088] : memref<8x64x128xf32, #tpu.memory_space<vmem>> -> memref<1x64x128xf32, #tpu.memory_space<vmem>>
        %dma_start3A_1090 = tpu.memref_squeeze %dma_start3A_1089 : memref<1x64x128xf32, #tpu.memory_space<vmem>> -> memref<64x128xf32, #tpu.memory_space<vmem>>
        %dma_start3A_1091 = arith.constant 0 : i32
        %dma_start3A_1092 = tpu.memref_slice %arg2[%dma_start3A_1091, %multiple_of3A_1076] : memref<64x1000000xf32, #tpu.memory_space<hbm>> -> memref<64x128xf32, #tpu.memory_space<hbm>>
        tpu.enqueue_dma source(%dma_start3A_1092 : memref<64x128xf32, #tpu.memory_space<hbm>>) target(%dma_start3A_1090 : memref<64x128xf32, #tpu.memory_space<vmem>>) target_semaphore(%dma_start3A_1086 : memref<!tpu.dma_semaphore, #tpu.memory_space<semaphore_mem>>)
      } else {
      }
      %mul3A_849 = arith.constant 8 : i32
      %mul3A_850 = arith.muli %add3A_500, %mul3A_849 : i32
      %add3A_851 = arith.constant 5 : i32
      %add3A_852 = arith.addi %mul3A_850, %add3A_851 : i32
      %dma_wait3A_853 = arith.constant 5 : i32
      %dma_wait3A_854 = arith.constant 5 : i32
      %dma_wait3A_855 = arith.constant 0 : i32
      %dma_wait3A_856 = arith.constant 0 : i32
      %dma_wait3A_857 = tpu.memref_slice %arg9[%dma_wait3A_853, %dma_wait3A_855, %dma_wait3A_856] : memref<8x64x128xf32, #tpu.memory_space<vmem>> -> memref<1x64x128xf32, #tpu.memory_space<vmem>>
      %dma_wait3A_858 = tpu.memref_squeeze %dma_wait3A_857 : memref<1x64x128xf32, #tpu.memory_space<vmem>> -> memref<64x128xf32, #tpu.memory_space<vmem>>
      %dma_wait3A_859 = arith.constant 0 : i32
      %dma_wait3A_860 = arith.constant 0 : i32
      %dma_wait3A_861 = tpu.memref_slice %arg2[%dma_wait3A_859, %dma_wait3A_860] : memref<64x1000000xf32, #tpu.memory_space<hbm>> -> memref<64x128xf32, #tpu.memory_space<hbm>>
      %dma_wait3A_862 = tpu.memref_slice %arg11[%dma_wait3A_854] : memref<8x!tpu.dma_semaphore, #tpu.memory_space<semaphore_mem>> -> memref<1x!tpu.dma_semaphore, #tpu.memory_space<semaphore_mem>>
      %dma_wait3A_863 = tpu.memref_squeeze %dma_wait3A_862 : memref<1x!tpu.dma_semaphore, #tpu.memory_space<semaphore_mem>> -> memref<!tpu.dma_semaphore, #tpu.memory_space<semaphore_mem>>
      %dma_wait3A_864 = arith.constant 0 : i32
      %dma_wait3A_865 = arith.constant 0 : i32
      %dma_wait3A_866 = tpu.memref_slice %arg9[%dma_wait3A_853, %dma_wait3A_864, %dma_wait3A_865] : memref<8x64x128xf32, #tpu.memory_space<vmem>> -> memref<1x64x128xf32, #tpu.memory_space<vmem>>
      %dma_wait3A_867 = tpu.memref_squeeze %dma_wait3A_866 : memref<1x64x128xf32, #tpu.memory_space<vmem>> -> memref<64x128xf32, #tpu.memory_space<vmem>>
      %dma_wait3A_868 = arith.constant 0 : i32
      %dma_wait3A_869 = arith.constant 0 : i32
      %dma_wait3A_870 = tpu.memref_slice %arg2[%dma_wait3A_868, %dma_wait3A_869] : memref<64x1000000xf32, #tpu.memory_space<hbm>> -> memref<64x128xf32, #tpu.memory_space<hbm>>
      tpu.wait_dma2 semaphore(%dma_wait3A_863 : memref<!tpu.dma_semaphore, #tpu.memory_space<semaphore_mem>>) src(%dma_wait3A_870 : memref<64x128xf32, #tpu.memory_space<hbm>>) dst(%dma_wait3A_867 : memref<64x128xf32, #tpu.memory_space<vmem>>)
      %get3A_871 = arith.constant 0 : i32
      %get3A_872 = arith.index_cast %get3A_871 : i32 to index
      %get3A_873 = arith.index_cast %add3A_852 : i32 to index
      %get3A_874 = memref.load %arg7[%get3A_872, %get3A_873] : memref<2x512xi32, #tpu.memory_space<smem>>
      %and3A_875 = arith.constant 127 : i32
      %and3A_876 = arith.andi %get3A_874, %and3A_875 : i32
      %broadcast_in_dim3A_877 = vector.broadcast %and3A_876 : i32 to vector<16xi32>
      %broadcast_in_dim3A_878 = vector.broadcast %add3A_852 : i32 to vector<16xi32>
      %add3A_879 = arith.constant 0 : i32
      %add3A_880 = vector.broadcast %add3A_879 : i32 to vector<16xi32>
      %add3A_881 = arith.addi %iota3A, %add3A_880 : vector<16xi32>
      %gather3A_882 = arith.constant 5 : i32
      %gather3A_883 = arith.constant 0 : i32
      %gather3A_884 = arith.constant 0 : i32
      %gather3A_885 = tpu.memref_slice %arg9[%gather3A_882, %gather3A_883, %gather3A_884] : memref<8x64x128xf32, #tpu.memory_space<vmem>> -> memref<1x64x128xf32, #tpu.memory_space<vmem>>
      %gather3A_886 = tpu.memref_squeeze %gather3A_885 : memref<1x64x128xf32, #tpu.memory_space<vmem>> -> memref<64x128xf32, #tpu.memory_space<vmem>>
      %gather3A_887 = tpu.vector_load_idx %gather3A_886[%add3A_881, %broadcast_in_dim3A_877] : memref<64x128xf32, #tpu.memory_space<vmem>>[vector<16xi32>, vector<16xi32>], vector<16xf32>,
      tpu.vector_store_idx %arg10[%add3A_881, %broadcast_in_dim3A_878], %gather3A_887 : memref<64x512xf32, #tpu.memory_space<vmem>>[vector<16xi32>, vector<16xi32>], vector<16xf32>,
      %add3A_888 = arith.constant 16 : i32
      %add3A_889 = vector.broadcast %add3A_888 : i32 to vector<16xi32>
      %add3A_890 = arith.addi %iota3A, %add3A_889 : vector<16xi32>
      %gather3A_891 = arith.constant 5 : i32
      %gather3A_892 = arith.constant 0 : i32
      %gather3A_893 = arith.constant 0 : i32
      %gather3A_894 = tpu.memref_slice %arg9[%gather3A_891, %gather3A_892, %gather3A_893] : memref<8x64x128xf32, #tpu.memory_space<vmem>> -> memref<1x64x128xf32, #tpu.memory_space<vmem>>
      %gather3A_895 = tpu.memref_squeeze %gather3A_894 : memref<1x64x128xf32, #tpu.memory_space<vmem>> -> memref<64x128xf32, #tpu.memory_space<vmem>>
      %gather3A_896 = tpu.vector_load_idx %gather3A_895[%add3A_890, %broadcast_in_dim3A_877] : memref<64x128xf32, #tpu.memory_space<vmem>>[vector<16xi32>, vector<16xi32>], vector<16xf32>,
      tpu.vector_store_idx %arg10[%add3A_890, %broadcast_in_dim3A_878], %gather3A_896 : memref<64x512xf32, #tpu.memory_space<vmem>>[vector<16xi32>, vector<16xi32>], vector<16xf32>,
      %add3A_897 = arith.constant 32 : i32
      %add3A_898 = vector.broadcast %add3A_897 : i32 to vector<16xi32>
      %add3A_899 = arith.addi %iota3A, %add3A_898 : vector<16xi32>
      %gather3A_900 = arith.constant 5 : i32
      %gather3A_901 = arith.constant 0 : i32
      %gather3A_902 = arith.constant 0 : i32
      %gather3A_903 = tpu.memref_slice %arg9[%gather3A_900, %gather3A_901, %gather3A_902] : memref<8x64x128xf32, #tpu.memory_space<vmem>> -> memref<1x64x128xf32, #tpu.memory_space<vmem>>
      %gather3A_904 = tpu.memref_squeeze %gather3A_903 : memref<1x64x128xf32, #tpu.memory_space<vmem>> -> memref<64x128xf32, #tpu.memory_space<vmem>>
      %gather3A_905 = tpu.vector_load_idx %gather3A_904[%add3A_899, %broadcast_in_dim3A_877] : memref<64x128xf32, #tpu.memory_space<vmem>>[vector<16xi32>, vector<16xi32>], vector<16xf32>,
      tpu.vector_store_idx %arg10[%add3A_899, %broadcast_in_dim3A_878], %gather3A_905 : memref<64x512xf32, #tpu.memory_space<vmem>>[vector<16xi32>, vector<16xi32>], vector<16xf32>,
      %add3A_906 = arith.constant 48 : i32
      %add3A_907 = vector.broadcast %add3A_906 : i32 to vector<16xi32>
      %add3A_908 = arith.addi %iota3A, %add3A_907 : vector<16xi32>
      %gather3A_909 = arith.constant 5 : i32
      %gather3A_910 = arith.constant 0 : i32
      %gather3A_911 = arith.constant 0 : i32
      %gather3A_912 = tpu.memref_slice %arg9[%gather3A_909, %gather3A_910, %gather3A_911] : memref<8x64x128xf32, #tpu.memory_space<vmem>> -> memref<1x64x128xf32, #tpu.memory_space<vmem>>
      %gather3A_913 = tpu.memref_squeeze %gather3A_912 : memref<1x64x128xf32, #tpu.memory_space<vmem>> -> memref<64x128xf32, #tpu.memory_space<vmem>>
      %gather3A_914 = tpu.vector_load_idx %gather3A_913[%add3A_908, %broadcast_in_dim3A_877] : memref<64x128xf32, #tpu.memory_space<vmem>>[vector<16xi32>, vector<16xi32>], vector<16xf32>,
      tpu.vector_store_idx %arg10[%add3A_908, %broadcast_in_dim3A_878], %gather3A_914 : memref<64x512xf32, #tpu.memory_space<vmem>>[vector<16xi32>, vector<16xi32>], vector<16xf32>,
      %lt3A_915 = arith.constant 63 : i32
      %lt3A_916 = arith.cmpi slt, %add3A_500, %lt3A_915 : i32
      %convert_element_type3A_917 = arith.extui %lt3A_916 : i1 to i32
      %cond3A_918 = arith.constant 0 : i32
      %cond3A_919 = arith.cmpi ne, %convert_element_type3A_917, %cond3A_918 : i32
      scf.if %cond3A_919 {
        %add3A_1062 = arith.constant 8 : i32
        %add3A_1063 = arith.addi %add3A_852, %add3A_1062 : i32
        %get3A_1064 = arith.constant 0 : i32
        %get3A_1065 = arith.index_cast %get3A_1064 : i32 to index
        %get3A_1066 = arith.index_cast %add3A_1063 : i32 to index
        %get3A_1067 = memref.load %arg7[%get3A_1065, %get3A_1066] : memref<2x512xi32, #tpu.memory_space<smem>>
        %jit3A_1068 = arith.constant 0 : i32
        %jit3A_1069 = arith.constant 999999 : i32
        %max3A_1070 = arith.maxsi %jit3A_1068, %get3A_1067 : i32
        %min3A_1071 = arith.minsi %jit3A_1069, %max3A_1070 : i32
        %shift_right_arithmetic3A_1072 = arith.constant 7 : i32
        %shift_right_arithmetic3A_1073 = arith.shrsi %min3A_1071, %shift_right_arithmetic3A_1072 : i32
        %mul3A_1074 = arith.constant 128 : i32
        %mul3A_1075 = arith.muli %shift_right_arithmetic3A_1073, %mul3A_1074 : i32
        %multiple_of3A_1076 = tpu.assume_multiple %mul3A_1075, 128 : i32
        %dma_start3A_1077 = arith.constant 5 : i32
        %dma_start3A_1078 = arith.constant 5 : i32
        %dma_start3A_1079 = arith.constant 0 : i32
        %dma_start3A_1080 = arith.constant 0 : i32
        %dma_start3A_1081 = tpu.memref_slice %arg9[%dma_start3A_1077, %dma_start3A_1079, %dma_start3A_1080] : memref<8x64x128xf32, #tpu.memory_space<vmem>> -> memref<1x64x128xf32, #tpu.memory_space<vmem>>
        %dma_start3A_1082 = tpu.memref_squeeze %dma_start3A_1081 : memref<1x64x128xf32, #tpu.memory_space<vmem>> -> memref<64x128xf32, #tpu.memory_space<vmem>>
        %dma_start3A_1083 = arith.constant 0 : i32
        %dma_start3A_1084 = tpu.memref_slice %arg2[%dma_start3A_1083, %multiple_of3A_1076] : memref<64x1000000xf32, #tpu.memory_space<hbm>> -> memref<64x128xf32, #tpu.memory_space<hbm>>
        %dma_start3A_1085 = tpu.memref_slice %arg11[%dma_start3A_1078] : memref<8x!tpu.dma_semaphore, #tpu.memory_space<semaphore_mem>> -> memref<1x!tpu.dma_semaphore, #tpu.memory_space<semaphore_mem>>
        %dma_start3A_1086 = tpu.memref_squeeze %dma_start3A_1085 : memref<1x!tpu.dma_semaphore, #tpu.memory_space<semaphore_mem>> -> memref<!tpu.dma_semaphore, #tpu.memory_space<semaphore_mem>>
        %dma_start3A_1087 = arith.constant 0 : i32
        %dma_start3A_1088 = arith.constant 0 : i32
        %dma_start3A_1089 = tpu.memref_slice %arg9[%dma_start3A_1077, %dma_start3A_1087, %dma_start3A_1088] : memref<8x64x128xf32, #tpu.memory_space<vmem>> -> memref<1x64x128xf32, #tpu.memory_space<vmem>>
        %dma_start3A_1090 = tpu.memref_squeeze %dma_start3A_1089 : memref<1x64x128xf32, #tpu.memory_space<vmem>> -> memref<64x128xf32, #tpu.memory_space<vmem>>
        %dma_start3A_1091 = arith.constant 0 : i32
        %dma_start3A_1092 = tpu.memref_slice %arg2[%dma_start3A_1091, %multiple_of3A_1076] : memref<64x1000000xf32, #tpu.memory_space<hbm>> -> memref<64x128xf32, #tpu.memory_space<hbm>>
        tpu.enqueue_dma source(%dma_start3A_1092 : memref<64x128xf32, #tpu.memory_space<hbm>>) target(%dma_start3A_1090 : memref<64x128xf32, #tpu.memory_space<vmem>>) target_semaphore(%dma_start3A_1086 : memref<!tpu.dma_semaphore, #tpu.memory_space<semaphore_mem>>)
      } else {
      }
      %mul3A_920 = arith.constant 8 : i32
      %mul3A_921 = arith.muli %add3A_500, %mul3A_920 : i32
      %add3A_922 = arith.constant 6 : i32
      %add3A_923 = arith.addi %mul3A_921, %add3A_922 : i32
      %dma_wait3A_924 = arith.constant 6 : i32
      %dma_wait3A_925 = arith.constant 6 : i32
      %dma_wait3A_926 = arith.constant 0 : i32
      %dma_wait3A_927 = arith.constant 0 : i32
      %dma_wait3A_928 = tpu.memref_slice %arg9[%dma_wait3A_924, %dma_wait3A_926, %dma_wait3A_927] : memref<8x64x128xf32, #tpu.memory_space<vmem>> -> memref<1x64x128xf32, #tpu.memory_space<vmem>>
      %dma_wait3A_929 = tpu.memref_squeeze %dma_wait3A_928 : memref<1x64x128xf32, #tpu.memory_space<vmem>> -> memref<64x128xf32, #tpu.memory_space<vmem>>
      %dma_wait3A_930 = arith.constant 0 : i32
      %dma_wait3A_931 = arith.constant 0 : i32
      %dma_wait3A_932 = tpu.memref_slice %arg2[%dma_wait3A_930, %dma_wait3A_931] : memref<64x1000000xf32, #tpu.memory_space<hbm>> -> memref<64x128xf32, #tpu.memory_space<hbm>>
      %dma_wait3A_933 = tpu.memref_slice %arg11[%dma_wait3A_925] : memref<8x!tpu.dma_semaphore, #tpu.memory_space<semaphore_mem>> -> memref<1x!tpu.dma_semaphore, #tpu.memory_space<semaphore_mem>>
      %dma_wait3A_934 = tpu.memref_squeeze %dma_wait3A_933 : memref<1x!tpu.dma_semaphore, #tpu.memory_space<semaphore_mem>> -> memref<!tpu.dma_semaphore, #tpu.memory_space<semaphore_mem>>
      %dma_wait3A_935 = arith.constant 0 : i32
      %dma_wait3A_936 = arith.constant 0 : i32
      %dma_wait3A_937 = tpu.memref_slice %arg9[%dma_wait3A_924, %dma_wait3A_935, %dma_wait3A_936] : memref<8x64x128xf32, #tpu.memory_space<vmem>> -> memref<1x64x128xf32, #tpu.memory_space<vmem>>
      %dma_wait3A_938 = tpu.memref_squeeze %dma_wait3A_937 : memref<1x64x128xf32, #tpu.memory_space<vmem>> -> memref<64x128xf32, #tpu.memory_space<vmem>>
      %dma_wait3A_939 = arith.constant 0 : i32
      %dma_wait3A_940 = arith.constant 0 : i32
      %dma_wait3A_941 = tpu.memref_slice %arg2[%dma_wait3A_939, %dma_wait3A_940] : memref<64x1000000xf32, #tpu.memory_space<hbm>> -> memref<64x128xf32, #tpu.memory_space<hbm>>
      tpu.wait_dma2 semaphore(%dma_wait3A_934 : memref<!tpu.dma_semaphore, #tpu.memory_space<semaphore_mem>>) src(%dma_wait3A_941 : memref<64x128xf32, #tpu.memory_space<hbm>>) dst(%dma_wait3A_938 : memref<64x128xf32, #tpu.memory_space<vmem>>)
      %get3A_942 = arith.constant 0 : i32
      %get3A_943 = arith.index_cast %get3A_942 : i32 to index
      %get3A_944 = arith.index_cast %add3A_923 : i32 to index
      %get3A_945 = memref.load %arg7[%get3A_943, %get3A_944] : memref<2x512xi32, #tpu.memory_space<smem>>
      %and3A_946 = arith.constant 127 : i32
      %and3A_947 = arith.andi %get3A_945, %and3A_946 : i32
      %broadcast_in_dim3A_948 = vector.broadcast %and3A_947 : i32 to vector<16xi32>
      %broadcast_in_dim3A_949 = vector.broadcast %add3A_923 : i32 to vector<16xi32>
      %add3A_950 = arith.constant 0 : i32
      %add3A_951 = vector.broadcast %add3A_950 : i32 to vector<16xi32>
      %add3A_952 = arith.addi %iota3A, %add3A_951 : vector<16xi32>
      %gather3A_953 = arith.constant 6 : i32
      %gather3A_954 = arith.constant 0 : i32
      %gather3A_955 = arith.constant 0 : i32
      %gather3A_956 = tpu.memref_slice %arg9[%gather3A_953, %gather3A_954, %gather3A_955] : memref<8x64x128xf32, #tpu.memory_space<vmem>> -> memref<1x64x128xf32, #tpu.memory_space<vmem>>
      %gather3A_957 = tpu.memref_squeeze %gather3A_956 : memref<1x64x128xf32, #tpu.memory_space<vmem>> -> memref<64x128xf32, #tpu.memory_space<vmem>>
      %gather3A_958 = tpu.vector_load_idx %gather3A_957[%add3A_952, %broadcast_in_dim3A_948] : memref<64x128xf32, #tpu.memory_space<vmem>>[vector<16xi32>, vector<16xi32>], vector<16xf32>,
      tpu.vector_store_idx %arg10[%add3A_952, %broadcast_in_dim3A_949], %gather3A_958 : memref<64x512xf32, #tpu.memory_space<vmem>>[vector<16xi32>, vector<16xi32>], vector<16xf32>,
      %add3A_959 = arith.constant 16 : i32
      %add3A_960 = vector.broadcast %add3A_959 : i32 to vector<16xi32>
      %add3A_961 = arith.addi %iota3A, %add3A_960 : vector<16xi32>
      %gather3A_962 = arith.constant 6 : i32
      %gather3A_963 = arith.constant 0 : i32
      %gather3A_964 = arith.constant 0 : i32
      %gather3A_965 = tpu.memref_slice %arg9[%gather3A_962, %gather3A_963, %gather3A_964] : memref<8x64x128xf32, #tpu.memory_space<vmem>> -> memref<1x64x128xf32, #tpu.memory_space<vmem>>
      %gather3A_966 = tpu.memref_squeeze %gather3A_965 : memref<1x64x128xf32, #tpu.memory_space<vmem>> -> memref<64x128xf32, #tpu.memory_space<vmem>>
      %gather3A_967 = tpu.vector_load_idx %gather3A_966[%add3A_961, %broadcast_in_dim3A_948] : memref<64x128xf32, #tpu.memory_space<vmem>>[vector<16xi32>, vector<16xi32>], vector<16xf32>,
      tpu.vector_store_idx %arg10[%add3A_961, %broadcast_in_dim3A_949], %gather3A_967 : memref<64x512xf32, #tpu.memory_space<vmem>>[vector<16xi32>, vector<16xi32>], vector<16xf32>,
      %add3A_968 = arith.constant 32 : i32
      %add3A_969 = vector.broadcast %add3A_968 : i32 to vector<16xi32>
      %add3A_970 = arith.addi %iota3A, %add3A_969 : vector<16xi32>
      %gather3A_971 = arith.constant 6 : i32
      %gather3A_972 = arith.constant 0 : i32
      %gather3A_973 = arith.constant 0 : i32
      %gather3A_974 = tpu.memref_slice %arg9[%gather3A_971, %gather3A_972, %gather3A_973] : memref<8x64x128xf32, #tpu.memory_space<vmem>> -> memref<1x64x128xf32, #tpu.memory_space<vmem>>
      %gather3A_975 = tpu.memref_squeeze %gather3A_974 : memref<1x64x128xf32, #tpu.memory_space<vmem>> -> memref<64x128xf32, #tpu.memory_space<vmem>>
      %gather3A_976 = tpu.vector_load_idx %gather3A_975[%add3A_970, %broadcast_in_dim3A_948] : memref<64x128xf32, #tpu.memory_space<vmem>>[vector<16xi32>, vector<16xi32>], vector<16xf32>,
      tpu.vector_store_idx %arg10[%add3A_970, %broadcast_in_dim3A_949], %gather3A_976 : memref<64x512xf32, #tpu.memory_space<vmem>>[vector<16xi32>, vector<16xi32>], vector<16xf32>,
      %add3A_977 = arith.constant 48 : i32
      %add3A_978 = vector.broadcast %add3A_977 : i32 to vector<16xi32>
      %add3A_979 = arith.addi %iota3A, %add3A_978 : vector<16xi32>
      %gather3A_980 = arith.constant 6 : i32
      %gather3A_981 = arith.constant 0 : i32
      %gather3A_982 = arith.constant 0 : i32
      %gather3A_983 = tpu.memref_slice %arg9[%gather3A_980, %gather3A_981, %gather3A_982] : memref<8x64x128xf32, #tpu.memory_space<vmem>> -> memref<1x64x128xf32, #tpu.memory_space<vmem>>
      %gather3A_984 = tpu.memref_squeeze %gather3A_983 : memref<1x64x128xf32, #tpu.memory_space<vmem>> -> memref<64x128xf32, #tpu.memory_space<vmem>>
      %gather3A_985 = tpu.vector_load_idx %gather3A_984[%add3A_979, %broadcast_in_dim3A_948] : memref<64x128xf32, #tpu.memory_space<vmem>>[vector<16xi32>, vector<16xi32>], vector<16xf32>,
      tpu.vector_store_idx %arg10[%add3A_979, %broadcast_in_dim3A_949], %gather3A_985 : memref<64x512xf32, #tpu.memory_space<vmem>>[vector<16xi32>, vector<16xi32>], vector<16xf32>,
      %lt3A_986 = arith.constant 63 : i32
      %lt3A_987 = arith.cmpi slt, %add3A_500, %lt3A_986 : i32
      %convert_element_type3A_988 = arith.extui %lt3A_987 : i1 to i32
      %cond3A_989 = arith.constant 0 : i32
      %cond3A_990 = arith.cmpi ne, %convert_element_type3A_988, %cond3A_989 : i32
      scf.if %cond3A_990 {
        %add3A_1062 = arith.constant 8 : i32
        %add3A_1063 = arith.addi %add3A_923, %add3A_1062 : i32
        %get3A_1064 = arith.constant 0 : i32
        %get3A_1065 = arith.index_cast %get3A_1064 : i32 to index
        %get3A_1066 = arith.index_cast %add3A_1063 : i32 to index
        %get3A_1067 = memref.load %arg7[%get3A_1065, %get3A_1066] : memref<2x512xi32, #tpu.memory_space<smem>>
        %jit3A_1068 = arith.constant 0 : i32
        %jit3A_1069 = arith.constant 999999 : i32
        %max3A_1070 = arith.maxsi %jit3A_1068, %get3A_1067 : i32
        %min3A_1071 = arith.minsi %jit3A_1069, %max3A_1070 : i32
        %shift_right_arithmetic3A_1072 = arith.constant 7 : i32
        %shift_right_arithmetic3A_1073 = arith.shrsi %min3A_1071, %shift_right_arithmetic3A_1072 : i32
        %mul3A_1074 = arith.constant 128 : i32
        %mul3A_1075 = arith.muli %shift_right_arithmetic3A_1073, %mul3A_1074 : i32
        %multiple_of3A_1076 = tpu.assume_multiple %mul3A_1075, 128 : i32
        %dma_start3A_1077 = arith.constant 6 : i32
        %dma_start3A_1078 = arith.constant 6 : i32
        %dma_start3A_1079 = arith.constant 0 : i32
        %dma_start3A_1080 = arith.constant 0 : i32
        %dma_start3A_1081 = tpu.memref_slice %arg9[%dma_start3A_1077, %dma_start3A_1079, %dma_start3A_1080] : memref<8x64x128xf32, #tpu.memory_space<vmem>> -> memref<1x64x128xf32, #tpu.memory_space<vmem>>
        %dma_start3A_1082 = tpu.memref_squeeze %dma_start3A_1081 : memref<1x64x128xf32, #tpu.memory_space<vmem>> -> memref<64x128xf32, #tpu.memory_space<vmem>>
        %dma_start3A_1083 = arith.constant 0 : i32
        %dma_start3A_1084 = tpu.memref_slice %arg2[%dma_start3A_1083, %multiple_of3A_1076] : memref<64x1000000xf32, #tpu.memory_space<hbm>> -> memref<64x128xf32, #tpu.memory_space<hbm>>
        %dma_start3A_1085 = tpu.memref_slice %arg11[%dma_start3A_1078] : memref<8x!tpu.dma_semaphore, #tpu.memory_space<semaphore_mem>> -> memref<1x!tpu.dma_semaphore, #tpu.memory_space<semaphore_mem>>
        %dma_start3A_1086 = tpu.memref_squeeze %dma_start3A_1085 : memref<1x!tpu.dma_semaphore, #tpu.memory_space<semaphore_mem>> -> memref<!tpu.dma_semaphore, #tpu.memory_space<semaphore_mem>>
        %dma_start3A_1087 = arith.constant 0 : i32
        %dma_start3A_1088 = arith.constant 0 : i32
        %dma_start3A_1089 = tpu.memref_slice %arg9[%dma_start3A_1077, %dma_start3A_1087, %dma_start3A_1088] : memref<8x64x128xf32, #tpu.memory_space<vmem>> -> memref<1x64x128xf32, #tpu.memory_space<vmem>>
        %dma_start3A_1090 = tpu.memref_squeeze %dma_start3A_1089 : memref<1x64x128xf32, #tpu.memory_space<vmem>> -> memref<64x128xf32, #tpu.memory_space<vmem>>
        %dma_start3A_1091 = arith.constant 0 : i32
        %dma_start3A_1092 = tpu.memref_slice %arg2[%dma_start3A_1091, %multiple_of3A_1076] : memref<64x1000000xf32, #tpu.memory_space<hbm>> -> memref<64x128xf32, #tpu.memory_space<hbm>>
        tpu.enqueue_dma source(%dma_start3A_1092 : memref<64x128xf32, #tpu.memory_space<hbm>>) target(%dma_start3A_1090 : memref<64x128xf32, #tpu.memory_space<vmem>>) target_semaphore(%dma_start3A_1086 : memref<!tpu.dma_semaphore, #tpu.memory_space<semaphore_mem>>)
      } else {
      }
      %mul3A_991 = arith.constant 8 : i32
      %mul3A_992 = arith.muli %add3A_500, %mul3A_991 : i32
      %add3A_993 = arith.constant 7 : i32
      %add3A_994 = arith.addi %mul3A_992, %add3A_993 : i32
      %dma_wait3A_995 = arith.constant 7 : i32
      %dma_wait3A_996 = arith.constant 7 : i32
      %dma_wait3A_997 = arith.constant 0 : i32
      %dma_wait3A_998 = arith.constant 0 : i32
      %dma_wait3A_999 = tpu.memref_slice %arg9[%dma_wait3A_995, %dma_wait3A_997, %dma_wait3A_998] : memref<8x64x128xf32, #tpu.memory_space<vmem>> -> memref<1x64x128xf32, #tpu.memory_space<vmem>>
      %dma_wait3A_1000 = tpu.memref_squeeze %dma_wait3A_999 : memref<1x64x128xf32, #tpu.memory_space<vmem>> -> memref<64x128xf32, #tpu.memory_space<vmem>>
      %dma_wait3A_1001 = arith.constant 0 : i32
      %dma_wait3A_1002 = arith.constant 0 : i32
      %dma_wait3A_1003 = tpu.memref_slice %arg2[%dma_wait3A_1001, %dma_wait3A_1002] : memref<64x1000000xf32, #tpu.memory_space<hbm>> -> memref<64x128xf32, #tpu.memory_space<hbm>>
      %dma_wait3A_1004 = tpu.memref_slice %arg11[%dma_wait3A_996] : memref<8x!tpu.dma_semaphore, #tpu.memory_space<semaphore_mem>> -> memref<1x!tpu.dma_semaphore, #tpu.memory_space<semaphore_mem>>
      %dma_wait3A_1005 = tpu.memref_squeeze %dma_wait3A_1004 : memref<1x!tpu.dma_semaphore, #tpu.memory_space<semaphore_mem>> -> memref<!tpu.dma_semaphore, #tpu.memory_space<semaphore_mem>>
      %dma_wait3A_1006 = arith.constant 0 : i32
      %dma_wait3A_1007 = arith.constant 0 : i32
      %dma_wait3A_1008 = tpu.memref_slice %arg9[%dma_wait3A_995, %dma_wait3A_1006, %dma_wait3A_1007] : memref<8x64x128xf32, #tpu.memory_space<vmem>> -> memref<1x64x128xf32, #tpu.memory_space<vmem>>
      %dma_wait3A_1009 = tpu.memref_squeeze %dma_wait3A_1008 : memref<1x64x128xf32, #tpu.memory_space<vmem>> -> memref<64x128xf32, #tpu.memory_space<vmem>>
      %dma_wait3A_1010 = arith.constant 0 : i32
      %dma_wait3A_1011 = arith.constant 0 : i32
      %dma_wait3A_1012 = tpu.memref_slice %arg2[%dma_wait3A_1010, %dma_wait3A_1011] : memref<64x1000000xf32, #tpu.memory_space<hbm>> -> memref<64x128xf32, #tpu.memory_space<hbm>>
      tpu.wait_dma2 semaphore(%dma_wait3A_1005 : memref<!tpu.dma_semaphore, #tpu.memory_space<semaphore_mem>>) src(%dma_wait3A_1012 : memref<64x128xf32, #tpu.memory_space<hbm>>) dst(%dma_wait3A_1009 : memref<64x128xf32, #tpu.memory_space<vmem>>)
      %get3A_1013 = arith.constant 0 : i32
      %get3A_1014 = arith.index_cast %get3A_1013 : i32 to index
      %get3A_1015 = arith.index_cast %add3A_994 : i32 to index
      %get3A_1016 = memref.load %arg7[%get3A_1014, %get3A_1015] : memref<2x512xi32, #tpu.memory_space<smem>>
      %and3A_1017 = arith.constant 127 : i32
      %and3A_1018 = arith.andi %get3A_1016, %and3A_1017 : i32
      %broadcast_in_dim3A_1019 = vector.broadcast %and3A_1018 : i32 to vector<16xi32>
      %broadcast_in_dim3A_1020 = vector.broadcast %add3A_994 : i32 to vector<16xi32>
      %add3A_1021 = arith.constant 0 : i32
      %add3A_1022 = vector.broadcast %add3A_1021 : i32 to vector<16xi32>
      %add3A_1023 = arith.addi %iota3A, %add3A_1022 : vector<16xi32>
      %gather3A_1024 = arith.constant 7 : i32
      %gather3A_1025 = arith.constant 0 : i32
      %gather3A_1026 = arith.constant 0 : i32
      %gather3A_1027 = tpu.memref_slice %arg9[%gather3A_1024, %gather3A_1025, %gather3A_1026] : memref<8x64x128xf32, #tpu.memory_space<vmem>> -> memref<1x64x128xf32, #tpu.memory_space<vmem>>
      %gather3A_1028 = tpu.memref_squeeze %gather3A_1027 : memref<1x64x128xf32, #tpu.memory_space<vmem>> -> memref<64x128xf32, #tpu.memory_space<vmem>>
      %gather3A_1029 = tpu.vector_load_idx %gather3A_1028[%add3A_1023, %broadcast_in_dim3A_1019] : memref<64x128xf32, #tpu.memory_space<vmem>>[vector<16xi32>, vector<16xi32>], vector<16xf32>,
      tpu.vector_store_idx %arg10[%add3A_1023, %broadcast_in_dim3A_1020], %gather3A_1029 : memref<64x512xf32, #tpu.memory_space<vmem>>[vector<16xi32>, vector<16xi32>], vector<16xf32>,
      %add3A_1030 = arith.constant 16 : i32
      %add3A_1031 = vector.broadcast %add3A_1030 : i32 to vector<16xi32>
      %add3A_1032 = arith.addi %iota3A, %add3A_1031 : vector<16xi32>
      %gather3A_1033 = arith.constant 7 : i32
      %gather3A_1034 = arith.constant 0 : i32
      %gather3A_1035 = arith.constant 0 : i32
      %gather3A_1036 = tpu.memref_slice %arg9[%gather3A_1033, %gather3A_1034, %gather3A_1035] : memref<8x64x128xf32, #tpu.memory_space<vmem>> -> memref<1x64x128xf32, #tpu.memory_space<vmem>>
      %gather3A_1037 = tpu.memref_squeeze %gather3A_1036 : memref<1x64x128xf32, #tpu.memory_space<vmem>> -> memref<64x128xf32, #tpu.memory_space<vmem>>
      %gather3A_1038 = tpu.vector_load_idx %gather3A_1037[%add3A_1032, %broadcast_in_dim3A_1019] : memref<64x128xf32, #tpu.memory_space<vmem>>[vector<16xi32>, vector<16xi32>], vector<16xf32>,
      tpu.vector_store_idx %arg10[%add3A_1032, %broadcast_in_dim3A_1020], %gather3A_1038 : memref<64x512xf32, #tpu.memory_space<vmem>>[vector<16xi32>, vector<16xi32>], vector<16xf32>,
      %add3A_1039 = arith.constant 32 : i32
      %add3A_1040 = vector.broadcast %add3A_1039 : i32 to vector<16xi32>
      %add3A_1041 = arith.addi %iota3A, %add3A_1040 : vector<16xi32>
      %gather3A_1042 = arith.constant 7 : i32
      %gather3A_1043 = arith.constant 0 : i32
      %gather3A_1044 = arith.constant 0 : i32
      %gather3A_1045 = tpu.memref_slice %arg9[%gather3A_1042, %gather3A_1043, %gather3A_1044] : memref<8x64x128xf32, #tpu.memory_space<vmem>> -> memref<1x64x128xf32, #tpu.memory_space<vmem>>
      %gather3A_1046 = tpu.memref_squeeze %gather3A_1045 : memref<1x64x128xf32, #tpu.memory_space<vmem>> -> memref<64x128xf32, #tpu.memory_space<vmem>>
      %gather3A_1047 = tpu.vector_load_idx %gather3A_1046[%add3A_1041, %broadcast_in_dim3A_1019] : memref<64x128xf32, #tpu.memory_space<vmem>>[vector<16xi32>, vector<16xi32>], vector<16xf32>,
      tpu.vector_store_idx %arg10[%add3A_1041, %broadcast_in_dim3A_1020], %gather3A_1047 : memref<64x512xf32, #tpu.memory_space<vmem>>[vector<16xi32>, vector<16xi32>], vector<16xf32>,
      %add3A_1048 = arith.constant 48 : i32
      %add3A_1049 = vector.broadcast %add3A_1048 : i32 to vector<16xi32>
      %add3A_1050 = arith.addi %iota3A, %add3A_1049 : vector<16xi32>
      %gather3A_1051 = arith.constant 7 : i32
      %gather3A_1052 = arith.constant 0 : i32
      %gather3A_1053 = arith.constant 0 : i32
      %gather3A_1054 = tpu.memref_slice %arg9[%gather3A_1051, %gather3A_1052, %gather3A_1053] : memref<8x64x128xf32, #tpu.memory_space<vmem>> -> memref<1x64x128xf32, #tpu.memory_space<vmem>>
      %gather3A_1055 = tpu.memref_squeeze %gather3A_1054 : memref<1x64x128xf32, #tpu.memory_space<vmem>> -> memref<64x128xf32, #tpu.memory_space<vmem>>
      %gather3A_1056 = tpu.vector_load_idx %gather3A_1055[%add3A_1050, %broadcast_in_dim3A_1019] : memref<64x128xf32, #tpu.memory_space<vmem>>[vector<16xi32>, vector<16xi32>], vector<16xf32>,
      tpu.vector_store_idx %arg10[%add3A_1050, %broadcast_in_dim3A_1020], %gather3A_1056 : memref<64x512xf32, #tpu.memory_space<vmem>>[vector<16xi32>, vector<16xi32>], vector<16xf32>,
      %lt3A_1057 = arith.constant 63 : i32
      %lt3A_1058 = arith.cmpi slt, %add3A_500, %lt3A_1057 : i32
      %convert_element_type3A_1059 = arith.extui %lt3A_1058 : i1 to i32
      %cond3A_1060 = arith.constant 0 : i32
      %cond3A_1061 = arith.cmpi ne, %convert_element_type3A_1059, %cond3A_1060 : i32
      scf.if %cond3A_1061 {
        %add3A_1062 = arith.constant 8 : i32
        %add3A_1063 = arith.addi %add3A_994, %add3A_1062 : i32
        %get3A_1064 = arith.constant 0 : i32
        %get3A_1065 = arith.index_cast %get3A_1064 : i32 to index
        %get3A_1066 = arith.index_cast %add3A_1063 : i32 to index
        %get3A_1067 = memref.load %arg7[%get3A_1065, %get3A_1066] : memref<2x512xi32, #tpu.memory_space<smem>>
        %jit3A_1068 = arith.constant 0 : i32
        %jit3A_1069 = arith.constant 999999 : i32
        %max3A_1070 = arith.maxsi %jit3A_1068, %get3A_1067 : i32
        %min3A_1071 = arith.minsi %jit3A_1069, %max3A_1070 : i32
        %shift_right_arithmetic3A_1072 = arith.constant 7 : i32
        %shift_right_arithmetic3A_1073 = arith.shrsi %min3A_1071, %shift_right_arithmetic3A_1072 : i32
        %mul3A_1074 = arith.constant 128 : i32
        %mul3A_1075 = arith.muli %shift_right_arithmetic3A_1073, %mul3A_1074 : i32
        %multiple_of3A_1076 = tpu.assume_multiple %mul3A_1075, 128 : i32
        %dma_start3A_1077 = arith.constant 7 : i32
        %dma_start3A_1078 = arith.constant 7 : i32
        %dma_start3A_1079 = arith.constant 0 : i32
        %dma_start3A_1080 = arith.constant 0 : i32
        %dma_start3A_1081 = tpu.memref_slice %arg9[%dma_start3A_1077, %dma_start3A_1079, %dma_start3A_1080] : memref<8x64x128xf32, #tpu.memory_space<vmem>> -> memref<1x64x128xf32, #tpu.memory_space<vmem>>
        %dma_start3A_1082 = tpu.memref_squeeze %dma_start3A_1081 : memref<1x64x128xf32, #tpu.memory_space<vmem>> -> memref<64x128xf32, #tpu.memory_space<vmem>>
        %dma_start3A_1083 = arith.constant 0 : i32
        %dma_start3A_1084 = tpu.memref_slice %arg2[%dma_start3A_1083, %multiple_of3A_1076] : memref<64x1000000xf32, #tpu.memory_space<hbm>> -> memref<64x128xf32, #tpu.memory_space<hbm>>
        %dma_start3A_1085 = tpu.memref_slice %arg11[%dma_start3A_1078] : memref<8x!tpu.dma_semaphore, #tpu.memory_space<semaphore_mem>> -> memref<1x!tpu.dma_semaphore, #tpu.memory_space<semaphore_mem>>
        %dma_start3A_1086 = tpu.memref_squeeze %dma_start3A_1085 : memref<1x!tpu.dma_semaphore, #tpu.memory_space<semaphore_mem>> -> memref<!tpu.dma_semaphore, #tpu.memory_space<semaphore_mem>>
        %dma_start3A_1087 = arith.constant 0 : i32
        %dma_start3A_1088 = arith.constant 0 : i32
        %dma_start3A_1089 = tpu.memref_slice %arg9[%dma_start3A_1077, %dma_start3A_1087, %dma_start3A_1088] : memref<8x64x128xf32, #tpu.memory_space<vmem>> -> memref<1x64x128xf32, #tpu.memory_space<vmem>>
        %dma_start3A_1090 = tpu.memref_squeeze %dma_start3A_1089 : memref<1x64x128xf32, #tpu.memory_space<vmem>> -> memref<64x128xf32, #tpu.memory_space<vmem>>
        %dma_start3A_1091 = arith.constant 0 : i32
        %dma_start3A_1092 = tpu.memref_slice %arg2[%dma_start3A_1091, %multiple_of3A_1076] : memref<64x1000000xf32, #tpu.memory_space<hbm>> -> memref<64x128xf32, #tpu.memory_space<hbm>>
        tpu.enqueue_dma source(%dma_start3A_1092 : memref<64x128xf32, #tpu.memory_space<hbm>>) target(%dma_start3A_1090 : memref<64x128xf32, #tpu.memory_space<vmem>>) target_semaphore(%dma_start3A_1086 : memref<!tpu.dma_semaphore, #tpu.memory_space<semaphore_mem>>)
      } else {
      }
    }
    %scan3A_249 = arith.constant 64 : i32
    %run_scoped3A = arith.constant 0 : i32
    "tpu.region"() ({
      %run_scoped3A_496 = tpu.sem_alloc : memref<!tpu.dma_semaphore, #tpu.memory_space<semaphore_mem>>
      %dma_start3A_497 = arith.constant 0 : i32
      %dma_start3A_498 = tpu.memref_slice %arg6[%run_scoped3A, %dma_start3A_497, %mul3A_2] : memref<2x64x16384xf32, #tpu.memory_space<hbm>> -> memref<1x64x512xf32, #tpu.memory_space<hbm>>
      %dma_start3A_499 = tpu.memref_squeeze %dma_start3A_498 : memref<1x64x512xf32, #tpu.memory_space<hbm>> -> memref<64x512xf32, #tpu.memory_space<hbm>>
      %dma_start3A_500 = arith.constant 0 : i32
      %dma_start3A_501 = tpu.memref_slice %arg6[%run_scoped3A, %dma_start3A_500, %mul3A_2] : memref<2x64x16384xf32, #tpu.memory_space<hbm>> -> memref<1x64x512xf32, #tpu.memory_space<hbm>>
      %dma_start3A_502 = tpu.memref_squeeze %dma_start3A_501 : memref<1x64x512xf32, #tpu.memory_space<hbm>> -> memref<64x512xf32, #tpu.memory_space<hbm>>
      tpu.enqueue_dma source(%arg10 : memref<64x512xf32, #tpu.memory_space<vmem>>) target(%dma_start3A_502 : memref<64x512xf32, #tpu.memory_space<hbm>>) target_semaphore(%run_scoped3A_496 : memref<!tpu.dma_semaphore, #tpu.memory_space<semaphore_mem>>)
      %dma_wait3A = arith.constant 0 : i32
      %dma_wait3A_503 = tpu.memref_slice %arg6[%run_scoped3A, %dma_wait3A, %mul3A_2] : memref<2x64x16384xf32, #tpu.memory_space<hbm>> -> memref<1x64x512xf32, #tpu.memory_space<hbm>>
      %dma_wait3A_504 = tpu.memref_squeeze %dma_wait3A_503 : memref<1x64x512xf32, #tpu.memory_space<hbm>> -> memref<64x512xf32, #tpu.memory_space<hbm>>
      %dma_wait3A_505 = arith.constant 0 : i32
      %dma_wait3A_506 = tpu.memref_slice %arg6[%run_scoped3A, %dma_wait3A_505, %mul3A_2] : memref<2x64x16384xf32, #tpu.memory_space<hbm>> -> memref<1x64x512xf32, #tpu.memory_space<hbm>>
      %dma_wait3A_507 = tpu.memref_squeeze %dma_wait3A_506 : memref<1x64x512xf32, #tpu.memory_space<hbm>> -> memref<64x512xf32, #tpu.memory_space<hbm>>
      tpu.wait_dma2 semaphore(%run_scoped3A_496 : memref<!tpu.dma_semaphore, #tpu.memory_space<semaphore_mem>>) src(%arg10 : memref<64x512xf32, #tpu.memory_space<vmem>>) dst(%dma_wait3A_507 : memref<64x512xf32, #tpu.memory_space<hbm>>)
      tpu.yield
    }) : () -> ()
    %get3A_250 = arith.constant 1 : i32
    %get3A_251 = arith.constant 0 : i32
    %get3A_252 = arith.index_cast %get3A_250 : i32 to index
    %get3A_253 = arith.index_cast %get3A_251 : i32 to index
    %get3A_254 = memref.load %arg7[%get3A_252, %get3A_253] : memref<2x512xi32, #tpu.memory_space<smem>>
    %jit3A_255 = arith.constant 0 : i32
    %jit3A_256 = arith.constant 999999 : i32
    %max3A_257 = arith.maxsi %jit3A_255, %get3A_254 : i32
    %min3A_258 = arith.minsi %jit3A_256, %max3A_257 : i32
    %shift_right_arithmetic3A_259 = arith.constant 7 : i32
    %shift_right_arithmetic3A_260 = arith.shrsi %min3A_258, %shift_right_arithmetic3A_259 : i32
    %mul3A_261 = arith.constant 128 : i32
    %mul3A_262 = arith.muli %shift_right_arithmetic3A_260, %mul3A_261 : i32
    %multiple_of3A_263 = tpu.assume_multiple %mul3A_262, 128 : i32
    %dma_start3A_264 = arith.constant 0 : i32
    %dma_start3A_265 = arith.constant 0 : i32
    %dma_start3A_266 = arith.constant 0 : i32
    %dma_start3A_267 = arith.constant 0 : i32
    %dma_start3A_268 = tpu.memref_slice %arg9[%dma_start3A_264, %dma_start3A_266, %dma_start3A_267] : memref<8x64x128xf32, #tpu.memory_space<vmem>> -> memref<1x64x128xf32, #tpu.memory_space<vmem>>
    %dma_start3A_269 = tpu.memref_squeeze %dma_start3A_268 : memref<1x64x128xf32, #tpu.memory_space<vmem>> -> memref<64x128xf32, #tpu.memory_space<vmem>>
    %dma_start3A_270 = arith.constant 0 : i32
    %dma_start3A_271 = tpu.memref_slice %arg3[%dma_start3A_270, %multiple_of3A_263] : memref<64x1000000xf32, #tpu.memory_space<hbm>> -> memref<64x128xf32, #tpu.memory_space<hbm>>
    %dma_start3A_272 = tpu.memref_slice %arg11[%dma_start3A_265] : memref<8x!tpu.dma_semaphore, #tpu.memory_space<semaphore_mem>> -> memref<1x!tpu.dma_semaphore, #tpu.memory_space<semaphore_mem>>
    %dma_start3A_273 = tpu.memref_squeeze %dma_start3A_272 : memref<1x!tpu.dma_semaphore, #tpu.memory_space<semaphore_mem>> -> memref<!tpu.dma_semaphore, #tpu.memory_space<semaphore_mem>>
    %dma_start3A_274 = arith.constant 0 : i32
    %dma_start3A_275 = arith.constant 0 : i32
    %dma_start3A_276 = tpu.memref_slice %arg9[%dma_start3A_264, %dma_start3A_274, %dma_start3A_275] : memref<8x64x128xf32, #tpu.memory_space<vmem>> -> memref<1x64x128xf32, #tpu.memory_space<vmem>>
    %dma_start3A_277 = tpu.memref_squeeze %dma_start3A_276 : memref<1x64x128xf32, #tpu.memory_space<vmem>> -> memref<64x128xf32, #tpu.memory_space<vmem>>
    %dma_start3A_278 = arith.constant 0 : i32
    %dma_start3A_279 = tpu.memref_slice %arg3[%dma_start3A_278, %multiple_of3A_263] : memref<64x1000000xf32, #tpu.memory_space<hbm>> -> memref<64x128xf32, #tpu.memory_space<hbm>>
    tpu.enqueue_dma source(%dma_start3A_279 : memref<64x128xf32, #tpu.memory_space<hbm>>) target(%dma_start3A_277 : memref<64x128xf32, #tpu.memory_space<vmem>>) target_semaphore(%dma_start3A_273 : memref<!tpu.dma_semaphore, #tpu.memory_space<semaphore_mem>>)
    %get3A_280 = arith.constant 1 : i32
    %get3A_281 = arith.constant 1 : i32
    %get3A_282 = arith.index_cast %get3A_280 : i32 to index
    %get3A_283 = arith.index_cast %get3A_281 : i32 to index
    %get3A_284 = memref.load %arg7[%get3A_282, %get3A_283] : memref<2x512xi32, #tpu.memory_space<smem>>
    %jit3A_285 = arith.constant 0 : i32
    %jit3A_286 = arith.constant 999999 : i32
    %max3A_287 = arith.maxsi %jit3A_285, %get3A_284 : i32
    %min3A_288 = arith.minsi %jit3A_286, %max3A_287 : i32
    %shift_right_arithmetic3A_289 = arith.constant 7 : i32
    %shift_right_arithmetic3A_290 = arith.shrsi %min3A_288, %shift_right_arithmetic3A_289 : i32
    %mul3A_291 = arith.constant 128 : i32
    %mul3A_292 = arith.muli %shift_right_arithmetic3A_290, %mul3A_291 : i32
    %multiple_of3A_293 = tpu.assume_multiple %mul3A_292, 128 : i32
    %dma_start3A_294 = arith.constant 1 : i32
    %dma_start3A_295 = arith.constant 1 : i32
    %dma_start3A_296 = arith.constant 0 : i32
    %dma_start3A_297 = arith.constant 0 : i32
    %dma_start3A_298 = tpu.memref_slice %arg9[%dma_start3A_294, %dma_start3A_296, %dma_start3A_297] : memref<8x64x128xf32, #tpu.memory_space<vmem>> -> memref<1x64x128xf32, #tpu.memory_space<vmem>>
    %dma_start3A_299 = tpu.memref_squeeze %dma_start3A_298 : memref<1x64x128xf32, #tpu.memory_space<vmem>> -> memref<64x128xf32, #tpu.memory_space<vmem>>
    %dma_start3A_300 = arith.constant 0 : i32
    %dma_start3A_301 = tpu.memref_slice %arg3[%dma_start3A_300, %multiple_of3A_293] : memref<64x1000000xf32, #tpu.memory_space<hbm>> -> memref<64x128xf32, #tpu.memory_space<hbm>>
    %dma_start3A_302 = tpu.memref_slice %arg11[%dma_start3A_295] : memref<8x!tpu.dma_semaphore, #tpu.memory_space<semaphore_mem>> -> memref<1x!tpu.dma_semaphore, #tpu.memory_space<semaphore_mem>>
    %dma_start3A_303 = tpu.memref_squeeze %dma_start3A_302 : memref<1x!tpu.dma_semaphore, #tpu.memory_space<semaphore_mem>> -> memref<!tpu.dma_semaphore, #tpu.memory_space<semaphore_mem>>
    %dma_start3A_304 = arith.constant 0 : i32
    %dma_start3A_305 = arith.constant 0 : i32
    %dma_start3A_306 = tpu.memref_slice %arg9[%dma_start3A_294, %dma_start3A_304, %dma_start3A_305] : memref<8x64x128xf32, #tpu.memory_space<vmem>> -> memref<1x64x128xf32, #tpu.memory_space<vmem>>
    %dma_start3A_307 = tpu.memref_squeeze %dma_start3A_306 : memref<1x64x128xf32, #tpu.memory_space<vmem>> -> memref<64x128xf32, #tpu.memory_space<vmem>>
    %dma_start3A_308 = arith.constant 0 : i32
    %dma_start3A_309 = tpu.memref_slice %arg3[%dma_start3A_308, %multiple_of3A_293] : memref<64x1000000xf32, #tpu.memory_space<hbm>> -> memref<64x128xf32, #tpu.memory_space<hbm>>
    tpu.enqueue_dma source(%dma_start3A_309 : memref<64x128xf32, #tpu.memory_space<hbm>>) target(%dma_start3A_307 : memref<64x128xf32, #tpu.memory_space<vmem>>) target_semaphore(%dma_start3A_303 : memref<!tpu.dma_semaphore, #tpu.memory_space<semaphore_mem>>)
    %get3A_310 = arith.constant 1 : i32
    %get3A_311 = arith.constant 2 : i32
    %get3A_312 = arith.index_cast %get3A_310 : i32 to index
    %get3A_313 = arith.index_cast %get3A_311 : i32 to index
    %get3A_314 = memref.load %arg7[%get3A_312, %get3A_313] : memref<2x512xi32, #tpu.memory_space<smem>>
    %jit3A_315 = arith.constant 0 : i32
    %jit3A_316 = arith.constant 999999 : i32
    %max3A_317 = arith.maxsi %jit3A_315, %get3A_314 : i32
    %min3A_318 = arith.minsi %jit3A_316, %max3A_317 : i32
    %shift_right_arithmetic3A_319 = arith.constant 7 : i32
    %shift_right_arithmetic3A_320 = arith.shrsi %min3A_318, %shift_right_arithmetic3A_319 : i32
    %mul3A_321 = arith.constant 128 : i32
    %mul3A_322 = arith.muli %shift_right_arithmetic3A_320, %mul3A_321 : i32
    %multiple_of3A_323 = tpu.assume_multiple %mul3A_322, 128 : i32
    %dma_start3A_324 = arith.constant 2 : i32
    %dma_start3A_325 = arith.constant 2 : i32
    %dma_start3A_326 = arith.constant 0 : i32
    %dma_start3A_327 = arith.constant 0 : i32
    %dma_start3A_328 = tpu.memref_slice %arg9[%dma_start3A_324, %dma_start3A_326, %dma_start3A_327] : memref<8x64x128xf32, #tpu.memory_space<vmem>> -> memref<1x64x128xf32, #tpu.memory_space<vmem>>
    %dma_start3A_329 = tpu.memref_squeeze %dma_start3A_328 : memref<1x64x128xf32, #tpu.memory_space<vmem>> -> memref<64x128xf32, #tpu.memory_space<vmem>>
    %dma_start3A_330 = arith.constant 0 : i32
    %dma_start3A_331 = tpu.memref_slice %arg3[%dma_start3A_330, %multiple_of3A_323] : memref<64x1000000xf32, #tpu.memory_space<hbm>> -> memref<64x128xf32, #tpu.memory_space<hbm>>
    %dma_start3A_332 = tpu.memref_slice %arg11[%dma_start3A_325] : memref<8x!tpu.dma_semaphore, #tpu.memory_space<semaphore_mem>> -> memref<1x!tpu.dma_semaphore, #tpu.memory_space<semaphore_mem>>
    %dma_start3A_333 = tpu.memref_squeeze %dma_start3A_332 : memref<1x!tpu.dma_semaphore, #tpu.memory_space<semaphore_mem>> -> memref<!tpu.dma_semaphore, #tpu.memory_space<semaphore_mem>>
    %dma_start3A_334 = arith.constant 0 : i32
    %dma_start3A_335 = arith.constant 0 : i32
    %dma_start3A_336 = tpu.memref_slice %arg9[%dma_start3A_324, %dma_start3A_334, %dma_start3A_335] : memref<8x64x128xf32, #tpu.memory_space<vmem>> -> memref<1x64x128xf32, #tpu.memory_space<vmem>>
    %dma_start3A_337 = tpu.memref_squeeze %dma_start3A_336 : memref<1x64x128xf32, #tpu.memory_space<vmem>> -> memref<64x128xf32, #tpu.memory_space<vmem>>
    %dma_start3A_338 = arith.constant 0 : i32
    %dma_start3A_339 = tpu.memref_slice %arg3[%dma_start3A_338, %multiple_of3A_323] : memref<64x1000000xf32, #tpu.memory_space<hbm>> -> memref<64x128xf32, #tpu.memory_space<hbm>>
    tpu.enqueue_dma source(%dma_start3A_339 : memref<64x128xf32, #tpu.memory_space<hbm>>) target(%dma_start3A_337 : memref<64x128xf32, #tpu.memory_space<vmem>>) target_semaphore(%dma_start3A_333 : memref<!tpu.dma_semaphore, #tpu.memory_space<semaphore_mem>>)
    %get3A_340 = arith.constant 1 : i32
    %get3A_341 = arith.constant 3 : i32
    %get3A_342 = arith.index_cast %get3A_340 : i32 to index
    %get3A_343 = arith.index_cast %get3A_341 : i32 to index
    %get3A_344 = memref.load %arg7[%get3A_342, %get3A_343] : memref<2x512xi32, #tpu.memory_space<smem>>
    %jit3A_345 = arith.constant 0 : i32
    %jit3A_346 = arith.constant 999999 : i32
    %max3A_347 = arith.maxsi %jit3A_345, %get3A_344 : i32
    %min3A_348 = arith.minsi %jit3A_346, %max3A_347 : i32
    %shift_right_arithmetic3A_349 = arith.constant 7 : i32
    %shift_right_arithmetic3A_350 = arith.shrsi %min3A_348, %shift_right_arithmetic3A_349 : i32
    %mul3A_351 = arith.constant 128 : i32
    %mul3A_352 = arith.muli %shift_right_arithmetic3A_350, %mul3A_351 : i32
    %multiple_of3A_353 = tpu.assume_multiple %mul3A_352, 128 : i32
    %dma_start3A_354 = arith.constant 3 : i32
    %dma_start3A_355 = arith.constant 3 : i32
    %dma_start3A_356 = arith.constant 0 : i32
    %dma_start3A_357 = arith.constant 0 : i32
    %dma_start3A_358 = tpu.memref_slice %arg9[%dma_start3A_354, %dma_start3A_356, %dma_start3A_357] : memref<8x64x128xf32, #tpu.memory_space<vmem>> -> memref<1x64x128xf32, #tpu.memory_space<vmem>>
    %dma_start3A_359 = tpu.memref_squeeze %dma_start3A_358 : memref<1x64x128xf32, #tpu.memory_space<vmem>> -> memref<64x128xf32, #tpu.memory_space<vmem>>
    %dma_start3A_360 = arith.constant 0 : i32
    %dma_start3A_361 = tpu.memref_slice %arg3[%dma_start3A_360, %multiple_of3A_353] : memref<64x1000000xf32, #tpu.memory_space<hbm>> -> memref<64x128xf32, #tpu.memory_space<hbm>>
    %dma_start3A_362 = tpu.memref_slice %arg11[%dma_start3A_355] : memref<8x!tpu.dma_semaphore, #tpu.memory_space<semaphore_mem>> -> memref<1x!tpu.dma_semaphore, #tpu.memory_space<semaphore_mem>>
    %dma_start3A_363 = tpu.memref_squeeze %dma_start3A_362 : memref<1x!tpu.dma_semaphore, #tpu.memory_space<semaphore_mem>> -> memref<!tpu.dma_semaphore, #tpu.memory_space<semaphore_mem>>
    %dma_start3A_364 = arith.constant 0 : i32
    %dma_start3A_365 = arith.constant 0 : i32
    %dma_start3A_366 = tpu.memref_slice %arg9[%dma_start3A_354, %dma_start3A_364, %dma_start3A_365] : memref<8x64x128xf32, #tpu.memory_space<vmem>> -> memref<1x64x128xf32, #tpu.memory_space<vmem>>
    %dma_start3A_367 = tpu.memref_squeeze %dma_start3A_366 : memref<1x64x128xf32, #tpu.memory_space<vmem>> -> memref<64x128xf32, #tpu.memory_space<vmem>>
    %dma_start3A_368 = arith.constant 0 : i32
    %dma_start3A_369 = tpu.memref_slice %arg3[%dma_start3A_368, %multiple_of3A_353] : memref<64x1000000xf32, #tpu.memory_space<hbm>> -> memref<64x128xf32, #tpu.memory_space<hbm>>
    tpu.enqueue_dma source(%dma_start3A_369 : memref<64x128xf32, #tpu.memory_space<hbm>>) target(%dma_start3A_367 : memref<64x128xf32, #tpu.memory_space<vmem>>) target_semaphore(%dma_start3A_363 : memref<!tpu.dma_semaphore, #tpu.memory_space<semaphore_mem>>)
    %get3A_370 = arith.constant 1 : i32
    %get3A_371 = arith.constant 4 : i32
    %get3A_372 = arith.index_cast %get3A_370 : i32 to index
    %get3A_373 = arith.index_cast %get3A_371 : i32 to index
    %get3A_374 = memref.load %arg7[%get3A_372, %get3A_373] : memref<2x512xi32, #tpu.memory_space<smem>>
    %jit3A_375 = arith.constant 0 : i32
    %jit3A_376 = arith.constant 999999 : i32
    %max3A_377 = arith.maxsi %jit3A_375, %get3A_374 : i32
    %min3A_378 = arith.minsi %jit3A_376, %max3A_377 : i32
    %shift_right_arithmetic3A_379 = arith.constant 7 : i32
    %shift_right_arithmetic3A_380 = arith.shrsi %min3A_378, %shift_right_arithmetic3A_379 : i32
    %mul3A_381 = arith.constant 128 : i32
    %mul3A_382 = arith.muli %shift_right_arithmetic3A_380, %mul3A_381 : i32
    %multiple_of3A_383 = tpu.assume_multiple %mul3A_382, 128 : i32
    %dma_start3A_384 = arith.constant 4 : i32
    %dma_start3A_385 = arith.constant 4 : i32
    %dma_start3A_386 = arith.constant 0 : i32
    %dma_start3A_387 = arith.constant 0 : i32
    %dma_start3A_388 = tpu.memref_slice %arg9[%dma_start3A_384, %dma_start3A_386, %dma_start3A_387] : memref<8x64x128xf32, #tpu.memory_space<vmem>> -> memref<1x64x128xf32, #tpu.memory_space<vmem>>
    %dma_start3A_389 = tpu.memref_squeeze %dma_start3A_388 : memref<1x64x128xf32, #tpu.memory_space<vmem>> -> memref<64x128xf32, #tpu.memory_space<vmem>>
    %dma_start3A_390 = arith.constant 0 : i32
    %dma_start3A_391 = tpu.memref_slice %arg3[%dma_start3A_390, %multiple_of3A_383] : memref<64x1000000xf32, #tpu.memory_space<hbm>> -> memref<64x128xf32, #tpu.memory_space<hbm>>
    %dma_start3A_392 = tpu.memref_slice %arg11[%dma_start3A_385] : memref<8x!tpu.dma_semaphore, #tpu.memory_space<semaphore_mem>> -> memref<1x!tpu.dma_semaphore, #tpu.memory_space<semaphore_mem>>
    %dma_start3A_393 = tpu.memref_squeeze %dma_start3A_392 : memref<1x!tpu.dma_semaphore, #tpu.memory_space<semaphore_mem>> -> memref<!tpu.dma_semaphore, #tpu.memory_space<semaphore_mem>>
    %dma_start3A_394 = arith.constant 0 : i32
    %dma_start3A_395 = arith.constant 0 : i32
    %dma_start3A_396 = tpu.memref_slice %arg9[%dma_start3A_384, %dma_start3A_394, %dma_start3A_395] : memref<8x64x128xf32, #tpu.memory_space<vmem>> -> memref<1x64x128xf32, #tpu.memory_space<vmem>>
    %dma_start3A_397 = tpu.memref_squeeze %dma_start3A_396 : memref<1x64x128xf32, #tpu.memory_space<vmem>> -> memref<64x128xf32, #tpu.memory_space<vmem>>
    %dma_start3A_398 = arith.constant 0 : i32
    %dma_start3A_399 = tpu.memref_slice %arg3[%dma_start3A_398, %multiple_of3A_383] : memref<64x1000000xf32, #tpu.memory_space<hbm>> -> memref<64x128xf32, #tpu.memory_space<hbm>>
    tpu.enqueue_dma source(%dma_start3A_399 : memref<64x128xf32, #tpu.memory_space<hbm>>) target(%dma_start3A_397 : memref<64x128xf32, #tpu.memory_space<vmem>>) target_semaphore(%dma_start3A_393 : memref<!tpu.dma_semaphore, #tpu.memory_space<semaphore_mem>>)
    %get3A_400 = arith.constant 1 : i32
    %get3A_401 = arith.constant 5 : i32
    %get3A_402 = arith.index_cast %get3A_400 : i32 to index
    %get3A_403 = arith.index_cast %get3A_401 : i32 to index
    %get3A_404 = memref.load %arg7[%get3A_402, %get3A_403] : memref<2x512xi32, #tpu.memory_space<smem>>
    %jit3A_405 = arith.constant 0 : i32
    %jit3A_406 = arith.constant 999999 : i32
    %max3A_407 = arith.maxsi %jit3A_405, %get3A_404 : i32
    %min3A_408 = arith.minsi %jit3A_406, %max3A_407 : i32
    %shift_right_arithmetic3A_409 = arith.constant 7 : i32
    %shift_right_arithmetic3A_410 = arith.shrsi %min3A_408, %shift_right_arithmetic3A_409 : i32
    %mul3A_411 = arith.constant 128 : i32
    %mul3A_412 = arith.muli %shift_right_arithmetic3A_410, %mul3A_411 : i32
    %multiple_of3A_413 = tpu.assume_multiple %mul3A_412, 128 : i32
    %dma_start3A_414 = arith.constant 5 : i32
    %dma_start3A_415 = arith.constant 5 : i32
    %dma_start3A_416 = arith.constant 0 : i32
    %dma_start3A_417 = arith.constant 0 : i32
    %dma_start3A_418 = tpu.memref_slice %arg9[%dma_start3A_414, %dma_start3A_416, %dma_start3A_417] : memref<8x64x128xf32, #tpu.memory_space<vmem>> -> memref<1x64x128xf32, #tpu.memory_space<vmem>>
    %dma_start3A_419 = tpu.memref_squeeze %dma_start3A_418 : memref<1x64x128xf32, #tpu.memory_space<vmem>> -> memref<64x128xf32, #tpu.memory_space<vmem>>
    %dma_start3A_420 = arith.constant 0 : i32
    %dma_start3A_421 = tpu.memref_slice %arg3[%dma_start3A_420, %multiple_of3A_413] : memref<64x1000000xf32, #tpu.memory_space<hbm>> -> memref<64x128xf32, #tpu.memory_space<hbm>>
    %dma_start3A_422 = tpu.memref_slice %arg11[%dma_start3A_415] : memref<8x!tpu.dma_semaphore, #tpu.memory_space<semaphore_mem>> -> memref<1x!tpu.dma_semaphore, #tpu.memory_space<semaphore_mem>>
    %dma_start3A_423 = tpu.memref_squeeze %dma_start3A_422 : memref<1x!tpu.dma_semaphore, #tpu.memory_space<semaphore_mem>> -> memref<!tpu.dma_semaphore, #tpu.memory_space<semaphore_mem>>
    %dma_start3A_424 = arith.constant 0 : i32
    %dma_start3A_425 = arith.constant 0 : i32
    %dma_start3A_426 = tpu.memref_slice %arg9[%dma_start3A_414, %dma_start3A_424, %dma_start3A_425] : memref<8x64x128xf32, #tpu.memory_space<vmem>> -> memref<1x64x128xf32, #tpu.memory_space<vmem>>
    %dma_start3A_427 = tpu.memref_squeeze %dma_start3A_426 : memref<1x64x128xf32, #tpu.memory_space<vmem>> -> memref<64x128xf32, #tpu.memory_space<vmem>>
    %dma_start3A_428 = arith.constant 0 : i32
    %dma_start3A_429 = tpu.memref_slice %arg3[%dma_start3A_428, %multiple_of3A_413] : memref<64x1000000xf32, #tpu.memory_space<hbm>> -> memref<64x128xf32, #tpu.memory_space<hbm>>
    tpu.enqueue_dma source(%dma_start3A_429 : memref<64x128xf32, #tpu.memory_space<hbm>>) target(%dma_start3A_427 : memref<64x128xf32, #tpu.memory_space<vmem>>) target_semaphore(%dma_start3A_423 : memref<!tpu.dma_semaphore, #tpu.memory_space<semaphore_mem>>)
    %get3A_430 = arith.constant 1 : i32
    %get3A_431 = arith.constant 6 : i32
    %get3A_432 = arith.index_cast %get3A_430 : i32 to index
    %get3A_433 = arith.index_cast %get3A_431 : i32 to index
    %get3A_434 = memref.load %arg7[%get3A_432, %get3A_433] : memref<2x512xi32, #tpu.memory_space<smem>>
    %jit3A_435 = arith.constant 0 : i32
    %jit3A_436 = arith.constant 999999 : i32
    %max3A_437 = arith.maxsi %jit3A_435, %get3A_434 : i32
    %min3A_438 = arith.minsi %jit3A_436, %max3A_437 : i32
    %shift_right_arithmetic3A_439 = arith.constant 7 : i32
    %shift_right_arithmetic3A_440 = arith.shrsi %min3A_438, %shift_right_arithmetic3A_439 : i32
    %mul3A_441 = arith.constant 128 : i32
    %mul3A_442 = arith.muli %shift_right_arithmetic3A_440, %mul3A_441 : i32
    %multiple_of3A_443 = tpu.assume_multiple %mul3A_442, 128 : i32
    %dma_start3A_444 = arith.constant 6 : i32
    %dma_start3A_445 = arith.constant 6 : i32
    %dma_start3A_446 = arith.constant 0 : i32
    %dma_start3A_447 = arith.constant 0 : i32
    %dma_start3A_448 = tpu.memref_slice %arg9[%dma_start3A_444, %dma_start3A_446, %dma_start3A_447] : memref<8x64x128xf32, #tpu.memory_space<vmem>> -> memref<1x64x128xf32, #tpu.memory_space<vmem>>
    %dma_start3A_449 = tpu.memref_squeeze %dma_start3A_448 : memref<1x64x128xf32, #tpu.memory_space<vmem>> -> memref<64x128xf32, #tpu.memory_space<vmem>>
    %dma_start3A_450 = arith.constant 0 : i32
    %dma_start3A_451 = tpu.memref_slice %arg3[%dma_start3A_450, %multiple_of3A_443] : memref<64x1000000xf32, #tpu.memory_space<hbm>> -> memref<64x128xf32, #tpu.memory_space<hbm>>
    %dma_start3A_452 = tpu.memref_slice %arg11[%dma_start3A_445] : memref<8x!tpu.dma_semaphore, #tpu.memory_space<semaphore_mem>> -> memref<1x!tpu.dma_semaphore, #tpu.memory_space<semaphore_mem>>
    %dma_start3A_453 = tpu.memref_squeeze %dma_start3A_452 : memref<1x!tpu.dma_semaphore, #tpu.memory_space<semaphore_mem>> -> memref<!tpu.dma_semaphore, #tpu.memory_space<semaphore_mem>>
    %dma_start3A_454 = arith.constant 0 : i32
    %dma_start3A_455 = arith.constant 0 : i32
    %dma_start3A_456 = tpu.memref_slice %arg9[%dma_start3A_444, %dma_start3A_454, %dma_start3A_455] : memref<8x64x128xf32, #tpu.memory_space<vmem>> -> memref<1x64x128xf32, #tpu.memory_space<vmem>>
    %dma_start3A_457 = tpu.memref_squeeze %dma_start3A_456 : memref<1x64x128xf32, #tpu.memory_space<vmem>> -> memref<64x128xf32, #tpu.memory_space<vmem>>
    %dma_start3A_458 = arith.constant 0 : i32
    %dma_start3A_459 = tpu.memref_slice %arg3[%dma_start3A_458, %multiple_of3A_443] : memref<64x1000000xf32, #tpu.memory_space<hbm>> -> memref<64x128xf32, #tpu.memory_space<hbm>>
    tpu.enqueue_dma source(%dma_start3A_459 : memref<64x128xf32, #tpu.memory_space<hbm>>) target(%dma_start3A_457 : memref<64x128xf32, #tpu.memory_space<vmem>>) target_semaphore(%dma_start3A_453 : memref<!tpu.dma_semaphore, #tpu.memory_space<semaphore_mem>>)
    %get3A_460 = arith.constant 1 : i32
    %get3A_461 = arith.constant 7 : i32
    %get3A_462 = arith.index_cast %get3A_460 : i32 to index
    %get3A_463 = arith.index_cast %get3A_461 : i32 to index
    %get3A_464 = memref.load %arg7[%get3A_462, %get3A_463] : memref<2x512xi32, #tpu.memory_space<smem>>
    %jit3A_465 = arith.constant 0 : i32
    %jit3A_466 = arith.constant 999999 : i32
    %max3A_467 = arith.maxsi %jit3A_465, %get3A_464 : i32
    %min3A_468 = arith.minsi %jit3A_466, %max3A_467 : i32
    %shift_right_arithmetic3A_469 = arith.constant 7 : i32
    %shift_right_arithmetic3A_470 = arith.shrsi %min3A_468, %shift_right_arithmetic3A_469 : i32
    %mul3A_471 = arith.constant 128 : i32
    %mul3A_472 = arith.muli %shift_right_arithmetic3A_470, %mul3A_471 : i32
    %multiple_of3A_473 = tpu.assume_multiple %mul3A_472, 128 : i32
    %dma_start3A_474 = arith.constant 7 : i32
    %dma_start3A_475 = arith.constant 7 : i32
    %dma_start3A_476 = arith.constant 0 : i32
    %dma_start3A_477 = arith.constant 0 : i32
    %dma_start3A_478 = tpu.memref_slice %arg9[%dma_start3A_474, %dma_start3A_476, %dma_start3A_477] : memref<8x64x128xf32, #tpu.memory_space<vmem>> -> memref<1x64x128xf32, #tpu.memory_space<vmem>>
    %dma_start3A_479 = tpu.memref_squeeze %dma_start3A_478 : memref<1x64x128xf32, #tpu.memory_space<vmem>> -> memref<64x128xf32, #tpu.memory_space<vmem>>
    %dma_start3A_480 = arith.constant 0 : i32
    %dma_start3A_481 = tpu.memref_slice %arg3[%dma_start3A_480, %multiple_of3A_473] : memref<64x1000000xf32, #tpu.memory_space<hbm>> -> memref<64x128xf32, #tpu.memory_space<hbm>>
    %dma_start3A_482 = tpu.memref_slice %arg11[%dma_start3A_475] : memref<8x!tpu.dma_semaphore, #tpu.memory_space<semaphore_mem>> -> memref<1x!tpu.dma_semaphore, #tpu.memory_space<semaphore_mem>>
    %dma_start3A_483 = tpu.memref_squeeze %dma_start3A_482 : memref<1x!tpu.dma_semaphore, #tpu.memory_space<semaphore_mem>> -> memref<!tpu.dma_semaphore, #tpu.memory_space<semaphore_mem>>
    %dma_start3A_484 = arith.constant 0 : i32
    %dma_start3A_485 = arith.constant 0 : i32
    %dma_start3A_486 = tpu.memref_slice %arg9[%dma_start3A_474, %dma_start3A_484, %dma_start3A_485] : memref<8x64x128xf32, #tpu.memory_space<vmem>> -> memref<1x64x128xf32, #tpu.memory_space<vmem>>
    %dma_start3A_487 = tpu.memref_squeeze %dma_start3A_486 : memref<1x64x128xf32, #tpu.memory_space<vmem>> -> memref<64x128xf32, #tpu.memory_space<vmem>>
    %dma_start3A_488 = arith.constant 0 : i32
    %dma_start3A_489 = tpu.memref_slice %arg3[%dma_start3A_488, %multiple_of3A_473] : memref<64x1000000xf32, #tpu.memory_space<hbm>> -> memref<64x128xf32, #tpu.memory_space<hbm>>
    tpu.enqueue_dma source(%dma_start3A_489 : memref<64x128xf32, #tpu.memory_space<hbm>>) target(%dma_start3A_487 : memref<64x128xf32, #tpu.memory_space<vmem>>) target_semaphore(%dma_start3A_483 : memref<!tpu.dma_semaphore, #tpu.memory_space<semaphore_mem>>)
    %scan3A_490 = arith.constant 0 : i32
    %scan3A_491 = arith.constant 64 : i32
    %scan3A_492 = arith.addi %scan3A_490, %scan3A_491 : i32
    %scan3A_493 = arith.constant 1 : i32
    scf.for %scan3A_496 = %scan3A_490 to %scan3A_492 step %scan3A_493  : i32 {
      %mul3A_497 = arith.constant 1 : i32
      %mul3A_498 = arith.muli %scan3A_496, %mul3A_497 : i32
      %add3A_499 = arith.constant 0 : i32
      %add3A_500 = arith.addi %add3A_499, %mul3A_498 : i32
      %mul3A_501 = arith.constant 8 : i32
      %mul3A_502 = arith.muli %add3A_500, %mul3A_501 : i32
      %add3A_503 = arith.constant 0 : i32
      %add3A_504 = arith.addi %mul3A_502, %add3A_503 : i32
      %dma_wait3A = arith.constant 0 : i32
      %dma_wait3A_505 = arith.constant 0 : i32
      %dma_wait3A_506 = arith.constant 0 : i32
      %dma_wait3A_507 = arith.constant 0 : i32
      %dma_wait3A_508 = tpu.memref_slice %arg9[%dma_wait3A, %dma_wait3A_506, %dma_wait3A_507] : memref<8x64x128xf32, #tpu.memory_space<vmem>> -> memref<1x64x128xf32, #tpu.memory_space<vmem>>
      %dma_wait3A_509 = tpu.memref_squeeze %dma_wait3A_508 : memref<1x64x128xf32, #tpu.memory_space<vmem>> -> memref<64x128xf32, #tpu.memory_space<vmem>>
      %dma_wait3A_510 = arith.constant 0 : i32
      %dma_wait3A_511 = arith.constant 0 : i32
      %dma_wait3A_512 = tpu.memref_slice %arg3[%dma_wait3A_510, %dma_wait3A_511] : memref<64x1000000xf32, #tpu.memory_space<hbm>> -> memref<64x128xf32, #tpu.memory_space<hbm>>
      %dma_wait3A_513 = tpu.memref_slice %arg11[%dma_wait3A_505] : memref<8x!tpu.dma_semaphore, #tpu.memory_space<semaphore_mem>> -> memref<1x!tpu.dma_semaphore, #tpu.memory_space<semaphore_mem>>
      %dma_wait3A_514 = tpu.memref_squeeze %dma_wait3A_513 : memref<1x!tpu.dma_semaphore, #tpu.memory_space<semaphore_mem>> -> memref<!tpu.dma_semaphore, #tpu.memory_space<semaphore_mem>>
      %dma_wait3A_515 = arith.constant 0 : i32
      %dma_wait3A_516 = arith.constant 0 : i32
      %dma_wait3A_517 = tpu.memref_slice %arg9[%dma_wait3A, %dma_wait3A_515, %dma_wait3A_516] : memref<8x64x128xf32, #tpu.memory_space<vmem>> -> memref<1x64x128xf32, #tpu.memory_space<vmem>>
      %dma_wait3A_518 = tpu.memref_squeeze %dma_wait3A_517 : memref<1x64x128xf32, #tpu.memory_space<vmem>> -> memref<64x128xf32, #tpu.memory_space<vmem>>
      %dma_wait3A_519 = arith.constant 0 : i32
      %dma_wait3A_520 = arith.constant 0 : i32
      %dma_wait3A_521 = tpu.memref_slice %arg3[%dma_wait3A_519, %dma_wait3A_520] : memref<64x1000000xf32, #tpu.memory_space<hbm>> -> memref<64x128xf32, #tpu.memory_space<hbm>>
      tpu.wait_dma2 semaphore(%dma_wait3A_514 : memref<!tpu.dma_semaphore, #tpu.memory_space<semaphore_mem>>) src(%dma_wait3A_521 : memref<64x128xf32, #tpu.memory_space<hbm>>) dst(%dma_wait3A_518 : memref<64x128xf32, #tpu.memory_space<vmem>>)
      %get3A_522 = arith.constant 1 : i32
      %get3A_523 = arith.index_cast %get3A_522 : i32 to index
      %get3A_524 = arith.index_cast %add3A_504 : i32 to index
      %get3A_525 = memref.load %arg7[%get3A_523, %get3A_524] : memref<2x512xi32, #tpu.memory_space<smem>>
      %and3A = arith.constant 127 : i32
      %and3A_526 = arith.andi %get3A_525, %and3A : i32
      %broadcast_in_dim3A = vector.broadcast %and3A_526 : i32 to vector<16xi32>
      %broadcast_in_dim3A_527 = vector.broadcast %add3A_504 : i32 to vector<16xi32>
      %add3A_528 = arith.constant 0 : i32
      %add3A_529 = vector.broadcast %add3A_528 : i32 to vector<16xi32>
      %add3A_530 = arith.addi %iota3A, %add3A_529 : vector<16xi32>
      %gather3A = arith.constant 0 : i32
      %gather3A_531 = arith.constant 0 : i32
      %gather3A_532 = arith.constant 0 : i32
      %gather3A_533 = tpu.memref_slice %arg9[%gather3A, %gather3A_531, %gather3A_532] : memref<8x64x128xf32, #tpu.memory_space<vmem>> -> memref<1x64x128xf32, #tpu.memory_space<vmem>>
      %gather3A_534 = tpu.memref_squeeze %gather3A_533 : memref<1x64x128xf32, #tpu.memory_space<vmem>> -> memref<64x128xf32, #tpu.memory_space<vmem>>
      %gather3A_535 = tpu.vector_load_idx %gather3A_534[%add3A_530, %broadcast_in_dim3A] : memref<64x128xf32, #tpu.memory_space<vmem>>[vector<16xi32>, vector<16xi32>], vector<16xf32>,
      tpu.vector_store_idx %arg10[%add3A_530, %broadcast_in_dim3A_527], %gather3A_535 : memref<64x512xf32, #tpu.memory_space<vmem>>[vector<16xi32>, vector<16xi32>], vector<16xf32>,
      %add3A_536 = arith.constant 16 : i32
      %add3A_537 = vector.broadcast %add3A_536 : i32 to vector<16xi32>
      %add3A_538 = arith.addi %iota3A, %add3A_537 : vector<16xi32>
      %gather3A_539 = arith.constant 0 : i32
      %gather3A_540 = arith.constant 0 : i32
      %gather3A_541 = arith.constant 0 : i32
      %gather3A_542 = tpu.memref_slice %arg9[%gather3A_539, %gather3A_540, %gather3A_541] : memref<8x64x128xf32, #tpu.memory_space<vmem>> -> memref<1x64x128xf32, #tpu.memory_space<vmem>>
      %gather3A_543 = tpu.memref_squeeze %gather3A_542 : memref<1x64x128xf32, #tpu.memory_space<vmem>> -> memref<64x128xf32, #tpu.memory_space<vmem>>
      %gather3A_544 = tpu.vector_load_idx %gather3A_543[%add3A_538, %broadcast_in_dim3A] : memref<64x128xf32, #tpu.memory_space<vmem>>[vector<16xi32>, vector<16xi32>], vector<16xf32>,
      tpu.vector_store_idx %arg10[%add3A_538, %broadcast_in_dim3A_527], %gather3A_544 : memref<64x512xf32, #tpu.memory_space<vmem>>[vector<16xi32>, vector<16xi32>], vector<16xf32>,
      %add3A_545 = arith.constant 32 : i32
      %add3A_546 = vector.broadcast %add3A_545 : i32 to vector<16xi32>
      %add3A_547 = arith.addi %iota3A, %add3A_546 : vector<16xi32>
      %gather3A_548 = arith.constant 0 : i32
      %gather3A_549 = arith.constant 0 : i32
      %gather3A_550 = arith.constant 0 : i32
      %gather3A_551 = tpu.memref_slice %arg9[%gather3A_548, %gather3A_549, %gather3A_550] : memref<8x64x128xf32, #tpu.memory_space<vmem>> -> memref<1x64x128xf32, #tpu.memory_space<vmem>>
      %gather3A_552 = tpu.memref_squeeze %gather3A_551 : memref<1x64x128xf32, #tpu.memory_space<vmem>> -> memref<64x128xf32, #tpu.memory_space<vmem>>
      %gather3A_553 = tpu.vector_load_idx %gather3A_552[%add3A_547, %broadcast_in_dim3A] : memref<64x128xf32, #tpu.memory_space<vmem>>[vector<16xi32>, vector<16xi32>], vector<16xf32>,
      tpu.vector_store_idx %arg10[%add3A_547, %broadcast_in_dim3A_527], %gather3A_553 : memref<64x512xf32, #tpu.memory_space<vmem>>[vector<16xi32>, vector<16xi32>], vector<16xf32>,
      %add3A_554 = arith.constant 48 : i32
      %add3A_555 = vector.broadcast %add3A_554 : i32 to vector<16xi32>
      %add3A_556 = arith.addi %iota3A, %add3A_555 : vector<16xi32>
      %gather3A_557 = arith.constant 0 : i32
      %gather3A_558 = arith.constant 0 : i32
      %gather3A_559 = arith.constant 0 : i32
      %gather3A_560 = tpu.memref_slice %arg9[%gather3A_557, %gather3A_558, %gather3A_559] : memref<8x64x128xf32, #tpu.memory_space<vmem>> -> memref<1x64x128xf32, #tpu.memory_space<vmem>>
      %gather3A_561 = tpu.memref_squeeze %gather3A_560 : memref<1x64x128xf32, #tpu.memory_space<vmem>> -> memref<64x128xf32, #tpu.memory_space<vmem>>
      %gather3A_562 = tpu.vector_load_idx %gather3A_561[%add3A_556, %broadcast_in_dim3A] : memref<64x128xf32, #tpu.memory_space<vmem>>[vector<16xi32>, vector<16xi32>], vector<16xf32>,
      tpu.vector_store_idx %arg10[%add3A_556, %broadcast_in_dim3A_527], %gather3A_562 : memref<64x512xf32, #tpu.memory_space<vmem>>[vector<16xi32>, vector<16xi32>], vector<16xf32>,
      %lt3A = arith.constant 63 : i32
      %lt3A_563 = arith.cmpi slt, %add3A_500, %lt3A : i32
      %convert_element_type3A = arith.extui %lt3A_563 : i1 to i32
      %cond3A = arith.constant 0 : i32
      %cond3A_564 = arith.cmpi ne, %convert_element_type3A, %cond3A : i32
      scf.if %cond3A_564 {
        %add3A_1062 = arith.constant 8 : i32
        %add3A_1063 = arith.addi %add3A_504, %add3A_1062 : i32
        %get3A_1064 = arith.constant 1 : i32
        %get3A_1065 = arith.index_cast %get3A_1064 : i32 to index
        %get3A_1066 = arith.index_cast %add3A_1063 : i32 to index
        %get3A_1067 = memref.load %arg7[%get3A_1065, %get3A_1066] : memref<2x512xi32, #tpu.memory_space<smem>>
        %jit3A_1068 = arith.constant 0 : i32
        %jit3A_1069 = arith.constant 999999 : i32
        %max3A_1070 = arith.maxsi %jit3A_1068, %get3A_1067 : i32
        %min3A_1071 = arith.minsi %jit3A_1069, %max3A_1070 : i32
        %shift_right_arithmetic3A_1072 = arith.constant 7 : i32
        %shift_right_arithmetic3A_1073 = arith.shrsi %min3A_1071, %shift_right_arithmetic3A_1072 : i32
        %mul3A_1074 = arith.constant 128 : i32
        %mul3A_1075 = arith.muli %shift_right_arithmetic3A_1073, %mul3A_1074 : i32
        %multiple_of3A_1076 = tpu.assume_multiple %mul3A_1075, 128 : i32
        %dma_start3A_1077 = arith.constant 0 : i32
        %dma_start3A_1078 = arith.constant 0 : i32
        %dma_start3A_1079 = arith.constant 0 : i32
        %dma_start3A_1080 = arith.constant 0 : i32
        %dma_start3A_1081 = tpu.memref_slice %arg9[%dma_start3A_1077, %dma_start3A_1079, %dma_start3A_1080] : memref<8x64x128xf32, #tpu.memory_space<vmem>> -> memref<1x64x128xf32, #tpu.memory_space<vmem>>
        %dma_start3A_1082 = tpu.memref_squeeze %dma_start3A_1081 : memref<1x64x128xf32, #tpu.memory_space<vmem>> -> memref<64x128xf32, #tpu.memory_space<vmem>>
        %dma_start3A_1083 = arith.constant 0 : i32
        %dma_start3A_1084 = tpu.memref_slice %arg3[%dma_start3A_1083, %multiple_of3A_1076] : memref<64x1000000xf32, #tpu.memory_space<hbm>> -> memref<64x128xf32, #tpu.memory_space<hbm>>
        %dma_start3A_1085 = tpu.memref_slice %arg11[%dma_start3A_1078] : memref<8x!tpu.dma_semaphore, #tpu.memory_space<semaphore_mem>> -> memref<1x!tpu.dma_semaphore, #tpu.memory_space<semaphore_mem>>
        %dma_start3A_1086 = tpu.memref_squeeze %dma_start3A_1085 : memref<1x!tpu.dma_semaphore, #tpu.memory_space<semaphore_mem>> -> memref<!tpu.dma_semaphore, #tpu.memory_space<semaphore_mem>>
        %dma_start3A_1087 = arith.constant 0 : i32
        %dma_start3A_1088 = arith.constant 0 : i32
        %dma_start3A_1089 = tpu.memref_slice %arg9[%dma_start3A_1077, %dma_start3A_1087, %dma_start3A_1088] : memref<8x64x128xf32, #tpu.memory_space<vmem>> -> memref<1x64x128xf32, #tpu.memory_space<vmem>>
        %dma_start3A_1090 = tpu.memref_squeeze %dma_start3A_1089 : memref<1x64x128xf32, #tpu.memory_space<vmem>> -> memref<64x128xf32, #tpu.memory_space<vmem>>
        %dma_start3A_1091 = arith.constant 0 : i32
        %dma_start3A_1092 = tpu.memref_slice %arg3[%dma_start3A_1091, %multiple_of3A_1076] : memref<64x1000000xf32, #tpu.memory_space<hbm>> -> memref<64x128xf32, #tpu.memory_space<hbm>>
        tpu.enqueue_dma source(%dma_start3A_1092 : memref<64x128xf32, #tpu.memory_space<hbm>>) target(%dma_start3A_1090 : memref<64x128xf32, #tpu.memory_space<vmem>>) target_semaphore(%dma_start3A_1086 : memref<!tpu.dma_semaphore, #tpu.memory_space<semaphore_mem>>)
      } else {
      }
      %mul3A_565 = arith.constant 8 : i32
      %mul3A_566 = arith.muli %add3A_500, %mul3A_565 : i32
      %add3A_567 = arith.constant 1 : i32
      %add3A_568 = arith.addi %mul3A_566, %add3A_567 : i32
      %dma_wait3A_569 = arith.constant 1 : i32
      %dma_wait3A_570 = arith.constant 1 : i32
      %dma_wait3A_571 = arith.constant 0 : i32
      %dma_wait3A_572 = arith.constant 0 : i32
      %dma_wait3A_573 = tpu.memref_slice %arg9[%dma_wait3A_569, %dma_wait3A_571, %dma_wait3A_572] : memref<8x64x128xf32, #tpu.memory_space<vmem>> -> memref<1x64x128xf32, #tpu.memory_space<vmem>>
      %dma_wait3A_574 = tpu.memref_squeeze %dma_wait3A_573 : memref<1x64x128xf32, #tpu.memory_space<vmem>> -> memref<64x128xf32, #tpu.memory_space<vmem>>
      %dma_wait3A_575 = arith.constant 0 : i32
      %dma_wait3A_576 = arith.constant 0 : i32
      %dma_wait3A_577 = tpu.memref_slice %arg3[%dma_wait3A_575, %dma_wait3A_576] : memref<64x1000000xf32, #tpu.memory_space<hbm>> -> memref<64x128xf32, #tpu.memory_space<hbm>>
      %dma_wait3A_578 = tpu.memref_slice %arg11[%dma_wait3A_570] : memref<8x!tpu.dma_semaphore, #tpu.memory_space<semaphore_mem>> -> memref<1x!tpu.dma_semaphore, #tpu.memory_space<semaphore_mem>>
      %dma_wait3A_579 = tpu.memref_squeeze %dma_wait3A_578 : memref<1x!tpu.dma_semaphore, #tpu.memory_space<semaphore_mem>> -> memref<!tpu.dma_semaphore, #tpu.memory_space<semaphore_mem>>
      %dma_wait3A_580 = arith.constant 0 : i32
      %dma_wait3A_581 = arith.constant 0 : i32
      %dma_wait3A_582 = tpu.memref_slice %arg9[%dma_wait3A_569, %dma_wait3A_580, %dma_wait3A_581] : memref<8x64x128xf32, #tpu.memory_space<vmem>> -> memref<1x64x128xf32, #tpu.memory_space<vmem>>
      %dma_wait3A_583 = tpu.memref_squeeze %dma_wait3A_582 : memref<1x64x128xf32, #tpu.memory_space<vmem>> -> memref<64x128xf32, #tpu.memory_space<vmem>>
      %dma_wait3A_584 = arith.constant 0 : i32
      %dma_wait3A_585 = arith.constant 0 : i32
      %dma_wait3A_586 = tpu.memref_slice %arg3[%dma_wait3A_584, %dma_wait3A_585] : memref<64x1000000xf32, #tpu.memory_space<hbm>> -> memref<64x128xf32, #tpu.memory_space<hbm>>
      tpu.wait_dma2 semaphore(%dma_wait3A_579 : memref<!tpu.dma_semaphore, #tpu.memory_space<semaphore_mem>>) src(%dma_wait3A_586 : memref<64x128xf32, #tpu.memory_space<hbm>>) dst(%dma_wait3A_583 : memref<64x128xf32, #tpu.memory_space<vmem>>)
      %get3A_587 = arith.constant 1 : i32
      %get3A_588 = arith.index_cast %get3A_587 : i32 to index
      %get3A_589 = arith.index_cast %add3A_568 : i32 to index
      %get3A_590 = memref.load %arg7[%get3A_588, %get3A_589] : memref<2x512xi32, #tpu.memory_space<smem>>
      %and3A_591 = arith.constant 127 : i32
      %and3A_592 = arith.andi %get3A_590, %and3A_591 : i32
      %broadcast_in_dim3A_593 = vector.broadcast %and3A_592 : i32 to vector<16xi32>
      %broadcast_in_dim3A_594 = vector.broadcast %add3A_568 : i32 to vector<16xi32>
      %add3A_595 = arith.constant 0 : i32
      %add3A_596 = vector.broadcast %add3A_595 : i32 to vector<16xi32>
      %add3A_597 = arith.addi %iota3A, %add3A_596 : vector<16xi32>
      %gather3A_598 = arith.constant 1 : i32
      %gather3A_599 = arith.constant 0 : i32
      %gather3A_600 = arith.constant 0 : i32
      %gather3A_601 = tpu.memref_slice %arg9[%gather3A_598, %gather3A_599, %gather3A_600] : memref<8x64x128xf32, #tpu.memory_space<vmem>> -> memref<1x64x128xf32, #tpu.memory_space<vmem>>
      %gather3A_602 = tpu.memref_squeeze %gather3A_601 : memref<1x64x128xf32, #tpu.memory_space<vmem>> -> memref<64x128xf32, #tpu.memory_space<vmem>>
      %gather3A_603 = tpu.vector_load_idx %gather3A_602[%add3A_597, %broadcast_in_dim3A_593] : memref<64x128xf32, #tpu.memory_space<vmem>>[vector<16xi32>, vector<16xi32>], vector<16xf32>,
      tpu.vector_store_idx %arg10[%add3A_597, %broadcast_in_dim3A_594], %gather3A_603 : memref<64x512xf32, #tpu.memory_space<vmem>>[vector<16xi32>, vector<16xi32>], vector<16xf32>,
      %add3A_604 = arith.constant 16 : i32
      %add3A_605 = vector.broadcast %add3A_604 : i32 to vector<16xi32>
      %add3A_606 = arith.addi %iota3A, %add3A_605 : vector<16xi32>
      %gather3A_607 = arith.constant 1 : i32
      %gather3A_608 = arith.constant 0 : i32
      %gather3A_609 = arith.constant 0 : i32
      %gather3A_610 = tpu.memref_slice %arg9[%gather3A_607, %gather3A_608, %gather3A_609] : memref<8x64x128xf32, #tpu.memory_space<vmem>> -> memref<1x64x128xf32, #tpu.memory_space<vmem>>
      %gather3A_611 = tpu.memref_squeeze %gather3A_610 : memref<1x64x128xf32, #tpu.memory_space<vmem>> -> memref<64x128xf32, #tpu.memory_space<vmem>>
      %gather3A_612 = tpu.vector_load_idx %gather3A_611[%add3A_606, %broadcast_in_dim3A_593] : memref<64x128xf32, #tpu.memory_space<vmem>>[vector<16xi32>, vector<16xi32>], vector<16xf32>,
      tpu.vector_store_idx %arg10[%add3A_606, %broadcast_in_dim3A_594], %gather3A_612 : memref<64x512xf32, #tpu.memory_space<vmem>>[vector<16xi32>, vector<16xi32>], vector<16xf32>,
      %add3A_613 = arith.constant 32 : i32
      %add3A_614 = vector.broadcast %add3A_613 : i32 to vector<16xi32>
      %add3A_615 = arith.addi %iota3A, %add3A_614 : vector<16xi32>
      %gather3A_616 = arith.constant 1 : i32
      %gather3A_617 = arith.constant 0 : i32
      %gather3A_618 = arith.constant 0 : i32
      %gather3A_619 = tpu.memref_slice %arg9[%gather3A_616, %gather3A_617, %gather3A_618] : memref<8x64x128xf32, #tpu.memory_space<vmem>> -> memref<1x64x128xf32, #tpu.memory_space<vmem>>
      %gather3A_620 = tpu.memref_squeeze %gather3A_619 : memref<1x64x128xf32, #tpu.memory_space<vmem>> -> memref<64x128xf32, #tpu.memory_space<vmem>>
      %gather3A_621 = tpu.vector_load_idx %gather3A_620[%add3A_615, %broadcast_in_dim3A_593] : memref<64x128xf32, #tpu.memory_space<vmem>>[vector<16xi32>, vector<16xi32>], vector<16xf32>,
      tpu.vector_store_idx %arg10[%add3A_615, %broadcast_in_dim3A_594], %gather3A_621 : memref<64x512xf32, #tpu.memory_space<vmem>>[vector<16xi32>, vector<16xi32>], vector<16xf32>,
      %add3A_622 = arith.constant 48 : i32
      %add3A_623 = vector.broadcast %add3A_622 : i32 to vector<16xi32>
      %add3A_624 = arith.addi %iota3A, %add3A_623 : vector<16xi32>
      %gather3A_625 = arith.constant 1 : i32
      %gather3A_626 = arith.constant 0 : i32
      %gather3A_627 = arith.constant 0 : i32
      %gather3A_628 = tpu.memref_slice %arg9[%gather3A_625, %gather3A_626, %gather3A_627] : memref<8x64x128xf32, #tpu.memory_space<vmem>> -> memref<1x64x128xf32, #tpu.memory_space<vmem>>
      %gather3A_629 = tpu.memref_squeeze %gather3A_628 : memref<1x64x128xf32, #tpu.memory_space<vmem>> -> memref<64x128xf32, #tpu.memory_space<vmem>>
      %gather3A_630 = tpu.vector_load_idx %gather3A_629[%add3A_624, %broadcast_in_dim3A_593] : memref<64x128xf32, #tpu.memory_space<vmem>>[vector<16xi32>, vector<16xi32>], vector<16xf32>,
      tpu.vector_store_idx %arg10[%add3A_624, %broadcast_in_dim3A_594], %gather3A_630 : memref<64x512xf32, #tpu.memory_space<vmem>>[vector<16xi32>, vector<16xi32>], vector<16xf32>,
      %lt3A_631 = arith.constant 63 : i32
      %lt3A_632 = arith.cmpi slt, %add3A_500, %lt3A_631 : i32
      %convert_element_type3A_633 = arith.extui %lt3A_632 : i1 to i32
      %cond3A_634 = arith.constant 0 : i32
      %cond3A_635 = arith.cmpi ne, %convert_element_type3A_633, %cond3A_634 : i32
      scf.if %cond3A_635 {
        %add3A_1062 = arith.constant 8 : i32
        %add3A_1063 = arith.addi %add3A_568, %add3A_1062 : i32
        %get3A_1064 = arith.constant 1 : i32
        %get3A_1065 = arith.index_cast %get3A_1064 : i32 to index
        %get3A_1066 = arith.index_cast %add3A_1063 : i32 to index
        %get3A_1067 = memref.load %arg7[%get3A_1065, %get3A_1066] : memref<2x512xi32, #tpu.memory_space<smem>>
        %jit3A_1068 = arith.constant 0 : i32
        %jit3A_1069 = arith.constant 999999 : i32
        %max3A_1070 = arith.maxsi %jit3A_1068, %get3A_1067 : i32
        %min3A_1071 = arith.minsi %jit3A_1069, %max3A_1070 : i32
        %shift_right_arithmetic3A_1072 = arith.constant 7 : i32
        %shift_right_arithmetic3A_1073 = arith.shrsi %min3A_1071, %shift_right_arithmetic3A_1072 : i32
        %mul3A_1074 = arith.constant 128 : i32
        %mul3A_1075 = arith.muli %shift_right_arithmetic3A_1073, %mul3A_1074 : i32
        %multiple_of3A_1076 = tpu.assume_multiple %mul3A_1075, 128 : i32
        %dma_start3A_1077 = arith.constant 1 : i32
        %dma_start3A_1078 = arith.constant 1 : i32
        %dma_start3A_1079 = arith.constant 0 : i32
        %dma_start3A_1080 = arith.constant 0 : i32
        %dma_start3A_1081 = tpu.memref_slice %arg9[%dma_start3A_1077, %dma_start3A_1079, %dma_start3A_1080] : memref<8x64x128xf32, #tpu.memory_space<vmem>> -> memref<1x64x128xf32, #tpu.memory_space<vmem>>
        %dma_start3A_1082 = tpu.memref_squeeze %dma_start3A_1081 : memref<1x64x128xf32, #tpu.memory_space<vmem>> -> memref<64x128xf32, #tpu.memory_space<vmem>>
        %dma_start3A_1083 = arith.constant 0 : i32
        %dma_start3A_1084 = tpu.memref_slice %arg3[%dma_start3A_1083, %multiple_of3A_1076] : memref<64x1000000xf32, #tpu.memory_space<hbm>> -> memref<64x128xf32, #tpu.memory_space<hbm>>
        %dma_start3A_1085 = tpu.memref_slice %arg11[%dma_start3A_1078] : memref<8x!tpu.dma_semaphore, #tpu.memory_space<semaphore_mem>> -> memref<1x!tpu.dma_semaphore, #tpu.memory_space<semaphore_mem>>
        %dma_start3A_1086 = tpu.memref_squeeze %dma_start3A_1085 : memref<1x!tpu.dma_semaphore, #tpu.memory_space<semaphore_mem>> -> memref<!tpu.dma_semaphore, #tpu.memory_space<semaphore_mem>>
        %dma_start3A_1087 = arith.constant 0 : i32
        %dma_start3A_1088 = arith.constant 0 : i32
        %dma_start3A_1089 = tpu.memref_slice %arg9[%dma_start3A_1077, %dma_start3A_1087, %dma_start3A_1088] : memref<8x64x128xf32, #tpu.memory_space<vmem>> -> memref<1x64x128xf32, #tpu.memory_space<vmem>>
        %dma_start3A_1090 = tpu.memref_squeeze %dma_start3A_1089 : memref<1x64x128xf32, #tpu.memory_space<vmem>> -> memref<64x128xf32, #tpu.memory_space<vmem>>
        %dma_start3A_1091 = arith.constant 0 : i32
        %dma_start3A_1092 = tpu.memref_slice %arg3[%dma_start3A_1091, %multiple_of3A_1076] : memref<64x1000000xf32, #tpu.memory_space<hbm>> -> memref<64x128xf32, #tpu.memory_space<hbm>>
        tpu.enqueue_dma source(%dma_start3A_1092 : memref<64x128xf32, #tpu.memory_space<hbm>>) target(%dma_start3A_1090 : memref<64x128xf32, #tpu.memory_space<vmem>>) target_semaphore(%dma_start3A_1086 : memref<!tpu.dma_semaphore, #tpu.memory_space<semaphore_mem>>)
      } else {
      }
      %mul3A_636 = arith.constant 8 : i32
      %mul3A_637 = arith.muli %add3A_500, %mul3A_636 : i32
      %add3A_638 = arith.constant 2 : i32
      %add3A_639 = arith.addi %mul3A_637, %add3A_638 : i32
      %dma_wait3A_640 = arith.constant 2 : i32
      %dma_wait3A_641 = arith.constant 2 : i32
      %dma_wait3A_642 = arith.constant 0 : i32
      %dma_wait3A_643 = arith.constant 0 : i32
      %dma_wait3A_644 = tpu.memref_slice %arg9[%dma_wait3A_640, %dma_wait3A_642, %dma_wait3A_643] : memref<8x64x128xf32, #tpu.memory_space<vmem>> -> memref<1x64x128xf32, #tpu.memory_space<vmem>>
      %dma_wait3A_645 = tpu.memref_squeeze %dma_wait3A_644 : memref<1x64x128xf32, #tpu.memory_space<vmem>> -> memref<64x128xf32, #tpu.memory_space<vmem>>
      %dma_wait3A_646 = arith.constant 0 : i32
      %dma_wait3A_647 = arith.constant 0 : i32
      %dma_wait3A_648 = tpu.memref_slice %arg3[%dma_wait3A_646, %dma_wait3A_647] : memref<64x1000000xf32, #tpu.memory_space<hbm>> -> memref<64x128xf32, #tpu.memory_space<hbm>>
      %dma_wait3A_649 = tpu.memref_slice %arg11[%dma_wait3A_641] : memref<8x!tpu.dma_semaphore, #tpu.memory_space<semaphore_mem>> -> memref<1x!tpu.dma_semaphore, #tpu.memory_space<semaphore_mem>>
      %dma_wait3A_650 = tpu.memref_squeeze %dma_wait3A_649 : memref<1x!tpu.dma_semaphore, #tpu.memory_space<semaphore_mem>> -> memref<!tpu.dma_semaphore, #tpu.memory_space<semaphore_mem>>
      %dma_wait3A_651 = arith.constant 0 : i32
      %dma_wait3A_652 = arith.constant 0 : i32
      %dma_wait3A_653 = tpu.memref_slice %arg9[%dma_wait3A_640, %dma_wait3A_651, %dma_wait3A_652] : memref<8x64x128xf32, #tpu.memory_space<vmem>> -> memref<1x64x128xf32, #tpu.memory_space<vmem>>
      %dma_wait3A_654 = tpu.memref_squeeze %dma_wait3A_653 : memref<1x64x128xf32, #tpu.memory_space<vmem>> -> memref<64x128xf32, #tpu.memory_space<vmem>>
      %dma_wait3A_655 = arith.constant 0 : i32
      %dma_wait3A_656 = arith.constant 0 : i32
      %dma_wait3A_657 = tpu.memref_slice %arg3[%dma_wait3A_655, %dma_wait3A_656] : memref<64x1000000xf32, #tpu.memory_space<hbm>> -> memref<64x128xf32, #tpu.memory_space<hbm>>
      tpu.wait_dma2 semaphore(%dma_wait3A_650 : memref<!tpu.dma_semaphore, #tpu.memory_space<semaphore_mem>>) src(%dma_wait3A_657 : memref<64x128xf32, #tpu.memory_space<hbm>>) dst(%dma_wait3A_654 : memref<64x128xf32, #tpu.memory_space<vmem>>)
      %get3A_658 = arith.constant 1 : i32
      %get3A_659 = arith.index_cast %get3A_658 : i32 to index
      %get3A_660 = arith.index_cast %add3A_639 : i32 to index
      %get3A_661 = memref.load %arg7[%get3A_659, %get3A_660] : memref<2x512xi32, #tpu.memory_space<smem>>
      %and3A_662 = arith.constant 127 : i32
      %and3A_663 = arith.andi %get3A_661, %and3A_662 : i32
      %broadcast_in_dim3A_664 = vector.broadcast %and3A_663 : i32 to vector<16xi32>
      %broadcast_in_dim3A_665 = vector.broadcast %add3A_639 : i32 to vector<16xi32>
      %add3A_666 = arith.constant 0 : i32
      %add3A_667 = vector.broadcast %add3A_666 : i32 to vector<16xi32>
      %add3A_668 = arith.addi %iota3A, %add3A_667 : vector<16xi32>
      %gather3A_669 = arith.constant 2 : i32
      %gather3A_670 = arith.constant 0 : i32
      %gather3A_671 = arith.constant 0 : i32
      %gather3A_672 = tpu.memref_slice %arg9[%gather3A_669, %gather3A_670, %gather3A_671] : memref<8x64x128xf32, #tpu.memory_space<vmem>> -> memref<1x64x128xf32, #tpu.memory_space<vmem>>
      %gather3A_673 = tpu.memref_squeeze %gather3A_672 : memref<1x64x128xf32, #tpu.memory_space<vmem>> -> memref<64x128xf32, #tpu.memory_space<vmem>>
      %gather3A_674 = tpu.vector_load_idx %gather3A_673[%add3A_668, %broadcast_in_dim3A_664] : memref<64x128xf32, #tpu.memory_space<vmem>>[vector<16xi32>, vector<16xi32>], vector<16xf32>,
      tpu.vector_store_idx %arg10[%add3A_668, %broadcast_in_dim3A_665], %gather3A_674 : memref<64x512xf32, #tpu.memory_space<vmem>>[vector<16xi32>, vector<16xi32>], vector<16xf32>,
      %add3A_675 = arith.constant 16 : i32
      %add3A_676 = vector.broadcast %add3A_675 : i32 to vector<16xi32>
      %add3A_677 = arith.addi %iota3A, %add3A_676 : vector<16xi32>
      %gather3A_678 = arith.constant 2 : i32
      %gather3A_679 = arith.constant 0 : i32
      %gather3A_680 = arith.constant 0 : i32
      %gather3A_681 = tpu.memref_slice %arg9[%gather3A_678, %gather3A_679, %gather3A_680] : memref<8x64x128xf32, #tpu.memory_space<vmem>> -> memref<1x64x128xf32, #tpu.memory_space<vmem>>
      %gather3A_682 = tpu.memref_squeeze %gather3A_681 : memref<1x64x128xf32, #tpu.memory_space<vmem>> -> memref<64x128xf32, #tpu.memory_space<vmem>>
      %gather3A_683 = tpu.vector_load_idx %gather3A_682[%add3A_677, %broadcast_in_dim3A_664] : memref<64x128xf32, #tpu.memory_space<vmem>>[vector<16xi32>, vector<16xi32>], vector<16xf32>,
      tpu.vector_store_idx %arg10[%add3A_677, %broadcast_in_dim3A_665], %gather3A_683 : memref<64x512xf32, #tpu.memory_space<vmem>>[vector<16xi32>, vector<16xi32>], vector<16xf32>,
      %add3A_684 = arith.constant 32 : i32
      %add3A_685 = vector.broadcast %add3A_684 : i32 to vector<16xi32>
      %add3A_686 = arith.addi %iota3A, %add3A_685 : vector<16xi32>
      %gather3A_687 = arith.constant 2 : i32
      %gather3A_688 = arith.constant 0 : i32
      %gather3A_689 = arith.constant 0 : i32
      %gather3A_690 = tpu.memref_slice %arg9[%gather3A_687, %gather3A_688, %gather3A_689] : memref<8x64x128xf32, #tpu.memory_space<vmem>> -> memref<1x64x128xf32, #tpu.memory_space<vmem>>
      %gather3A_691 = tpu.memref_squeeze %gather3A_690 : memref<1x64x128xf32, #tpu.memory_space<vmem>> -> memref<64x128xf32, #tpu.memory_space<vmem>>
      %gather3A_692 = tpu.vector_load_idx %gather3A_691[%add3A_686, %broadcast_in_dim3A_664] : memref<64x128xf32, #tpu.memory_space<vmem>>[vector<16xi32>, vector<16xi32>], vector<16xf32>,
      tpu.vector_store_idx %arg10[%add3A_686, %broadcast_in_dim3A_665], %gather3A_692 : memref<64x512xf32, #tpu.memory_space<vmem>>[vector<16xi32>, vector<16xi32>], vector<16xf32>,
      %add3A_693 = arith.constant 48 : i32
      %add3A_694 = vector.broadcast %add3A_693 : i32 to vector<16xi32>
      %add3A_695 = arith.addi %iota3A, %add3A_694 : vector<16xi32>
      %gather3A_696 = arith.constant 2 : i32
      %gather3A_697 = arith.constant 0 : i32
      %gather3A_698 = arith.constant 0 : i32
      %gather3A_699 = tpu.memref_slice %arg9[%gather3A_696, %gather3A_697, %gather3A_698] : memref<8x64x128xf32, #tpu.memory_space<vmem>> -> memref<1x64x128xf32, #tpu.memory_space<vmem>>
      %gather3A_700 = tpu.memref_squeeze %gather3A_699 : memref<1x64x128xf32, #tpu.memory_space<vmem>> -> memref<64x128xf32, #tpu.memory_space<vmem>>
      %gather3A_701 = tpu.vector_load_idx %gather3A_700[%add3A_695, %broadcast_in_dim3A_664] : memref<64x128xf32, #tpu.memory_space<vmem>>[vector<16xi32>, vector<16xi32>], vector<16xf32>,
      tpu.vector_store_idx %arg10[%add3A_695, %broadcast_in_dim3A_665], %gather3A_701 : memref<64x512xf32, #tpu.memory_space<vmem>>[vector<16xi32>, vector<16xi32>], vector<16xf32>,
      %lt3A_702 = arith.constant 63 : i32
      %lt3A_703 = arith.cmpi slt, %add3A_500, %lt3A_702 : i32
      %convert_element_type3A_704 = arith.extui %lt3A_703 : i1 to i32
      %cond3A_705 = arith.constant 0 : i32
      %cond3A_706 = arith.cmpi ne, %convert_element_type3A_704, %cond3A_705 : i32
      scf.if %cond3A_706 {
        %add3A_1062 = arith.constant 8 : i32
        %add3A_1063 = arith.addi %add3A_639, %add3A_1062 : i32
        %get3A_1064 = arith.constant 1 : i32
        %get3A_1065 = arith.index_cast %get3A_1064 : i32 to index
        %get3A_1066 = arith.index_cast %add3A_1063 : i32 to index
        %get3A_1067 = memref.load %arg7[%get3A_1065, %get3A_1066] : memref<2x512xi32, #tpu.memory_space<smem>>
        %jit3A_1068 = arith.constant 0 : i32
        %jit3A_1069 = arith.constant 999999 : i32
        %max3A_1070 = arith.maxsi %jit3A_1068, %get3A_1067 : i32
        %min3A_1071 = arith.minsi %jit3A_1069, %max3A_1070 : i32
        %shift_right_arithmetic3A_1072 = arith.constant 7 : i32
        %shift_right_arithmetic3A_1073 = arith.shrsi %min3A_1071, %shift_right_arithmetic3A_1072 : i32
        %mul3A_1074 = arith.constant 128 : i32
        %mul3A_1075 = arith.muli %shift_right_arithmetic3A_1073, %mul3A_1074 : i32
        %multiple_of3A_1076 = tpu.assume_multiple %mul3A_1075, 128 : i32
        %dma_start3A_1077 = arith.constant 2 : i32
        %dma_start3A_1078 = arith.constant 2 : i32
        %dma_start3A_1079 = arith.constant 0 : i32
        %dma_start3A_1080 = arith.constant 0 : i32
        %dma_start3A_1081 = tpu.memref_slice %arg9[%dma_start3A_1077, %dma_start3A_1079, %dma_start3A_1080] : memref<8x64x128xf32, #tpu.memory_space<vmem>> -> memref<1x64x128xf32, #tpu.memory_space<vmem>>
        %dma_start3A_1082 = tpu.memref_squeeze %dma_start3A_1081 : memref<1x64x128xf32, #tpu.memory_space<vmem>> -> memref<64x128xf32, #tpu.memory_space<vmem>>
        %dma_start3A_1083 = arith.constant 0 : i32
        %dma_start3A_1084 = tpu.memref_slice %arg3[%dma_start3A_1083, %multiple_of3A_1076] : memref<64x1000000xf32, #tpu.memory_space<hbm>> -> memref<64x128xf32, #tpu.memory_space<hbm>>
        %dma_start3A_1085 = tpu.memref_slice %arg11[%dma_start3A_1078] : memref<8x!tpu.dma_semaphore, #tpu.memory_space<semaphore_mem>> -> memref<1x!tpu.dma_semaphore, #tpu.memory_space<semaphore_mem>>
        %dma_start3A_1086 = tpu.memref_squeeze %dma_start3A_1085 : memref<1x!tpu.dma_semaphore, #tpu.memory_space<semaphore_mem>> -> memref<!tpu.dma_semaphore, #tpu.memory_space<semaphore_mem>>
        %dma_start3A_1087 = arith.constant 0 : i32
        %dma_start3A_1088 = arith.constant 0 : i32
        %dma_start3A_1089 = tpu.memref_slice %arg9[%dma_start3A_1077, %dma_start3A_1087, %dma_start3A_1088] : memref<8x64x128xf32, #tpu.memory_space<vmem>> -> memref<1x64x128xf32, #tpu.memory_space<vmem>>
        %dma_start3A_1090 = tpu.memref_squeeze %dma_start3A_1089 : memref<1x64x128xf32, #tpu.memory_space<vmem>> -> memref<64x128xf32, #tpu.memory_space<vmem>>
        %dma_start3A_1091 = arith.constant 0 : i32
        %dma_start3A_1092 = tpu.memref_slice %arg3[%dma_start3A_1091, %multiple_of3A_1076] : memref<64x1000000xf32, #tpu.memory_space<hbm>> -> memref<64x128xf32, #tpu.memory_space<hbm>>
        tpu.enqueue_dma source(%dma_start3A_1092 : memref<64x128xf32, #tpu.memory_space<hbm>>) target(%dma_start3A_1090 : memref<64x128xf32, #tpu.memory_space<vmem>>) target_semaphore(%dma_start3A_1086 : memref<!tpu.dma_semaphore, #tpu.memory_space<semaphore_mem>>)
      } else {
      }
      %mul3A_707 = arith.constant 8 : i32
      %mul3A_708 = arith.muli %add3A_500, %mul3A_707 : i32
      %add3A_709 = arith.constant 3 : i32
      %add3A_710 = arith.addi %mul3A_708, %add3A_709 : i32
      %dma_wait3A_711 = arith.constant 3 : i32
      %dma_wait3A_712 = arith.constant 3 : i32
      %dma_wait3A_713 = arith.constant 0 : i32
      %dma_wait3A_714 = arith.constant 0 : i32
      %dma_wait3A_715 = tpu.memref_slice %arg9[%dma_wait3A_711, %dma_wait3A_713, %dma_wait3A_714] : memref<8x64x128xf32, #tpu.memory_space<vmem>> -> memref<1x64x128xf32, #tpu.memory_space<vmem>>
      %dma_wait3A_716 = tpu.memref_squeeze %dma_wait3A_715 : memref<1x64x128xf32, #tpu.memory_space<vmem>> -> memref<64x128xf32, #tpu.memory_space<vmem>>
      %dma_wait3A_717 = arith.constant 0 : i32
      %dma_wait3A_718 = arith.constant 0 : i32
      %dma_wait3A_719 = tpu.memref_slice %arg3[%dma_wait3A_717, %dma_wait3A_718] : memref<64x1000000xf32, #tpu.memory_space<hbm>> -> memref<64x128xf32, #tpu.memory_space<hbm>>
      %dma_wait3A_720 = tpu.memref_slice %arg11[%dma_wait3A_712] : memref<8x!tpu.dma_semaphore, #tpu.memory_space<semaphore_mem>> -> memref<1x!tpu.dma_semaphore, #tpu.memory_space<semaphore_mem>>
      %dma_wait3A_721 = tpu.memref_squeeze %dma_wait3A_720 : memref<1x!tpu.dma_semaphore, #tpu.memory_space<semaphore_mem>> -> memref<!tpu.dma_semaphore, #tpu.memory_space<semaphore_mem>>
      %dma_wait3A_722 = arith.constant 0 : i32
      %dma_wait3A_723 = arith.constant 0 : i32
      %dma_wait3A_724 = tpu.memref_slice %arg9[%dma_wait3A_711, %dma_wait3A_722, %dma_wait3A_723] : memref<8x64x128xf32, #tpu.memory_space<vmem>> -> memref<1x64x128xf32, #tpu.memory_space<vmem>>
      %dma_wait3A_725 = tpu.memref_squeeze %dma_wait3A_724 : memref<1x64x128xf32, #tpu.memory_space<vmem>> -> memref<64x128xf32, #tpu.memory_space<vmem>>
      %dma_wait3A_726 = arith.constant 0 : i32
      %dma_wait3A_727 = arith.constant 0 : i32
      %dma_wait3A_728 = tpu.memref_slice %arg3[%dma_wait3A_726, %dma_wait3A_727] : memref<64x1000000xf32, #tpu.memory_space<hbm>> -> memref<64x128xf32, #tpu.memory_space<hbm>>
      tpu.wait_dma2 semaphore(%dma_wait3A_721 : memref<!tpu.dma_semaphore, #tpu.memory_space<semaphore_mem>>) src(%dma_wait3A_728 : memref<64x128xf32, #tpu.memory_space<hbm>>) dst(%dma_wait3A_725 : memref<64x128xf32, #tpu.memory_space<vmem>>)
      %get3A_729 = arith.constant 1 : i32
      %get3A_730 = arith.index_cast %get3A_729 : i32 to index
      %get3A_731 = arith.index_cast %add3A_710 : i32 to index
      %get3A_732 = memref.load %arg7[%get3A_730, %get3A_731] : memref<2x512xi32, #tpu.memory_space<smem>>
      %and3A_733 = arith.constant 127 : i32
      %and3A_734 = arith.andi %get3A_732, %and3A_733 : i32
      %broadcast_in_dim3A_735 = vector.broadcast %and3A_734 : i32 to vector<16xi32>
      %broadcast_in_dim3A_736 = vector.broadcast %add3A_710 : i32 to vector<16xi32>
      %add3A_737 = arith.constant 0 : i32
      %add3A_738 = vector.broadcast %add3A_737 : i32 to vector<16xi32>
      %add3A_739 = arith.addi %iota3A, %add3A_738 : vector<16xi32>
      %gather3A_740 = arith.constant 3 : i32
      %gather3A_741 = arith.constant 0 : i32
      %gather3A_742 = arith.constant 0 : i32
      %gather3A_743 = tpu.memref_slice %arg9[%gather3A_740, %gather3A_741, %gather3A_742] : memref<8x64x128xf32, #tpu.memory_space<vmem>> -> memref<1x64x128xf32, #tpu.memory_space<vmem>>
      %gather3A_744 = tpu.memref_squeeze %gather3A_743 : memref<1x64x128xf32, #tpu.memory_space<vmem>> -> memref<64x128xf32, #tpu.memory_space<vmem>>
      %gather3A_745 = tpu.vector_load_idx %gather3A_744[%add3A_739, %broadcast_in_dim3A_735] : memref<64x128xf32, #tpu.memory_space<vmem>>[vector<16xi32>, vector<16xi32>], vector<16xf32>,
      tpu.vector_store_idx %arg10[%add3A_739, %broadcast_in_dim3A_736], %gather3A_745 : memref<64x512xf32, #tpu.memory_space<vmem>>[vector<16xi32>, vector<16xi32>], vector<16xf32>,
      %add3A_746 = arith.constant 16 : i32
      %add3A_747 = vector.broadcast %add3A_746 : i32 to vector<16xi32>
      %add3A_748 = arith.addi %iota3A, %add3A_747 : vector<16xi32>
      %gather3A_749 = arith.constant 3 : i32
      %gather3A_750 = arith.constant 0 : i32
      %gather3A_751 = arith.constant 0 : i32
      %gather3A_752 = tpu.memref_slice %arg9[%gather3A_749, %gather3A_750, %gather3A_751] : memref<8x64x128xf32, #tpu.memory_space<vmem>> -> memref<1x64x128xf32, #tpu.memory_space<vmem>>
      %gather3A_753 = tpu.memref_squeeze %gather3A_752 : memref<1x64x128xf32, #tpu.memory_space<vmem>> -> memref<64x128xf32, #tpu.memory_space<vmem>>
      %gather3A_754 = tpu.vector_load_idx %gather3A_753[%add3A_748, %broadcast_in_dim3A_735] : memref<64x128xf32, #tpu.memory_space<vmem>>[vector<16xi32>, vector<16xi32>], vector<16xf32>,
      tpu.vector_store_idx %arg10[%add3A_748, %broadcast_in_dim3A_736], %gather3A_754 : memref<64x512xf32, #tpu.memory_space<vmem>>[vector<16xi32>, vector<16xi32>], vector<16xf32>,
      %add3A_755 = arith.constant 32 : i32
      %add3A_756 = vector.broadcast %add3A_755 : i32 to vector<16xi32>
      %add3A_757 = arith.addi %iota3A, %add3A_756 : vector<16xi32>
      %gather3A_758 = arith.constant 3 : i32
      %gather3A_759 = arith.constant 0 : i32
      %gather3A_760 = arith.constant 0 : i32
      %gather3A_761 = tpu.memref_slice %arg9[%gather3A_758, %gather3A_759, %gather3A_760] : memref<8x64x128xf32, #tpu.memory_space<vmem>> -> memref<1x64x128xf32, #tpu.memory_space<vmem>>
      %gather3A_762 = tpu.memref_squeeze %gather3A_761 : memref<1x64x128xf32, #tpu.memory_space<vmem>> -> memref<64x128xf32, #tpu.memory_space<vmem>>
      %gather3A_763 = tpu.vector_load_idx %gather3A_762[%add3A_757, %broadcast_in_dim3A_735] : memref<64x128xf32, #tpu.memory_space<vmem>>[vector<16xi32>, vector<16xi32>], vector<16xf32>,
      tpu.vector_store_idx %arg10[%add3A_757, %broadcast_in_dim3A_736], %gather3A_763 : memref<64x512xf32, #tpu.memory_space<vmem>>[vector<16xi32>, vector<16xi32>], vector<16xf32>,
      %add3A_764 = arith.constant 48 : i32
      %add3A_765 = vector.broadcast %add3A_764 : i32 to vector<16xi32>
      %add3A_766 = arith.addi %iota3A, %add3A_765 : vector<16xi32>
      %gather3A_767 = arith.constant 3 : i32
      %gather3A_768 = arith.constant 0 : i32
      %gather3A_769 = arith.constant 0 : i32
      %gather3A_770 = tpu.memref_slice %arg9[%gather3A_767, %gather3A_768, %gather3A_769] : memref<8x64x128xf32, #tpu.memory_space<vmem>> -> memref<1x64x128xf32, #tpu.memory_space<vmem>>
      %gather3A_771 = tpu.memref_squeeze %gather3A_770 : memref<1x64x128xf32, #tpu.memory_space<vmem>> -> memref<64x128xf32, #tpu.memory_space<vmem>>
      %gather3A_772 = tpu.vector_load_idx %gather3A_771[%add3A_766, %broadcast_in_dim3A_735] : memref<64x128xf32, #tpu.memory_space<vmem>>[vector<16xi32>, vector<16xi32>], vector<16xf32>,
      tpu.vector_store_idx %arg10[%add3A_766, %broadcast_in_dim3A_736], %gather3A_772 : memref<64x512xf32, #tpu.memory_space<vmem>>[vector<16xi32>, vector<16xi32>], vector<16xf32>,
      %lt3A_773 = arith.constant 63 : i32
      %lt3A_774 = arith.cmpi slt, %add3A_500, %lt3A_773 : i32
      %convert_element_type3A_775 = arith.extui %lt3A_774 : i1 to i32
      %cond3A_776 = arith.constant 0 : i32
      %cond3A_777 = arith.cmpi ne, %convert_element_type3A_775, %cond3A_776 : i32
      scf.if %cond3A_777 {
        %add3A_1062 = arith.constant 8 : i32
        %add3A_1063 = arith.addi %add3A_710, %add3A_1062 : i32
        %get3A_1064 = arith.constant 1 : i32
        %get3A_1065 = arith.index_cast %get3A_1064 : i32 to index
        %get3A_1066 = arith.index_cast %add3A_1063 : i32 to index
        %get3A_1067 = memref.load %arg7[%get3A_1065, %get3A_1066] : memref<2x512xi32, #tpu.memory_space<smem>>
        %jit3A_1068 = arith.constant 0 : i32
        %jit3A_1069 = arith.constant 999999 : i32
        %max3A_1070 = arith.maxsi %jit3A_1068, %get3A_1067 : i32
        %min3A_1071 = arith.minsi %jit3A_1069, %max3A_1070 : i32
        %shift_right_arithmetic3A_1072 = arith.constant 7 : i32
        %shift_right_arithmetic3A_1073 = arith.shrsi %min3A_1071, %shift_right_arithmetic3A_1072 : i32
        %mul3A_1074 = arith.constant 128 : i32
        %mul3A_1075 = arith.muli %shift_right_arithmetic3A_1073, %mul3A_1074 : i32
        %multiple_of3A_1076 = tpu.assume_multiple %mul3A_1075, 128 : i32
        %dma_start3A_1077 = arith.constant 3 : i32
        %dma_start3A_1078 = arith.constant 3 : i32
        %dma_start3A_1079 = arith.constant 0 : i32
        %dma_start3A_1080 = arith.constant 0 : i32
        %dma_start3A_1081 = tpu.memref_slice %arg9[%dma_start3A_1077, %dma_start3A_1079, %dma_start3A_1080] : memref<8x64x128xf32, #tpu.memory_space<vmem>> -> memref<1x64x128xf32, #tpu.memory_space<vmem>>
        %dma_start3A_1082 = tpu.memref_squeeze %dma_start3A_1081 : memref<1x64x128xf32, #tpu.memory_space<vmem>> -> memref<64x128xf32, #tpu.memory_space<vmem>>
        %dma_start3A_1083 = arith.constant 0 : i32
        %dma_start3A_1084 = tpu.memref_slice %arg3[%dma_start3A_1083, %multiple_of3A_1076] : memref<64x1000000xf32, #tpu.memory_space<hbm>> -> memref<64x128xf32, #tpu.memory_space<hbm>>
        %dma_start3A_1085 = tpu.memref_slice %arg11[%dma_start3A_1078] : memref<8x!tpu.dma_semaphore, #tpu.memory_space<semaphore_mem>> -> memref<1x!tpu.dma_semaphore, #tpu.memory_space<semaphore_mem>>
        %dma_start3A_1086 = tpu.memref_squeeze %dma_start3A_1085 : memref<1x!tpu.dma_semaphore, #tpu.memory_space<semaphore_mem>> -> memref<!tpu.dma_semaphore, #tpu.memory_space<semaphore_mem>>
        %dma_start3A_1087 = arith.constant 0 : i32
        %dma_start3A_1088 = arith.constant 0 : i32
        %dma_start3A_1089 = tpu.memref_slice %arg9[%dma_start3A_1077, %dma_start3A_1087, %dma_start3A_1088] : memref<8x64x128xf32, #tpu.memory_space<vmem>> -> memref<1x64x128xf32, #tpu.memory_space<vmem>>
        %dma_start3A_1090 = tpu.memref_squeeze %dma_start3A_1089 : memref<1x64x128xf32, #tpu.memory_space<vmem>> -> memref<64x128xf32, #tpu.memory_space<vmem>>
        %dma_start3A_1091 = arith.constant 0 : i32
        %dma_start3A_1092 = tpu.memref_slice %arg3[%dma_start3A_1091, %multiple_of3A_1076] : memref<64x1000000xf32, #tpu.memory_space<hbm>> -> memref<64x128xf32, #tpu.memory_space<hbm>>
        tpu.enqueue_dma source(%dma_start3A_1092 : memref<64x128xf32, #tpu.memory_space<hbm>>) target(%dma_start3A_1090 : memref<64x128xf32, #tpu.memory_space<vmem>>) target_semaphore(%dma_start3A_1086 : memref<!tpu.dma_semaphore, #tpu.memory_space<semaphore_mem>>)
      } else {
      }
      %mul3A_778 = arith.constant 8 : i32
      %mul3A_779 = arith.muli %add3A_500, %mul3A_778 : i32
      %add3A_780 = arith.constant 4 : i32
      %add3A_781 = arith.addi %mul3A_779, %add3A_780 : i32
      %dma_wait3A_782 = arith.constant 4 : i32
      %dma_wait3A_783 = arith.constant 4 : i32
      %dma_wait3A_784 = arith.constant 0 : i32
      %dma_wait3A_785 = arith.constant 0 : i32
      %dma_wait3A_786 = tpu.memref_slice %arg9[%dma_wait3A_782, %dma_wait3A_784, %dma_wait3A_785] : memref<8x64x128xf32, #tpu.memory_space<vmem>> -> memref<1x64x128xf32, #tpu.memory_space<vmem>>
      %dma_wait3A_787 = tpu.memref_squeeze %dma_wait3A_786 : memref<1x64x128xf32, #tpu.memory_space<vmem>> -> memref<64x128xf32, #tpu.memory_space<vmem>>
      %dma_wait3A_788 = arith.constant 0 : i32
      %dma_wait3A_789 = arith.constant 0 : i32
      %dma_wait3A_790 = tpu.memref_slice %arg3[%dma_wait3A_788, %dma_wait3A_789] : memref<64x1000000xf32, #tpu.memory_space<hbm>> -> memref<64x128xf32, #tpu.memory_space<hbm>>
      %dma_wait3A_791 = tpu.memref_slice %arg11[%dma_wait3A_783] : memref<8x!tpu.dma_semaphore, #tpu.memory_space<semaphore_mem>> -> memref<1x!tpu.dma_semaphore, #tpu.memory_space<semaphore_mem>>
      %dma_wait3A_792 = tpu.memref_squeeze %dma_wait3A_791 : memref<1x!tpu.dma_semaphore, #tpu.memory_space<semaphore_mem>> -> memref<!tpu.dma_semaphore, #tpu.memory_space<semaphore_mem>>
      %dma_wait3A_793 = arith.constant 0 : i32
      %dma_wait3A_794 = arith.constant 0 : i32
      %dma_wait3A_795 = tpu.memref_slice %arg9[%dma_wait3A_782, %dma_wait3A_793, %dma_wait3A_794] : memref<8x64x128xf32, #tpu.memory_space<vmem>> -> memref<1x64x128xf32, #tpu.memory_space<vmem>>
      %dma_wait3A_796 = tpu.memref_squeeze %dma_wait3A_795 : memref<1x64x128xf32, #tpu.memory_space<vmem>> -> memref<64x128xf32, #tpu.memory_space<vmem>>
      %dma_wait3A_797 = arith.constant 0 : i32
      %dma_wait3A_798 = arith.constant 0 : i32
      %dma_wait3A_799 = tpu.memref_slice %arg3[%dma_wait3A_797, %dma_wait3A_798] : memref<64x1000000xf32, #tpu.memory_space<hbm>> -> memref<64x128xf32, #tpu.memory_space<hbm>>
      tpu.wait_dma2 semaphore(%dma_wait3A_792 : memref<!tpu.dma_semaphore, #tpu.memory_space<semaphore_mem>>) src(%dma_wait3A_799 : memref<64x128xf32, #tpu.memory_space<hbm>>) dst(%dma_wait3A_796 : memref<64x128xf32, #tpu.memory_space<vmem>>)
      %get3A_800 = arith.constant 1 : i32
      %get3A_801 = arith.index_cast %get3A_800 : i32 to index
      %get3A_802 = arith.index_cast %add3A_781 : i32 to index
      %get3A_803 = memref.load %arg7[%get3A_801, %get3A_802] : memref<2x512xi32, #tpu.memory_space<smem>>
      %and3A_804 = arith.constant 127 : i32
      %and3A_805 = arith.andi %get3A_803, %and3A_804 : i32
      %broadcast_in_dim3A_806 = vector.broadcast %and3A_805 : i32 to vector<16xi32>
      %broadcast_in_dim3A_807 = vector.broadcast %add3A_781 : i32 to vector<16xi32>
      %add3A_808 = arith.constant 0 : i32
      %add3A_809 = vector.broadcast %add3A_808 : i32 to vector<16xi32>
      %add3A_810 = arith.addi %iota3A, %add3A_809 : vector<16xi32>
      %gather3A_811 = arith.constant 4 : i32
      %gather3A_812 = arith.constant 0 : i32
      %gather3A_813 = arith.constant 0 : i32
      %gather3A_814 = tpu.memref_slice %arg9[%gather3A_811, %gather3A_812, %gather3A_813] : memref<8x64x128xf32, #tpu.memory_space<vmem>> -> memref<1x64x128xf32, #tpu.memory_space<vmem>>
      %gather3A_815 = tpu.memref_squeeze %gather3A_814 : memref<1x64x128xf32, #tpu.memory_space<vmem>> -> memref<64x128xf32, #tpu.memory_space<vmem>>
      %gather3A_816 = tpu.vector_load_idx %gather3A_815[%add3A_810, %broadcast_in_dim3A_806] : memref<64x128xf32, #tpu.memory_space<vmem>>[vector<16xi32>, vector<16xi32>], vector<16xf32>,
      tpu.vector_store_idx %arg10[%add3A_810, %broadcast_in_dim3A_807], %gather3A_816 : memref<64x512xf32, #tpu.memory_space<vmem>>[vector<16xi32>, vector<16xi32>], vector<16xf32>,
      %add3A_817 = arith.constant 16 : i32
      %add3A_818 = vector.broadcast %add3A_817 : i32 to vector<16xi32>
      %add3A_819 = arith.addi %iota3A, %add3A_818 : vector<16xi32>
      %gather3A_820 = arith.constant 4 : i32
      %gather3A_821 = arith.constant 0 : i32
      %gather3A_822 = arith.constant 0 : i32
      %gather3A_823 = tpu.memref_slice %arg9[%gather3A_820, %gather3A_821, %gather3A_822] : memref<8x64x128xf32, #tpu.memory_space<vmem>> -> memref<1x64x128xf32, #tpu.memory_space<vmem>>
      %gather3A_824 = tpu.memref_squeeze %gather3A_823 : memref<1x64x128xf32, #tpu.memory_space<vmem>> -> memref<64x128xf32, #tpu.memory_space<vmem>>
      %gather3A_825 = tpu.vector_load_idx %gather3A_824[%add3A_819, %broadcast_in_dim3A_806] : memref<64x128xf32, #tpu.memory_space<vmem>>[vector<16xi32>, vector<16xi32>], vector<16xf32>,
      tpu.vector_store_idx %arg10[%add3A_819, %broadcast_in_dim3A_807], %gather3A_825 : memref<64x512xf32, #tpu.memory_space<vmem>>[vector<16xi32>, vector<16xi32>], vector<16xf32>,
      %add3A_826 = arith.constant 32 : i32
      %add3A_827 = vector.broadcast %add3A_826 : i32 to vector<16xi32>
      %add3A_828 = arith.addi %iota3A, %add3A_827 : vector<16xi32>
      %gather3A_829 = arith.constant 4 : i32
      %gather3A_830 = arith.constant 0 : i32
      %gather3A_831 = arith.constant 0 : i32
      %gather3A_832 = tpu.memref_slice %arg9[%gather3A_829, %gather3A_830, %gather3A_831] : memref<8x64x128xf32, #tpu.memory_space<vmem>> -> memref<1x64x128xf32, #tpu.memory_space<vmem>>
      %gather3A_833 = tpu.memref_squeeze %gather3A_832 : memref<1x64x128xf32, #tpu.memory_space<vmem>> -> memref<64x128xf32, #tpu.memory_space<vmem>>
      %gather3A_834 = tpu.vector_load_idx %gather3A_833[%add3A_828, %broadcast_in_dim3A_806] : memref<64x128xf32, #tpu.memory_space<vmem>>[vector<16xi32>, vector<16xi32>], vector<16xf32>,
      tpu.vector_store_idx %arg10[%add3A_828, %broadcast_in_dim3A_807], %gather3A_834 : memref<64x512xf32, #tpu.memory_space<vmem>>[vector<16xi32>, vector<16xi32>], vector<16xf32>,
      %add3A_835 = arith.constant 48 : i32
      %add3A_836 = vector.broadcast %add3A_835 : i32 to vector<16xi32>
      %add3A_837 = arith.addi %iota3A, %add3A_836 : vector<16xi32>
      %gather3A_838 = arith.constant 4 : i32
      %gather3A_839 = arith.constant 0 : i32
      %gather3A_840 = arith.constant 0 : i32
      %gather3A_841 = tpu.memref_slice %arg9[%gather3A_838, %gather3A_839, %gather3A_840] : memref<8x64x128xf32, #tpu.memory_space<vmem>> -> memref<1x64x128xf32, #tpu.memory_space<vmem>>
      %gather3A_842 = tpu.memref_squeeze %gather3A_841 : memref<1x64x128xf32, #tpu.memory_space<vmem>> -> memref<64x128xf32, #tpu.memory_space<vmem>>
      %gather3A_843 = tpu.vector_load_idx %gather3A_842[%add3A_837, %broadcast_in_dim3A_806] : memref<64x128xf32, #tpu.memory_space<vmem>>[vector<16xi32>, vector<16xi32>], vector<16xf32>,
      tpu.vector_store_idx %arg10[%add3A_837, %broadcast_in_dim3A_807], %gather3A_843 : memref<64x512xf32, #tpu.memory_space<vmem>>[vector<16xi32>, vector<16xi32>], vector<16xf32>,
      %lt3A_844 = arith.constant 63 : i32
      %lt3A_845 = arith.cmpi slt, %add3A_500, %lt3A_844 : i32
      %convert_element_type3A_846 = arith.extui %lt3A_845 : i1 to i32
      %cond3A_847 = arith.constant 0 : i32
      %cond3A_848 = arith.cmpi ne, %convert_element_type3A_846, %cond3A_847 : i32
      scf.if %cond3A_848 {
        %add3A_1062 = arith.constant 8 : i32
        %add3A_1063 = arith.addi %add3A_781, %add3A_1062 : i32
        %get3A_1064 = arith.constant 1 : i32
        %get3A_1065 = arith.index_cast %get3A_1064 : i32 to index
        %get3A_1066 = arith.index_cast %add3A_1063 : i32 to index
        %get3A_1067 = memref.load %arg7[%get3A_1065, %get3A_1066] : memref<2x512xi32, #tpu.memory_space<smem>>
        %jit3A_1068 = arith.constant 0 : i32
        %jit3A_1069 = arith.constant 999999 : i32
        %max3A_1070 = arith.maxsi %jit3A_1068, %get3A_1067 : i32
        %min3A_1071 = arith.minsi %jit3A_1069, %max3A_1070 : i32
        %shift_right_arithmetic3A_1072 = arith.constant 7 : i32
        %shift_right_arithmetic3A_1073 = arith.shrsi %min3A_1071, %shift_right_arithmetic3A_1072 : i32
        %mul3A_1074 = arith.constant 128 : i32
        %mul3A_1075 = arith.muli %shift_right_arithmetic3A_1073, %mul3A_1074 : i32
        %multiple_of3A_1076 = tpu.assume_multiple %mul3A_1075, 128 : i32
        %dma_start3A_1077 = arith.constant 4 : i32
        %dma_start3A_1078 = arith.constant 4 : i32
        %dma_start3A_1079 = arith.constant 0 : i32
        %dma_start3A_1080 = arith.constant 0 : i32
        %dma_start3A_1081 = tpu.memref_slice %arg9[%dma_start3A_1077, %dma_start3A_1079, %dma_start3A_1080] : memref<8x64x128xf32, #tpu.memory_space<vmem>> -> memref<1x64x128xf32, #tpu.memory_space<vmem>>
        %dma_start3A_1082 = tpu.memref_squeeze %dma_start3A_1081 : memref<1x64x128xf32, #tpu.memory_space<vmem>> -> memref<64x128xf32, #tpu.memory_space<vmem>>
        %dma_start3A_1083 = arith.constant 0 : i32
        %dma_start3A_1084 = tpu.memref_slice %arg3[%dma_start3A_1083, %multiple_of3A_1076] : memref<64x1000000xf32, #tpu.memory_space<hbm>> -> memref<64x128xf32, #tpu.memory_space<hbm>>
        %dma_start3A_1085 = tpu.memref_slice %arg11[%dma_start3A_1078] : memref<8x!tpu.dma_semaphore, #tpu.memory_space<semaphore_mem>> -> memref<1x!tpu.dma_semaphore, #tpu.memory_space<semaphore_mem>>
        %dma_start3A_1086 = tpu.memref_squeeze %dma_start3A_1085 : memref<1x!tpu.dma_semaphore, #tpu.memory_space<semaphore_mem>> -> memref<!tpu.dma_semaphore, #tpu.memory_space<semaphore_mem>>
        %dma_start3A_1087 = arith.constant 0 : i32
        %dma_start3A_1088 = arith.constant 0 : i32
        %dma_start3A_1089 = tpu.memref_slice %arg9[%dma_start3A_1077, %dma_start3A_1087, %dma_start3A_1088] : memref<8x64x128xf32, #tpu.memory_space<vmem>> -> memref<1x64x128xf32, #tpu.memory_space<vmem>>
        %dma_start3A_1090 = tpu.memref_squeeze %dma_start3A_1089 : memref<1x64x128xf32, #tpu.memory_space<vmem>> -> memref<64x128xf32, #tpu.memory_space<vmem>>
        %dma_start3A_1091 = arith.constant 0 : i32
        %dma_start3A_1092 = tpu.memref_slice %arg3[%dma_start3A_1091, %multiple_of3A_1076] : memref<64x1000000xf32, #tpu.memory_space<hbm>> -> memref<64x128xf32, #tpu.memory_space<hbm>>
        tpu.enqueue_dma source(%dma_start3A_1092 : memref<64x128xf32, #tpu.memory_space<hbm>>) target(%dma_start3A_1090 : memref<64x128xf32, #tpu.memory_space<vmem>>) target_semaphore(%dma_start3A_1086 : memref<!tpu.dma_semaphore, #tpu.memory_space<semaphore_mem>>)
      } else {
      }
      %mul3A_849 = arith.constant 8 : i32
      %mul3A_850 = arith.muli %add3A_500, %mul3A_849 : i32
      %add3A_851 = arith.constant 5 : i32
      %add3A_852 = arith.addi %mul3A_850, %add3A_851 : i32
      %dma_wait3A_853 = arith.constant 5 : i32
      %dma_wait3A_854 = arith.constant 5 : i32
      %dma_wait3A_855 = arith.constant 0 : i32
      %dma_wait3A_856 = arith.constant 0 : i32
      %dma_wait3A_857 = tpu.memref_slice %arg9[%dma_wait3A_853, %dma_wait3A_855, %dma_wait3A_856] : memref<8x64x128xf32, #tpu.memory_space<vmem>> -> memref<1x64x128xf32, #tpu.memory_space<vmem>>
      %dma_wait3A_858 = tpu.memref_squeeze %dma_wait3A_857 : memref<1x64x128xf32, #tpu.memory_space<vmem>> -> memref<64x128xf32, #tpu.memory_space<vmem>>
      %dma_wait3A_859 = arith.constant 0 : i32
      %dma_wait3A_860 = arith.constant 0 : i32
      %dma_wait3A_861 = tpu.memref_slice %arg3[%dma_wait3A_859, %dma_wait3A_860] : memref<64x1000000xf32, #tpu.memory_space<hbm>> -> memref<64x128xf32, #tpu.memory_space<hbm>>
      %dma_wait3A_862 = tpu.memref_slice %arg11[%dma_wait3A_854] : memref<8x!tpu.dma_semaphore, #tpu.memory_space<semaphore_mem>> -> memref<1x!tpu.dma_semaphore, #tpu.memory_space<semaphore_mem>>
      %dma_wait3A_863 = tpu.memref_squeeze %dma_wait3A_862 : memref<1x!tpu.dma_semaphore, #tpu.memory_space<semaphore_mem>> -> memref<!tpu.dma_semaphore, #tpu.memory_space<semaphore_mem>>
      %dma_wait3A_864 = arith.constant 0 : i32
      %dma_wait3A_865 = arith.constant 0 : i32
      %dma_wait3A_866 = tpu.memref_slice %arg9[%dma_wait3A_853, %dma_wait3A_864, %dma_wait3A_865] : memref<8x64x128xf32, #tpu.memory_space<vmem>> -> memref<1x64x128xf32, #tpu.memory_space<vmem>>
      %dma_wait3A_867 = tpu.memref_squeeze %dma_wait3A_866 : memref<1x64x128xf32, #tpu.memory_space<vmem>> -> memref<64x128xf32, #tpu.memory_space<vmem>>
      %dma_wait3A_868 = arith.constant 0 : i32
      %dma_wait3A_869 = arith.constant 0 : i32
      %dma_wait3A_870 = tpu.memref_slice %arg3[%dma_wait3A_868, %dma_wait3A_869] : memref<64x1000000xf32, #tpu.memory_space<hbm>> -> memref<64x128xf32, #tpu.memory_space<hbm>>
      tpu.wait_dma2 semaphore(%dma_wait3A_863 : memref<!tpu.dma_semaphore, #tpu.memory_space<semaphore_mem>>) src(%dma_wait3A_870 : memref<64x128xf32, #tpu.memory_space<hbm>>) dst(%dma_wait3A_867 : memref<64x128xf32, #tpu.memory_space<vmem>>)
      %get3A_871 = arith.constant 1 : i32
      %get3A_872 = arith.index_cast %get3A_871 : i32 to index
      %get3A_873 = arith.index_cast %add3A_852 : i32 to index
      %get3A_874 = memref.load %arg7[%get3A_872, %get3A_873] : memref<2x512xi32, #tpu.memory_space<smem>>
      %and3A_875 = arith.constant 127 : i32
      %and3A_876 = arith.andi %get3A_874, %and3A_875 : i32
      %broadcast_in_dim3A_877 = vector.broadcast %and3A_876 : i32 to vector<16xi32>
      %broadcast_in_dim3A_878 = vector.broadcast %add3A_852 : i32 to vector<16xi32>
      %add3A_879 = arith.constant 0 : i32
      %add3A_880 = vector.broadcast %add3A_879 : i32 to vector<16xi32>
      %add3A_881 = arith.addi %iota3A, %add3A_880 : vector<16xi32>
      %gather3A_882 = arith.constant 5 : i32
      %gather3A_883 = arith.constant 0 : i32
      %gather3A_884 = arith.constant 0 : i32
      %gather3A_885 = tpu.memref_slice %arg9[%gather3A_882, %gather3A_883, %gather3A_884] : memref<8x64x128xf32, #tpu.memory_space<vmem>> -> memref<1x64x128xf32, #tpu.memory_space<vmem>>
      %gather3A_886 = tpu.memref_squeeze %gather3A_885 : memref<1x64x128xf32, #tpu.memory_space<vmem>> -> memref<64x128xf32, #tpu.memory_space<vmem>>
      %gather3A_887 = tpu.vector_load_idx %gather3A_886[%add3A_881, %broadcast_in_dim3A_877] : memref<64x128xf32, #tpu.memory_space<vmem>>[vector<16xi32>, vector<16xi32>], vector<16xf32>,
      tpu.vector_store_idx %arg10[%add3A_881, %broadcast_in_dim3A_878], %gather3A_887 : memref<64x512xf32, #tpu.memory_space<vmem>>[vector<16xi32>, vector<16xi32>], vector<16xf32>,
      %add3A_888 = arith.constant 16 : i32
      %add3A_889 = vector.broadcast %add3A_888 : i32 to vector<16xi32>
      %add3A_890 = arith.addi %iota3A, %add3A_889 : vector<16xi32>
      %gather3A_891 = arith.constant 5 : i32
      %gather3A_892 = arith.constant 0 : i32
      %gather3A_893 = arith.constant 0 : i32
      %gather3A_894 = tpu.memref_slice %arg9[%gather3A_891, %gather3A_892, %gather3A_893] : memref<8x64x128xf32, #tpu.memory_space<vmem>> -> memref<1x64x128xf32, #tpu.memory_space<vmem>>
      %gather3A_895 = tpu.memref_squeeze %gather3A_894 : memref<1x64x128xf32, #tpu.memory_space<vmem>> -> memref<64x128xf32, #tpu.memory_space<vmem>>
      %gather3A_896 = tpu.vector_load_idx %gather3A_895[%add3A_890, %broadcast_in_dim3A_877] : memref<64x128xf32, #tpu.memory_space<vmem>>[vector<16xi32>, vector<16xi32>], vector<16xf32>,
      tpu.vector_store_idx %arg10[%add3A_890, %broadcast_in_dim3A_878], %gather3A_896 : memref<64x512xf32, #tpu.memory_space<vmem>>[vector<16xi32>, vector<16xi32>], vector<16xf32>,
      %add3A_897 = arith.constant 32 : i32
      %add3A_898 = vector.broadcast %add3A_897 : i32 to vector<16xi32>
      %add3A_899 = arith.addi %iota3A, %add3A_898 : vector<16xi32>
      %gather3A_900 = arith.constant 5 : i32
      %gather3A_901 = arith.constant 0 : i32
      %gather3A_902 = arith.constant 0 : i32
      %gather3A_903 = tpu.memref_slice %arg9[%gather3A_900, %gather3A_901, %gather3A_902] : memref<8x64x128xf32, #tpu.memory_space<vmem>> -> memref<1x64x128xf32, #tpu.memory_space<vmem>>
      %gather3A_904 = tpu.memref_squeeze %gather3A_903 : memref<1x64x128xf32, #tpu.memory_space<vmem>> -> memref<64x128xf32, #tpu.memory_space<vmem>>
      %gather3A_905 = tpu.vector_load_idx %gather3A_904[%add3A_899, %broadcast_in_dim3A_877] : memref<64x128xf32, #tpu.memory_space<vmem>>[vector<16xi32>, vector<16xi32>], vector<16xf32>,
      tpu.vector_store_idx %arg10[%add3A_899, %broadcast_in_dim3A_878], %gather3A_905 : memref<64x512xf32, #tpu.memory_space<vmem>>[vector<16xi32>, vector<16xi32>], vector<16xf32>,
      %add3A_906 = arith.constant 48 : i32
      %add3A_907 = vector.broadcast %add3A_906 : i32 to vector<16xi32>
      %add3A_908 = arith.addi %iota3A, %add3A_907 : vector<16xi32>
      %gather3A_909 = arith.constant 5 : i32
      %gather3A_910 = arith.constant 0 : i32
      %gather3A_911 = arith.constant 0 : i32
      %gather3A_912 = tpu.memref_slice %arg9[%gather3A_909, %gather3A_910, %gather3A_911] : memref<8x64x128xf32, #tpu.memory_space<vmem>> -> memref<1x64x128xf32, #tpu.memory_space<vmem>>
      %gather3A_913 = tpu.memref_squeeze %gather3A_912 : memref<1x64x128xf32, #tpu.memory_space<vmem>> -> memref<64x128xf32, #tpu.memory_space<vmem>>
      %gather3A_914 = tpu.vector_load_idx %gather3A_913[%add3A_908, %broadcast_in_dim3A_877] : memref<64x128xf32, #tpu.memory_space<vmem>>[vector<16xi32>, vector<16xi32>], vector<16xf32>,
      tpu.vector_store_idx %arg10[%add3A_908, %broadcast_in_dim3A_878], %gather3A_914 : memref<64x512xf32, #tpu.memory_space<vmem>>[vector<16xi32>, vector<16xi32>], vector<16xf32>,
      %lt3A_915 = arith.constant 63 : i32
      %lt3A_916 = arith.cmpi slt, %add3A_500, %lt3A_915 : i32
      %convert_element_type3A_917 = arith.extui %lt3A_916 : i1 to i32
      %cond3A_918 = arith.constant 0 : i32
      %cond3A_919 = arith.cmpi ne, %convert_element_type3A_917, %cond3A_918 : i32
      scf.if %cond3A_919 {
        %add3A_1062 = arith.constant 8 : i32
        %add3A_1063 = arith.addi %add3A_852, %add3A_1062 : i32
        %get3A_1064 = arith.constant 1 : i32
        %get3A_1065 = arith.index_cast %get3A_1064 : i32 to index
        %get3A_1066 = arith.index_cast %add3A_1063 : i32 to index
        %get3A_1067 = memref.load %arg7[%get3A_1065, %get3A_1066] : memref<2x512xi32, #tpu.memory_space<smem>>
        %jit3A_1068 = arith.constant 0 : i32
        %jit3A_1069 = arith.constant 999999 : i32
        %max3A_1070 = arith.maxsi %jit3A_1068, %get3A_1067 : i32
        %min3A_1071 = arith.minsi %jit3A_1069, %max3A_1070 : i32
        %shift_right_arithmetic3A_1072 = arith.constant 7 : i32
        %shift_right_arithmetic3A_1073 = arith.shrsi %min3A_1071, %shift_right_arithmetic3A_1072 : i32
        %mul3A_1074 = arith.constant 128 : i32
        %mul3A_1075 = arith.muli %shift_right_arithmetic3A_1073, %mul3A_1074 : i32
        %multiple_of3A_1076 = tpu.assume_multiple %mul3A_1075, 128 : i32
        %dma_start3A_1077 = arith.constant 5 : i32
        %dma_start3A_1078 = arith.constant 5 : i32
        %dma_start3A_1079 = arith.constant 0 : i32
        %dma_start3A_1080 = arith.constant 0 : i32
        %dma_start3A_1081 = tpu.memref_slice %arg9[%dma_start3A_1077, %dma_start3A_1079, %dma_start3A_1080] : memref<8x64x128xf32, #tpu.memory_space<vmem>> -> memref<1x64x128xf32, #tpu.memory_space<vmem>>
        %dma_start3A_1082 = tpu.memref_squeeze %dma_start3A_1081 : memref<1x64x128xf32, #tpu.memory_space<vmem>> -> memref<64x128xf32, #tpu.memory_space<vmem>>
        %dma_start3A_1083 = arith.constant 0 : i32
        %dma_start3A_1084 = tpu.memref_slice %arg3[%dma_start3A_1083, %multiple_of3A_1076] : memref<64x1000000xf32, #tpu.memory_space<hbm>> -> memref<64x128xf32, #tpu.memory_space<hbm>>
        %dma_start3A_1085 = tpu.memref_slice %arg11[%dma_start3A_1078] : memref<8x!tpu.dma_semaphore, #tpu.memory_space<semaphore_mem>> -> memref<1x!tpu.dma_semaphore, #tpu.memory_space<semaphore_mem>>
        %dma_start3A_1086 = tpu.memref_squeeze %dma_start3A_1085 : memref<1x!tpu.dma_semaphore, #tpu.memory_space<semaphore_mem>> -> memref<!tpu.dma_semaphore, #tpu.memory_space<semaphore_mem>>
        %dma_start3A_1087 = arith.constant 0 : i32
        %dma_start3A_1088 = arith.constant 0 : i32
        %dma_start3A_1089 = tpu.memref_slice %arg9[%dma_start3A_1077, %dma_start3A_1087, %dma_start3A_1088] : memref<8x64x128xf32, #tpu.memory_space<vmem>> -> memref<1x64x128xf32, #tpu.memory_space<vmem>>
        %dma_start3A_1090 = tpu.memref_squeeze %dma_start3A_1089 : memref<1x64x128xf32, #tpu.memory_space<vmem>> -> memref<64x128xf32, #tpu.memory_space<vmem>>
        %dma_start3A_1091 = arith.constant 0 : i32
        %dma_start3A_1092 = tpu.memref_slice %arg3[%dma_start3A_1091, %multiple_of3A_1076] : memref<64x1000000xf32, #tpu.memory_space<hbm>> -> memref<64x128xf32, #tpu.memory_space<hbm>>
        tpu.enqueue_dma source(%dma_start3A_1092 : memref<64x128xf32, #tpu.memory_space<hbm>>) target(%dma_start3A_1090 : memref<64x128xf32, #tpu.memory_space<vmem>>) target_semaphore(%dma_start3A_1086 : memref<!tpu.dma_semaphore, #tpu.memory_space<semaphore_mem>>)
      } else {
      }
      %mul3A_920 = arith.constant 8 : i32
      %mul3A_921 = arith.muli %add3A_500, %mul3A_920 : i32
      %add3A_922 = arith.constant 6 : i32
      %add3A_923 = arith.addi %mul3A_921, %add3A_922 : i32
      %dma_wait3A_924 = arith.constant 6 : i32
      %dma_wait3A_925 = arith.constant 6 : i32
      %dma_wait3A_926 = arith.constant 0 : i32
      %dma_wait3A_927 = arith.constant 0 : i32
      %dma_wait3A_928 = tpu.memref_slice %arg9[%dma_wait3A_924, %dma_wait3A_926, %dma_wait3A_927] : memref<8x64x128xf32, #tpu.memory_space<vmem>> -> memref<1x64x128xf32, #tpu.memory_space<vmem>>
      %dma_wait3A_929 = tpu.memref_squeeze %dma_wait3A_928 : memref<1x64x128xf32, #tpu.memory_space<vmem>> -> memref<64x128xf32, #tpu.memory_space<vmem>>
      %dma_wait3A_930 = arith.constant 0 : i32
      %dma_wait3A_931 = arith.constant 0 : i32
      %dma_wait3A_932 = tpu.memref_slice %arg3[%dma_wait3A_930, %dma_wait3A_931] : memref<64x1000000xf32, #tpu.memory_space<hbm>> -> memref<64x128xf32, #tpu.memory_space<hbm>>
      %dma_wait3A_933 = tpu.memref_slice %arg11[%dma_wait3A_925] : memref<8x!tpu.dma_semaphore, #tpu.memory_space<semaphore_mem>> -> memref<1x!tpu.dma_semaphore, #tpu.memory_space<semaphore_mem>>
      %dma_wait3A_934 = tpu.memref_squeeze %dma_wait3A_933 : memref<1x!tpu.dma_semaphore, #tpu.memory_space<semaphore_mem>> -> memref<!tpu.dma_semaphore, #tpu.memory_space<semaphore_mem>>
      %dma_wait3A_935 = arith.constant 0 : i32
      %dma_wait3A_936 = arith.constant 0 : i32
      %dma_wait3A_937 = tpu.memref_slice %arg9[%dma_wait3A_924, %dma_wait3A_935, %dma_wait3A_936] : memref<8x64x128xf32, #tpu.memory_space<vmem>> -> memref<1x64x128xf32, #tpu.memory_space<vmem>>
      %dma_wait3A_938 = tpu.memref_squeeze %dma_wait3A_937 : memref<1x64x128xf32, #tpu.memory_space<vmem>> -> memref<64x128xf32, #tpu.memory_space<vmem>>
      %dma_wait3A_939 = arith.constant 0 : i32
      %dma_wait3A_940 = arith.constant 0 : i32
      %dma_wait3A_941 = tpu.memref_slice %arg3[%dma_wait3A_939, %dma_wait3A_940] : memref<64x1000000xf32, #tpu.memory_space<hbm>> -> memref<64x128xf32, #tpu.memory_space<hbm>>
      tpu.wait_dma2 semaphore(%dma_wait3A_934 : memref<!tpu.dma_semaphore, #tpu.memory_space<semaphore_mem>>) src(%dma_wait3A_941 : memref<64x128xf32, #tpu.memory_space<hbm>>) dst(%dma_wait3A_938 : memref<64x128xf32, #tpu.memory_space<vmem>>)
      %get3A_942 = arith.constant 1 : i32
      %get3A_943 = arith.index_cast %get3A_942 : i32 to index
      %get3A_944 = arith.index_cast %add3A_923 : i32 to index
      %get3A_945 = memref.load %arg7[%get3A_943, %get3A_944] : memref<2x512xi32, #tpu.memory_space<smem>>
      %and3A_946 = arith.constant 127 : i32
      %and3A_947 = arith.andi %get3A_945, %and3A_946 : i32
      %broadcast_in_dim3A_948 = vector.broadcast %and3A_947 : i32 to vector<16xi32>
      %broadcast_in_dim3A_949 = vector.broadcast %add3A_923 : i32 to vector<16xi32>
      %add3A_950 = arith.constant 0 : i32
      %add3A_951 = vector.broadcast %add3A_950 : i32 to vector<16xi32>
      %add3A_952 = arith.addi %iota3A, %add3A_951 : vector<16xi32>
      %gather3A_953 = arith.constant 6 : i32
      %gather3A_954 = arith.constant 0 : i32
      %gather3A_955 = arith.constant 0 : i32
      %gather3A_956 = tpu.memref_slice %arg9[%gather3A_953, %gather3A_954, %gather3A_955] : memref<8x64x128xf32, #tpu.memory_space<vmem>> -> memref<1x64x128xf32, #tpu.memory_space<vmem>>
      %gather3A_957 = tpu.memref_squeeze %gather3A_956 : memref<1x64x128xf32, #tpu.memory_space<vmem>> -> memref<64x128xf32, #tpu.memory_space<vmem>>
      %gather3A_958 = tpu.vector_load_idx %gather3A_957[%add3A_952, %broadcast_in_dim3A_948] : memref<64x128xf32, #tpu.memory_space<vmem>>[vector<16xi32>, vector<16xi32>], vector<16xf32>,
      tpu.vector_store_idx %arg10[%add3A_952, %broadcast_in_dim3A_949], %gather3A_958 : memref<64x512xf32, #tpu.memory_space<vmem>>[vector<16xi32>, vector<16xi32>], vector<16xf32>,
      %add3A_959 = arith.constant 16 : i32
      %add3A_960 = vector.broadcast %add3A_959 : i32 to vector<16xi32>
      %add3A_961 = arith.addi %iota3A, %add3A_960 : vector<16xi32>
      %gather3A_962 = arith.constant 6 : i32
      %gather3A_963 = arith.constant 0 : i32
      %gather3A_964 = arith.constant 0 : i32
      %gather3A_965 = tpu.memref_slice %arg9[%gather3A_962, %gather3A_963, %gather3A_964] : memref<8x64x128xf32, #tpu.memory_space<vmem>> -> memref<1x64x128xf32, #tpu.memory_space<vmem>>
      %gather3A_966 = tpu.memref_squeeze %gather3A_965 : memref<1x64x128xf32, #tpu.memory_space<vmem>> -> memref<64x128xf32, #tpu.memory_space<vmem>>
      %gather3A_967 = tpu.vector_load_idx %gather3A_966[%add3A_961, %broadcast_in_dim3A_948] : memref<64x128xf32, #tpu.memory_space<vmem>>[vector<16xi32>, vector<16xi32>], vector<16xf32>,
      tpu.vector_store_idx %arg10[%add3A_961, %broadcast_in_dim3A_949], %gather3A_967 : memref<64x512xf32, #tpu.memory_space<vmem>>[vector<16xi32>, vector<16xi32>], vector<16xf32>,
      %add3A_968 = arith.constant 32 : i32
      %add3A_969 = vector.broadcast %add3A_968 : i32 to vector<16xi32>
      %add3A_970 = arith.addi %iota3A, %add3A_969 : vector<16xi32>
      %gather3A_971 = arith.constant 6 : i32
      %gather3A_972 = arith.constant 0 : i32
      %gather3A_973 = arith.constant 0 : i32
      %gather3A_974 = tpu.memref_slice %arg9[%gather3A_971, %gather3A_972, %gather3A_973] : memref<8x64x128xf32, #tpu.memory_space<vmem>> -> memref<1x64x128xf32, #tpu.memory_space<vmem>>
      %gather3A_975 = tpu.memref_squeeze %gather3A_974 : memref<1x64x128xf32, #tpu.memory_space<vmem>> -> memref<64x128xf32, #tpu.memory_space<vmem>>
      %gather3A_976 = tpu.vector_load_idx %gather3A_975[%add3A_970, %broadcast_in_dim3A_948] : memref<64x128xf32, #tpu.memory_space<vmem>>[vector<16xi32>, vector<16xi32>], vector<16xf32>,
      tpu.vector_store_idx %arg10[%add3A_970, %broadcast_in_dim3A_949], %gather3A_976 : memref<64x512xf32, #tpu.memory_space<vmem>>[vector<16xi32>, vector<16xi32>], vector<16xf32>,
      %add3A_977 = arith.constant 48 : i32
      %add3A_978 = vector.broadcast %add3A_977 : i32 to vector<16xi32>
      %add3A_979 = arith.addi %iota3A, %add3A_978 : vector<16xi32>
      %gather3A_980 = arith.constant 6 : i32
      %gather3A_981 = arith.constant 0 : i32
      %gather3A_982 = arith.constant 0 : i32
      %gather3A_983 = tpu.memref_slice %arg9[%gather3A_980, %gather3A_981, %gather3A_982] : memref<8x64x128xf32, #tpu.memory_space<vmem>> -> memref<1x64x128xf32, #tpu.memory_space<vmem>>
      %gather3A_984 = tpu.memref_squeeze %gather3A_983 : memref<1x64x128xf32, #tpu.memory_space<vmem>> -> memref<64x128xf32, #tpu.memory_space<vmem>>
      %gather3A_985 = tpu.vector_load_idx %gather3A_984[%add3A_979, %broadcast_in_dim3A_948] : memref<64x128xf32, #tpu.memory_space<vmem>>[vector<16xi32>, vector<16xi32>], vector<16xf32>,
      tpu.vector_store_idx %arg10[%add3A_979, %broadcast_in_dim3A_949], %gather3A_985 : memref<64x512xf32, #tpu.memory_space<vmem>>[vector<16xi32>, vector<16xi32>], vector<16xf32>,
      %lt3A_986 = arith.constant 63 : i32
      %lt3A_987 = arith.cmpi slt, %add3A_500, %lt3A_986 : i32
      %convert_element_type3A_988 = arith.extui %lt3A_987 : i1 to i32
      %cond3A_989 = arith.constant 0 : i32
      %cond3A_990 = arith.cmpi ne, %convert_element_type3A_988, %cond3A_989 : i32
      scf.if %cond3A_990 {
        %add3A_1062 = arith.constant 8 : i32
        %add3A_1063 = arith.addi %add3A_923, %add3A_1062 : i32
        %get3A_1064 = arith.constant 1 : i32
        %get3A_1065 = arith.index_cast %get3A_1064 : i32 to index
        %get3A_1066 = arith.index_cast %add3A_1063 : i32 to index
        %get3A_1067 = memref.load %arg7[%get3A_1065, %get3A_1066] : memref<2x512xi32, #tpu.memory_space<smem>>
        %jit3A_1068 = arith.constant 0 : i32
        %jit3A_1069 = arith.constant 999999 : i32
        %max3A_1070 = arith.maxsi %jit3A_1068, %get3A_1067 : i32
        %min3A_1071 = arith.minsi %jit3A_1069, %max3A_1070 : i32
        %shift_right_arithmetic3A_1072 = arith.constant 7 : i32
        %shift_right_arithmetic3A_1073 = arith.shrsi %min3A_1071, %shift_right_arithmetic3A_1072 : i32
        %mul3A_1074 = arith.constant 128 : i32
        %mul3A_1075 = arith.muli %shift_right_arithmetic3A_1073, %mul3A_1074 : i32
        %multiple_of3A_1076 = tpu.assume_multiple %mul3A_1075, 128 : i32
        %dma_start3A_1077 = arith.constant 6 : i32
        %dma_start3A_1078 = arith.constant 6 : i32
        %dma_start3A_1079 = arith.constant 0 : i32
        %dma_start3A_1080 = arith.constant 0 : i32
        %dma_start3A_1081 = tpu.memref_slice %arg9[%dma_start3A_1077, %dma_start3A_1079, %dma_start3A_1080] : memref<8x64x128xf32, #tpu.memory_space<vmem>> -> memref<1x64x128xf32, #tpu.memory_space<vmem>>
        %dma_start3A_1082 = tpu.memref_squeeze %dma_start3A_1081 : memref<1x64x128xf32, #tpu.memory_space<vmem>> -> memref<64x128xf32, #tpu.memory_space<vmem>>
        %dma_start3A_1083 = arith.constant 0 : i32
        %dma_start3A_1084 = tpu.memref_slice %arg3[%dma_start3A_1083, %multiple_of3A_1076] : memref<64x1000000xf32, #tpu.memory_space<hbm>> -> memref<64x128xf32, #tpu.memory_space<hbm>>
        %dma_start3A_1085 = tpu.memref_slice %arg11[%dma_start3A_1078] : memref<8x!tpu.dma_semaphore, #tpu.memory_space<semaphore_mem>> -> memref<1x!tpu.dma_semaphore, #tpu.memory_space<semaphore_mem>>
        %dma_start3A_1086 = tpu.memref_squeeze %dma_start3A_1085 : memref<1x!tpu.dma_semaphore, #tpu.memory_space<semaphore_mem>> -> memref<!tpu.dma_semaphore, #tpu.memory_space<semaphore_mem>>
        %dma_start3A_1087 = arith.constant 0 : i32
        %dma_start3A_1088 = arith.constant 0 : i32
        %dma_start3A_1089 = tpu.memref_slice %arg9[%dma_start3A_1077, %dma_start3A_1087, %dma_start3A_1088] : memref<8x64x128xf32, #tpu.memory_space<vmem>> -> memref<1x64x128xf32, #tpu.memory_space<vmem>>
        %dma_start3A_1090 = tpu.memref_squeeze %dma_start3A_1089 : memref<1x64x128xf32, #tpu.memory_space<vmem>> -> memref<64x128xf32, #tpu.memory_space<vmem>>
        %dma_start3A_1091 = arith.constant 0 : i32
        %dma_start3A_1092 = tpu.memref_slice %arg3[%dma_start3A_1091, %multiple_of3A_1076] : memref<64x1000000xf32, #tpu.memory_space<hbm>> -> memref<64x128xf32, #tpu.memory_space<hbm>>
        tpu.enqueue_dma source(%dma_start3A_1092 : memref<64x128xf32, #tpu.memory_space<hbm>>) target(%dma_start3A_1090 : memref<64x128xf32, #tpu.memory_space<vmem>>) target_semaphore(%dma_start3A_1086 : memref<!tpu.dma_semaphore, #tpu.memory_space<semaphore_mem>>)
      } else {
      }
      %mul3A_991 = arith.constant 8 : i32
      %mul3A_992 = arith.muli %add3A_500, %mul3A_991 : i32
      %add3A_993 = arith.constant 7 : i32
      %add3A_994 = arith.addi %mul3A_992, %add3A_993 : i32
      %dma_wait3A_995 = arith.constant 7 : i32
      %dma_wait3A_996 = arith.constant 7 : i32
      %dma_wait3A_997 = arith.constant 0 : i32
      %dma_wait3A_998 = arith.constant 0 : i32
      %dma_wait3A_999 = tpu.memref_slice %arg9[%dma_wait3A_995, %dma_wait3A_997, %dma_wait3A_998] : memref<8x64x128xf32, #tpu.memory_space<vmem>> -> memref<1x64x128xf32, #tpu.memory_space<vmem>>
      %dma_wait3A_1000 = tpu.memref_squeeze %dma_wait3A_999 : memref<1x64x128xf32, #tpu.memory_space<vmem>> -> memref<64x128xf32, #tpu.memory_space<vmem>>
      %dma_wait3A_1001 = arith.constant 0 : i32
      %dma_wait3A_1002 = arith.constant 0 : i32
      %dma_wait3A_1003 = tpu.memref_slice %arg3[%dma_wait3A_1001, %dma_wait3A_1002] : memref<64x1000000xf32, #tpu.memory_space<hbm>> -> memref<64x128xf32, #tpu.memory_space<hbm>>
      %dma_wait3A_1004 = tpu.memref_slice %arg11[%dma_wait3A_996] : memref<8x!tpu.dma_semaphore, #tpu.memory_space<semaphore_mem>> -> memref<1x!tpu.dma_semaphore, #tpu.memory_space<semaphore_mem>>
      %dma_wait3A_1005 = tpu.memref_squeeze %dma_wait3A_1004 : memref<1x!tpu.dma_semaphore, #tpu.memory_space<semaphore_mem>> -> memref<!tpu.dma_semaphore, #tpu.memory_space<semaphore_mem>>
      %dma_wait3A_1006 = arith.constant 0 : i32
      %dma_wait3A_1007 = arith.constant 0 : i32
      %dma_wait3A_1008 = tpu.memref_slice %arg9[%dma_wait3A_995, %dma_wait3A_1006, %dma_wait3A_1007] : memref<8x64x128xf32, #tpu.memory_space<vmem>> -> memref<1x64x128xf32, #tpu.memory_space<vmem>>
      %dma_wait3A_1009 = tpu.memref_squeeze %dma_wait3A_1008 : memref<1x64x128xf32, #tpu.memory_space<vmem>> -> memref<64x128xf32, #tpu.memory_space<vmem>>
      %dma_wait3A_1010 = arith.constant 0 : i32
      %dma_wait3A_1011 = arith.constant 0 : i32
      %dma_wait3A_1012 = tpu.memref_slice %arg3[%dma_wait3A_1010, %dma_wait3A_1011] : memref<64x1000000xf32, #tpu.memory_space<hbm>> -> memref<64x128xf32, #tpu.memory_space<hbm>>
      tpu.wait_dma2 semaphore(%dma_wait3A_1005 : memref<!tpu.dma_semaphore, #tpu.memory_space<semaphore_mem>>) src(%dma_wait3A_1012 : memref<64x128xf32, #tpu.memory_space<hbm>>) dst(%dma_wait3A_1009 : memref<64x128xf32, #tpu.memory_space<vmem>>)
      %get3A_1013 = arith.constant 1 : i32
      %get3A_1014 = arith.index_cast %get3A_1013 : i32 to index
      %get3A_1015 = arith.index_cast %add3A_994 : i32 to index
      %get3A_1016 = memref.load %arg7[%get3A_1014, %get3A_1015] : memref<2x512xi32, #tpu.memory_space<smem>>
      %and3A_1017 = arith.constant 127 : i32
      %and3A_1018 = arith.andi %get3A_1016, %and3A_1017 : i32
      %broadcast_in_dim3A_1019 = vector.broadcast %and3A_1018 : i32 to vector<16xi32>
      %broadcast_in_dim3A_1020 = vector.broadcast %add3A_994 : i32 to vector<16xi32>
      %add3A_1021 = arith.constant 0 : i32
      %add3A_1022 = vector.broadcast %add3A_1021 : i32 to vector<16xi32>
      %add3A_1023 = arith.addi %iota3A, %add3A_1022 : vector<16xi32>
      %gather3A_1024 = arith.constant 7 : i32
      %gather3A_1025 = arith.constant 0 : i32
      %gather3A_1026 = arith.constant 0 : i32
      %gather3A_1027 = tpu.memref_slice %arg9[%gather3A_1024, %gather3A_1025, %gather3A_1026] : memref<8x64x128xf32, #tpu.memory_space<vmem>> -> memref<1x64x128xf32, #tpu.memory_space<vmem>>
      %gather3A_1028 = tpu.memref_squeeze %gather3A_1027 : memref<1x64x128xf32, #tpu.memory_space<vmem>> -> memref<64x128xf32, #tpu.memory_space<vmem>>
      %gather3A_1029 = tpu.vector_load_idx %gather3A_1028[%add3A_1023, %broadcast_in_dim3A_1019] : memref<64x128xf32, #tpu.memory_space<vmem>>[vector<16xi32>, vector<16xi32>], vector<16xf32>,
      tpu.vector_store_idx %arg10[%add3A_1023, %broadcast_in_dim3A_1020], %gather3A_1029 : memref<64x512xf32, #tpu.memory_space<vmem>>[vector<16xi32>, vector<16xi32>], vector<16xf32>,
      %add3A_1030 = arith.constant 16 : i32
      %add3A_1031 = vector.broadcast %add3A_1030 : i32 to vector<16xi32>
      %add3A_1032 = arith.addi %iota3A, %add3A_1031 : vector<16xi32>
      %gather3A_1033 = arith.constant 7 : i32
      %gather3A_1034 = arith.constant 0 : i32
      %gather3A_1035 = arith.constant 0 : i32
      %gather3A_1036 = tpu.memref_slice %arg9[%gather3A_1033, %gather3A_1034, %gather3A_1035] : memref<8x64x128xf32, #tpu.memory_space<vmem>> -> memref<1x64x128xf32, #tpu.memory_space<vmem>>
      %gather3A_1037 = tpu.memref_squeeze %gather3A_1036 : memref<1x64x128xf32, #tpu.memory_space<vmem>> -> memref<64x128xf32, #tpu.memory_space<vmem>>
      %gather3A_1038 = tpu.vector_load_idx %gather3A_1037[%add3A_1032, %broadcast_in_dim3A_1019] : memref<64x128xf32, #tpu.memory_space<vmem>>[vector<16xi32>, vector<16xi32>], vector<16xf32>,
      tpu.vector_store_idx %arg10[%add3A_1032, %broadcast_in_dim3A_1020], %gather3A_1038 : memref<64x512xf32, #tpu.memory_space<vmem>>[vector<16xi32>, vector<16xi32>], vector<16xf32>,
      %add3A_1039 = arith.constant 32 : i32
      %add3A_1040 = vector.broadcast %add3A_1039 : i32 to vector<16xi32>
      %add3A_1041 = arith.addi %iota3A, %add3A_1040 : vector<16xi32>
      %gather3A_1042 = arith.constant 7 : i32
      %gather3A_1043 = arith.constant 0 : i32
      %gather3A_1044 = arith.constant 0 : i32
      %gather3A_1045 = tpu.memref_slice %arg9[%gather3A_1042, %gather3A_1043, %gather3A_1044] : memref<8x64x128xf32, #tpu.memory_space<vmem>> -> memref<1x64x128xf32, #tpu.memory_space<vmem>>
      %gather3A_1046 = tpu.memref_squeeze %gather3A_1045 : memref<1x64x128xf32, #tpu.memory_space<vmem>> -> memref<64x128xf32, #tpu.memory_space<vmem>>
      %gather3A_1047 = tpu.vector_load_idx %gather3A_1046[%add3A_1041, %broadcast_in_dim3A_1019] : memref<64x128xf32, #tpu.memory_space<vmem>>[vector<16xi32>, vector<16xi32>], vector<16xf32>,
      tpu.vector_store_idx %arg10[%add3A_1041, %broadcast_in_dim3A_1020], %gather3A_1047 : memref<64x512xf32, #tpu.memory_space<vmem>>[vector<16xi32>, vector<16xi32>], vector<16xf32>,
      %add3A_1048 = arith.constant 48 : i32
      %add3A_1049 = vector.broadcast %add3A_1048 : i32 to vector<16xi32>
      %add3A_1050 = arith.addi %iota3A, %add3A_1049 : vector<16xi32>
      %gather3A_1051 = arith.constant 7 : i32
      %gather3A_1052 = arith.constant 0 : i32
      %gather3A_1053 = arith.constant 0 : i32
      %gather3A_1054 = tpu.memref_slice %arg9[%gather3A_1051, %gather3A_1052, %gather3A_1053] : memref<8x64x128xf32, #tpu.memory_space<vmem>> -> memref<1x64x128xf32, #tpu.memory_space<vmem>>
      %gather3A_1055 = tpu.memref_squeeze %gather3A_1054 : memref<1x64x128xf32, #tpu.memory_space<vmem>> -> memref<64x128xf32, #tpu.memory_space<vmem>>
      %gather3A_1056 = tpu.vector_load_idx %gather3A_1055[%add3A_1050, %broadcast_in_dim3A_1019] : memref<64x128xf32, #tpu.memory_space<vmem>>[vector<16xi32>, vector<16xi32>], vector<16xf32>,
      tpu.vector_store_idx %arg10[%add3A_1050, %broadcast_in_dim3A_1020], %gather3A_1056 : memref<64x512xf32, #tpu.memory_space<vmem>>[vector<16xi32>, vector<16xi32>], vector<16xf32>,
      %lt3A_1057 = arith.constant 63 : i32
      %lt3A_1058 = arith.cmpi slt, %add3A_500, %lt3A_1057 : i32
      %convert_element_type3A_1059 = arith.extui %lt3A_1058 : i1 to i32
      %cond3A_1060 = arith.constant 0 : i32
      %cond3A_1061 = arith.cmpi ne, %convert_element_type3A_1059, %cond3A_1060 : i32
      scf.if %cond3A_1061 {
        %add3A_1062 = arith.constant 8 : i32
        %add3A_1063 = arith.addi %add3A_994, %add3A_1062 : i32
        %get3A_1064 = arith.constant 1 : i32
        %get3A_1065 = arith.index_cast %get3A_1064 : i32 to index
        %get3A_1066 = arith.index_cast %add3A_1063 : i32 to index
        %get3A_1067 = memref.load %arg7[%get3A_1065, %get3A_1066] : memref<2x512xi32, #tpu.memory_space<smem>>
        %jit3A_1068 = arith.constant 0 : i32
        %jit3A_1069 = arith.constant 999999 : i32
        %max3A_1070 = arith.maxsi %jit3A_1068, %get3A_1067 : i32
        %min3A_1071 = arith.minsi %jit3A_1069, %max3A_1070 : i32
        %shift_right_arithmetic3A_1072 = arith.constant 7 : i32
        %shift_right_arithmetic3A_1073 = arith.shrsi %min3A_1071, %shift_right_arithmetic3A_1072 : i32
        %mul3A_1074 = arith.constant 128 : i32
        %mul3A_1075 = arith.muli %shift_right_arithmetic3A_1073, %mul3A_1074 : i32
        %multiple_of3A_1076 = tpu.assume_multiple %mul3A_1075, 128 : i32
        %dma_start3A_1077 = arith.constant 7 : i32
        %dma_start3A_1078 = arith.constant 7 : i32
        %dma_start3A_1079 = arith.constant 0 : i32
        %dma_start3A_1080 = arith.constant 0 : i32
        %dma_start3A_1081 = tpu.memref_slice %arg9[%dma_start3A_1077, %dma_start3A_1079, %dma_start3A_1080] : memref<8x64x128xf32, #tpu.memory_space<vmem>> -> memref<1x64x128xf32, #tpu.memory_space<vmem>>
        %dma_start3A_1082 = tpu.memref_squeeze %dma_start3A_1081 : memref<1x64x128xf32, #tpu.memory_space<vmem>> -> memref<64x128xf32, #tpu.memory_space<vmem>>
        %dma_start3A_1083 = arith.constant 0 : i32
        %dma_start3A_1084 = tpu.memref_slice %arg3[%dma_start3A_1083, %multiple_of3A_1076] : memref<64x1000000xf32, #tpu.memory_space<hbm>> -> memref<64x128xf32, #tpu.memory_space<hbm>>
        %dma_start3A_1085 = tpu.memref_slice %arg11[%dma_start3A_1078] : memref<8x!tpu.dma_semaphore, #tpu.memory_space<semaphore_mem>> -> memref<1x!tpu.dma_semaphore, #tpu.memory_space<semaphore_mem>>
        %dma_start3A_1086 = tpu.memref_squeeze %dma_start3A_1085 : memref<1x!tpu.dma_semaphore, #tpu.memory_space<semaphore_mem>> -> memref<!tpu.dma_semaphore, #tpu.memory_space<semaphore_mem>>
        %dma_start3A_1087 = arith.constant 0 : i32
        %dma_start3A_1088 = arith.constant 0 : i32
        %dma_start3A_1089 = tpu.memref_slice %arg9[%dma_start3A_1077, %dma_start3A_1087, %dma_start3A_1088] : memref<8x64x128xf32, #tpu.memory_space<vmem>> -> memref<1x64x128xf32, #tpu.memory_space<vmem>>
        %dma_start3A_1090 = tpu.memref_squeeze %dma_start3A_1089 : memref<1x64x128xf32, #tpu.memory_space<vmem>> -> memref<64x128xf32, #tpu.memory_space<vmem>>
        %dma_start3A_1091 = arith.constant 0 : i32
        %dma_start3A_1092 = tpu.memref_slice %arg3[%dma_start3A_1091, %multiple_of3A_1076] : memref<64x1000000xf32, #tpu.memory_space<hbm>> -> memref<64x128xf32, #tpu.memory_space<hbm>>
        tpu.enqueue_dma source(%dma_start3A_1092 : memref<64x128xf32, #tpu.memory_space<hbm>>) target(%dma_start3A_1090 : memref<64x128xf32, #tpu.memory_space<vmem>>) target_semaphore(%dma_start3A_1086 : memref<!tpu.dma_semaphore, #tpu.memory_space<semaphore_mem>>)
      } else {
      }
    }
    %scan3A_494 = arith.constant 64 : i32
    %run_scoped3A_495 = arith.constant 1 : i32
    "tpu.region"() ({
      %run_scoped3A_496 = tpu.sem_alloc : memref<!tpu.dma_semaphore, #tpu.memory_space<semaphore_mem>>
      %dma_start3A_497 = arith.constant 0 : i32
      %dma_start3A_498 = tpu.memref_slice %arg6[%run_scoped3A_495, %dma_start3A_497, %mul3A_2] : memref<2x64x16384xf32, #tpu.memory_space<hbm>> -> memref<1x64x512xf32, #tpu.memory_space<hbm>>
      %dma_start3A_499 = tpu.memref_squeeze %dma_start3A_498 : memref<1x64x512xf32, #tpu.memory_space<hbm>> -> memref<64x512xf32, #tpu.memory_space<hbm>>
      %dma_start3A_500 = arith.constant 0 : i32
      %dma_start3A_501 = tpu.memref_slice %arg6[%run_scoped3A_495, %dma_start3A_500, %mul3A_2] : memref<2x64x16384xf32, #tpu.memory_space<hbm>> -> memref<1x64x512xf32, #tpu.memory_space<hbm>>
      %dma_start3A_502 = tpu.memref_squeeze %dma_start3A_501 : memref<1x64x512xf32, #tpu.memory_space<hbm>> -> memref<64x512xf32, #tpu.memory_space<hbm>>
      tpu.enqueue_dma source(%arg10 : memref<64x512xf32, #tpu.memory_space<vmem>>) target(%dma_start3A_502 : memref<64x512xf32, #tpu.memory_space<hbm>>) target_semaphore(%run_scoped3A_496 : memref<!tpu.dma_semaphore, #tpu.memory_space<semaphore_mem>>)
      %dma_wait3A = arith.constant 0 : i32
      %dma_wait3A_503 = tpu.memref_slice %arg6[%run_scoped3A_495, %dma_wait3A, %mul3A_2] : memref<2x64x16384xf32, #tpu.memory_space<hbm>> -> memref<1x64x512xf32, #tpu.memory_space<hbm>>
      %dma_wait3A_504 = tpu.memref_squeeze %dma_wait3A_503 : memref<1x64x512xf32, #tpu.memory_space<hbm>> -> memref<64x512xf32, #tpu.memory_space<hbm>>
      %dma_wait3A_505 = arith.constant 0 : i32
      %dma_wait3A_506 = tpu.memref_slice %arg6[%run_scoped3A_495, %dma_wait3A_505, %mul3A_2] : memref<2x64x16384xf32, #tpu.memory_space<hbm>> -> memref<1x64x512xf32, #tpu.memory_space<hbm>>
      %dma_wait3A_507 = tpu.memref_squeeze %dma_wait3A_506 : memref<1x64x512xf32, #tpu.memory_space<hbm>> -> memref<64x512xf32, #tpu.memory_space<hbm>>
      tpu.wait_dma2 semaphore(%run_scoped3A_496 : memref<!tpu.dma_semaphore, #tpu.memory_space<semaphore_mem>>) src(%arg10 : memref<64x512xf32, #tpu.memory_space<vmem>>) dst(%dma_wait3A_507 : memref<64x512xf32, #tpu.memory_space<hbm>>)
      tpu.yield
    }) : () -> ()
    return
  }
}

</mosaic_0001>

<sc_bundles>
// kernel: kernel.3.cloned.1.call-start
scs
__scs_entry_jumppad:
0x0: {  	(pc) =	sbr.rel $0x88, $3  }
0x1: {  	(tag) =	ssettag $0x0;
	lr =	simm.s32 $0x1  }
0x2: {  	[smem:$0x3F9D] =	sst lr;
	_ =	strace $0xD0000000  }
0x3: {  	_ = 	snop  }
0x4: {  	_ = 	snop  }
0x5: {  	_ = 	snop  }
0x6: {  	_ = 	snop  }
0x7: {  	_ = 	snop  }
__scs_overlays_trampoline_lowered:
0x8: {  	[smem:$0x3FAC] =	sst s0  }
0x9: {  	[smem:$0x3FAD] =	sst s1  }
0xa: {  	[smem:$0x3FAE] =	sst s2  }
0xb: {  	[smem:$0x3FAF] =	sst s3  }
0xc: {  	[smem:$0x3FB0] =	sst s4  }
0xd: {  	[smem:$0x3FB1] =	sst s5  }
0xe: {  	[smem:$0x3FB2] =	sst s6  }
0xf: {  	[smem:$0x3FB3] =	sst s7  }
0x10: {  	[smem:$0x3FB4] =	sst s8  }
0x11: {  	[smem:$0x3FB5] =	sst s9;
	s0 =	simm.s32 @!p0 $0x0  }
0x12: {  	s1 =	sld [smem:$0x3F9B];
	s0 =	simm.s32 @p0 $0x1  }
0x13: {  	[smem:$0x3FB6] =	sst s0;
	s0 =	simm.s32 @!p1 $0x0  }
0x14: {  	s2 =	sld [smem:$0x3F9A];
	s0 =	simm.s32 @p1 $0x1  }
0x15: {  	[smem:$0x3FB7] =	sst s0;
	s0 =	simm.s32 @!p2 $0x0  }
0x16: {  	s3 =	sld [smem:$0x3FDB];
	s0 =	simm.s32 @p2 $0x1  }
0x17: {  	s4 =	simm.s32 $0x1BF5;
	[smem:$0x3FB9] =	sst s0  }
0x18: {  	s0 =	sld [smem:$0x3F9C];
	_ =	swait.ge [sflag:s4], $0x0  }
0x19: {  	s7 =	sld [smem:$0x3F9D]  }
0x1a: {  	s8 =	sadd.s32 $0xFFFFE003, lr  }
0x1b: {  	s9 =	sadd.s32 $0xFFFFFEF7, lr;
	s5 =	simm.s32 $0xFFFFFFFF;
	p2 =	slt.u32 s8, $0xFFFFF086  }
0x1c: {  	p1 =	slt.u32 s9, $0xF7A;
	s5 =	simm.s32 @!p2 $0x0  }
0x1d: {  	s5 =	simm.s32 @p1 $0x1;
	p0 =	seq.s32 s7, s2  }
0x1e: {  	s7 =	smul.u32 @!p0 $0xF7A, s2;
	p2 =	seq.s32 @!p0 s5, $0x0  }
0x1f: {  	s9 =	smul.u32 $0xF7A, s1;
	s8 =	simm.s32 @!p0 $0x1BF5;
	p2 =	por !p2, p0  }
0x20: {  	[sflag:s8] =	ssyncset.s32 @!p0 $0xFFFFF086;
	s6 =	sadd.s32 @!p0 s3, s7;
	s7 =	simm.s32 @!p0 $0x108  }
0x21: {  	s3 =	sadd.s32 s3, s9;
	s6 =	sadd.s32 @!p0 $0x88, s6;
	s7 =	simm.s32 @p2 $0x1082  }
0x22: {  	[simem:s7], [sflag:s8] =	dma.local @!p0 [hbm:s6], $0xF7A  }
0x23: {  	s9 =	sor.u32 $0xD0000000, s2;
	s6 =	simm.s32 $0x108;
	_ =	swait.ge @!p0 [sflag:s8], $0x0  }
0x24: {  	s3 =	sadd.s32 $0x88, s3;
	s6 =	simm.s32 @!p1 $0x1082;
	[sflag:s4] =	ssyncset.s32 $0xFFFFF086  }
0x25: {  	[simem:s6], [sflag:s4] =	dma.local [hbm:s3], $0xF7A  }
0x26: {  	[smem:$0x3F9D] =	sst s1;
	(tag) =	ssettag s2;
	_ =	strace s9  }
0x27: {  	s1 =	sld [smem:$0x3FAD]  }
0x28: {  	s2 =	sld [smem:$0x3FAE]  }
0x29: {  	s4 =	sld [smem:$0x3FB0]  }
0x2a: {  	p0 =	seq.s32 s5, $0x0;
	s5 =	sld [smem:$0x3FB1]  }
0x2b: {  	s6 =	sld [smem:$0x3FB2]  }
0x2c: {  	s7 =	sld [smem:$0x3FB3]  }
0x2d: {  	s3 =	simm.s32 $0x108;
	s8 =	sld [smem:$0x3FB4]  }
0x2e: {  	s3 =	simm.s32 @!p0 $0x1082;
	s9 =	sld [smem:$0x3FB5]  }
0x2f: {  	lr =	sadd.s32 s0, s3;
	s0 =	sld [smem:$0x3FAC]  }
0x30: {  	s3 =	sld [smem:$0x3FAF]  }
0x31: {  	[smem:$0x3FB8] =	sst s10  }
0x32: {  	s10 =	sld [smem:$0x3FB6];
	_ =	sdelay $0x3  }
0x33: {  	p0 =	seq.s32 s10, $0x1;
	s10 =	sld [smem:$0x3FB8];
	_ =	sdelay $0x3  }
0x34: {  	[smem:$0x3FB8] =	sst s10  }
0x35: {  	s10 =	sld [smem:$0x3FB7];
	_ =	sdelay $0x3  }
0x36: {  	p1 =	seq.s32 s10, $0x1;
	s10 =	sld [smem:$0x3FB8];
	_ =	sdelay $0x3  }
0x37: {  	[smem:$0x3FB8] =	sst s10  }
0x38: {  	s10 =	sld [smem:$0x3FB9]  }
0x39: {  	_ = 	snop;
	(pc) =	sbr.ind lr, $3  }
0x3a: {  	_ = 	snop  }
0x3b: {  	_ = 	snop  }
0x3c: {  	p2 =	seq.s32 s10, $0x1;
	s10 =	sld [smem:$0x3FB8]  }
0x3d: {  	_ =	shalt  }
0x3e: {  	_ =	shalt  }
0x3f: {  	_ =	shalt  }
0x40: {  	_ =	shalt  }
0x41: {  	_ =	shalt  }
0x42: {  	_ =	shalt  }
0x43: {  	_ =	shalt  }
0x44: {  	_ =	shalt  }
0x45: {  	_ =	shalt  }
0x46: {  	_ =	shalt  }
0x47: {  	_ =	shalt  }
0x48: {  	_ =	shalt  }
0x49: {  	_ =	shalt  }
0x4a: {  	_ =	shalt  }
0x4b: {  	_ =	shalt  }
0x4c: {  	_ =	shalt  }
0x4d: {  	_ =	shalt  }
0x4e: {  	_ =	shalt  }
0x4f: {  	_ =	shalt  }
0x50: {  	_ =	shalt  }
0x51: {  	_ =	shalt  }
0x52: {  	_ =	shalt  }
0x53: {  	_ =	shalt  }
0x54: {  	_ =	shalt  }
0x55: {  	_ =	shalt  }
0x56: {  	_ =	shalt  }
0x57: {  	_ =	shalt  }
0x58: {  	_ =	shalt  }
0x59: {  	_ =	shalt  }
0x5a: {  	_ =	shalt  }
0x5b: {  	_ =	shalt  }
0x5c: {  	_ =	shalt  }
0x5d: {  	_ =	shalt  }
0x5e: {  	_ =	shalt  }
0x5f: {  	_ =	shalt  }
0x60: {  	_ =	shalt  }
0x61: {  	_ =	shalt  }
0x62: {  	_ =	shalt  }
0x63: {  	_ =	shalt  }
0x64: {  	_ =	shalt  }
0x65: {  	_ =	shalt  }
0x66: {  	_ =	shalt  }
0x67: {  	_ =	shalt  }
0x68: {  	_ =	shalt  }
0x69: {  	_ =	shalt  }
0x6a: {  	_ =	shalt  }
0x6b: {  	_ =	shalt  }
0x6c: {  	_ =	shalt  }
0x6d: {  	_ =	shalt  }
0x6e: {  	_ =	shalt  }
0x6f: {  	_ =	shalt  }
0x70: {  	_ =	shalt  }
0x71: {  	_ =	shalt  }
0x72: {  	_ =	shalt  }
0x73: {  	_ =	shalt  }
0x74: {  	_ =	shalt  }
0x75: {  	_ =	shalt  }
0x76: {  	_ =	shalt  }
0x77: {  	_ =	shalt  }
0x78: {  	_ =	shalt  }
0x79: {  	_ =	shalt  }
0x7a: {  	_ =	shalt  }
0x7b: {  	_ =	shalt  }
0x7c: {  	_ =	shalt  }
0x7d: {  	_ =	shalt  }
0x7e: {  	_ =	shalt  }
0x7f: {  	_ =	shalt  }
0x80: {  	_ =	shalt  }
0x81: {  	_ =	shalt  }
0x82: {  	_ =	shalt  }
0x83: {  	_ =	shalt  }
0x84: {  	_ =	shalt  }
0x85: {  	_ =	shalt  }
0x86: {  	_ =	shalt  }
0x87: {  	_ =	shalt  }
.Lfunc_end0:
.L_simem_size_0:
called_computation_lowered:
.L_overlay_start_0:
0x88: {  	s2 =	sld [smem:$0x3FD9]  }
0x89: {  	s3 =	sld [smem:$0x3FFE];
	_ =	sdelay $0x1  }
0x8a: {  	s1 =	srdreg.scid  }
0x8b: {  	s0 =	sand.u32 $0x1, s1  }
0x8c: {  	s18 =	sshll.u32 s0, $0xA;
	s2 =	sadd.s32 s3, s2  }
0x8d: {  	s2 =	sadd.s32 s2, s18  }
0x8e: {  	[smem:$0x3FC4] =	sst s2  }
0x8f: {  	_ = 	snop  }
0x90: {  	s2 =	sld [smem:$0x3FC9]  }
0x91: {  	s19 =	sld [smem:$0x3FC8]  }
0x92: {  	s4 =	sld [smem:$0x3FC7]  }
0x93: {  	s5 =	sld [smem:$0x3FC6]  }
0x94: {  	s6 =	sld [smem:$0x3FD0];
	(tm) =	ssettm $0x1  }
0x95: {  	s7 =	sld [smem:$0x3FFB];
	_ =	sdelay $0x3  }
0x96: {  	_ =	strace s7  }
0x97: {  	s7 =	sld [smem:$0x3FFC];
	_ =	sdelay $0x3  }
0x98: {  	_ =	strace s7  }
0x99: {  	s7 =	sld [smem:$0x3FFD];
	_ =	sdelay $0x3  }
0x9a: {  	_ =	strace s7  }
0x9b: {  	_ =	strace $0x8FFFFFFF  }
0x9c: {  	s20 =	sld [smem:$0x3FDB];
	_ =	sdelay $0x1  }
0x9d: {  	s8 =	simm.s32 $_scs_section_size  }
0x9e: {  	s9 =	simm.s32 $_size__tile_overlayer_lowered;
	s10 =	simm.s32 $_tile_overlayer_lowered  }
0x9f: {  	s23 =	simm.s32 $0x1BFF;
	s22 =	sshll.u32 s10, $0x1;
	s7 =	sadd.s32 s8, s20  }
0xa0: {  	s11 =	simm.s32 $0x0;
	s21 =	sshll.u32 s9, $0x1;
	s9 =	sadd.s32 s22, s7  }
0xa1: {  	[timem:s11], [sflag:s23] =	dma.local [hbm:s9], s21  }
0xa2: {  	_ =	swait.ge [sflag:s23], s21  }
0xa3: {  	s8 =	ssub.s32 $0x0, s21;
	[sflag:s23] =	ssyncset.done $0x0  }
0xa4: {  	[sflag:s23] =	ssyncadd.s32 s8;
	_ =	sdelay $0x1  }
0xa5: {  	s24 =	simm.s32 $0x1B8B  }
0xa6: {  	_ =	swait.ge [sflag:s24], $0x1  }
0xa7: {  	[sflag:s24] =	ssyncset.done $0x0  }
0xa8: {  	s25 =	simm.s32 $0x1B8E;
	[sflag:s24] =	ssyncadd.s32 $0xFFFFFFFF  }
0xa9: {  	s26 =	simm.s32 $execute0_lowered;
	[smem:$0x3FD2] =	sst s25  }
0xaa: {  	s8 =	sshll.u32 s26, $0x1;
	_ =	strace $0x80000046;
	[dreg:$0x1] =	wrdreg $0xFFFFFFFF  }
0xab: {  	s28 =	simm.s32 $_size_execute0_lowered;
	s7 =	sadd.s32 s7, s8;
	[dreg:$0x0] =	wrdreg $0x0  }
0xac: {  	s8 =	sshll.u32 s28, $0x1;
	[dreg:$0x2] =	wrdreg s7  }
0xad: {  	[dreg:$0x3] =	wrdreg s8  }
0xae: {  	[dreg:$0x4] =	wrdreg $0xC0  }
0xaf: {  	_ =	task [dreg:s11], $0x5FFFF  }
0xb0: {  	[dreg:$0x1] =	wrdreg $0xFFFFFFFF  }
0xb1: {  	[dreg:$0x0] =	wrdreg $0x60  }
0xb2: {  	[dreg:$0x2] =	wrdreg s4  }
0xb3: {  	[dreg:$0x3] =	wrdreg s5  }
0xb4: {  	[dreg:$0x4] =	wrdreg s2  }
0xb5: {  	[dreg:$0x5] =	wrdreg s19  }
0xb6: {  	[dreg:$0x6] =	wrdreg s6  }
0xb7: {  	[dreg:$0x7] =	wrdreg $0x9  }
0xb8: {  	_ =	task.clear_ibuf [dreg:s11], $0x8FFFF;
	_ =	strace $0x90000046  }
0xb9: {  	s29 =	simm.s32 $0x9;
	_ =	strace $0x80000048  }
0xba: {  	_ =	swait.ge [sflag:s29], $0x1  }
0xbb: {  	[sflag:s29] =	ssyncadd.s32 $0xFFFFFFFF  }
0xbc: {  	_ =	strace $0x90000048  }
0xbd: {  	_ =	sfence  }
0xbe: {  	s30 =	sld [smem:$0x0];
	_ =	sdelay $0x2  }
0xbf: {  	s31 =	sshll.u32 s1, $0xD;
	s1 =	sshrl.u32 s1, $0x2  }
0xc0: {  	s3 =	sand.u32 $0x4000, s31;
	s1 =	sadd.s32 s1, s30  }
0xc1: {  	s0 =	sor.u32 s3, s0;
	s1 =	sshll.u32 s1, $0x11  }
0xc2: {  	s0 =	sor.u32 s1, s0  }
0xc3: {  	s0 =	sadd.s32 $0x8F2B, s0  }
0xc4: {  	[sflag:s0] =	ssyncadd.remote.s32 $0x1  }
0xc5: {  	_ =	sfence.sel $0xFFFF  }
0xc6: {  	[dreg:$0x0] =	wrdreg $0xFFFFFFFF;
	(pc) =	sbr.abs _section_cstart, $3  }
0xc7: {  	[dreg:$0x1] =	wrdreg $0xFFFFFFFF  }
0xc8: {  	_ =	task.clear_ibuf [dreg:s11], $0x2FFFF;
	_ =	strace $0x9FFFFFFF  }
0xc9: {  	(tm) =	ssettm $0x7FFFFFFF  }
tec
execute0_lowered:
.L_overlay_start_1:
0x0: {  	(tag) =	ssettag $0x1  }
0x1: {  	v0 =	vlaneseq.u32;
	vm0 =	vmmov $0x1;
	v1 =	vimm.s32 $0x1380  }
0x2: {  	vm8 =	vcmask $0x300;
	vm1 =	vcmask $0x308;
	vm9 =	vcmask $0x704  }
0x3: {  	vm2 =	vcmask $0x70C;
	vm10 =	vcmask $0xB08;
	vm3 =	vcmask $0xB10  }
0x4: {  	vm13 =	vcmask $0xF0C;
	vm4 =	vcmask $0xF14;
	vm11 =	vcmask $0x1310  }
0x5: {  	vm5 =	vcmask $0x1318;
	vm15 =	vcmask $0x1714;
	vm6 =	vcmask $0x171C  }
0x6: {  	vm12 =	vcmask $0x1B18;
	vm7 =	vcmask $0x1B20;
	vm14 =	vcmask $0x1F1C  }
0x7: {  	v2 =	vimm.s32 $0x3380;
	v3 =	vimm.s32 $0x5380;
	v4 =	vimm.s32 $0x7380  }
0x8: {  	v1 =	vsel vm8, $0x0, v1;
	v2 =	vsel vm8, $0x2000, v2;
	v3 =	vsel vm8, $0x4000, v3  }
0x9: {  	v4 =	vsel vm8, $0x6000, v4;
	vm8 =	vcmask $0x1F24;
	v1 =	vsel vm9, $0x80, v1  }
0xa: {  	v2 =	vsel vm9, $0x2080, v2;
	v3 =	vsel vm9, $0x4080, v3;
	v4 =	vsel vm9, $0x6080, v4  }
0xb: {  	vm9 =	vcmask $0x2328;
	v1 =	vsel vm10, $0x100, v1;
	v2 =	vsel vm10, $0x2100, v2  }
0xc: {  	v3 =	vsel vm10, $0x4100, v3;
	v4 =	vsel vm10, $0x6100, v4;
	vm10 =	vcmask $0x272C  }
0xd: {  	v1 =	vsel vm13, $0x180, v1;
	v2 =	vsel vm13, $0x2180, v2;
	v3 =	vsel vm13, $0x4180, v3  }
0xe: {  	v4 =	vsel vm13, $0x6180, v4;
	vm13 =	vcmask $0x2B28;
	v1 =	vsel vm11, $0x200, v1  }
0xf: {  	v2 =	vsel vm11, $0x2200, v2;
	v3 =	vsel vm11, $0x4200, v3;
	v4 =	vsel vm11, $0x6200, v4  }
0x10: {  	vm11 =	vcmask $0x2B30;
	v1 =	vsel vm15, $0x280, v1;
	v2 =	vsel vm15, $0x2280, v2  }
0x11: {  	v3 =	vsel vm15, $0x4280, v3;
	v4 =	vsel vm15, $0x6280, v4;
	vm15 =	vcmask $0x2F2C  }
0x12: {  	v1 =	vsel vm12, $0x300, v1;
	v2 =	vsel vm12, $0x2300, v2;
	v3 =	vsel vm12, $0x4300, v3  }
0x13: {  	v4 =	vsel vm12, $0x6300, v4;
	vm12 =	vcmask $0x1F1C;
	v1 =	vsel vm14, $0x380, v1  }
0x14: {  	vm14 =	vcmask $0x2320;
	v2 =	vsel vm12, $0x2380, v2;
	v3 =	vsel vm12, $0x4380, v3  }
0x15: {  	s0 =	rddreg [dreg:$0x2];
	v4 =	vsel vm12, $0x6380, v4;
	vm12 =	vcmask $0x2320;
	v1 =	vsel vm14, $0x1000, v1  }
0x16: {  	s1 =	rddreg [dreg:$0x3];
	vm14 =	vcmask $0x2724;
	v2 =	vsel vm12, $0x3000, v2;
	v3 =	vsel vm12, $0x5000, v3  }
0x17: {  	s2 =	rddreg [dreg:$0x4];
	s3 =	simm.s32 $0x0;
	v4 =	vsel vm12, $0x7000, v4;
	vm12 =	vcmask $0x2F34;
	v1 =	vsel vm14, $0x1080, v1  }
0x18: {  	s4 =	srdreg.scid;
	s6 =	stileid.u32;
	s10 =	simm.s32 $0x9;
	v2 =	vsel vm14, $0x3080, v2;
	v3 =	vsel vm14, $0x5080, v3;
	v4 =	vsel vm14, $0x7080, v4  }
0x19: {  	s13 =	simm.s32 $0x400;
	s15 =	simm.s32 $0x4400;
	s16 =	simm.s32 $0x6400;
	vm14 =	vcmask $0x3330;
	v1 =	vsel vm13, $0x1100, v1;
	v2 =	vsel vm13, $0x3100, v2  }
0x1a: {  	s17 =	simm.s32 $0x8400;
	s18 =	simm.s32 $0xA400;
	s4 =	sand.u32 $0x1, s4;
	v3 =	vsel vm13, $0x5100, v3;
	v4 =	vsel vm13, $0x7100, v4;
	vm13 =	vcmask $0x3338  }
0x1b: {  	s6 =	sshll.u32 s6, $0xA;
	s5 =	ssub.s32 $0x2, s4;
	s4 =	sshll.u32 s4, $0x9;
	v1 =	vsel vm15, $0x1180, v1;
	v2 =	vsel vm15, $0x3180, v2;
	v3 =	vsel vm15, $0x5180, v3  }
0x1c: {  	s19 =	simm.s32 $0xC400;
	[smem:$0x7FF] =	sst s3;
	s4 =	sor.u32 s4, s6;
	v4 =	vsel vm15, $0x7180, v4;
	vm15 =	vcmask $0x3734;
	v1 =	vsel vm14, $0x1200, v1  }
0x1d: {  	_ =	strace $0x80000047;
	s6 =	sshrl.u32 s4, $0x3;
	s2 =	sadd.s32 s2, s4;
	v2 =	vsel vm14, $0x3200, v2;
	v3 =	vsel vm14, $0x5200, v3;
	v4 =	vsel vm14, $0x7200, v4  }
.Ltmp0:
0x1e: {  	s0 =	sadd.s32 s0, s6;
	[dreg:$0x6] =	wrdreg s2;
	vm14 =	vcmask $0x373C;
	v5 =	vsel vm15, $0x1280, v1;
	v6 =	vsel vm15, $0x3280, v2;
	(pc) =	sbr.rel .LBB2_1-.Ltmp0, $4  }
0x1f: {  	s7 =	sshrl.u32 s5, $0x1;
	s29 =	sadd.s32 s1, s6;
	[dreg:$0x7] =	wrdreg s0;
	v7 =	vsel vm15, $0x5280, v3;
	v8 =	vsel vm15, $0x7280, v4;
	vm15 =	vcmask $0x3B38  }
0x20: {  	s5 =	ssub.s32 s5, s7;
	s30 =	sadd.s32 $0x20000, s2;
	[dreg:$0x8] =	wrdreg s29;
	v1 =	vmul.u32 $0x80, v0;
	v2 =	vsel vm15, $0x1300, v5;
	v3 =	vsel vm15, $0x3300, v6  }
0x21: {  	s20 =	simm.s32 $0xE400;
	s31 =	smax.u32 s5, $0x1;
	[dreg:$0x9] =	wrdreg s30;
	v4 =	vsel vm15, $0x5300, v7;
	v5 =	vsel vm15, $0x7300, v8;
	vm15 =	vmmov $0x7fff  }
0x22: {  	s22 =	simm.s32 $0x10400;
	s14 =	simm.s32 $0x0;
	[dreg:$0xa] =	wrdreg s31;
	v6 =	vor.u32 $0x800, v1;
	v7 =	vor.u32 $0x1000, v1;
	v8 =	vor.u32 $0x1800, v1  }
.LBB2_19:
0x23: {  	s0 =	rddreg [dreg:$0x9]  }
0x24: {  	[hbm4b:s0+s31] =	stream.strided.scatter [tilespmem:s22], [sflag:$0x9], $0x8000, s25, s31, $0x38;
	[tilespmem:$0x18400] =	vst v63  }
0x25: {  	_ =	swait.ge [sflag:s10], $0x8000  }
0x26: {  	s14 =	rddreg [dreg:$0xb]  }
0x27: {  	s31 =	rddreg [dreg:$0xa];
	s14 =	sadd.s32 $0x1, s14  }
0x28: {  	p0 =	sne.s32 s14, s31  }
.Ltmp1:
0x29: {  	_ = 	snop;
	(pc) =	sbr.rel @!p0 .LBB2_20-.Ltmp1, $3  }
0x2a: {  	_ =	sdelay $0x1  }
0x2b: {  	[sflag:s10] =	ssyncset.done $0x0  }
0x2c: {  	[sflag:s10] =	ssyncadd.s32 $0xFFFF8000  }
.LBB2_1:
0x2d: {  	s0 =	rddreg [dreg:$0x7]  }
0x2e: {  	[tilespmem:s3], [sflag:$0x9] =	stream.linear.gather [hbm4b:s0+s3], $0x200, $0x38;
	[tilespmem:$0x18400] =	vst v63  }
0x2f: {  	_ =	swait.ge [sflag:s10], $0x200  }
0x30: {  	[sflag:s10] =	ssyncset.done $0x0  }
0x31: {  	v9 =	vor.u32 s3, v0;
	s1 =	simm.s32 $0x200;
	s24 =	rddreg [dreg:$0x8];
	[sflag:s10] =	ssyncadd.s32 $0xFFFFFE00  }
0x32: {  	[tilespmem:s1], [sflag:$0x9] =	stream.linear.gather [hbm4b:s24+s3], $0x200, $0x38;
	[tilespmem:$0x18400] =	vst v63  }
0x33: {  	_ =	swait.ge [sflag:s10], $0x200  }
0x34: {  	[sflag:s10] =	ssyncset.done $0x0  }
0x35: {  	[sflag:s10] =	ssyncadd.s32 $0xFFFFFE00  }
0x36: {  	v9 =	vld.idx.msk [tilespmem:v9+s3+$0x0], $0xffff;
	_ =	sdelay $0x4  }
0x37: {  	v10 =	vnsel vm0, $0x80000000, v9  }
0x38: {  	v11 =	vsel vm1, $0x80000000, v9;
	v10 =	vxor.u32 $0x80000000, v10  }
0x39: {  	v12 =	vsel vm3, $0x80000000, v9;
	v11 =	vxor.u32 $0x80000000, v11;
	(xrf0) =	vmax.scan.msk.u32 $0xffff, v10  }
0x3a: {  	v10 =	vsel vm6, $0x80000000, v9;
	(xrf0) =	vmax.scan.msk.u32 $0xffff, v11;
	v11 =	vxor.u32 $0x80000000, v12  }
0x3b: {  	s7 =	simm.s32 $0x10;
	v10 =	vxor.u32 $0x80000000, v10;
	v12 =	vsel vm2, $0x80000000, v9;
	(xrf0) =	vmax.scan.msk.u32 $0xffff, v11  }
0x3c: {  	v13 =	vor.u32 s7, v0;
	v11 =	vsel vm4, $0x80000000, v9;
	v12 =	vxor.u32 $0x80000000, v12;
	(xrf0) =	vmax.scan.msk.u32 $0xffff, v10  }
0x3d: {  	v10 =	vxor.u32 $0x80000000, v11;
	v11 =	vsel vm10, $0x80000000, v9;
	(xrf0) =	vmax.scan.msk.u32 $0xffff, v12  }
0x3e: {  	v12 =	vsel vm5, $0x80000000, v9;
	v11 =	vxor.u32 $0x80000000, v11;
	(xrf0) =	vmax.scan.msk.u32 $0xffff, v10  }
0x3f: {  	v10 =	vsel vm7, $0x80000000, v9;
	v12 =	vxor.u32 $0x80000000, v12;
	v14, _, _ =	vpop (xrf0);
	(xrf0) =	vmax.scan.msk.u32 $0xffff, v11  }
0x40: {  	v11 =	vsel vm8, $0x80000000, v9;
	v10 =	vxor.u32 $0x80000000, v10;
	v15, _, _ =	vpop (xrf0);
	(xrf0) =	vmax.scan.msk.u32 $0xffff, v12  }
0x41: {  	v13 =	vld.idx.msk [tilespmem:v13+s3+$0x0], $0xffff;
	v12 =	vsel vm11, $0x80000000, v9;
	v11 =	vxor.u32 $0x80000000, v11;
	v16, _, _ =	vpop (xrf0);
	(xrf0) =	vmax.scan.msk.u32 $0xffff, v10  }
0x42: {  	v10 =	vxor.u32 $0x80000000, v12;
	v12 =	vsel vm12, $0x80000000, v9;
	v17, _, _ =	vpop (xrf0);
	(xrf0) =	vmax.scan.msk.u32 $0xffff, v11  }
0x43: {  	v11 =	vsel vm13, $0x80000000, v9;
	v12 =	vxor.u32 $0x80000000, v12;
	v18, _, _ =	vpop (xrf0);
	(xrf0) =	vmax.scan.msk.u32 $0xffff, v10  }
0x44: {  	(v2sf) =	vpush v14, $0xF;
	v10 =	vsel vm14, $0x80000000, v9;
	v11 =	vxor.u32 $0x80000000, v11;
	v19, _, _ =	vpop (xrf0);
	(xrf0) =	vmax.scan.msk.u32 $0xffff, v12  }
0x45: {  	(v2sf) =	vpush v15, $0xF;
	v10 =	vxor.u32 $0x80000000, v10;
	v12 =	vsel vm15, $0x80000000, v9;
	v14, _, _ =	vpop (xrf0);
	(xrf0) =	vmax.scan.msk.u32 $0xffff, v11  }
0x46: {  	(v2sf) =	vpush v16, $0xF;
	v11 =	vxor.u32 $0x80000000, v12;
	(xrf0) =	vmax.scan.msk.u32 $0xffff, v10;
	v10 =	vsel vm1, $0x80000000, v13  }
0x47: {  	v9 =	vsel vm9, $0x80000000, v9;
	v12 =	vnsel vm0, $0x80000000, v13;
	v15, _, _ =	vpop (xrf0);
	v10 =	vxor.u32 $0x80000000, v10  }
0x48: {  	(v2sf) =	vpush v17, $0xF;
	v9 =	vxor.u32 $0x80000000, v9;
	v12 =	vxor.u32 $0x80000000, v12;
	v16, _, _ =	vpop (xrf0);
	(xrf0) =	vmax.scan.msk.u32 $0xffff, v11  }
0x49: {  	(v2sf) =	vpush v18, $0xF;
	(xrf0) =	vmax.scan.msk.u32 $0xffff, v12;
	v11, _, _ =	vpop (xrf0)  }
0x4a: {  	(v2sf) =	vpush v19, $0xF;
	(xrf0) =	vmax.scan.msk.u32 $0xffff, v10;
	v10, _, _ =	vpop (xrf0)  }
0x4b: {  	(v2sf) =	vpush v16, $0xF;
	v16 =	vsel vm3, $0x80000000, v13;
	(xrf0) =	vmax.scan.msk.u32 $0xffff, v9;
	v9, _, _ =	vpop (xrf0)  }
0x4c: {  	v16 =	vxor.u32 $0x80000000, v16;
	v12, _, _ =	vpop (xrf0);
	(v2sf) =	vpush v9, $0xF;
	v9 =	vsel vm6, $0x80000000, v13  }
0x4d: {  	v18, _, _ =	vpop (xrf0);
	(v2sf) =	vpush v12, $0xF;
	v9 =	vxor.u32 $0x80000000, v9;
	v12 =	vsel vm2, $0x80000000, v13  }
0x4e: {  	v19, _, _ =	vpop (xrf0);
	v12 =	vxor.u32 $0x80000000, v12  }
0x4f: {  	(xrf0) =	vmax.scan.msk.u32 $0xffff, v16;
	(v2sf) =	vpush v11, $0xF;
	v16, _, _ =	vpop (xrf0)  }
0x50: {  	s4 =	simm.s32 $0x20;
	v17 =	vsel vm4, $0x80000000, v13;
	(xrf0) =	vmax.scan.msk.u32 $0xffff, v9;
	(v2sf) =	vpush v10, $0xF;
	v9, _, _ =	vpop (xrf0)  }
0x51: {  	v11 =	vor.u32 s4, v0;
	v10 =	vxor.u32 $0x80000000, v17;
	(xrf0) =	vmax.scan.msk.u32 $0xffff, v12;
	(v2sf) =	vpush v15, $0xF;
	v12, _, _ =	vpop (xrf0)  }
0x52: {  	v17 =	vsel vm10, $0x80000000, v13;
	v15 =	vsel vm5, $0x80000000, v13;
	(v2sf) =	vpush v12, $0xF  }
0x53: {  	v17 =	vxor.u32 $0x80000000, v17;
	(xrf0) =	vmax.scan.msk.u32 $0xffff, v10;
	v10 =	vsel vm7, $0x80000000, v13;
	(v2sf) =	vpush v18, $0xF  }
0x54: {  	v12 =	vxor.u32 $0x80000000, v15;
	(xrf0) =	vmax.scan.msk.u32 $0xffff, v17;
	v17 =	vxor.u32 $0x80000000, v10;
	(v2sf) =	vpush v19, $0xF  }
0x55: {  	v15 =	vsel vm8, $0x80000000, v13;
	(xrf0) =	vmax.scan.msk.u32 $0xffff, v12;
	(v2sf) =	vpush v16, $0xF;
	v16 =	vsel vm12, $0x80000000, v13  }
0x56: {  	v12 =	vsel vm11, $0x80000000, v13;
	v10 =	vld.idx.msk [tilespmem:v11+s3+$0x0], $0xffff;
	v11, _, _ =	vpop (xrf0);
	v15 =	vxor.u32 $0x80000000, v15;
	(xrf0) =	vmax.scan.msk.u32 $0xffff, v17  }
0x57: {  	v12 =	vxor.u32 $0x80000000, v12;
	v17, _, _ =	vpop (xrf0);
	(xrf0) =	vmax.scan.msk.u32 $0xffff, v15  }
0x58: {  	s25 =	spop (v2sf);
	(v2sf) =	vpush v9, $0xF;
	v15 =	vxor.u32 $0x80000000, v16;
	(xrf0) =	vmax.scan.msk.u32 $0xffff, v12;
	v16, _, _ =	vpop (xrf0)  }
0x59: {  	s5 =	spop (v2sf);
	v9 =	vsel vm13, $0x80000000, v13;
	(v2sf) =	vpush v11, $0xF;
	v18, _, _ =	vpop (xrf0);
	(xrf0) =	vmax.scan.msk.u32 $0xffff, v15;
	v15 =	vsel vm15, $0x80000000, v13  }
0x5a: {  	s26 =	spop (v2sf);
	v11 =	vsel vm14, $0x80000000, v13;
	v9 =	vxor.u32 $0x80000000, v9;
	(v2sf) =	vpush v17, $0xF  }
0x5b: {  	s6 =	spop (v2sf);
	v11 =	vxor.u32 $0x80000000, v11;
	(v2sf) =	vpush v14, $0xF;
	v12, _, _ =	vpop (xrf0);
	(xrf0) =	vmax.scan.msk.u32 $0xffff, v9  }
0x5c: {  	s9 =	spop (v2sf);
	v14 =	vnsel vm0, $0x80000000, v10;
	v9 =	vxor.u32 $0x80000000, v15;
	(xrf0) =	vmax.scan.msk.u32 $0xffff, v11;
	v11 =	vsel vm1, $0x80000000, v10;
	v15, _, _ =	vpop (xrf0)  }
0x5d: {  	s31 =	spop (v2sf);
	(v2sf) =	vpush v16, $0xF;
	v11 =	vxor.u32 $0x80000000, v11;
	v16, _, _ =	vpop (xrf0);
	(xrf0) =	vmax.scan.msk.u32 $0xffff, v9;
	v9 =	vsel vm9, $0x80000000, v13  }
0x5e: {  	s2 =	simm.s32 $0x30;
	s12 =	sand.u32 $0x70, s3;
	s8 =	spop (v2sf);
	v14 =	vxor.u32 $0x80000000, v14;
	v9 =	vxor.u32 $0x80000000, v9  }
0x5f: {  	s21 =	sand.u32 $0x300, s3;
	s0 =	sxor.u32 $0x80000000, s25;
	s1 =	spop (v2sf);
	(xrf0) =	vmax.scan.msk.u32 $0xffff, v14;
	v13, _, _ =	vpop (xrf0)  }
0x60: {  	s23 =	sxor.u32 $0x80000000, s6;
	s6 =	sor.u32 s12, s21;
	v17 =	vsel vm4, $0x80000000, v10;
	s12 =	spop (v2sf);
	v14 =	vsel vm3, $0x80000000, v10;
	(xrf0) =	vmax.scan.msk.u32 $0xffff, v11;
	v11, _, _ =	vpop (xrf0)  }
0x61: {  	s5 =	sxor.u32 $0x80000000, s5;
	[smem:s6] =	sst s0;
	(v2sf) =	vpush v18, $0xF;
	v18 =	vsel vm6, $0x80000000, v10;
	s24 =	spop (v2sf);
	v14 =	vxor.u32 $0x80000000, v14;
	(xrf0) =	vmax.scan.msk.u32 $0xffff, v9;
	v9, _, _ =	vpop (xrf0)  }
0x62: {  	s9 =	sxor.u32 $0x80000000, s9;
	[smem:s6+$0x1] =	sst s5;
	v22 =	vsel vm2, $0x80000000, v10;
	v18 =	vxor.u32 $0x80000000, v18;
	(v2sf) =	vpush v16, $0xF;
	s25 =	spop (v2sf);
	v21, _, _ =	vpop (xrf0)  }
0x63: {  	s11 =	sxor.u32 $0x80000000, s26;
	[smem:s6+$0x2] =	sst s9;
	v16 =	vxor.u32 $0x80000000, v17;
	s9 =	spop (v2sf);
	(v2sf) =	vpush v9, $0xF;
	v9 =	vor.u32 s2, v0;
	v17, _, _ =	vpop (xrf0);
	(xrf0) =	vmax.scan.msk.u32 $0xffff, v14  }
0x64: {  	s10 =	sxor.u32 $0x80000000, s31;
	[smem:s6+$0x3] =	sst s11;
	v19 =	vsel vm7, $0x80000000, v10;
	v22 =	vxor.u32 $0x80000000, v22;
	s26 =	spop (v2sf);
	(v2sf) =	vpush v21, $0xF;
	v14, _, _ =	vpop (xrf0);
	(xrf0) =	vmax.scan.msk.u32 $0xffff, v18  }
0x65: {  	v20 =	vsel vm14, $0x80000000, v10;
	v61 =	vsel vm10, $0x80000000, v10;
	[smem:s6+$0x4] =	sst s10;
	s21 =	sxor.u32 $0x80000000, s9;
	s5 =	spop (v2sf);
	(v2sf) =	vpush v13, $0xF;
	v23, _, _ =	vpop (xrf0);
	(xrf0) =	vmax.scan.msk.u32 $0xffff, v22  }
0x66: {  	[smem:s6+$0x5] =	sst s21;
	v21 =	vxor.u32 $0x80000000, v61;
	s21 =	spop (v2sf);
	v13 =	vsel vm5, $0x80000000, v10;
	(v2sf) =	vpush v11, $0xF;
	v62, _, _ =	vpop (xrf0);
	(xrf0) =	vmax.scan.msk.u32 $0xffff, v16  }
0x67: {  	s0 =	simm.s32 $0x20;
	v18 =	vsel vm8, $0x80000000, v10;
	s9 =	spop (v2sf);
	v13 =	vxor.u32 $0x80000000, v13;
	(v2sf) =	vpush v15, $0xF;
	v16, _, _ =	vpop (xrf0);
	(xrf0) =	vmax.scan.msk.u32 $0xffff, v21  }
0x68: {  	s30 =	sand.u32 $0x300, s0;
	s8 =	sxor.u32 $0x80000000, s8;
	v11 =	vsel vm11, $0x80000000, v10;
	s10 =	spop (v2sf);
	v15 =	vxor.u32 $0x80000000, v19;
	v9 =	vld.idx.msk [tilespmem:v9+s3+$0x0], $0xffff;
	(xrf0) =	vmax.scan.msk.u32 $0xffff, v13;
	(v2sf) =	vpush v16, $0xF  }
0x69: {  	s31 =	sxor.u32 $0x80000000, s24;
	[smem:s6+$0x6] =	sst s23;
	s24 =	spop (v2sf);
	v13 =	vxor.u32 $0x80000000, v18;
	v16, _, _ =	vpop (xrf0);
	(xrf0) =	vmax.scan.msk.u32 $0xffff, v15;
	(v2sf) =	vpush v17, $0xF;
	v15 =	vsel vm12, $0x80000000, v10  }
0x6a: {  	s11 =	simm.s32 $0x40;
	v63 =	vsel vm9, $0x80000000, v10;
	s1 =	sxor.u32 $0x80000000, s1;
	[smem:s6+$0x7] =	sst s8;
	v11 =	vxor.u32 $0x80000000, v11;
	v18, _, _ =	vpop (xrf0);
	(xrf0) =	vmax.scan.msk.u32 $0xffff, v13;
	(v2sf) =	vpush v14, $0xF  }
0x6b: {  	s26 =	sxor.u32 $0x80000000, s26;
	[smem:s6+$0x8] =	sst s31;
	s28 =	spop (v2sf);
	v17 =	vsel vm13, $0x80000000, v10;
	v13 =	vxor.u32 $0x80000000, v15;
	v24, _, _ =	vpop (xrf0);
	(v2sf) =	vpush v23, $0xF;
	(xrf0) =	vmax.scan.msk.u32 $0xffff, v11  }
0x6c: {  	s25 =	sxor.u32 $0x80000000, s25;
	[smem:s6+$0x9] =	sst s26;
	s31 =	spop (v2sf);
	v10 =	vsel vm15, $0x80000000, v10;
	v14 =	vxor.u32 $0x80000000, v17;
	v15, _, _ =	vpop (xrf0);
	(v2sf) =	vpush v62, $0xF;
	(xrf0) =	vmax.scan.msk.u32 $0xffff, v13  }
0x6d: {  	s8 =	sxor.u32 $0x80000000, s24;
	s24 =	sxor.u32 $0x80000000, s9;
	s29 =	sxor.u32 $0x80000000, s31;
	(v2sf) =	vpush v16, $0xF;
	v11, _, _ =	vpop (xrf0);
	(xrf0) =	vmax.scan.msk.u32 $0xffff, v14;
	v14 =	vnsel vm0, $0x80000000, v9;
	v16 =	vsel vm1, $0x80000000, v9  }
0x6e: {  	s9 =	sxor.u32 $0x80000000, s28;
	s28 =	sxor.u32 $0x80000000, s21;
	v17 =	vxor.u32 $0x80000000, v20;
	[smem:s6+$0xA] =	sst s29;
	v14 =	vxor.u32 $0x80000000, v14  }
0x6f: {  	s26 =	spop (v2sf);
	s31 =	sxor.u32 $0x80000000, s12;
	v20 =	vxor.u32 $0x80000000, v10;
	[smem:s6+$0xB] =	sst s25;
	v10, _, _ =	vpop (xrf0);
	(v2sf) =	vpush v18, $0xF;
	(xrf0) =	vmax.scan.msk.u32 $0xffff, v17  }
0x70: {  	s23 =	spop (v2sf);
	s29 =	sxor.u32 $0x80000000, s5;
	v13 =	vxor.u32 $0x80000000, v63;
	[smem:s6+$0xC] =	sst s1;
	v19 =	vxor.u32 $0x80000000, v16;
	(v2sf) =	vpush v12, $0xF;
	v16, _, _ =	vpop (xrf0);
	(xrf0) =	vmax.scan.msk.u32 $0xffff, v20  }
0x71: {  	s5 =	simm.s32 $0x40;
	s25 =	sand.u32 $0x70, s7;
	[smem:s6+$0xD] =	sst s31;
	v18 =	vsel vm3, $0x80000000, v9;
	v17 =	vsel vm4, $0x80000000, v9;
	(v2sf) =	vpush v24, $0xF;
	(xrf0) =	vmax.scan.msk.u32 $0xffff, v14;
	v14, _, _ =	vpop (xrf0)  }
.LBB2_2:
0x72: {  	s1 =	spop (v2sf)  }
0x73: {  	v20 =	vsel vm6, $0x80000000, v9;
	[smem:s6+$0xE] =	sst s29;
	s7 =	smov.u32 s4;
	s4 =	smov.u32 s2  }
0x74: {  	v21 =	vsel vm7, $0x80000000, v9;
	(xrf0) =	vmax.scan.msk.u32 $0xffff, v19;
	(v2sf) =	vpush v15, $0xF;
	v15, _, _ =	vpop (xrf0);
	v12 =	vmov v11;
	s2 =	smov.u32 s11;
	s21 =	sadd.s32 $0x10, s11;
	s26 =	sxor.u32 $0x80000000, s26  }
0x75: {  	v11 =	vxor.u32 $0x80000000, v18;
	v19 =	vsel vm14, $0x80000000, v9;
	s10 =	sxor.u32 $0x80000000, s10;
	v18 =	vxor.u32 $0x80000000, v20;
	(xrf0) =	vmax.scan.msk.u32 $0xffff, v13;
	v13, _, _ =	vpop (xrf0);
	s0 =	spop (v2sf);
	[smem:s6+$0xF] =	sst s28  }
0x76: {  	v17 =	vxor.u32 $0x80000000, v17;
	v22 =	vsel vm11, $0x80000000, v9;
	s12 =	simm.s32 $0x0;
	v20 =	vsel vm8, $0x80000000, v9;
	s6 =	sor.u32 s25, s30;
	v23, _, _ =	vpop (xrf0);
	s25 =	spop (v2sf)  }
0x77: {  	v24 =	vsel vm5, $0x80000000, v9;
	v25 =	vsel vm9, $0x80000000, v9;
	v26 =	vsel vm10, $0x80000000, v9;
	p0 =	sne.s32 s11, $0x1F0;
	v27, _, _ =	vpop (xrf0);
	[smem:s6] =	sst s24;
	s24 =	spop (v2sf)  }
0x78: {  	v28 =	vsel vm2, $0x80000000, v9;
	v26 =	vxor.u32 $0x80000000, v26;
	(xrf0) =	vmax.scan.msk.u32 $0xffff, v11;
	(v2sf) =	vpush v16, $0xF;
	v11, _, _ =	vpop (xrf0);
	[smem:s6+$0x1] =	sst s10;
	s10 =	sxor.u32 $0x80000000, s23;
	s23 =	spop (v2sf)  }
0x79: {  	v28 =	vxor.u32 $0x80000000, v28;
	v16 =	vor.u32 s2, v0;
	v29, _, _ =	vpop (xrf0);
	(xrf0) =	vmax.scan.msk.u32 $0xffff, v18;
	(v2sf) =	vpush v13, $0xF;
	[smem:s6+$0x2] =	sst s26;
	s26 =	sxor.u32 $0x80000000, s1;
	s1 =	spop (v2sf)  }
0x7a: {  	v13 =	vxor.u32 $0x80000000, v24;
	v18 =	vxor.u32 $0x80000000, v22;
	v22, _, _ =	vpop (xrf0);
	(xrf0) =	vmax.scan.msk.u32 $0xffff, v28;
	(v2sf) =	vpush v23, $0xF;
	[smem:s6+$0x3] =	sst s8;
	s1 =	sxor.u32 $0x80000000, s1;
	s8 =	spop (v2sf)  }
0x7b: {  	s24 =	sxor.u32 $0x80000000, s24;
	v24 =	vsel vm13, $0x80000000, v9;
	v23 =	vsel vm12, $0x80000000, v9;
	(xrf0) =	vmax.scan.msk.u32 $0xffff, v17;
	(v2sf) =	vpush v14, $0xF;
	v14, _, _ =	vpop (xrf0);
	[smem:s6+$0x4] =	sst s10;
	s28 =	spop (v2sf)  }
0x7c: {  	s0 =	sxor.u32 $0x80000000, s0;
	v17 =	vxor.u32 $0x80000000, v23;
	v23 =	vxor.u32 $0x80000000, v24;
	(v2sf) =	vpush v15, $0xF;
	[smem:s6+$0x5] =	sst s1;
	s11 =	spop (v2sf)  }
0x7d: {  	v19 =	vxor.u32 $0x80000000, v19;
	v15 =	vsel vm15, $0x80000000, v9;
	s1 =	smov.u32 s5;
	(xrf0) =	vmax.scan.msk.u32 $0xffff, v26;
	s29 =	spop (v2sf);
	(v2sf) =	vpush v10, $0xF;
	[smem:s6+$0x6] =	sst s9  }
0x7e: {  	s30 =	sxor.u32 $0x80000000, s23;
	v10 =	vxor.u32 $0x80000000, v21;
	v21 =	vxor.u32 $0x80000000, v15;
	v9 =	vld.idx.msk [tilespmem:v16+s12+$0x0], $0xffff;
	v16, _, _ =	vpop (xrf0);
	(xrf0) =	vmax.scan.msk.u32 $0xffff, v13;
	s10 =	spop (v2sf);
	(v2sf) =	vpush v14, $0xF;
	[smem:s6+$0x7] =	sst s26  }
0x7f: {  	s5 =	sadd.s32 $0x20, s5;
	v14 =	vxor.u32 $0x80000000, v20;
	v13 =	vxor.u32 $0x80000000, v25;
	s26 =	sxor.u32 $0x80000000, s8;
	v20, _, _ =	vpop (xrf0);
	(xrf0) =	vmax.scan.msk.u32 $0xffff, v10;
	s9 =	spop (v2sf);
	(v2sf) =	vpush v27, $0xF  }
0x80: {  	v24, _, _ =	vpop (xrf0);
	(xrf0) =	vmax.scan.msk.u32 $0xffff, v14;
	s8 =	sxor.u32 $0x80000000, s9;
	s9 =	spop (v2sf);
	(v2sf) =	vpush v11, $0xF;
	[smem:s6+$0x8] =	sst s24  }
0x81: {  	s24 =	sxor.u32 $0x80000000, s29;
	(v2sf) =	vpush v29, $0xF;
	v15, _, _ =	vpop (xrf0);
	(xrf0) =	vmax.scan.msk.u32 $0xffff, v18;
	[smem:s6+$0x9] =	sst s26;
	s23 =	spop (v2sf)  }
.Ltmp2:
0x82: {  	(v2sf) =	vpush v22, $0xF;
	(xrf0) =	vmax.scan.msk.u32 $0xffff, v17;
	s26 =	spop (v2sf);
	s29 =	sxor.u32 $0x80000000, s23;
	(pc) =	sbr.rel @p0 .LBB2_2-.Ltmp2, $4  }
0x83: {  	s9 =	sxor.u32 $0x80000000, s9;
	(v2sf) =	vpush v16, $0xF;
	v11, _, _ =	vpop (xrf0);
	(xrf0) =	vmax.scan.msk.u32 $0xffff, v23;
	s23 =	spop (v2sf);
	[smem:s6+$0xA] =	sst s29  }
0x84: {  	v22 =	vnsel vm0, $0x80000000, v9;
	v17 =	vsel vm1, $0x80000000, v9;
	s29 =	sxor.u32 $0x80000000, s28;
	s28 =	sxor.u32 $0x80000000, s11;
	v10, _, _ =	vpop (xrf0);
	(v2sf) =	vpush v20, $0xF;
	(xrf0) =	vmax.scan.msk.u32 $0xffff, v19;
	[smem:s6+$0xB] =	sst s30  }
0x85: {  	s11 =	smov.u32 s21;
	v20 =	vxor.u32 $0x80000000, v22;
	v19 =	vxor.u32 $0x80000000, v17;
	v16, _, _ =	vpop (xrf0);
	(xrf0) =	vmax.scan.msk.u32 $0xffff, v21;
	(v2sf) =	vpush v12, $0xF;
	[smem:s6+$0xC] =	sst s0;
	s0 =	sxor.u32 $0x80000000, s25  }
0x86: {  	v18 =	vsel vm3, $0x80000000, v9;
	v17 =	vsel vm4, $0x80000000, v9;
	s30 =	sand.u32 $0x300, s1;
	s25 =	sand.u32 $0x70, s7;
	(xrf0) =	vmax.scan.msk.u32 $0xffff, v20;
	(v2sf) =	vpush v24, $0xF;
	v14, _, _ =	vpop (xrf0);
	[smem:s6+$0xD] =	sst s0  }
0x87: {  	(xrf0) =	vmax.scan.msk.u32 $0xffff, v19;
	v12, _, _ =	vpop (xrf0);
	s7 =	spop (v2sf);
	(v2sf) =	vpush v15, $0xF  }
0x88: {  	(xrf0) =	vmax.scan.msk.u32 $0xffff, v13;
	v13, _, _ =	vpop (xrf0);
	s1 =	spop (v2sf);
	(v2sf) =	vpush v16, $0xF  }
0x89: {  	[smem:s6+$0xE] =	sst s29;
	v15, _, _ =	vpop (xrf0);
	s0 =	spop (v2sf);
	(v2sf) =	vpush v13, $0xF  }
0x8a: {  	v18 =	vxor.u32 $0x80000000, v18;
	[smem:s6+$0xF] =	sst s28;
	s6 =	sor.u32 s25, s30;
	v16, _, _ =	vpop (xrf0);
	s11 =	spop (v2sf);
	(v2sf) =	vpush v15, $0xF;
	v15 =	vsel vm6, $0x80000000, v9  }
0x8b: {  	s10 =	sxor.u32 $0x80000000, s10;
	[smem:s6] =	sst s24;
	v13, _, _ =	vpop (xrf0);
	s21 =	spop (v2sf);
	(v2sf) =	vpush v14, $0xF;
	v14 =	vxor.u32 $0x80000000, v15  }
0x8c: {  	s26 =	sxor.u32 $0x80000000, s26;
	[smem:s6+$0x1] =	sst s10;
	v15 =	vsel vm2, $0x80000000, v9;
	v19, _, _ =	vpop (xrf0);
	s28 =	spop (v2sf);
	(xrf0) =	vmax.scan.msk.u32 $0xffff, v18  }
0x8d: {  	[smem:s6+$0x2] =	sst s26;
	(v2sf) =	vpush v12, $0xF;
	v12 =	vxor.u32 $0x80000000, v15;
	v18, _, _ =	vpop (xrf0);
	s29 =	spop (v2sf);
	(xrf0) =	vmax.scan.msk.u32 $0xffff, v14  }
0x8e: {  	s23 =	sxor.u32 $0x80000000, s23;
	[smem:s6+$0x3] =	sst s8;
	v15 =	vsel vm10, $0x80000000, v9;
	(v2sf) =	vpush v10, $0xF;
	v10 =	vxor.u32 $0x80000000, v17;
	v14, _, _ =	vpop (xrf0);
	s10 =	spop (v2sf);
	(xrf0) =	vmax.scan.msk.u32 $0xffff, v12  }
0x8f: {  	[smem:s6+$0x4] =	sst s23;
	v12 =	vsel vm5, $0x80000000, v9;
	s23 =	spop (v2sf);
	(v2sf) =	vpush v14, $0xF;
	v14 =	vxor.u32 $0x80000000, v15;
	(xrf0) =	vmax.scan.msk.u32 $0xffff, v10  }
0x90: {  	v10 =	vsel vm7, $0x80000000, v9;
	v12 =	vxor.u32 $0x80000000, v12;
	s25 =	spop (v2sf);
	(v2sf) =	vpush v16, $0xF;
	(xrf0) =	vmax.scan.msk.u32 $0xffff, v14  }
0x91: {  	s4 =	sand.u32 $0x70, s4;
	s31 =	sxor.u32 $0x80000000, s7;
	v10 =	vxor.u32 $0x80000000, v10;
	s7 =	spop (v2sf);
	(v2sf) =	vpush v13, $0xF;
	v13 =	vsel vm8, $0x80000000, v9;
	(xrf0) =	vmax.scan.msk.u32 $0xffff, v12  }
0x92: {  	[dreg:$0xb] =	wrdreg s14;
	s1 =	sxor.u32 $0x80000000, s1;
	s30 =	sxor.u32 $0x80000000, s28;
	v14, _, _ =	vpop (xrf0);
	v13 =	vxor.u32 $0x80000000, v13;
	(xrf0) =	vmax.scan.msk.u32 $0xffff, v10  }
0x93: {  	s0 =	sxor.u32 $0x80000000, s0;
	[smem:s6+$0x5] =	sst s30;
	v12 =	vsel vm11, $0x80000000, v9;
	s26 =	spop (v2sf);
	(v2sf) =	vpush v19, $0xF;
	v15, _, _ =	vpop (xrf0);
	(xrf0) =	vmax.scan.msk.u32 $0xffff, v13;
	v13 =	vsel vm13, $0x80000000, v9  }
0x94: {  	s28 =	sxor.u32 $0x80000000, s29;
	[smem:s6+$0x6] =	sst s9;
	v10 =	vxor.u32 $0x80000000, v12;
	v12 =	vsel vm12, $0x80000000, v9;
	s29 =	spop (v2sf);
	(v2sf) =	vpush v18, $0xF  }
0x95: {  	s11 =	sxor.u32 $0x80000000, s11;
	s21 =	sxor.u32 $0x80000000, s21;
	[smem:s6+$0x7] =	sst s31;
	v12 =	vxor.u32 $0x80000000, v12;
	(v2sf) =	vpush v14, $0xF;
	v14, _, _ =	vpop (xrf0);
	(xrf0) =	vmax.scan.msk.u32 $0xffff, v10  }
0x96: {  	[smem:s6+$0x8] =	sst s11;
	s31 =	sxor.u32 $0x80000000, s25;
	s30 =	spop (v2sf);
	v10 =	vxor.u32 $0x80000000, v13;
	(v2sf) =	vpush v15, $0xF;
	v13, _, _ =	vpop (xrf0);
	(xrf0) =	vmax.scan.msk.u32 $0xffff, v12  }
0x97: {  	[smem:s6+$0x9] =	sst s28;
	s9 =	sxor.u32 $0x80000000, s30;
	s25 =	spop (v2sf);
	(v2sf) =	vpush v11, $0xF;
	v11, _, _ =	vpop (xrf0);
	(xrf0) =	vmax.scan.msk.u32 $0xffff, v10;
	v10 =	vsel vm14, $0x80000000, v9  }
0x98: {  	s10 =	sxor.u32 $0x80000000, s10;
	[smem:s6+$0xA] =	sst s9;
	s24 =	spop (v2sf);
	(v2sf) =	vpush v14, $0xF;
	v14 =	vsel vm15, $0x80000000, v9;
	v10 =	vxor.u32 $0x80000000, v10  }
0x99: {  	s28 =	sxor.u32 $0x80000000, s23;
	[smem:s6+$0xB] =	sst s21;
	s23 =	spop (v2sf);
	v9 =	vsel vm9, $0x80000000, v9;
	v12, _, _ =	vpop (xrf0);
	(v2sf) =	vpush v13, $0xF;
	v13 =	vxor.u32 $0x80000000, v14  }
0x9a: {  	s7 =	sxor.u32 $0x80000000, s7;
	[smem:s6+$0xC] =	sst s1;
	s1 =	spop (v2sf);
	v9 =	vxor.u32 $0x80000000, v9;
	v15, _, _ =	vpop (xrf0)  }
0x9b: {  	s9 =	sxor.u32 $0x80000000, s29;
	(xrf0) =	vmax.scan.msk.u32 $0xffff, v10;
	[smem:s6+$0xD] =	sst s0;
	s0 =	spop (v2sf);
	v10, _, _ =	vpop (xrf0)  }
0x9c: {  	s29 =	sand.u32 $0x300, s5;
	[smem:s6+$0xE] =	sst s10;
	s30 =	spop (v2sf);
	(xrf0) =	vmax.scan.msk.u32 $0xffff, v13;
	v13, _, _ =	vpop (xrf0)  }
0x9d: {  	s4 =	sor.u32 s4, s29;
	(v2sf) =	vpush v15, $0xF;
	[smem:s6+$0xF] =	sst s28;
	s6 =	spop (v2sf);
	(xrf0) =	vmax.scan.msk.u32 $0xffff, v9;
	v9, _, _ =	vpop (xrf0)  }
0x9e: {  	s8 =	sxor.u32 $0x80000000, s26;
	[smem:s4] =	sst s31;
	s31 =	spop (v2sf);
	v14, _, _ =	vpop (xrf0);
	(v2sf) =	vpush v9, $0xF  }
0x9f: {  	s26 =	sxor.u32 $0x80000000, s25;
	[smem:s4+$0x1] =	sst s7;
	s28 =	spop (v2sf);
	(v2sf) =	vpush v14, $0xF  }
0xa0: {  	s2 =	sand.u32 $0x70, s2;
	[smem:s4+$0x2] =	sst s26;
	s21 =	spop (v2sf);
	(v2sf) =	vpush v10, $0xF  }
0xa1: {  	s24 =	sxor.u32 $0x80000000, s24;
	[smem:s4+$0x3] =	sst s8;
	v9, _, _ =	vpop (xrf0);
	s8 =	spop (v2sf);
	(v2sf) =	vpush v13, $0xF  }
0xa2: {  	[smem:s4+$0x4] =	sst s24;
	s11 =	sxor.u32 $0x80000000, s31;
	v10, _, _ =	vpop (xrf0);
	s29 =	spop (v2sf);
	(v2sf) =	vpush v12, $0xF  }
0xa3: {  	s23 =	sxor.u32 $0x80000000, s23;
	[smem:s4+$0x5] =	sst s11;
	v12, _, _ =	vpop (xrf0);
	s11 =	spop (v2sf)  }
0xa4: {  	s10 =	sxor.u32 $0x80000000, s30;
	[smem:s4+$0x6] =	sst s9;
	(v2sf) =	vpush v12, $0xF;
	s30 =	spop (v2sf)  }
0xa5: {  	s5 =	sadd.s32 $0x20, s5;
	[smem:s4+$0x7] =	sst s23;
	(v2sf) =	vpush v9, $0xF;
	s23 =	spop (v2sf)  }
0xa6: {  	s7 =	sxor.u32 $0x80000000, s28;
	[smem:s4+$0x8] =	sst s10;
	(v2sf) =	vpush v10, $0xF;
	s31 =	spop (v2sf)  }
0xa7: {  	s1 =	sxor.u32 $0x80000000, s1;
	[smem:s4+$0x9] =	sst s7;
	s10 =	sxor.u32 $0x80000000, s31;
	(v2sf) =	vpush v11, $0xF  }
0xa8: {  	s0 =	sxor.u32 $0x80000000, s0;
	s6 =	sxor.u32 $0x80000000, s6;
	[smem:s4+$0xA] =	sst s10  }
0xa9: {  	s26 =	sxor.u32 $0x80000000, s29;
	s29 =	sxor.u32 $0x80000000, s21;
	[smem:s4+$0xB] =	sst s6  }
0xaa: {  	s9 =	sxor.u32 $0x80000000, s30;
	s25 =	spop (v2sf);
	[smem:s4+$0xC] =	sst s1  }
0xab: {  	s31 =	sand.u32 $0x300, s5;
	s28 =	spop (v2sf);
	[smem:s4+$0xD] =	sst s0  }
0xac: {  	s5 =	spop (v2sf);
	s0 =	sor.u32 s2, s31;
	[smem:s4+$0xE] =	sst s29  }
0xad: {  	s30 =	sxor.u32 $0x80000000, s8;
	[smem:s0] =	sst s26;
	s6 =	spop (v2sf)  }
0xae: {  	s8 =	sxor.u32 $0x80000000, s11;
	[smem:s4+$0xF] =	sst s30;
	s2 =	spop (v2sf)  }
0xaf: {  	s11 =	sxor.u32 $0x80000000, s25;
	[smem:s0+$0x1] =	sst s8;
	s21 =	spop (v2sf)  }
0xb0: {  	s29 =	simm.s32 $0x200;
	[smem:s0+$0x2] =	sst s11;
	s26 =	spop (v2sf)  }
0xb1: {  	s25 =	sxor.u32 $0x80000000, s28;
	v9 =	vor.u32 s29, v0;
	[smem:s0+$0x3] =	sst s9;
	s28 =	spop (v2sf)  }
0xb2: {  	[smem:s0+$0x4] =	sst s25;
	s4 =	sxor.u32 $0x80000000, s28  }
0xb3: {  	s30 =	sxor.u32 $0x80000000, s23;
	s31 =	spop (v2sf);
	[smem:s0+$0x5] =	sst s4  }
0xb4: {  	s10 =	sxor.u32 $0x80000000, s5;
	s11 =	spop (v2sf);
	[smem:s0+$0x6] =	sst s30  }
0xb5: {  	s21 =	sxor.u32 $0x80000000, s21;
	s23 =	spop (v2sf);
	[smem:s0+$0x7] =	sst s10  }
0xb6: {  	v10 =	vld.idx.msk [tilespmem:v9+s3+$0x0], $0xffff;
	s24 =	sxor.u32 $0x80000000, s31;
	s25 =	spop (v2sf);
	[smem:s0+$0x8] =	sst s21  }
0xb7: {  	s1 =	sxor.u32 $0x80000000, s25;
	[smem:s0+$0x9] =	sst s24  }
0xb8: {  	p3 =	por $0x1, $0x1;
	s26 =	sxor.u32 $0x80000000, s26;
	[smem:s0+$0xA] =	sst s1  }
.Ltmp3:
0xb9: {  	s28 =	sxor.u32 $0x80000000, s6;
	[smem:s0+$0xB] =	sst s26;
	(pc) =	sbr.rel @!p3 .LBB2_4-.Ltmp3, $4  }
0xba: {  	s29 =	sxor.u32 $0x80000000, s2;
	[smem:s0+$0xC] =	sst s28  }
0xbb: {  	s30 =	sxor.u32 $0x80000000, s11;
	v9 =	vnsel vm0, $0x80000000, v10;
	v11 =	vsel vm1, $0x80000000, v10;
	[smem:s0+$0xD] =	sst s29  }
0xbc: {  	p0 =	por $0x0, $0x0;
	s31 =	sxor.u32 $0x80000000, s23;
	v16 =	vsel vm3, $0x80000000, v10;
	v12 =	vsel vm4, $0x80000000, v10;
	v9 =	vxor.u32 $0x80000000, v9;
	[smem:s0+$0xE] =	sst s30  }
0xbd: {  	p1 =	por $0x0, $0x0;
	p2 =	por $0x0, $0x0;
	v13 =	vsel vm9, $0x80000000, v10;
	v17 =	vxor.u32 $0x80000000, v11;
	v11 =	vsel vm10, $0x80000000, v10;
	(xrf0) =	vmax.scan.msk.u32 $0xffff, v9;
	[smem:s0+$0xF] =	sst s31  }
0xbe: {  	(xrf0) =	vmax.scan.msk.u32 $0xffff, v17;
	v9 =	vxor.u32 $0x80000000, v16  }
0xbf: {  	(xrf0) =	vmax.scan.msk.u32 $0xffff, v9;
	v9 =	vxor.u32 $0x80000000, v13  }
0xc0: {  	v12 =	vxor.u32 $0x80000000, v12;
	v13 =	vsel vm6, $0x80000000, v10;
	(xrf0) =	vmax.scan.msk.u32 $0xffff, v9  }
0xc1: {  	s0 =	simm.s32 $0x210;
	v9 =	vsel vm7, $0x80000000, v10;
	v13 =	vxor.u32 $0x80000000, v13;
	(xrf0) =	vmax.scan.msk.u32 $0xffff, v12  }
0xc2: {  	v14 =	vor.u32 s0, v0;
	v9 =	vxor.u32 $0x80000000, v9;
	v12 =	vsel vm2, $0x80000000, v10;
	(xrf0) =	vmax.scan.msk.u32 $0xffff, v13  }
0xc3: {  	v13 =	vsel vm11, $0x80000000, v10;
	v12 =	vxor.u32 $0x80000000, v12;
	v15, _, _ =	vpop (xrf0);
	(xrf0) =	vmax.scan.msk.u32 $0xffff, v9  }
0xc4: {  	v13 =	vxor.u32 $0x80000000, v13;
	v16, _, _ =	vpop (xrf0);
	(xrf0) =	vmax.scan.msk.u32 $0xffff, v12  }
0xc5: {  	v11 =	vxor.u32 $0x80000000, v11;
	v12 =	vsel vm12, $0x80000000, v10;
	(xrf0) =	vmax.scan.msk.u32 $0xffff, v13  }
0xc6: {  	(v2sf) =	vpush v15, $0xF;
	v15, _, _ =	vpop (xrf0);
	v13 =	vsel vm13, $0x80000000, v10;
	(xrf0) =	vmax.scan.msk.u32 $0xffff, v11;
	v11 =	vsel vm5, $0x80000000, v10  }
0xc7: {  	v18 =	vld.idx.msk [tilespmem:v14+s3+$0x0], $0xffff;
	v12 =	vxor.u32 $0x80000000, v12;
	(v2sf) =	vpush v16, $0xF;
	v14, _, _ =	vpop (xrf0);
	v11 =	vxor.u32 $0x80000000, v11  }
0xc8: {  	v9 =	vsel vm8, $0x80000000, v10;
	v13 =	vxor.u32 $0x80000000, v13;
	(v2sf) =	vpush v15, $0xF;
	v15, _, _ =	vpop (xrf0);
	(xrf0) =	vmax.scan.msk.u32 $0xffff, v12  }
0xc9: {  	p3 =	por $0x1, $0x1;
	v9 =	vxor.u32 $0x80000000, v9;
	v12 =	vsel vm14, $0x80000000, v10;
	(v2sf) =	vpush v14, $0xF;
	v16, _, _ =	vpop (xrf0);
	(xrf0) =	vmax.scan.msk.u32 $0xffff, v13  }
.Ltmp4:
0xca: {  	v10 =	vsel vm15, $0x80000000, v10;
	v12 =	vxor.u32 $0x80000000, v12;
	(v2sf) =	vpush v15, $0xF;
	(xrf0) =	vmax.scan.msk.u32 $0xffff, v11;
	v11, _, _ =	vpop (xrf0);
	(pc) =	sbr.rel @!p3 .LBB2_6-.Ltmp4, $4  }
0xcb: {  	v10 =	vxor.u32 $0x80000000, v10;
	(v2sf) =	vpush v16, $0xF;
	v14, _, _ =	vpop (xrf0);
	(xrf0) =	vmax.scan.msk.u32 $0xffff, v12  }
0xcc: {  	v13 =	vsel vm1, $0x80000000, v18;
	v16 =	vsel vm3, $0x80000000, v18;
	v12 =	vnsel vm0, $0x80000000, v18;
	v15, _, _ =	vpop (xrf0);
	(xrf0) =	vmax.scan.msk.u32 $0xffff, v10  }
0xcd: {  	v17 =	vxor.u32 $0x80000000, v13;
	v13 =	vsel vm9, $0x80000000, v18;
	v10 =	vxor.u32 $0x80000000, v12;
	(xrf0) =	vmax.scan.msk.u32 $0xffff, v9;
	v9, _, _ =	vpop (xrf0)  }
0xce: {  	s9 =	simm.s32 $0x20;
	p0 =	por $0x1, $0x1;
	s29 =	simm.s32 $0x2400;
	(v2sf) =	vpush v11, $0xF;
	v11 =	vsel vm10, $0x80000000, v18;
	v12 =	vsel vm4, $0x80000000, v18;
	(xrf0) =	vmax.scan.msk.u32 $0xffff, v10;
	v19, _, _ =	vpop (xrf0)  }
0xcf: {  	(v2sf) =	vpush v14, $0xF;
	_ =	sdelay $0x1  }
0xd0: {  	(v2sf) =	vpush v19, $0xF  }
0xd1: {  	v10, _, _ =	vpop (xrf0);
	(v2sf) =	vpush v15, $0xF;
	v15 =	vxor.u32 $0x80000000, v16  }
0xd2: {  	v13 =	vxor.u32 $0x80000000, v13;
	v14, _, _ =	vpop (xrf0)  }
0xd3: {  	(xrf0) =	vmax.scan.msk.u32 $0xffff, v17;
	v16, _, _ =	vpop (xrf0)  }
0xd4: {  	(v2sf) =	vpush v14, $0xF;
	(xrf0) =	vmax.scan.msk.u32 $0xffff, v15;
	v15, _, _ =	vpop (xrf0)  }
0xd5: {  	v17 =	vsel vm7, $0x80000000, v18;
	s4 =	sand.u32 $0x300, s12;
	s7 =	sand.u32 $0x70, s12;
	v14 =	vsel vm6, $0x80000000, v18;
	(xrf0) =	vmax.scan.msk.u32 $0xffff, v13;
	v13, _, _ =	vpop (xrf0);
	(v2sf) =	vpush v15, $0xF  }
0xd6: {  	v12 =	vxor.u32 $0x80000000, v12;
	s0 =	simm.s32 $0x220;
	s12 =	sor.u32 s7, s4;
	v14 =	vxor.u32 $0x80000000, v14;
	s1 =	spop (v2sf);
	(v2sf) =	vpush v13, $0xF  }
0xd7: {  	[dreg:$0x10] =	wrdreg s12;
	(xrf0) =	vmax.scan.msk.u32 $0xffff, v12;
	v15 =	vor.u32 s0, v0;
	s2 =	spop (v2sf);
	s1 =	sxor.u32 $0x80000000, s1;
	(v2sf) =	vpush v16, $0xF;
	v16 =	vsel vm2, $0x80000000, v18  }
0xd8: {  	v12 =	vxor.u32 $0x80000000, v17;
	(xrf0) =	vmax.scan.msk.u32 $0xffff, v14;
	s14 =	spop (v2sf);
	[smem:s12+$0x80] =	sst s1;
	s24 =	sxor.u32 $0x80000000, s2;
	v16 =	vxor.u32 $0x80000000, v16  }
0xd9: {  	v11 =	vxor.u32 $0x80000000, v11;
	v14 =	vsel vm11, $0x80000000, v18;
	v13, _, _ =	vpop (xrf0);
	(xrf0) =	vmax.scan.msk.u32 $0xffff, v12;
	s5 =	spop (v2sf);
	[smem:s12+$0x81] =	sst s24  }
0xda: {  	v17, _, _ =	vpop (xrf0);
	(v2sf) =	vpush v13, $0xF;
	v13 =	vxor.u32 $0x80000000, v14;
	v14 =	vsel vm12, $0x80000000, v18;
	(xrf0) =	vmax.scan.msk.u32 $0xffff, v16;
	s8 =	spop (v2sf);
	s30 =	sxor.u32 $0x80000000, s5;
	s5 =	simm.s32 $0x20  }
0xdb: {  	(v2sf) =	vpush v17, $0xF;
	v14 =	vxor.u32 $0x80000000, v14;
	(xrf0) =	vmax.scan.msk.u32 $0xffff, v13;
	v13 =	vsel vm13, $0x80000000, v18;
	s21 =	spop (v2sf);
	[dreg:$0xc] =	wrdreg s5;
	v16, _, _ =	vpop (xrf0)  }
0xdc: {  	(v2sf) =	vpush v10, $0xF;
	v10 =	vld.idx.msk [tilespmem:v15+s3+$0x0], $0xffff;
	s23 =	sxor.u32 $0x80000000, s8;
	[dreg:$0xd] =	wrdreg s30;
	v13 =	vxor.u32 $0x80000000, v13;
	v15, _, _ =	vpop (xrf0);
	(xrf0) =	vmax.scan.msk.u32 $0xffff, v11;
	v11 =	vsel vm5, $0x80000000, v18;
	s31 =	spop (v2sf)  }
0xdd: {  	[dreg:$0x12] =	wrdreg s23;
	(v2sf) =	vpush v16, $0xF;
	(xrf0) =	vmax.scan.msk.u32 $0xffff, v14;
	v11 =	vxor.u32 $0x80000000, v11;
	v14 =	vsel vm14, $0x80000000, v18;
	s26 =	spop (v2sf)  }
0xde: {  	v16, _, _ =	vpop (xrf0);
	(v2sf) =	vpush v15, $0xF;
	(xrf0) =	vmax.scan.msk.u32 $0xffff, v13;
	v13 =	vxor.u32 $0x80000000, v14;
	v14 =	vsel vm15, $0x80000000, v18;
	[dreg:$0x11] =	wrdreg s31;
	s28 =	sxor.u32 $0x80000000, s26  }
0xdf: {  	p3 =	por $0x1, $0x1;
	v12 =	vsel vm8, $0x80000000, v18;
	(v2sf) =	vpush v16, $0xF;
	v15, _, _ =	vpop (xrf0);
	s25 =	spop (v2sf);
	[smem:s12+$0x82] =	sst s28  }
.Ltmp5:
0xe0: {  	(xrf0) =	vmax.scan.msk.u32 $0xffff, v11;
	(v2sf) =	vpush v9, $0xF;
	v9 =	vxor.u32 $0x80000000, v12;
	s26 =	sxor.u32 $0x80000000, s21;
	v11, _, _ =	vpop (xrf0);
	[dreg:$0xe] =	wrdreg s25;
	(pc) =	sbr.rel @!p3 .LBB2_8-.Ltmp5, $4  }
0xe1: {  	v12 =	vxor.u32 $0x80000000, v14;
	v16 =	vsel vm1, $0x80000000, v10;
	s21 =	sxor.u32 $0x80000000, s14;
	(xrf0) =	vmax.scan.msk.u32 $0xffff, v13;
	[dreg:$0x13] =	wrdreg s26;
	v14, _, _ =	vpop (xrf0)  }
0xe2: {  	(v2sf) =	vpush v15, $0xF;
	v13 =	vnsel vm0, $0x80000000, v10;
	v17 =	vxor.u32 $0x80000000, v16;
	s24 =	spop (v2sf);
	[dreg:$0x15] =	wrdreg s21;
	(xrf0) =	vmax.scan.msk.u32 $0xffff, v12;
	v15, _, _ =	vpop (xrf0)  }
0xe3: {  	v16 =	vsel vm3, $0x80000000, v10;
	(v2sf) =	vpush v11, $0xF;
	v18 =	vxor.u32 $0x80000000, v13;
	s4 =	spop (v2sf);
	[dreg:$0xf] =	wrdreg s24;
	(xrf0) =	vmax.scan.msk.u32 $0xffff, v9;
	v9, _, _ =	vpop (xrf0)  }
0xe4: {  	s6 =	simm.s32 $0x30;
	p1 =	por $0x1, $0x1;
	v11 =	vsel vm10, $0x80000000, v10;
	v12 =	vsel vm4, $0x80000000, v10;
	v13 =	vsel vm9, $0x80000000, v10;
	[dreg:$0x14] =	wrdreg s4;
	(xrf0) =	vmax.scan.msk.u32 $0xffff, v18;
	v19, _, _ =	vpop (xrf0)  }
0xe5: {  	(v2sf) =	vpush v14, $0xF  }
0xe6: {  	(v2sf) =	vpush v19, $0xF  }
0xe7: {  	v14, _, _ =	vpop (xrf0);
	s1 =	spop (v2sf);
	s28 =	simm.s32 $0x40;
	(v2sf) =	vpush v15, $0xF;
	v15 =	vxor.u32 $0x80000000, v16  }
0xe8: {  	(xrf0) =	vmax.scan.msk.u32 $0xffff, v17;
	s4 =	sxor.u32 $0x80000000, s4;
	p3 =	por $0x1, $0x1;
	s0 =	sxor.u32 $0x80000000, s24;
	v13 =	vxor.u32 $0x80000000, v13;
	v17, _, _ =	vpop (xrf0)  }
0xe9: {  	s8 =	simm.s32 $0x230;
	s10 =	sand.u32 $0x300, s5;
	[smem:s12+$0x83] =	sst s21;
	v16, _, _ =	vpop (xrf0)  }
0xea: {  	v18 =	vsel vm7, $0x80000000, v10;
	s14 =	smov.u32 s12;
	s15 =	sxor.u32 $0x80000000, s31;
	s12 =	simm.s32 $0x40;
	(v2sf) =	vpush v17, $0xF;
	(xrf0) =	vmax.scan.msk.u32 $0xffff, v15;
	v15, _, _ =	vpop (xrf0)  }
0xeb: {  	v12 =	vxor.u32 $0x80000000, v12;
	s25 =	sxor.u32 $0x80000000, s25;
	p2 =	por $0x1, $0x1;
	s2 =	spop (v2sf);
	v17 =	vsel vm6, $0x80000000, v10;
	(xrf0) =	vmax.scan.msk.u32 $0xffff, v13;
	v13, _, _ =	vpop (xrf0);
	(v2sf) =	vpush v15, $0xF  }
0xec: {  	[smem:s14+$0x84] =	sst s23;
	s21 =	sxor.u32 $0x80000000, s1;
	s7 =	spop (v2sf);
	(xrf0) =	vmax.scan.msk.u32 $0xffff, v12;
	v15 =	vxor.u32 $0x80000000, v17;
	v17 =	vor.u32 s8, v0;
	(v2sf) =	vpush v13, $0xF  }
0xed: {  	s29 =	sxor.u32 $0x80000000, s2;
	[smem:s14+$0x85] =	sst s4;
	s11 =	spop (v2sf);
	v12 =	vxor.u32 $0x80000000, v18;
	(xrf0) =	vmax.scan.msk.u32 $0xffff, v15;
	(v2sf) =	vpush v16, $0xF;
	v16 =	vsel vm2, $0x80000000, v10  }
0xee: {  	[smem:s14+$0x86] =	sst s26;
	s7 =	sxor.u32 $0x80000000, s7;
	s5 =	spop (v2sf);
	v13, _, _ =	vpop (xrf0);
	v15 =	vsel vm11, $0x80000000, v10;
	(xrf0) =	vmax.scan.msk.u32 $0xffff, v12;
	v16 =	vxor.u32 $0x80000000, v16  }
0xef: {  	s26 =	simm.s32 $0x10;
	[smem:s14+$0x87] =	sst s15;
	s24 =	spop (v2sf);
	v18, _, _ =	vpop (xrf0);
	(v2sf) =	vpush v13, $0xF;
	v13 =	vxor.u32 $0x80000000, v15;
	v15 =	vsel vm12, $0x80000000, v10;
	(xrf0) =	vmax.scan.msk.u32 $0xffff, v16  }
0xf0: {  	v11 =	vxor.u32 $0x80000000, v11;
	s11 =	sxor.u32 $0x80000000, s11;
	[smem:s14+$0x88] =	sst s29;
	s2 =	spop (v2sf);
	(v2sf) =	vpush v18, $0xF;
	(xrf0) =	vmax.scan.msk.u32 $0xffff, v13  }
0xf1: {  	s8 =	sand.u32 $0x70, s26;
	[smem:s14+$0x89] =	sst s30;
	s23 =	spop (v2sf);
	(v2sf) =	vpush v14, $0xF;
	v13 =	vsel vm13, $0x80000000, v10;
	v18 =	vld.idx.msk [tilespmem:v17+s3+$0x0], $0xffff;
	v16, _, _ =	vpop (xrf0);
	(xrf0) =	vmax.scan.msk.u32 $0xffff, v11;
	v11 =	vsel vm5, $0x80000000, v10  }
0xf2: {  	s4 =	sxor.u32 $0x80000000, s24;
	s10 =	sor.u32 s8, s10;
	s24 =	spop (v2sf);
	v14 =	vxor.u32 $0x80000000, v15;
	v15, _, _ =	vpop (xrf0);
	(v2sf) =	vpush v16, $0xF;
	v11 =	vxor.u32 $0x80000000, v11  }
0xf3: {  	[smem:s10+$0x80] =	sst s11;
	s26 =	sxor.u32 $0x80000000, s2;
	s29 =	spop (v2sf);
	v13 =	vxor.u32 $0x80000000, v13;
	(xrf0) =	vmax.scan.msk.u32 $0xffff, v14;
	v14 =	vsel vm14, $0x80000000, v10;
	v16, _, _ =	vpop (xrf0);
	(v2sf) =	vpush v15, $0xF  }
0xf4: {  	v12 =	vsel vm8, $0x80000000, v10;
	s8 =	sxor.u32 $0x80000000, s23;
	s23 =	sxor.u32 $0x80000000, s5;
	s15 =	spop (v2sf);
	v10 =	vsel vm15, $0x80000000, v10;
	(xrf0) =	vmax.scan.msk.u32 $0xffff, v13;
	(v2sf) =	vpush v16, $0xF;
	v15, _, _ =	vpop (xrf0)  }
.Ltmp6:
0xf5: {  	s11 =	sxor.u32 $0x80000000, s24;
	s31 =	spop (v2sf);
	v13 =	vxor.u32 $0x80000000, v14;
	(xrf0) =	vmax.scan.msk.u32 $0xffff, v11;
	v11, _, _ =	vpop (xrf0);
	(v2sf) =	vpush v9, $0xF;
	v9 =	vxor.u32 $0x80000000, v12;
	(pc) =	sbr.rel @!p3 .LBB2_10-.Ltmp6, $4  }
0xf6: {  	[smem:s10+$0x81] =	sst s23;
	s29 =	sxor.u32 $0x80000000, s29;
	v10 =	vxor.u32 $0x80000000, v10;
	s24 =	spop (v2sf);
	(xrf0) =	vmax.scan.msk.u32 $0xffff, v13;
	v12 =	vnsel vm0, $0x80000000, v18;
	v14, _, _ =	vpop (xrf0)  }
0xf7: {  	s2 =	smov.u32 s14;
	[smem:s14+$0x8A] =	sst s29;
	v13 =	vsel vm1, $0x80000000, v18;
	s5 =	spop (v2sf);
	v16 =	vsel vm3, $0x80000000, v18;
	(v2sf) =	vpush v15, $0xF;
	(xrf0) =	vmax.scan.msk.u32 $0xffff, v10;
	v15, _, _ =	vpop (xrf0)  }
0xf8: {  	[smem:s14+$0x8B] =	sst s0;
	s29 =	sxor.u32 $0x80000000, s24;
	v10 =	vxor.u32 $0x80000000, v12;
	v17 =	vxor.u32 $0x80000000, v13;
	s24 =	spop (v2sf);
	v12 =	vsel vm4, $0x80000000, v18;
	(xrf0) =	vmax.scan.msk.u32 $0xffff, v9;
	v9, _, _ =	vpop (xrf0)  }
0xf9: {  	s23 =	sxor.u32 $0x80000000, s15;
	[smem:s10+$0x82] =	sst s29;
	v13 =	vsel vm9, $0x80000000, v18;
	(v2sf) =	vpush v11, $0xF;
	v11 =	vsel vm10, $0x80000000, v18;
	s30 =	spop (v2sf);
	(xrf0) =	vmax.scan.msk.u32 $0xffff, v10;
	v19, _, _ =	vpop (xrf0)  }
.LBB2_11:
0xfa: {  	s0 =	spop (v2sf);
	[smem:s2+$0x8C] =	sst s25  }
0xfb: {  	s1 =	smov.u32 s6;
	s6 =	smov.u32 s28;
	s29 =	sadd.s32 $0x10, s28  }
0xfc: {  	v10 =	vsel vm6, $0x80000000, v18;
	v20 =	vsel vm7, $0x80000000, v18;
	(xrf0) =	vmax.scan.msk.u32 $0xffff, v17;
	(v2sf) =	vpush v14, $0xF;
	v14, _, _ =	vpop (xrf0);
	s25 =	smov.u32 s8;
	s8 =	sxor.u32 $0x80000000, s30;
	p3 =	sne.s32 s28, $0x1F0  }
0xfd: {  	v16 =	vxor.u32 $0x80000000, v16;
	s24 =	sxor.u32 $0x80000000, s24;
	v10 =	vxor.u32 $0x80000000, v10;
	v17, _, _ =	vpop (xrf0);
	(v2sf) =	vpush v19, $0xF;
	s30 =	spop (v2sf);
	[smem:s2+$0x8D] =	sst s4  }
0xfe: {  	v12 =	vxor.u32 $0x80000000, v12;
	s9 =	sand.u32 $0x70, s9;
	v19 =	vsel vm8, $0x80000000, v18;
	(xrf0) =	vmax.scan.msk.u32 $0xffff, v16;
	(v2sf) =	vpush v15, $0xF;
	v15, _, _ =	vpop (xrf0);
	s14 =	spop (v2sf);
	[smem:s2+$0x8E] =	sst s7  }
0xff: {  	v23 =	vxor.u32 $0x80000000, v13;
	s4 =	sadd.s32 $0x200, s6;
	v16 =	vsel vm5, $0x80000000, v18;
	(v2sf) =	vpush v17, $0xF;
	v17, _, _ =	vpop (xrf0);
	[smem:s2+$0x8F] =	sst s21;
	s2 =	smov.u32 s10  }
0x100: {  	v11 =	vxor.u32 $0x80000000, v11;
	v21 =	vsel vm11, $0x80000000, v18;
	s10 =	sand.u32 $0x300, s12;
	s21 =	sxor.u32 $0x80000000, s30;
	(xrf0) =	vmax.scan.msk.u32 $0xffff, v23;
	s7 =	spop (v2sf);
	v13, _, _ =	vpop (xrf0);
	(v2sf) =	vpush v17, $0xF  }
0x101: {  	v20 =	vxor.u32 $0x80000000, v20;
	s12 =	sadd.s32 $0x20, s12;
	v17 =	vor.u32 s4, v0;
	v22, _, _ =	vpop (xrf0);
	(xrf0) =	vmax.scan.msk.u32 $0xffff, v12;
	s28 =	spop (v2sf);
	(v2sf) =	vpush v13, $0xF;
	[smem:s2+$0x83] =	sst s26  }
0x102: {  	v12 =	vsel vm12, $0x80000000, v18;
	v13 =	vsel vm13, $0x80000000, v18;
	v23, _, _ =	vpop (xrf0);
	(v2sf) =	vpush v15, $0xF;
	[smem:s2+$0x84] =	sst s11;
	s11 =	sxor.u32 $0x80000000, s31;
	s4 =	spop (v2sf)  }
0x103: {  	s30 =	sxor.u32 $0x80000000, s7;
	v15 =	vsel vm2, $0x80000000, v18;
	v12 =	vxor.u32 $0x80000000, v12;
	v13 =	vxor.u32 $0x80000000, v13;
	(xrf0) =	vmax.scan.msk.u32 $0xffff, v10;
	s26 =	spop (v2sf);
	[smem:s2+$0x85] =	sst s8  }
0x104: {  	v10 =	vxor.u32 $0x80000000, v15;
	v15 =	vxor.u32 $0x80000000, v16;
	s4 =	sxor.u32 $0x80000000, s4;
	(v2sf) =	vpush v22, $0xF;
	v16, _, _ =	vpop (xrf0);
	(xrf0) =	vmax.scan.msk.u32 $0xffff, v20;
	s8 =	spop (v2sf);
	[smem:s2+$0x86] =	sst s23  }
0x105: {  	s7 =	sxor.u32 $0x80000000, s14;
	v20 =	vxor.u32 $0x80000000, v21;
	v21 =	vsel vm14, $0x80000000, v18;
	(v2sf) =	vpush v23, $0xF;
	(xrf0) =	vmax.scan.msk.u32 $0xffff, v10;
	s23 =	spop (v2sf);
	[smem:s2+$0x87] =	sst s11  }
0x106: {  	s10 =	sor.u32 s9, s10;
	v10 =	vxor.u32 $0x80000000, v21;
	v21 =	vsel vm15, $0x80000000, v18;
	v18 =	vld.idx.msk [tilespmem:v17+s3+$0x0], $0xffff;
	v17, _, _ =	vpop (xrf0);
	(xrf0) =	vmax.scan.msk.u32 $0xffff, v20;
	(v2sf) =	vpush v14, $0xF;
	[smem:s2+$0x88] =	sst s21;
	s11 =	spop (v2sf)  }
0x107: {  	v19 =	vxor.u32 $0x80000000, v19;
	s9 =	smov.u32 s1;
	v20 =	vxor.u32 $0x80000000, v21;
	(v2sf) =	vpush v16, $0xF;
	v14, _, _ =	vpop (xrf0);
	(xrf0) =	vmax.scan.msk.u32 $0xffff, v11;
	s14 =	spop (v2sf);
	s15 =	sxor.u32 $0x80000000, s11  }
0x108: {  	s8 =	sxor.u32 $0x80000000, s8;
	(v2sf) =	vpush v17, $0xF;
	(xrf0) =	vmax.scan.msk.u32 $0xffff, v12;
	[smem:s10+$0x80] =	sst s30;
	s31 =	spop (v2sf)  }
0x109: {  	s26 =	sxor.u32 $0x80000000, s26;
	s21 =	sxor.u32 $0x80000000, s0;
	s11 =	sxor.u32 $0x80000000, s23;
	(v2sf) =	vpush v14, $0xF;
	v11, _, _ =	vpop (xrf0);
	(xrf0) =	vmax.scan.msk.u32 $0xffff, v13  }
.Ltmp7:
0x10a: {  	(xrf0) =	vmax.scan.msk.u32 $0xffff, v15;
	v12, _, _ =	vpop (xrf0);
	(v2sf) =	vpush v9, $0xF;
	[smem:s2+$0x89] =	sst s25;
	s25 =	sxor.u32 $0x80000000, s5;
	(pc) =	sbr.rel @p3 .LBB2_11-.Ltmp7, $4  }
0x10b: {  	s0 =	sxor.u32 $0x80000000, s28;
	v14, _, _ =	vpop (xrf0);
	(v2sf) =	vpush v11, $0xF;
	(xrf0) =	vmax.scan.msk.u32 $0xffff, v10;
	s1 =	spop (v2sf);
	[smem:s2+$0x8A] =	sst s15  }
0x10c: {  	s23 =	sxor.u32 $0x80000000, s14;
	v13 =	vnsel vm0, $0x80000000, v18;
	v10 =	vsel vm1, $0x80000000, v18;
	(v2sf) =	vpush v12, $0xF;
	v15, _, _ =	vpop (xrf0);
	(xrf0) =	vmax.scan.msk.u32 $0xffff, v20;
	s5 =	spop (v2sf);
	[smem:s2+$0x8B] =	sst s24  }
0x10d: {  	v11 =	vsel vm10, $0x80000000, v18;
	v20 =	vxor.u32 $0x80000000, v13;
	v17 =	vxor.u32 $0x80000000, v10;
	(xrf0) =	vmax.scan.msk.u32 $0xffff, v19;
	v9, _, _ =	vpop (xrf0);
	[smem:s10+$0x81] =	sst s0;
	s0 =	sxor.u32 $0x80000000, s1;
	s24 =	spop (v2sf)  }
0x10e: {  	s28 =	smov.u32 s29;
	v16 =	vsel vm3, $0x80000000, v18;
	v12 =	vsel vm4, $0x80000000, v18;
	v13 =	vsel vm9, $0x80000000, v18;
	(xrf0) =	vmax.scan.msk.u32 $0xffff, v20;
	v19, _, _ =	vpop (xrf0);
	[smem:s10+$0x82] =	sst s0;
	s30 =	spop (v2sf)  }
0x10f: {  	v10 =	vmov v18;
	s28 =	smov.u32 s9;
	s29 =	simm.s32 $0x2400;
	s15 =	simm.s32 $0x4400  }
.LBB2_13:
0x110: {  	s0 =	sld [smem:$0x0]  }
0x111: {  	s1 =	sld [smem:$0x1]  }
0x112: {  	s14 =	rddreg [dreg:$0x0]  }
0x113: {  	[smem:s2+$0x8C] =	sst @p2 s25;
	p3 =	sgt.s32 s0, $0x0  }
0x114: {  	s9 =	simm.s32 $0x7A1400;
	[smem:s2+$0x8D] =	sst @p2 s4;
	s0 =	simm.s32 @!p3 $0x0  }
0x115: {  	s4 =	smov.u32 @p1 s10;
	p3 =	sgt.s32 s1, $0x0;
	s0 =	smin.u32 s0, $0xF423F  }
0x116: {  	[smem:s2+$0x8E] =	sst @p2 s7;
	s1 =	simm.s32 @!p3 $0x0;
	s0 =	sand.u32 $0xFFF80, s0  }
0x117: {  	[smem:s4+$0x83] =	sst @p1 s26;
	s1 =	smin.u32 s1, $0xF423F;
	s0 =	sadd.s32 s14, s0  }
0x118: {  	[tilespmem:s13], [sflag:$0x1] =	stream.strided.gather [hbm4b:s0+s13], $0x2000, s9, s13, $0x38;
	[tilespmem:$0x18400] =	vst v63  }
0x119: {  	s0 =	sand.u32 $0xFFF80, s1;
	s1 =	sld [smem:$0x2]  }
0x11a: {  	s26 =	rddreg [dreg:$0x14];
	s0 =	sadd.s32 s14, s0  }
0x11b: {  	[tilespmem:s29], [sflag:$0x2] =	stream.strided.gather [hbm4b:s0+s13], $0x2000, s9, s13, $0x38;
	[tilespmem:$0x18400] =	vst v63  }
0x11c: {  	s25 =	simm.s32 $0x7A1400;
	[smem:s2+$0x8F] =	sst @p2 s21;
	p3 =	sgt.s32 s1, $0x0  }
0x11d: {  	s5 =	sxor.u32 @p1 $0x80000000, s5;
	[smem:s4+$0x84] =	sst @p1 s11;
	s1 =	simm.s32 @!p3 $0x0  }
0x11e: {  	s2 =	sxor.u32 @p1 $0x80000000, s30;
	s30 =	rddreg [dreg:$0x15];
	s9 =	smin.u32 s1, $0xF423F  }
0x11f: {  	s5 =	smov.u32 @p1 s5;
	s1 =	sld [smem:$0x3];
	s0 =	sand.u32 $0xFFF80, s9  }
0x120: {  	(v2sf) =	vpush @p0 v14, $0xF;
	s11 =	sxor.u32 @p1 $0x80000000, s31;
	[smem:s4+$0x85] =	sst @p1 s2;
	s0 =	sadd.s32 s14, s0  }
0x121: {  	v14, _, _ =	vpop @p0 (xrf0);
	(v2sf) =	vpush @p0 v19, $0xF;
	[tilespmem:s15], [sflag:$0x3] =	stream.strided.gather [hbm4b:s0+s13], $0x2000, s25, s13, $0x38;
	[tilespmem:$0x18400] =	vst v63  }
0x122: {  	v18, _, _ =	vpop @p0 (xrf0);
	[smem:s4+$0x86] =	sst @p1 s23;
	p2 =	sgt.s32 s1, $0x0;
	s0 =	spop @p1 (v2sf);
	(v2sf) =	vpush @p0 v15, $0xF  }
0x123: {  	s23 =	rddreg [dreg:$0xd];
	s1 =	simm.s32 @!p2 $0x0;
	s7 =	spop @p1 (v2sf);
	(v2sf) =	vpush @p0 v18, $0xF  }
0x124: {  	[smem:s4+$0x87] =	sst @p1 s11;
	s15 =	smin.u32 s1, $0xF423F;
	s1 =	spop @p1 (v2sf)  }
0x125: {  	s0 =	sxor.u32 @p1 $0x80000000, s0;
	s9 =	sand.u32 $0xFFF80, s15;
	s10 =	spop @p0 (v2sf)  }
0x126: {  	s7 =	sxor.u32 @p1 $0x80000000, s7;
	s9 =	sadd.s32 s14, s9;
	s2 =	spop @p0 (v2sf)  }
0x127: {  	[tilespmem:s16], [sflag:$0x4] =	stream.strided.gather [hbm4b:s9+s13], $0x2000, s25, s13, $0x38;
	[tilespmem:$0x18400] =	vst v63  }
0x128: {  	[smem:s4+$0x88] =	sst @p1 s7;
	s25 =	smov.u32 s14;
	s14 =	spop @p1 (v2sf)  }
0x129: {  	v15, _, _ =	vpop @p0 (xrf0);
	s7 =	sand.u32 @p0 $0x70, s28;
	s9 =	sand.u32 @p0 $0x300, s12;
	s11 =	spop @p0 (v2sf)  }
0x12a: {  	(xrf0) =	vmax.scan.msk.u32 $0xffff, v17;
	v17, _, _ =	vpop @p0 (xrf0);
	s10 =	sxor.u32 @p0 $0x80000000, s10;
	s9 =	sor.u32 @p0 s7, s9;
	s15 =	spop @p0 (v2sf)  }
0x12b: {  	(v2sf) =	vpush @p0 v17, $0xF;
	s7 =	smov.u32 @p1 s8;
	[smem:s9+$0x80] =	sst @p0 s10;
	s21 =	spop @p0 (v2sf)  }
0x12c: {  	v18, _, _ =	vpop @p0 (xrf0);
	[smem:s4+$0x89] =	sst @p1 s7;
	s10 =	sxor.u32 @p1 $0x80000000, s24;
	s8 =	spop @p1 (v2sf)  }
0x12d: {  	v16 =	vxor.u32 $0x80000000, v16;
	(v2sf) =	vpush @p0 v18, $0xF;
	s24 =	rddreg [dreg:$0xf];
	s7 =	spop @p0 (v2sf);
	s8 =	sxor.u32 @p1 $0x80000000, s8  }
0x12e: {  	v13 =	vxor.u32 $0x80000000, v13;
	(xrf0) =	vmax.scan.msk.u32 $0xffff, v16;
	s1 =	sxor.u32 @p1 $0x80000000, s1;
	[smem:s4+$0x8A] =	sst @p1 s8;
	s8 =	spop @p0 (v2sf)  }
0x12f: {  	(xrf0) =	vmax.scan.msk.u32 $0xffff, v13;
	s2 =	sxor.u32 @p0 $0x80000000, s2;
	[smem:s4+$0x8B] =	sst @p1 s10;
	s10 =	spop @p0 (v2sf)  }
0x130: {  	[smem:s9+$0x81] =	sst @p0 s2;
	s2 =	spop @p0 (v2sf);
	s10 =	sxor.u32 @p0 $0x80000000, s10  }
0x131: {  	v12 =	vxor.u32 $0x80000000, v12;
	v48, _, _ =	vpop (xrf0);
	s15 =	sxor.u32 @p0 $0x80000000, s15;
	(v2sf) =	vpush @p0 v15, $0xF;
	[smem:s9+$0x82] =	sst @p0 s10;
	s10 =	spop @p0 (v2sf)  }
0x132: {  	(xrf0) =	vmax.scan.msk.u32 $0xffff, v12;
	v49, _, _ =	vpop (xrf0);
	s23 =	smov.u32 @p0 s15;
	(v2sf) =	vpush v48, $0xF;
	s4 =	smov.u32 @p1 s4;
	s15 =	spop @p0 (v2sf)  }
0x133: {  	(v2sf) =	vpush v49, $0xF;
	s24 =	smov.u32 @p0 s10;
	s10 =	sxor.u32 @p0 $0x80000000, s11;
	s11 =	rddreg [dreg:$0x10]  }
0x134: {  	v50, _, _ =	vpop (xrf0);
	[smem:s4+$0x8C] =	sst @p1 s5;
	(v2sf) =	vpush @p0 v14, $0xF;
	s26 =	smov.u32 @p0 s15;
	s11 =	smov.u32 @p0 s9  }
0x135: {  	v51, _, _ =	vpop (xrf0);
	(v2sf) =	vpush v50, $0xF;
	s30 =	smov.u32 @p0 s10;
	s9 =	sxor.u32 @p0 $0x80000000, s21;
	s15 =	rddreg [dreg:$0x12]  }
0x136: {  	(v2sf) =	vpush v51, $0xF;
	s10 =	sxor.u32 @p1 $0x80000000, s14;
	s15 =	smov.u32 @p0 s9;
	s9 =	sld [smem:$0x4]  }
0x137: {  	s1 =	smov.u32 @p1 s1;
	s14 =	rddreg [dreg:$0x11];
	s5 =	smov.u32 @p1 s10  }
0x138: {  	v52, _, _ =	vpop (xrf0);
	s14 =	smov.u32 @p0 s8;
	s10 =	simm.s32 $0x7A1400;
	s8 =	sld [smem:$0x5]  }
0x139: {  	(v2sf) =	vpush v52, $0xF;
	[smem:s4+$0x8D] =	sst @p1 s5;
	s5 =	smov.u32 @p1 s0;
	p2 =	sgt.s32 s9, $0x0  }
0x13a: {  	v53 =	vsel vm6, $0x80000000, v10;
	(v2sf) =	vpush @p0 v9, $0xF;
	s0 =	spop @p0 (v2sf);
	[smem:s4+$0x8E] =	sst @p1 s1;
	s9 =	simm.s32 @!p2 $0x0  }
0x13b: {  	v12 =	vxor.u32 $0x80000000, v53;
	v9 =	vsel vm7, $0x80000000, v10;
	[smem:s4+$0x8F] =	sst @p1 s5;
	p1 =	sgt.s32 s8, $0x0;
	s21 =	smin.u32 s9, $0xF423F  }
0x13c: {  	(xrf0) =	vmax.scan.msk.u32 $0xffff, v12;
	v9 =	vxor.u32 $0x80000000, v9;
	s5 =	spop @p0 (v2sf);
	s8 =	simm.s32 @!p1 $0x0;
	s9 =	sand.u32 $0xFFF80, s21  }
0x13d: {  	v54 =	vsel vm2, $0x80000000, v10;
	(xrf0) =	vmax.scan.msk.u32 $0xffff, v9;
	s21 =	rddreg [dreg:$0x13];
	s1 =	sadd.s32 s25, s9;
	s9 =	smov.u32 @p0 s11  }
0x13e: {  	v12 =	vxor.u32 $0x80000000, v54;
	v9 =	vsel vm11, $0x80000000, v10;
	[tilespmem:s17], [sflag:$0x5] =	stream.strided.gather [hbm4b:s1+s13], $0x2000, s10, s13, $0x38;
	[tilespmem:$0x18400] =	vst v63  }
0x13f: {  	v9 =	vxor.u32 $0x80000000, v9;
	(xrf0) =	vmax.scan.msk.u32 $0xffff, v12;
	s11 =	sxor.u32 @p0 $0x80000000, s5;
	s1 =	sxor.u32 @p0 $0x80000000, s7;
	[smem:s9+$0x83] =	sst @p0 s30  }
0x140: {  	v11 =	vxor.u32 $0x80000000, v11;
	v55 =	vsel vm12, $0x80000000, v10;
	(xrf0) =	vmax.scan.msk.u32 $0xffff, v9;
	s7 =	spop @p0 (v2sf);
	s10 =	sxor.u32 @p0 $0x80000000, s26;
	[smem:s9+$0x84] =	sst @p0 s15  }
0x141: {  	v12 =	vxor.u32 $0x80000000, v55;
	v9 =	vsel vm13, $0x80000000, v10;
	(xrf0) =	vmax.scan.msk.u32 $0xffff, v11;
	s21 =	smov.u32 @p0 s1;
	s1 =	spop (v2sf);
	s15 =	sld [smem:$0x6]  }
0x142: {  	v11 =	vsel vm5, $0x80000000, v10;
	v9 =	vxor.u32 $0x80000000, v9;
	(xrf0) =	vmax.scan.msk.u32 $0xffff, v12;
	s5 =	sxor.u32 @p0 $0x80000000, s14;
	s4 =	spop (v2sf);
	[smem:s9+$0x85] =	sst @p0 s10  }
0x143: {  	v56 =	vsel vm14, $0x80000000, v10;
	v11 =	vxor.u32 $0x80000000, v11;
	(xrf0) =	vmax.scan.msk.u32 $0xffff, v9;
	s14 =	spop @p0 (v2sf);
	[smem:s9+$0x86] =	sst @p0 s21;
	s21 =	smin.u32 s8, $0xF423F  }
0x144: {  	v57 =	vsel vm15, $0x80000000, v10;
	v58, _, _ =	vpop (xrf0);
	v9 =	vxor.u32 $0x80000000, v56;
	(xrf0) =	vmax.scan.msk.u32 $0xffff, v11;
	s26 =	simm.s32 $0x7A1400;
	s8 =	spop (v2sf);
	s10 =	sand.u32 $0xFFF80, s21  }
0x145: {  	v11 =	vxor.u32 $0x80000000, v57;
	v59, _, _ =	vpop (xrf0);
	(xrf0) =	vmax.scan.msk.u32 $0xffff, v9;
	v9 =	vsel vm8, $0x80000000, v10;
	[smem:s9+$0x87] =	sst @p0 s5;
	p1 =	sgt.s32 s15, $0x0;
	s5 =	spop (v2sf)  }
0x146: {  	v9 =	vxor.u32 $0x80000000, v9;
	s10 =	sadd.s32 s25, s10;
	[smem:s9+$0x88] =	sst @p0 s11;
	s15 =	simm.s32 @!p1 $0x0  }
0x147: {  	v10, _, _ =	vpop (xrf0);
	[tilespmem:s18], [sflag:$0x6] =	stream.strided.gather [hbm4b:s10+s13], $0x2000, s26, s13, $0x38;
	[tilespmem:$0x18400] =	vst v63  }
0x148: {  	(v2sf) =	vpush v58, $0xF;
	(xrf0) =	vmax.scan.msk.u32 $0xffff, v11;
	v11, _, _ =	vpop (xrf0);
	s11 =	smov.u32 @p0 s23;
	s10 =	spop (v2sf);
	s15 =	smin.u32 s15, $0xF423F  }
0x149: {  	(v2sf) =	vpush v59, $0xF;
	(xrf0) =	vmax.scan.msk.u32 $0xffff, v9;
	v9, _, _ =	vpop (xrf0);
	[smem:s9+$0x89] =	sst @p0 s11;
	s21 =	spop @p0 (v2sf);
	s15 =	sand.u32 $0xFFF80, s15  }
0x14a: {  	(v2sf) =	vpush v10, $0xF;
	v60, _, _ =	vpop (xrf0);
	s11 =	sxor.u32 @p0 $0x80000000, s21;
	s21 =	rddreg [dreg:$0xe];
	s23 =	sadd.s32 s25, s15  }
0x14b: {  	v10, _, _ =	vpop (xrf0);
	(v2sf) =	vpush v60, $0xF;
	[smem:s9+$0x8A] =	sst @p0 s11;
	s11 =	sxor.u32 @p0 $0x80000000, s24;
	s21 =	smov.u32 @p0 s2  }
0x14c: {  	v61, _, _ =	vpop (xrf0);
	(v2sf) =	vpush v11, $0xF;
	[tilespmem:s19], [sflag:$0x7] =	stream.strided.gather [hbm4b:s23+s13], $0x2000, s26, s13, $0x38;
	[tilespmem:$0x18400] =	vst v63  }
0x14d: {  	s14 =	sxor.u32 @p0 $0x80000000, s14;
	v11, _, _ =	vpop (xrf0);
	(v2sf) =	vpush v61, $0xF;
	[smem:s9+$0x8B] =	sst @p0 s11;
	s2 =	sxor.u32 @p0 $0x80000000, s21  }
0x14e: {  	v62, _, _ =	vpop (xrf0);
	s11 =	sld [smem:$0x7];
	s9 =	smov.u32 @p0 s9;
	s2 =	smov.u32 @p0 s2  }
0x14f: {  	s31 =	simm.s32 $0x1000;
	v63, _, _ =	vpop (xrf0);
	(v2sf) =	vpush v62, $0xF;
	[smem:s9+$0x8C] =	sst @p0 s2;
	s2 =	smov.u32 @p0 s14  }
0x150: {  	s28 =	simm.s32 $0x7;
	(v2sf) =	vpush v63, $0xF;
	[smem:s9+$0x8D] =	sst @p0 s2;
	s2 =	sxor.u32 @p0 $0x80000000, s7  }
0x151: {  	s0 =	sxor.u32 @p0 $0x80000000, s0;
	(v2sf) =	vpush v11, $0xF;
	p1 =	sgt.s32 s11, $0x0;
	s2 =	smov.u32 @p0 s2  }
0x152: {  	s0 =	smov.u32 @p0 s0;
	(v2sf) =	vpush v10, $0xF;
	s11 =	simm.s32 @!p1 $0x0;
	[smem:s9+$0x8E] =	sst @p0 s2  }
0x153: {  	s30 =	simm.s32 $0x8;
	(v2sf) =	vpush v9, $0xF;
	s24 =	smin.u32 s11, $0xF423F;
	[smem:s9+$0x8F] =	sst @p0 s0  }
0x154: {  	s7 =	sadd.s32 @p0 $0x20, s12;
	s2 =	sand.u32 $0xFFF80, s24;
	s9 =	rddreg [dreg:$0xc]  }
0x155: {  	s14 =	simm.s32 $0x7A1400;
	s9 =	smov.u32 @p0 s7;
	s26 =	sadd.s32 s25, s2  }
0x156: {  	[tilespmem:s20], [sflag:$0x8] =	stream.strided.gather [hbm4b:s26+s13], $0x2000, s14, s13, $0x38;
	[tilespmem:$0x18400] =	vst v63  }
0x157: {  	s7 =	sand.u32 $0x70, s6;
	s2 =	sand.u32 $0x300, s9;
	s9 =	spop (v2sf)  }
0x158: {  	s1 =	sxor.u32 $0x80000000, s1;
	s0 =	sor.u32 s7, s2;
	s2 =	spop (v2sf)  }
0x159: {  	s11 =	sxor.u32 $0x80000000, s4;
	[smem:s0+$0x80] =	sst s1;
	s12 =	spop (v2sf)  }
0x15a: {  	[smem:s0+$0x81] =	sst s11;
	s4 =	sxor.u32 $0x80000000, s12;
	s1 =	spop (v2sf)  }
0x15b: {  	s21 =	sxor.u32 $0x80000000, s8;
	[smem:s0+$0x82] =	sst s4;
	s4 =	spop (v2sf)  }
0x15c: {  	s23 =	sxor.u32 $0x80000000, s10;
	[smem:s0+$0x83] =	sst s21;
	s24 =	spop (v2sf)  }
0x15d: {  	s5 =	sxor.u32 $0x80000000, s5;
	[smem:s0+$0x84] =	sst s23;
	s7 =	sxor.u32 $0x80000000, s24  }
0x15e: {  	s6 =	sxor.u32 $0x80000000, s9;
	s26 =	spop (v2sf);
	[smem:s0+$0x85] =	sst s7  }
0x15f: {  	s2 =	sxor.u32 $0x80000000, s2;
	s9 =	spop (v2sf);
	[smem:s0+$0x86] =	sst s6  }
0x160: {  	s15 =	simm.s32 $0x4400;
	s10 =	spop (v2sf);
	[smem:s0+$0x87] =	sst s2  }
0x161: {  	s7 =	sxor.u32 $0x80000000, s9;
	s9 =	rddreg [dreg:$0x1];
	s11 =	spop (v2sf)  }
0x162: {  	s1 =	sxor.u32 $0x80000000, s1;
	[smem:s0+$0x88] =	sst s7;
	s12 =	spop (v2sf)  }
0x163: {  	s4 =	sxor.u32 $0x80000000, s4;
	[smem:s0+$0x89] =	sst s5;
	s21 =	sxor.u32 $0x80000000, s12  }
0x164: {  	s26 =	sxor.u32 $0x80000000, s26;
	s2 =	simm.s32 $0x0;
	[smem:s0+$0x8A] =	sst s21  }
0x165: {  	s24 =	sxor.u32 $0x80000000, s10;
	s10 =	simm.s32 $0x9;
	[smem:s0+$0x8B] =	sst s4  }
0x166: {  	s23 =	sxor.u32 $0x80000000, s11;
	s11 =	simm.s32 $0x1;
	[smem:s0+$0x8C] =	sst s1  }
0x167: {  	s12 =	simm.s32 $0x2;
	s21 =	simm.s32 $0x3;
	[smem:s0+$0x8D] =	sst s23  }
0x168: {  	s4 =	simm.s32 $0x0;
	s23 =	simm.s32 $0x4;
	[smem:s0+$0x8E] =	sst s24  }
0x169: {  	s24 =	simm.s32 $0x5;
	[smem:s0+$0x8F] =	sst s26;
	s26 =	simm.s32 $0x6  }
.LBB2_14:
0x16a: {  	_ =	swait.ge [sflag:s11], $0x2000  }
0x16b: {  	s0 =	sand.u32 $0x78, s4;
	s5 =	sand.u32 $0x300, s2;
	[sflag:s11] =	ssyncset.done $0x0  }
0x16c: {  	s0 =	sor.u32 s0, s5;
	[sflag:s11] =	ssyncadd.s32 $0xFFFFE000  }
0x16d: {  	s0 =	sld [smem:s0+$0x0];
	_ =	sdelay $0x2  }
0x16e: {  	s0 =	sand.u32 $0x7F, s0  }
0x16f: {  	v9 =	vor.u32 s0, v1  }
0x170: {  	v10 =	vmov s4  }
0x171: {  	v11 =	vshll.u32 v10, $0x3  }
0x172: {  	v10 =	vand.u32 $0x78, v10;
	v11 =	vand.u32 $0xC00, v11  }
0x173: {  	v10 =	vor.u32 v10, v11  }
0x174: {  	v11 =	vor.u32 v2, v10;
	v9 =	vld.idx.msk [tilespmem:v9+s13+$0x0], $0xffff  }
0x175: {  	v12 =	vor.u32 s0, v6;
	_ =	sdelay $0x3  }
0x176: {  	[tilespmem:v11+s22+$0x0] =	vst.idx.msk $0xffff, v9  }
0x177: {  	v11 =	vor.u32 v3, v10;
	v9 =	vld.idx.msk [tilespmem:v12+s13+$0x0], $0xffff  }
0x178: {  	v41 =	vor.u32 s0, v7;
	_ =	sdelay $0x3  }
0x179: {  	p0 =	seq.s32 s4, $0x1F8;
	[tilespmem:v11+s22+$0x0] =	vst.idx.msk $0xffff, v9  }
0x17a: {  	s1 =	sadd.s32 @!p0 $0x8, s4;
	s6 =	sadd.s32 @!p0 $0x10, s2;
	v11 =	vor.u32 v4, v10;
	v9 =	vld.idx.msk [tilespmem:v41+s13+$0x0], $0xffff  }
0x17b: {  	s1 =	sand.u32 @!p0 $0x78, s1;
	v42 =	vor.u32 s0, v8;
	s0 =	sand.u32 @!p0 $0x700, s6  }
0x17c: {  	s0 =	sor.u32 @!p0 s1, s0  }
0x17d: {  	s0 =	sld @!p0 [smem:s0+$0x0];
	_ =	sdelay $0x1  }
0x17e: {  	[tilespmem:v11+s22+$0x0] =	vst.idx.msk $0xffff, v9  }
0x17f: {  	p1 =	sgt.s32 @!p0 s0, $0x0;
	v10 =	vor.u32 v5, v10;
	v9 =	vld.idx.msk [tilespmem:v42+s13+$0x0], $0xffff  }
0x180: {  	p1 =	por !p1, p0  }
0x181: {  	s0 =	simm.s32 @p1 $0x0  }
0x182: {  	s0 =	smin.u32 @!p0 s0, $0xF423F  }
0x183: {  	s0 =	sand.u32 @!p0 $0xFFF80, s0  }
0x184: {  	s7 =	simm.s32 @!p0 $0x400;
	s6 =	simm.s32 @!p0 $0x7A1400;
	s0 =	sadd.s32 @!p0 s25, s0;
	[tilespmem:v10+s22+$0x0] =	vst.idx.msk $0xffff, v9  }
0x185: {  	[tilespmem:s7], [sflag:$0x1] =	stream.strided.gather @!p0 [hbm4b:s0+s7], $0x2000, s6, s7, $0x38;
	[tilespmem:$0x18400] =	vst v63  }
0x186: {  	_ =	swait.ge [sflag:s12], $0x2000  }
0x187: {  	s0 =	sadd.s32 $0x1, s4;
	[sflag:s12] =	ssyncset.done $0x0  }
0x188: {  	s8 =	sand.u32 $0x79, s0;
	[sflag:s12] =	ssyncadd.s32 $0xFFFFE000  }
0x189: {  	s1 =	sld [smem:s5+s8];
	_ =	sdelay $0x2  }
0x18a: {  	s1 =	sand.u32 $0x7F, s1  }
0x18b: {  	v9 =	vor.u32 s1, v1  }
0x18c: {  	v10 =	vmov s0  }
0x18d: {  	v11 =	vshll.u32 v10, $0x3  }
0x18e: {  	v10 =	vand.u32 $0x79, v10;
	v11 =	vand.u32 $0xC00, v11  }
0x18f: {  	v10 =	vor.u32 v10, v11  }
0x190: {  	v11 =	vor.u32 v2, v10;
	v9 =	vld.idx.msk [tilespmem:v9+s29+$0x0], $0xffff  }
0x191: {  	v43 =	vor.u32 s1, v6;
	_ =	sdelay $0x3  }
0x192: {  	[tilespmem:v11+s22+$0x0] =	vst.idx.msk $0xffff, v9  }
0x193: {  	v11 =	vor.u32 v3, v10;
	v9 =	vld.idx.msk [tilespmem:v43+s29+$0x0], $0xffff  }
0x194: {  	v44 =	vor.u32 s1, v7;
	_ =	sdelay $0x3  }
0x195: {  	[tilespmem:v11+s22+$0x0] =	vst.idx.msk $0xffff, v9  }
0x196: {  	s0 =	sadd.s32 @!p0 $0x9, s4;
	s8 =	sadd.s32 @!p0 $0x12, s2;
	v11 =	vor.u32 v4, v10;
	v9 =	vld.idx.msk [tilespmem:v44+s29+$0x0], $0xffff  }
0x197: {  	s0 =	sand.u32 @!p0 $0x79, s0;
	v45 =	vor.u32 s1, v8;
	s1 =	sand.u32 @!p0 $0x700, s8  }
0x198: {  	s0 =	sor.u32 @!p0 s0, s1  }
0x199: {  	s0 =	sld @!p0 [smem:s0+$0x0];
	_ =	sdelay $0x1  }
0x19a: {  	[tilespmem:v11+s22+$0x0] =	vst.idx.msk $0xffff, v9  }
0x19b: {  	p1 =	sgt.s32 @!p0 s0, $0x0;
	v10 =	vor.u32 v5, v10;
	v9 =	vld.idx.msk [tilespmem:v45+s29+$0x0], $0xffff  }
0x19c: {  	p1 =	por !p1, p0  }
0x19d: {  	s0 =	simm.s32 @p1 $0x0  }
0x19e: {  	s0 =	smin.u32 @!p0 s0, $0xF423F  }
0x19f: {  	s0 =	sand.u32 @!p0 $0xFFF80, s0  }
0x1a0: {  	s1 =	simm.s32 @!p0 $0x2400;
	s0 =	sadd.s32 @!p0 s25, s0;
	[tilespmem:v10+s22+$0x0] =	vst.idx.msk $0xffff, v9  }
0x1a1: {  	[tilespmem:s1], [sflag:$0x2] =	stream.strided.gather @!p0 [hbm4b:s0+s7], $0x2000, s6, s7, $0x38;
	[tilespmem:$0x18400] =	vst v63  }
0x1a2: {  	_ =	swait.ge [sflag:s21], $0x2000  }
0x1a3: {  	s0 =	sadd.s32 $0x2, s4;
	[sflag:s21] =	ssyncset.done $0x0  }
0x1a4: {  	s8 =	sand.u32 $0x7A, s0;
	[sflag:s21] =	ssyncadd.s32 $0xFFFFE000  }
0x1a5: {  	s1 =	sld [smem:s5+s8];
	_ =	sdelay $0x2  }
0x1a6: {  	s1 =	sand.u32 $0x7F, s1  }
0x1a7: {  	v9 =	vor.u32 s1, v1  }
0x1a8: {  	v10 =	vmov s0  }
0x1a9: {  	v11 =	vshll.u32 v10, $0x3  }
0x1aa: {  	v10 =	vand.u32 $0x7A, v10;
	v11 =	vand.u32 $0xC00, v11  }
0x1ab: {  	v10 =	vor.u32 v10, v11  }
0x1ac: {  	v11 =	vor.u32 v2, v10;
	v9 =	vld.idx.msk [tilespmem:v9+s15+$0x0], $0xffff  }
0x1ad: {  	v46 =	vor.u32 s1, v6;
	_ =	sdelay $0x3  }
0x1ae: {  	[tilespmem:v11+s22+$0x0] =	vst.idx.msk $0xffff, v9  }
0x1af: {  	v11 =	vor.u32 v3, v10;
	v9 =	vld.idx.msk [tilespmem:v46+s15+$0x0], $0xffff  }
0x1b0: {  	v47 =	vor.u32 s1, v7;
	_ =	sdelay $0x3  }
0x1b1: {  	[tilespmem:v11+s22+$0x0] =	vst.idx.msk $0xffff, v9  }
0x1b2: {  	s0 =	sadd.s32 @!p0 $0xA, s4;
	s8 =	sadd.s32 @!p0 $0x14, s2;
	v11 =	vor.u32 v4, v10;
	v9 =	vld.idx.msk [tilespmem:v47+s15+$0x0], $0xffff  }
0x1b3: {  	s0 =	sand.u32 @!p0 $0x7A, s0;
	v48 =	vor.u32 s1, v8;
	s1 =	sand.u32 @!p0 $0x700, s8  }
0x1b4: {  	s0 =	sor.u32 @!p0 s0, s1  }
0x1b5: {  	s0 =	sld @!p0 [smem:s0+$0x0];
	_ =	sdelay $0x1  }
0x1b6: {  	[tilespmem:v11+s22+$0x0] =	vst.idx.msk $0xffff, v9  }
0x1b7: {  	p1 =	sgt.s32 @!p0 s0, $0x0;
	v10 =	vor.u32 v5, v10;
	v9 =	vld.idx.msk [tilespmem:v48+s15+$0x0], $0xffff  }
0x1b8: {  	p1 =	por !p1, p0  }
0x1b9: {  	s0 =	simm.s32 @p1 $0x0  }
0x1ba: {  	s0 =	smin.u32 @!p0 s0, $0xF423F  }
0x1bb: {  	s0 =	sand.u32 @!p0 $0xFFF80, s0  }
0x1bc: {  	s1 =	simm.s32 @!p0 $0x4400;
	s0 =	sadd.s32 @!p0 s25, s0;
	[tilespmem:v10+s22+$0x0] =	vst.idx.msk $0xffff, v9  }
0x1bd: {  	[tilespmem:s1], [sflag:$0x3] =	stream.strided.gather @!p0 [hbm4b:s0+s7], $0x2000, s6, s7, $0x38;
	[tilespmem:$0x18400] =	vst v63  }
0x1be: {  	_ =	swait.ge [sflag:s23], $0x2000  }
0x1bf: {  	s0 =	sadd.s32 $0x3, s4;
	[sflag:s23] =	ssyncset.done $0x0  }
0x1c0: {  	s8 =	sand.u32 $0x7B, s0;
	[sflag:s23] =	ssyncadd.s32 $0xFFFFE000  }
0x1c1: {  	s1 =	sld [smem:s5+s8];
	_ =	sdelay $0x2  }
0x1c2: {  	s1 =	sand.u32 $0x7F, s1  }
0x1c3: {  	v9 =	vor.u32 s1, v1  }
0x1c4: {  	v10 =	vmov s0  }
0x1c5: {  	v11 =	vshll.u32 v10, $0x3  }
0x1c6: {  	v10 =	vand.u32 $0x7B, v10;
	v11 =	vand.u32 $0xC00, v11  }
0x1c7: {  	v10 =	vor.u32 v10, v11  }
0x1c8: {  	v11 =	vor.u32 v2, v10;
	v9 =	vld.idx.msk [tilespmem:v9+s16+$0x0], $0xffff  }
0x1c9: {  	v49 =	vor.u32 s1, v6;
	_ =	sdelay $0x3  }
0x1ca: {  	[tilespmem:v11+s22+$0x0] =	vst.idx.msk $0xffff, v9  }
0x1cb: {  	v11 =	vor.u32 v3, v10;
	v9 =	vld.idx.msk [tilespmem:v49+s16+$0x0], $0xffff  }
0x1cc: {  	v50 =	vor.u32 s1, v7;
	_ =	sdelay $0x3  }
0x1cd: {  	[tilespmem:v11+s22+$0x0] =	vst.idx.msk $0xffff, v9  }
0x1ce: {  	s0 =	sadd.s32 @!p0 $0xB, s4;
	s8 =	sadd.s32 @!p0 $0x16, s2;
	v11 =	vor.u32 v4, v10;
	v9 =	vld.idx.msk [tilespmem:v50+s16+$0x0], $0xffff  }
0x1cf: {  	s0 =	sand.u32 @!p0 $0x7B, s0;
	v51 =	vor.u32 s1, v8;
	s1 =	sand.u32 @!p0 $0x700, s8  }
0x1d0: {  	s0 =	sor.u32 @!p0 s0, s1  }
0x1d1: {  	s0 =	sld @!p0 [smem:s0+$0x0];
	_ =	sdelay $0x1  }
0x1d2: {  	[tilespmem:v11+s22+$0x0] =	vst.idx.msk $0xffff, v9  }
0x1d3: {  	p1 =	sgt.s32 @!p0 s0, $0x0;
	v10 =	vor.u32 v5, v10;
	v9 =	vld.idx.msk [tilespmem:v51+s16+$0x0], $0xffff  }
0x1d4: {  	p1 =	por !p1, p0  }
0x1d5: {  	s0 =	simm.s32 @p1 $0x0  }
0x1d6: {  	s0 =	smin.u32 @!p0 s0, $0xF423F  }
0x1d7: {  	s0 =	sand.u32 @!p0 $0xFFF80, s0  }
0x1d8: {  	s1 =	simm.s32 @!p0 $0x6400;
	s0 =	sadd.s32 @!p0 s25, s0;
	[tilespmem:v10+s22+$0x0] =	vst.idx.msk $0xffff, v9  }
0x1d9: {  	[tilespmem:s1], [sflag:$0x4] =	stream.strided.gather @!p0 [hbm4b:s0+s7], $0x2000, s6, s7, $0x38;
	[tilespmem:$0x18400] =	vst v63  }
0x1da: {  	_ =	swait.ge [sflag:s24], $0x2000  }
0x1db: {  	s0 =	sadd.s32 $0x4, s4;
	[sflag:s24] =	ssyncset.done $0x0  }
0x1dc: {  	s8 =	sand.u32 $0x7C, s0;
	[sflag:s24] =	ssyncadd.s32 $0xFFFFE000  }
0x1dd: {  	s1 =	sld [smem:s5+s8];
	_ =	sdelay $0x2  }
0x1de: {  	s1 =	sand.u32 $0x7F, s1  }
0x1df: {  	v9 =	vor.u32 s1, v1  }
0x1e0: {  	v10 =	vmov s0  }
0x1e1: {  	v11 =	vshll.u32 v10, $0x3  }
0x1e2: {  	v10 =	vand.u32 $0x7C, v10;
	v11 =	vand.u32 $0xC00, v11  }
0x1e3: {  	v10 =	vor.u32 v10, v11  }
0x1e4: {  	v11 =	vor.u32 v2, v10;
	v9 =	vld.idx.msk [tilespmem:v9+s17+$0x0], $0xffff  }
0x1e5: {  	v52 =	vor.u32 s1, v6;
	_ =	sdelay $0x3  }
0x1e6: {  	[tilespmem:v11+s22+$0x0] =	vst.idx.msk $0xffff, v9  }
0x1e7: {  	v11 =	vor.u32 v3, v10;
	v9 =	vld.idx.msk [tilespmem:v52+s17+$0x0], $0xffff  }
0x1e8: {  	v53 =	vor.u32 s1, v7;
	_ =	sdelay $0x3  }
0x1e9: {  	[tilespmem:v11+s22+$0x0] =	vst.idx.msk $0xffff, v9  }
0x1ea: {  	s0 =	sadd.s32 @!p0 $0xC, s4;
	s8 =	sadd.s32 @!p0 $0x18, s2;
	v11 =	vor.u32 v4, v10;
	v9 =	vld.idx.msk [tilespmem:v53+s17+$0x0], $0xffff  }
0x1eb: {  	s0 =	sand.u32 @!p0 $0x7C, s0;
	v54 =	vor.u32 s1, v8;
	s1 =	sand.u32 @!p0 $0x700, s8  }
0x1ec: {  	s0 =	sor.u32 @!p0 s0, s1  }
0x1ed: {  	s0 =	sld @!p0 [smem:s0+$0x0];
	_ =	sdelay $0x1  }
0x1ee: {  	[tilespmem:v11+s22+$0x0] =	vst.idx.msk $0xffff, v9  }
0x1ef: {  	p1 =	sgt.s32 @!p0 s0, $0x0;
	v10 =	vor.u32 v5, v10;
	v9 =	vld.idx.msk [tilespmem:v54+s17+$0x0], $0xffff  }
0x1f0: {  	p1 =	por !p1, p0  }
0x1f1: {  	s0 =	simm.s32 @p1 $0x0  }
0x1f2: {  	s0 =	smin.u32 @!p0 s0, $0xF423F  }
0x1f3: {  	s0 =	sand.u32 @!p0 $0xFFF80, s0  }
0x1f4: {  	s1 =	simm.s32 @!p0 $0x8400;
	s0 =	sadd.s32 @!p0 s25, s0;
	[tilespmem:v10+s22+$0x0] =	vst.idx.msk $0xffff, v9  }
0x1f5: {  	[tilespmem:s1], [sflag:$0x5] =	stream.strided.gather @!p0 [hbm4b:s0+s7], $0x2000, s6, s7, $0x38;
	[tilespmem:$0x18400] =	vst v63  }
0x1f6: {  	_ =	swait.ge [sflag:s26], $0x2000  }
0x1f7: {  	s0 =	sadd.s32 $0x5, s4;
	[sflag:s26] =	ssyncset.done $0x0  }
0x1f8: {  	s8 =	sand.u32 $0x7D, s0;
	[sflag:s26] =	ssyncadd.s32 $0xFFFFE000  }
0x1f9: {  	s1 =	sld [smem:s5+s8];
	_ =	sdelay $0x2  }
0x1fa: {  	s1 =	sand.u32 $0x7F, s1  }
0x1fb: {  	v9 =	vor.u32 s1, v1  }
0x1fc: {  	v10 =	vmov s0  }
0x1fd: {  	v11 =	vshll.u32 v10, $0x3  }
0x1fe: {  	v10 =	vand.u32 $0x7D, v10;
	v11 =	vand.u32 $0xC00, v11  }
0x1ff: {  	v10 =	vor.u32 v10, v11  }
0x200: {  	v11 =	vor.u32 v2, v10;
	v9 =	vld.idx.msk [tilespmem:v9+s18+$0x0], $0xffff  }
0x201: {  	v55 =	vor.u32 s1, v6;
	_ =	sdelay $0x3  }
0x202: {  	[tilespmem:v11+s22+$0x0] =	vst.idx.msk $0xffff, v9  }
0x203: {  	v11 =	vor.u32 v3, v10;
	v9 =	vld.idx.msk [tilespmem:v55+s18+$0x0], $0xffff  }
0x204: {  	v56 =	vor.u32 s1, v7;
	_ =	sdelay $0x3  }
0x205: {  	[tilespmem:v11+s22+$0x0] =	vst.idx.msk $0xffff, v9  }
0x206: {  	s0 =	sadd.s32 @!p0 $0xD, s4;
	s8 =	sadd.s32 @!p0 $0x1A, s2;
	v11 =	vor.u32 v4, v10;
	v9 =	vld.idx.msk [tilespmem:v56+s18+$0x0], $0xffff  }
0x207: {  	s0 =	sand.u32 @!p0 $0x7D, s0;
	v57 =	vor.u32 s1, v8;
	s1 =	sand.u32 @!p0 $0x700, s8  }
0x208: {  	s0 =	sor.u32 @!p0 s0, s1  }
0x209: {  	s0 =	sld @!p0 [smem:s0+$0x0];
	_ =	sdelay $0x1  }
0x20a: {  	[tilespmem:v11+s22+$0x0] =	vst.idx.msk $0xffff, v9  }
0x20b: {  	p1 =	sgt.s32 @!p0 s0, $0x0;
	v10 =	vor.u32 v5, v10;
	v9 =	vld.idx.msk [tilespmem:v57+s18+$0x0], $0xffff  }
0x20c: {  	p1 =	por !p1, p0  }
0x20d: {  	s0 =	simm.s32 @p1 $0x0  }
0x20e: {  	s0 =	smin.u32 @!p0 s0, $0xF423F  }
0x20f: {  	s0 =	sand.u32 @!p0 $0xFFF80, s0  }
0x210: {  	s1 =	simm.s32 @!p0 $0xA400;
	s0 =	sadd.s32 @!p0 s25, s0;
	[tilespmem:v10+s22+$0x0] =	vst.idx.msk $0xffff, v9  }
0x211: {  	[tilespmem:s1], [sflag:$0x6] =	stream.strided.gather @!p0 [hbm4b:s0+s7], $0x2000, s6, s7, $0x38;
	[tilespmem:$0x18400] =	vst v63  }
0x212: {  	_ =	swait.ge [sflag:s28], $0x2000  }
0x213: {  	s0 =	sadd.s32 $0x6, s4;
	[sflag:s28] =	ssyncset.done $0x0  }
0x214: {  	s8 =	sand.u32 $0x7E, s0;
	[sflag:s28] =	ssyncadd.s32 $0xFFFFE000  }
0x215: {  	s1 =	sld [smem:s5+s8];
	_ =	sdelay $0x2  }
0x216: {  	s1 =	sand.u32 $0x7F, s1  }
0x217: {  	v9 =	vor.u32 s1, v1  }
0x218: {  	v10 =	vmov s0  }
0x219: {  	v11 =	vshll.u32 v10, $0x3  }
0x21a: {  	v10 =	vand.u32 $0x7E, v10;
	v11 =	vand.u32 $0xC00, v11  }
0x21b: {  	v10 =	vor.u32 v10, v11  }
0x21c: {  	v11 =	vor.u32 v2, v10;
	v9 =	vld.idx.msk [tilespmem:v9+s19+$0x0], $0xffff  }
0x21d: {  	v58 =	vor.u32 s1, v6;
	_ =	sdelay $0x3  }
0x21e: {  	[tilespmem:v11+s22+$0x0] =	vst.idx.msk $0xffff, v9  }
0x21f: {  	v11 =	vor.u32 v3, v10;
	v9 =	vld.idx.msk [tilespmem:v58+s19+$0x0], $0xffff  }
0x220: {  	v59 =	vor.u32 s1, v7;
	_ =	sdelay $0x3  }
0x221: {  	[tilespmem:v11+s22+$0x0] =	vst.idx.msk $0xffff, v9  }
0x222: {  	s0 =	sadd.s32 @!p0 $0xE, s4;
	s8 =	sadd.s32 @!p0 $0x1C, s2;
	v11 =	vor.u32 v4, v10;
	v9 =	vld.idx.msk [tilespmem:v59+s19+$0x0], $0xffff  }
0x223: {  	s0 =	sand.u32 @!p0 $0x7E, s0;
	v60 =	vor.u32 s1, v8;
	s1 =	sand.u32 @!p0 $0x700, s8  }
0x224: {  	s0 =	sor.u32 @!p0 s0, s1  }
0x225: {  	s0 =	sld @!p0 [smem:s0+$0x0];
	_ =	sdelay $0x1  }
0x226: {  	[tilespmem:v11+s22+$0x0] =	vst.idx.msk $0xffff, v9  }
0x227: {  	p1 =	sgt.s32 @!p0 s0, $0x0;
	v10 =	vor.u32 v5, v10;
	v9 =	vld.idx.msk [tilespmem:v60+s19+$0x0], $0xffff  }
0x228: {  	p1 =	por !p1, p0  }
0x229: {  	s0 =	simm.s32 @p1 $0x0  }
0x22a: {  	s0 =	smin.u32 @!p0 s0, $0xF423F  }
0x22b: {  	s0 =	sand.u32 @!p0 $0xFFF80, s0  }
0x22c: {  	s1 =	simm.s32 @!p0 $0xC400;
	s0 =	sadd.s32 @!p0 s25, s0;
	[tilespmem:v10+s22+$0x0] =	vst.idx.msk $0xffff, v9  }
0x22d: {  	[tilespmem:s1], [sflag:$0x7] =	stream.strided.gather @!p0 [hbm4b:s0+s7], $0x2000, s6, s7, $0x38;
	[tilespmem:$0x18400] =	vst v63  }
0x22e: {  	_ =	swait.ge [sflag:s30], $0x2000  }
0x22f: {  	s7 =	sadd.s32 $0x7, s4;
	[sflag:s30] =	ssyncset.done $0x0  }
0x230: {  	s8 =	sand.u32 $0x7F, s7;
	[sflag:s30] =	ssyncadd.s32 $0xFFFFE000  }
0x231: {  	s1 =	sld [smem:s5+s8];
	_ =	sdelay $0x2  }
0x232: {  	s1 =	sand.u32 $0x7F, s1  }
0x233: {  	v9 =	vor.u32 s1, v1  }
0x234: {  	v10 =	vmov s7  }
0x235: {  	v11 =	vshll.u32 v10, $0x3  }
0x236: {  	v10 =	vand.u32 $0x7F, v10;
	v11 =	vand.u32 $0xC00, v11  }
0x237: {  	v10 =	vor.u32 v10, v11  }
0x238: {  	v11 =	vor.u32 v2, v10;
	v9 =	vld.idx.msk [tilespmem:v9+s20+$0x0], $0xffff  }
0x239: {  	v61 =	vor.u32 s1, v6;
	_ =	sdelay $0x3  }
0x23a: {  	[tilespmem:v11+s22+$0x0] =	vst.idx.msk $0xffff, v9  }
0x23b: {  	v11 =	vor.u32 v3, v10;
	v9 =	vld.idx.msk [tilespmem:v61+s20+$0x0], $0xffff  }
0x23c: {  	v62 =	vor.u32 s1, v7;
	_ =	sdelay $0x3  }
0x23d: {  	[tilespmem:v11+s22+$0x0] =	vst.idx.msk $0xffff, v9  }
0x23e: {  	v11 =	vor.u32 v4, v10;
	v9 =	vld.idx.msk [tilespmem:v62+s20+$0x0], $0xffff  }
0x23f: {  	v63 =	vor.u32 s1, v8;
	_ =	sdelay $0x3  }
0x240: {  	[tilespmem:v11+s22+$0x0] =	vst.idx.msk $0xffff, v9  }
0x241: {  	v10 =	vor.u32 v5, v10;
	v9 =	vld.idx.msk [tilespmem:v63+s20+$0x0], $0xffff  }
.Ltmp8:
0x242: {  	_ = 	snop;
	(pc) =	sbr.rel @p0 .LBB2_16-.Ltmp8, $2  }
0x243: {  	_ =	sdelay $0x2  }
0x244: {  	[tilespmem:v10+s22+$0x0] =	vst.idx.msk $0xffff, v9  }
0x245: {  	s0 =	sadd.s32 $0xF, s4;
	s1 =	sadd.s32 $0x1E, s2  }
0x246: {  	s1 =	sand.u32 $0x700, s1;
	s0 =	sand.u32 $0x7F, s0  }
0x247: {  	s0 =	sor.u32 s0, s1  }
0x248: {  	s0 =	sld [smem:s0+$0x0];
	_ =	sdelay $0x2  }
0x249: {  	p0 =	sgt.s32 s0, $0x0  }
.Ltmp9:
0x24a: {  	s0 =	simm.s32 @!p0 $0x0;
	(pc) =	sbr.rel .LBB2_14-.Ltmp9, $4  }
0x24b: {  	s0 =	smin.u32 s0, $0xF423F  }
0x24c: {  	s0 =	sand.u32 $0xFFF80, s0  }
0x24d: {  	s4 =	sadd.s32 $0x8, s4;
	s2 =	sadd.s32 $0x10, s2;
	s0 =	sadd.s32 s25, s0  }
0x24e: {  	[tilespmem:s20], [sflag:$0x8] =	stream.strided.gather [hbm4b:s0+s13], $0x2000, s14, s13, $0x38;
	[tilespmem:$0x18400] =	vst v63  }
.LBB2_16:
0x24f: {  	s0 =	rddreg [dreg:$0x6];
	s25 =	simm.s32 $0x20000  }
0x250: {  	[hbm4b:s0+s31] =	stream.strided.scatter [tilespmem:s22], [sflag:$0x9], $0x8000, s25, s31, $0x38;
	[tilespmem:$0x18400] =	vst v63  }
0x251: {  	_ =	swait.ge [sflag:s10], $0x8000  }
0x252: {  	[sflag:s10] =	ssyncset.done $0x0  }
0x253: {  	[sflag:s10] =	ssyncadd.s32 $0xFFFF8000  }
0x254: {  	s0 =	sld [smem:$0x80];
	_ =	sdelay $0x1  }
0x255: {  	s1 =	sld [smem:$0x81]  }
0x256: {  	p0 =	sgt.s32 s0, $0x0  }
0x257: {  	s0 =	simm.s32 @!p0 $0x0  }
0x258: {  	p0 =	sgt.s32 s1, $0x0;
	s0 =	smin.u32 s0, $0xF423F  }
0x259: {  	s1 =	simm.s32 @!p0 $0x0;
	s0 =	sand.u32 $0xFFF80, s0  }
0x25a: {  	s1 =	smin.u32 s1, $0xF423F;
	s0 =	sadd.s32 s9, s0  }
0x25b: {  	[tilespmem:s13], [sflag:$0x1] =	stream.strided.gather [hbm4b:s0+s13], $0x2000, s14, s13, $0x38;
	[tilespmem:$0x18400] =	vst v63  }
0x25c: {  	s0 =	sand.u32 $0xFFF80, s1;
	s1 =	sld [smem:$0x82]  }
0x25d: {  	s0 =	sadd.s32 s9, s0  }
0x25e: {  	[tilespmem:s29], [sflag:$0x2] =	stream.strided.gather [hbm4b:s0+s13], $0x2000, s14, s13, $0x38;
	[tilespmem:$0x18400] =	vst v63  }
0x25f: {  	p0 =	sgt.s32 s1, $0x0  }
0x260: {  	s1 =	simm.s32 @!p0 $0x0  }
0x261: {  	s2 =	smin.u32 s1, $0xF423F  }
0x262: {  	s1 =	sld [smem:$0x83];
	s0 =	sand.u32 $0xFFF80, s2  }
0x263: {  	s0 =	sadd.s32 s9, s0  }
0x264: {  	[tilespmem:s15], [sflag:$0x3] =	stream.strided.gather [hbm4b:s0+s13], $0x2000, s14, s13, $0x38;
	[tilespmem:$0x18400] =	vst v63  }
0x265: {  	p0 =	sgt.s32 s1, $0x0  }
0x266: {  	s1 =	simm.s32 @!p0 $0x0  }
0x267: {  	s4 =	smin.u32 s1, $0xF423F  }
0x268: {  	s1 =	sld [smem:$0x84];
	s0 =	sand.u32 $0xFFF80, s4  }
0x269: {  	s0 =	sadd.s32 s9, s0  }
0x26a: {  	[tilespmem:s16], [sflag:$0x4] =	stream.strided.gather [hbm4b:s0+s13], $0x2000, s14, s13, $0x38;
	[tilespmem:$0x18400] =	vst v63  }
0x26b: {  	p0 =	sgt.s32 s1, $0x0  }
0x26c: {  	s1 =	simm.s32 @!p0 $0x0  }
0x26d: {  	s5 =	smin.u32 s1, $0xF423F  }
0x26e: {  	s1 =	sld [smem:$0x85];
	s0 =	sand.u32 $0xFFF80, s5  }
0x26f: {  	s0 =	sadd.s32 s9, s0  }
0x270: {  	[tilespmem:s17], [sflag:$0x5] =	stream.strided.gather [hbm4b:s0+s13], $0x2000, s14, s13, $0x38;
	[tilespmem:$0x18400] =	vst v63  }
0x271: {  	p0 =	sgt.s32 s1, $0x0  }
0x272: {  	s1 =	simm.s32 @!p0 $0x0  }
0x273: {  	s6 =	smin.u32 s1, $0xF423F  }
0x274: {  	s1 =	sld [smem:$0x86];
	s0 =	sand.u32 $0xFFF80, s6  }
0x275: {  	s0 =	sadd.s32 s9, s0  }
0x276: {  	[tilespmem:s18], [sflag:$0x6] =	stream.strided.gather [hbm4b:s0+s13], $0x2000, s14, s13, $0x38;
	[tilespmem:$0x18400] =	vst v63  }
0x277: {  	p0 =	sgt.s32 s1, $0x0  }
0x278: {  	s1 =	simm.s32 @!p0 $0x0  }
0x279: {  	s7 =	smin.u32 s1, $0xF423F  }
0x27a: {  	s1 =	sld [smem:$0x87];
	s0 =	sand.u32 $0xFFF80, s7  }
0x27b: {  	s0 =	sadd.s32 s9, s0  }
0x27c: {  	[tilespmem:s19], [sflag:$0x7] =	stream.strided.gather [hbm4b:s0+s13], $0x2000, s14, s13, $0x38;
	[tilespmem:$0x18400] =	vst v63  }
0x27d: {  	p0 =	sgt.s32 s1, $0x0  }
0x27e: {  	s1 =	simm.s32 @!p0 $0x0  }
0x27f: {  	s8 =	smin.u32 s1, $0xF423F  }
0x280: {  	s0 =	sand.u32 $0xFFF80, s8  }
0x281: {  	s2 =	simm.s32 $0x0;
	s4 =	simm.s32 $0x0;
	s0 =	sadd.s32 s9, s0  }
0x282: {  	[tilespmem:s20], [sflag:$0x8] =	stream.strided.gather [hbm4b:s0+s13], $0x2000, s14, s13, $0x38;
	[tilespmem:$0x18400] =	vst v63  }
.LBB2_17:
0x283: {  	_ =	swait.ge [sflag:s11], $0x2000;
	s0 =	sand.u32 $0x78, s4;
	s5 =	sand.u32 $0x300, s2  }
0x284: {  	[sflag:s11] =	ssyncset.done $0x0;
	s0 =	sor.u32 s0, s5  }
0x285: {  	[sflag:s11] =	ssyncadd.s32 $0xFFFFE000;
	s0 =	sor.u32 $0x80, s0  }
0x286: {  	s0 =	sld [smem:s0+$0x0];
	_ =	sdelay $0x2  }
0x287: {  	s0 =	sand.u32 $0x7F, s0  }
0x288: {  	v9 =	vor.u32 s0, v1  }
0x289: {  	v10 =	vmov s4  }
0x28a: {  	v11 =	vshll.u32 v10, $0x3  }
0x28b: {  	v10 =	vand.u32 $0x78, v10;
	v11 =	vand.u32 $0xC00, v11  }
0x28c: {  	v10 =	vor.u32 v10, v11  }
0x28d: {  	v11 =	vor.u32 v2, v10;
	v9 =	vld.idx.msk [tilespmem:v9+s13+$0x0], $0xffff  }
0x28e: {  	v12 =	vor.u32 s0, v6;
	_ =	sdelay $0x3  }
0x28f: {  	[tilespmem:v11+s22+$0x0] =	vst.idx.msk $0xffff, v9  }
0x290: {  	v11 =	vor.u32 v3, v10;
	v9 =	vld.idx.msk [tilespmem:v12+s13+$0x0], $0xffff  }
0x291: {  	v41 =	vor.u32 s0, v7;
	_ =	sdelay $0x2  }
0x292: {  	p0 =	seq.s32 s4, $0x1F8  }
0x293: {  	s1 =	sadd.s32 @!p0 $0x8, s4;
	s6 =	sadd.s32 @!p0 $0x10, s2;
	[tilespmem:v11+s22+$0x0] =	vst.idx.msk $0xffff, v9  }
0x294: {  	s6 =	sand.u32 @!p0 $0x700, s6;
	s1 =	sand.u32 @!p0 $0x78, s1;
	v11 =	vor.u32 v4, v10;
	v9 =	vld.idx.msk [tilespmem:v41+s13+$0x0], $0xffff  }
0x295: {  	v42 =	vor.u32 s0, v8;
	s0 =	sor.u32 @!p0 s1, s6  }
0x296: {  	s0 =	sor.u32 @!p0 $0x80, s0  }
0x297: {  	s0 =	sld @!p0 [smem:s0+$0x0];
	_ =	sdelay $0x1  }
0x298: {  	[tilespmem:v11+s22+$0x0] =	vst.idx.msk $0xffff, v9  }
0x299: {  	p1 =	sgt.s32 @!p0 s0, $0x0;
	v10 =	vor.u32 v5, v10;
	v9 =	vld.idx.msk [tilespmem:v42+s13+$0x0], $0xffff  }
0x29a: {  	p1 =	por !p1, p0  }
0x29b: {  	s0 =	simm.s32 @p1 $0x0  }
0x29c: {  	s0 =	smin.u32 @!p0 s0, $0xF423F  }
0x29d: {  	s0 =	sand.u32 @!p0 $0xFFF80, s0  }
0x29e: {  	s7 =	simm.s32 @!p0 $0x400;
	s6 =	simm.s32 @!p0 $0x7A1400;
	s0 =	sadd.s32 @!p0 s9, s0;
	[tilespmem:v10+s22+$0x0] =	vst.idx.msk $0xffff, v9  }
0x29f: {  	[tilespmem:s7], [sflag:$0x1] =	stream.strided.gather @!p0 [hbm4b:s0+s7], $0x2000, s6, s7, $0x38;
	[tilespmem:$0x18400] =	vst v63  }
0x2a0: {  	s0 =	sadd.s32 $0x1, s4;
	_ =	swait.ge [sflag:s12], $0x2000  }
0x2a1: {  	s8 =	sand.u32 $0x79, s0;
	[sflag:s12] =	ssyncset.done $0x0  }
0x2a2: {  	s1 =	sadd.s32 s8, s5;
	[sflag:s12] =	ssyncadd.s32 $0xFFFFE000  }
0x2a3: {  	s1 =	sld [smem:s1+$0x80];
	_ =	sdelay $0x2  }
0x2a4: {  	s1 =	sand.u32 $0x7F, s1  }
0x2a5: {  	v9 =	vor.u32 s1, v1  }
0x2a6: {  	v10 =	vmov s0  }
0x2a7: {  	v11 =	vshll.u32 v10, $0x3  }
0x2a8: {  	v10 =	vand.u32 $0x79, v10;
	v11 =	vand.u32 $0xC00, v11  }
0x2a9: {  	v10 =	vor.u32 v10, v11  }
0x2aa: {  	v11 =	vor.u32 v2, v10;
	v9 =	vld.idx.msk [tilespmem:v9+s29+$0x0], $0xffff  }
0x2ab: {  	v43 =	vor.u32 s1, v6;
	_ =	sdelay $0x3  }
0x2ac: {  	[tilespmem:v11+s22+$0x0] =	vst.idx.msk $0xffff, v9  }
0x2ad: {  	v11 =	vor.u32 v3, v10;
	v9 =	vld.idx.msk [tilespmem:v43+s29+$0x0], $0xffff  }
0x2ae: {  	v44 =	vor.u32 s1, v7;
	_ =	sdelay $0x3  }
0x2af: {  	s0 =	sadd.s32 @!p0 $0x9, s4;
	s8 =	sadd.s32 @!p0 $0x12, s2;
	[tilespmem:v11+s22+$0x0] =	vst.idx.msk $0xffff, v9  }
0x2b0: {  	s0 =	sand.u32 @!p0 $0x79, s0;
	s8 =	sand.u32 @!p0 $0x700, s8;
	v11 =	vor.u32 v4, v10;
	v9 =	vld.idx.msk [tilespmem:v44+s29+$0x0], $0xffff  }
0x2b1: {  	s0 =	sor.u32 @!p0 s0, s8;
	v45 =	vor.u32 s1, v8  }
0x2b2: {  	s0 =	sor.u32 @!p0 $0x80, s0  }
0x2b3: {  	s0 =	sld @!p0 [smem:s0+$0x0];
	_ =	sdelay $0x1  }
0x2b4: {  	[tilespmem:v11+s22+$0x0] =	vst.idx.msk $0xffff, v9  }
0x2b5: {  	p1 =	sgt.s32 @!p0 s0, $0x0;
	v10 =	vor.u32 v5, v10;
	v9 =	vld.idx.msk [tilespmem:v45+s29+$0x0], $0xffff  }
0x2b6: {  	p1 =	por !p1, p0  }
0x2b7: {  	s0 =	simm.s32 @p1 $0x0  }
0x2b8: {  	s0 =	smin.u32 @!p0 s0, $0xF423F  }
0x2b9: {  	s0 =	sand.u32 @!p0 $0xFFF80, s0  }
0x2ba: {  	s1 =	simm.s32 @!p0 $0x2400;
	s0 =	sadd.s32 @!p0 s9, s0;
	[tilespmem:v10+s22+$0x0] =	vst.idx.msk $0xffff, v9  }
0x2bb: {  	[tilespmem:s1], [sflag:$0x2] =	stream.strided.gather @!p0 [hbm4b:s0+s7], $0x2000, s6, s7, $0x38;
	[tilespmem:$0x18400] =	vst v63  }
0x2bc: {  	s0 =	sadd.s32 $0x2, s4;
	_ =	swait.ge [sflag:s21], $0x2000  }
0x2bd: {  	s8 =	sand.u32 $0x7A, s0;
	[sflag:s21] =	ssyncset.done $0x0  }
0x2be: {  	s1 =	sadd.s32 s8, s5;
	[sflag:s21] =	ssyncadd.s32 $0xFFFFE000  }
0x2bf: {  	s1 =	sld [smem:s1+$0x80];
	_ =	sdelay $0x2  }
0x2c0: {  	s1 =	sand.u32 $0x7F, s1  }
0x2c1: {  	v9 =	vor.u32 s1, v1  }
0x2c2: {  	v10 =	vmov s0  }
0x2c3: {  	v11 =	vshll.u32 v10, $0x3  }
0x2c4: {  	v10 =	vand.u32 $0x7A, v10;
	v11 =	vand.u32 $0xC00, v11  }
0x2c5: {  	v10 =	vor.u32 v10, v11  }
0x2c6: {  	v11 =	vor.u32 v2, v10;
	v9 =	vld.idx.msk [tilespmem:v9+s15+$0x0], $0xffff  }
0x2c7: {  	v46 =	vor.u32 s1, v6;
	_ =	sdelay $0x3  }
0x2c8: {  	[tilespmem:v11+s22+$0x0] =	vst.idx.msk $0xffff, v9  }
0x2c9: {  	v11 =	vor.u32 v3, v10;
	v9 =	vld.idx.msk [tilespmem:v46+s15+$0x0], $0xffff  }
0x2ca: {  	v47 =	vor.u32 s1, v7;
	_ =	sdelay $0x3  }
0x2cb: {  	s0 =	sadd.s32 @!p0 $0xA, s4;
	s8 =	sadd.s32 @!p0 $0x14, s2;
	[tilespmem:v11+s22+$0x0] =	vst.idx.msk $0xffff, v9  }
0x2cc: {  	s0 =	sand.u32 @!p0 $0x7A, s0;
	s8 =	sand.u32 @!p0 $0x700, s8;
	v11 =	vor.u32 v4, v10;
	v9 =	vld.idx.msk [tilespmem:v47+s15+$0x0], $0xffff  }
0x2cd: {  	s0 =	sor.u32 @!p0 s0, s8;
	v48 =	vor.u32 s1, v8  }
0x2ce: {  	s0 =	sor.u32 @!p0 $0x80, s0  }
0x2cf: {  	s0 =	sld @!p0 [smem:s0+$0x0];
	_ =	sdelay $0x1  }
0x2d0: {  	[tilespmem:v11+s22+$0x0] =	vst.idx.msk $0xffff, v9  }
0x2d1: {  	p1 =	sgt.s32 @!p0 s0, $0x0;
	v10 =	vor.u32 v5, v10;
	v9 =	vld.idx.msk [tilespmem:v48+s15+$0x0], $0xffff  }
0x2d2: {  	p1 =	por !p1, p0  }
0x2d3: {  	s0 =	simm.s32 @p1 $0x0  }
0x2d4: {  	s0 =	smin.u32 @!p0 s0, $0xF423F  }
0x2d5: {  	s0 =	sand.u32 @!p0 $0xFFF80, s0  }
0x2d6: {  	s1 =	simm.s32 @!p0 $0x4400;
	s0 =	sadd.s32 @!p0 s9, s0;
	[tilespmem:v10+s22+$0x0] =	vst.idx.msk $0xffff, v9  }
0x2d7: {  	[tilespmem:s1], [sflag:$0x3] =	stream.strided.gather @!p0 [hbm4b:s0+s7], $0x2000, s6, s7, $0x38;
	[tilespmem:$0x18400] =	vst v63  }
0x2d8: {  	s0 =	sadd.s32 $0x3, s4;
	_ =	swait.ge [sflag:s23], $0x2000  }
0x2d9: {  	s8 =	sand.u32 $0x7B, s0;
	[sflag:s23] =	ssyncset.done $0x0  }
0x2da: {  	s1 =	sadd.s32 s8, s5;
	[sflag:s23] =	ssyncadd.s32 $0xFFFFE000  }
0x2db: {  	s1 =	sld [smem:s1+$0x80];
	_ =	sdelay $0x2  }
0x2dc: {  	s1 =	sand.u32 $0x7F, s1  }
0x2dd: {  	v9 =	vor.u32 s1, v1  }
0x2de: {  	v10 =	vmov s0  }
0x2df: {  	v11 =	vshll.u32 v10, $0x3  }
0x2e0: {  	v10 =	vand.u32 $0x7B, v10;
	v11 =	vand.u32 $0xC00, v11  }
0x2e1: {  	v10 =	vor.u32 v10, v11  }
0x2e2: {  	v11 =	vor.u32 v2, v10;
	v9 =	vld.idx.msk [tilespmem:v9+s16+$0x0], $0xffff  }
0x2e3: {  	v49 =	vor.u32 s1, v6;
	_ =	sdelay $0x3  }
0x2e4: {  	[tilespmem:v11+s22+$0x0] =	vst.idx.msk $0xffff, v9  }
0x2e5: {  	v11 =	vor.u32 v3, v10;
	v9 =	vld.idx.msk [tilespmem:v49+s16+$0x0], $0xffff  }
0x2e6: {  	v50 =	vor.u32 s1, v7;
	_ =	sdelay $0x3  }
0x2e7: {  	s0 =	sadd.s32 @!p0 $0xB, s4;
	s8 =	sadd.s32 @!p0 $0x16, s2;
	[tilespmem:v11+s22+$0x0] =	vst.idx.msk $0xffff, v9  }
0x2e8: {  	s0 =	sand.u32 @!p0 $0x7B, s0;
	s8 =	sand.u32 @!p0 $0x700, s8;
	v11 =	vor.u32 v4, v10;
	v9 =	vld.idx.msk [tilespmem:v50+s16+$0x0], $0xffff  }
0x2e9: {  	s0 =	sor.u32 @!p0 s0, s8;
	v51 =	vor.u32 s1, v8  }
0x2ea: {  	s0 =	sor.u32 @!p0 $0x80, s0  }
0x2eb: {  	s0 =	sld @!p0 [smem:s0+$0x0];
	_ =	sdelay $0x1  }
0x2ec: {  	[tilespmem:v11+s22+$0x0] =	vst.idx.msk $0xffff, v9  }
0x2ed: {  	p1 =	sgt.s32 @!p0 s0, $0x0;
	v10 =	vor.u32 v5, v10;
	v9 =	vld.idx.msk [tilespmem:v51+s16+$0x0], $0xffff  }
0x2ee: {  	p1 =	por !p1, p0  }
0x2ef: {  	s0 =	simm.s32 @p1 $0x0  }
0x2f0: {  	s0 =	smin.u32 @!p0 s0, $0xF423F  }
0x2f1: {  	s0 =	sand.u32 @!p0 $0xFFF80, s0  }
0x2f2: {  	s1 =	simm.s32 @!p0 $0x6400;
	s0 =	sadd.s32 @!p0 s9, s0;
	[tilespmem:v10+s22+$0x0] =	vst.idx.msk $0xffff, v9  }
0x2f3: {  	[tilespmem:s1], [sflag:$0x4] =	stream.strided.gather @!p0 [hbm4b:s0+s7], $0x2000, s6, s7, $0x38;
	[tilespmem:$0x18400] =	vst v63  }
0x2f4: {  	s0 =	sadd.s32 $0x4, s4;
	_ =	swait.ge [sflag:s24], $0x2000  }
0x2f5: {  	s8 =	sand.u32 $0x7C, s0;
	[sflag:s24] =	ssyncset.done $0x0  }
0x2f6: {  	s1 =	sadd.s32 s8, s5;
	[sflag:s24] =	ssyncadd.s32 $0xFFFFE000  }
0x2f7: {  	s1 =	sld [smem:s1+$0x80];
	_ =	sdelay $0x2  }
0x2f8: {  	s1 =	sand.u32 $0x7F, s1  }
0x2f9: {  	v9 =	vor.u32 s1, v1  }
0x2fa: {  	v10 =	vmov s0  }
0x2fb: {  	v11 =	vshll.u32 v10, $0x3  }
0x2fc: {  	v10 =	vand.u32 $0x7C, v10;
	v11 =	vand.u32 $0xC00, v11  }
0x2fd: {  	v10 =	vor.u32 v10, v11  }
0x2fe: {  	v11 =	vor.u32 v2, v10;
	v9 =	vld.idx.msk [tilespmem:v9+s17+$0x0], $0xffff  }
0x2ff: {  	v52 =	vor.u32 s1, v6;
	_ =	sdelay $0x3  }
0x300: {  	[tilespmem:v11+s22+$0x0] =	vst.idx.msk $0xffff, v9  }
0x301: {  	v11 =	vor.u32 v3, v10;
	v9 =	vld.idx.msk [tilespmem:v52+s17+$0x0], $0xffff  }
0x302: {  	v53 =	vor.u32 s1, v7;
	_ =	sdelay $0x3  }
0x303: {  	s0 =	sadd.s32 @!p0 $0xC, s4;
	s8 =	sadd.s32 @!p0 $0x18, s2;
	[tilespmem:v11+s22+$0x0] =	vst.idx.msk $0xffff, v9  }
0x304: {  	s0 =	sand.u32 @!p0 $0x7C, s0;
	s8 =	sand.u32 @!p0 $0x700, s8;
	v11 =	vor.u32 v4, v10;
	v9 =	vld.idx.msk [tilespmem:v53+s17+$0x0], $0xffff  }
0x305: {  	s0 =	sor.u32 @!p0 s0, s8;
	v54 =	vor.u32 s1, v8  }
0x306: {  	s0 =	sor.u32 @!p0 $0x80, s0  }
0x307: {  	s0 =	sld @!p0 [smem:s0+$0x0];
	_ =	sdelay $0x1  }
0x308: {  	[tilespmem:v11+s22+$0x0] =	vst.idx.msk $0xffff, v9  }
0x309: {  	p1 =	sgt.s32 @!p0 s0, $0x0;
	v10 =	vor.u32 v5, v10;
	v9 =	vld.idx.msk [tilespmem:v54+s17+$0x0], $0xffff  }
0x30a: {  	p1 =	por !p1, p0  }
0x30b: {  	s0 =	simm.s32 @p1 $0x0  }
0x30c: {  	s0 =	smin.u32 @!p0 s0, $0xF423F  }
0x30d: {  	s0 =	sand.u32 @!p0 $0xFFF80, s0  }
0x30e: {  	s1 =	simm.s32 @!p0 $0x8400;
	s0 =	sadd.s32 @!p0 s9, s0;
	[tilespmem:v10+s22+$0x0] =	vst.idx.msk $0xffff, v9  }
0x30f: {  	[tilespmem:s1], [sflag:$0x5] =	stream.strided.gather @!p0 [hbm4b:s0+s7], $0x2000, s6, s7, $0x38;
	[tilespmem:$0x18400] =	vst v63  }
0x310: {  	s0 =	sadd.s32 $0x5, s4;
	_ =	swait.ge [sflag:s26], $0x2000  }
0x311: {  	s8 =	sand.u32 $0x7D, s0;
	[sflag:s26] =	ssyncset.done $0x0  }
0x312: {  	s1 =	sadd.s32 s8, s5;
	[sflag:s26] =	ssyncadd.s32 $0xFFFFE000  }
0x313: {  	s1 =	sld [smem:s1+$0x80];
	_ =	sdelay $0x2  }
0x314: {  	s1 =	sand.u32 $0x7F, s1  }
0x315: {  	v9 =	vor.u32 s1, v1  }
0x316: {  	v10 =	vmov s0  }
0x317: {  	v11 =	vshll.u32 v10, $0x3  }
0x318: {  	v10 =	vand.u32 $0x7D, v10;
	v11 =	vand.u32 $0xC00, v11  }
0x319: {  	v10 =	vor.u32 v10, v11  }
0x31a: {  	v11 =	vor.u32 v2, v10;
	v9 =	vld.idx.msk [tilespmem:v9+s18+$0x0], $0xffff  }
0x31b: {  	v55 =	vor.u32 s1, v6;
	_ =	sdelay $0x3  }
0x31c: {  	[tilespmem:v11+s22+$0x0] =	vst.idx.msk $0xffff, v9  }
0x31d: {  	v11 =	vor.u32 v3, v10;
	v9 =	vld.idx.msk [tilespmem:v55+s18+$0x0], $0xffff  }
0x31e: {  	v56 =	vor.u32 s1, v7;
	_ =	sdelay $0x3  }
0x31f: {  	s0 =	sadd.s32 @!p0 $0xD, s4;
	s8 =	sadd.s32 @!p0 $0x1A, s2;
	[tilespmem:v11+s22+$0x0] =	vst.idx.msk $0xffff, v9  }
0x320: {  	s0 =	sand.u32 @!p0 $0x7D, s0;
	s8 =	sand.u32 @!p0 $0x700, s8;
	v11 =	vor.u32 v4, v10;
	v9 =	vld.idx.msk [tilespmem:v56+s18+$0x0], $0xffff  }
0x321: {  	s0 =	sor.u32 @!p0 s0, s8;
	v57 =	vor.u32 s1, v8  }
0x322: {  	s0 =	sor.u32 @!p0 $0x80, s0  }
0x323: {  	s0 =	sld @!p0 [smem:s0+$0x0];
	_ =	sdelay $0x1  }
0x324: {  	[tilespmem:v11+s22+$0x0] =	vst.idx.msk $0xffff, v9  }
0x325: {  	p1 =	sgt.s32 @!p0 s0, $0x0;
	v10 =	vor.u32 v5, v10;
	v9 =	vld.idx.msk [tilespmem:v57+s18+$0x0], $0xffff  }
0x326: {  	p1 =	por !p1, p0  }
0x327: {  	s0 =	simm.s32 @p1 $0x0  }
0x328: {  	s0 =	smin.u32 @!p0 s0, $0xF423F  }
0x329: {  	s0 =	sand.u32 @!p0 $0xFFF80, s0  }
0x32a: {  	s1 =	simm.s32 @!p0 $0xA400;
	s0 =	sadd.s32 @!p0 s9, s0;
	[tilespmem:v10+s22+$0x0] =	vst.idx.msk $0xffff, v9  }
0x32b: {  	[tilespmem:s1], [sflag:$0x6] =	stream.strided.gather @!p0 [hbm4b:s0+s7], $0x2000, s6, s7, $0x38;
	[tilespmem:$0x18400] =	vst v63  }
0x32c: {  	s0 =	sadd.s32 $0x6, s4;
	_ =	swait.ge [sflag:s28], $0x2000  }
0x32d: {  	s8 =	sand.u32 $0x7E, s0;
	[sflag:s28] =	ssyncset.done $0x0  }
0x32e: {  	s1 =	sadd.s32 s8, s5;
	[sflag:s28] =	ssyncadd.s32 $0xFFFFE000  }
0x32f: {  	s1 =	sld [smem:s1+$0x80];
	_ =	sdelay $0x2  }
0x330: {  	s1 =	sand.u32 $0x7F, s1  }
0x331: {  	v9 =	vor.u32 s1, v1  }
0x332: {  	v10 =	vmov s0  }
0x333: {  	v11 =	vshll.u32 v10, $0x3  }
0x334: {  	v10 =	vand.u32 $0x7E, v10;
	v11 =	vand.u32 $0xC00, v11  }
0x335: {  	v10 =	vor.u32 v10, v11  }
0x336: {  	v11 =	vor.u32 v2, v10;
	v9 =	vld.idx.msk [tilespmem:v9+s19+$0x0], $0xffff  }
0x337: {  	v58 =	vor.u32 s1, v6;
	_ =	sdelay $0x3  }
0x338: {  	[tilespmem:v11+s22+$0x0] =	vst.idx.msk $0xffff, v9  }
0x339: {  	v11 =	vor.u32 v3, v10;
	v9 =	vld.idx.msk [tilespmem:v58+s19+$0x0], $0xffff  }
0x33a: {  	v59 =	vor.u32 s1, v7;
	_ =	sdelay $0x3  }
0x33b: {  	s0 =	sadd.s32 @!p0 $0xE, s4;
	s8 =	sadd.s32 @!p0 $0x1C, s2;
	[tilespmem:v11+s22+$0x0] =	vst.idx.msk $0xffff, v9  }
0x33c: {  	s0 =	sand.u32 @!p0 $0x7E, s0;
	s8 =	sand.u32 @!p0 $0x700, s8;
	v11 =	vor.u32 v4, v10;
	v9 =	vld.idx.msk [tilespmem:v59+s19+$0x0], $0xffff  }
0x33d: {  	s0 =	sor.u32 @!p0 s0, s8;
	v60 =	vor.u32 s1, v8  }
0x33e: {  	s0 =	sor.u32 @!p0 $0x80, s0  }
0x33f: {  	s0 =	sld @!p0 [smem:s0+$0x0];
	_ =	sdelay $0x1  }
0x340: {  	[tilespmem:v11+s22+$0x0] =	vst.idx.msk $0xffff, v9  }
0x341: {  	p1 =	sgt.s32 @!p0 s0, $0x0;
	v10 =	vor.u32 v5, v10;
	v9 =	vld.idx.msk [tilespmem:v60+s19+$0x0], $0xffff  }
0x342: {  	p1 =	por !p1, p0  }
0x343: {  	s0 =	simm.s32 @p1 $0x0  }
0x344: {  	s0 =	smin.u32 @!p0 s0, $0xF423F  }
0x345: {  	s0 =	sand.u32 @!p0 $0xFFF80, s0  }
0x346: {  	s1 =	simm.s32 @!p0 $0xC400;
	s0 =	sadd.s32 @!p0 s9, s0;
	[tilespmem:v10+s22+$0x0] =	vst.idx.msk $0xffff, v9  }
0x347: {  	[tilespmem:s1], [sflag:$0x7] =	stream.strided.gather @!p0 [hbm4b:s0+s7], $0x2000, s6, s7, $0x38;
	[tilespmem:$0x18400] =	vst v63  }
0x348: {  	s7 =	sadd.s32 $0x7, s4;
	_ =	swait.ge [sflag:s30], $0x2000  }
0x349: {  	s8 =	sand.u32 $0x7F, s7;
	[sflag:s30] =	ssyncset.done $0x0  }
0x34a: {  	s1 =	sadd.s32 s8, s5;
	[sflag:s30] =	ssyncadd.s32 $0xFFFFE000  }
0x34b: {  	s1 =	sld [smem:s1+$0x80];
	_ =	sdelay $0x2  }
0x34c: {  	s1 =	sand.u32 $0x7F, s1  }
0x34d: {  	v9 =	vor.u32 s1, v1  }
0x34e: {  	v10 =	vmov s7  }
0x34f: {  	v11 =	vshll.u32 v10, $0x3  }
0x350: {  	v10 =	vand.u32 $0x7F, v10;
	v11 =	vand.u32 $0xC00, v11  }
0x351: {  	v10 =	vor.u32 v10, v11  }
0x352: {  	v11 =	vor.u32 v2, v10;
	v9 =	vld.idx.msk [tilespmem:v9+s20+$0x0], $0xffff  }
0x353: {  	v61 =	vor.u32 s1, v6;
	_ =	sdelay $0x3  }
0x354: {  	[tilespmem:v11+s22+$0x0] =	vst.idx.msk $0xffff, v9  }
0x355: {  	v11 =	vor.u32 v3, v10;
	v9 =	vld.idx.msk [tilespmem:v61+s20+$0x0], $0xffff  }
0x356: {  	v62 =	vor.u32 s1, v7;
	_ =	sdelay $0x3  }
0x357: {  	[tilespmem:v11+s22+$0x0] =	vst.idx.msk $0xffff, v9  }
0x358: {  	v11 =	vor.u32 v4, v10;
	v9 =	vld.idx.msk [tilespmem:v62+s20+$0x0], $0xffff  }
0x359: {  	v63 =	vor.u32 s1, v8;
	_ =	sdelay $0x3  }
0x35a: {  	[tilespmem:v11+s22+$0x0] =	vst.idx.msk $0xffff, v9  }
0x35b: {  	v10 =	vor.u32 v5, v10;
	v9 =	vld.idx.msk [tilespmem:v63+s20+$0x0], $0xffff  }
.Ltmp10:
0x35c: {  	_ = 	snop;
	(pc) =	sbr.rel @p0 .LBB2_19-.Ltmp10, $2  }
0x35d: {  	_ =	sdelay $0x2  }
0x35e: {  	[tilespmem:v10+s22+$0x0] =	vst.idx.msk $0xffff, v9  }
0x35f: {  	s0 =	sadd.s32 $0xF, s4;
	s1 =	sadd.s32 $0x1E, s2  }
0x360: {  	s1 =	sand.u32 $0x700, s1;
	s0 =	sand.u32 $0x7F, s0  }
0x361: {  	s0 =	sor.u32 s0, s1  }
0x362: {  	s0 =	sor.u32 $0x80, s0  }
0x363: {  	s0 =	sld [smem:s0+$0x0];
	_ =	sdelay $0x2  }
0x364: {  	p0 =	sgt.s32 s0, $0x0  }
.Ltmp11:
0x365: {  	s0 =	simm.s32 @!p0 $0x0;
	(pc) =	sbr.rel .LBB2_17-.Ltmp11, $4  }
0x366: {  	s0 =	smin.u32 s0, $0xF423F  }
0x367: {  	s0 =	sand.u32 $0xFFF80, s0  }
0x368: {  	s4 =	sadd.s32 $0x8, s4;
	s2 =	sadd.s32 $0x10, s2;
	s0 =	sadd.s32 s9, s0  }
0x369: {  	[tilespmem:s20], [sflag:$0x8] =	stream.strided.gather [hbm4b:s0+s13], $0x2000, s14, s13, $0x38;
	[tilespmem:$0x18400] =	vst v63  }
.LBB2_4:
0x36a: {  	_ = 	snop  }
0x36b: {  	_ = 	snop  }
0x36c: {  	_ = 	snop  }
0x36d: {  	_ = 	snop  }
.Ltmp12:
0x36e: {  	(pc) =	sbr.rel .LBB2_13-.Ltmp12, $4  }
0x36f: {  	_ = 	snop  }
0x370: {  	_ = 	snop  }
0x371: {  	s14 =	simm.s32 $0x0  }
0x372: {  	s6 =	simm.s32 $0x0;
	s29 =	simm.s32 $0x2400;
	[dreg:$0xc] =	wrdreg s14  }
.LBB2_6:
0x373: {  	_ = 	snop  }
0x374: {  	_ = 	snop  }
0x375: {  	_ = 	snop  }
0x376: {  	_ = 	snop  }
.Ltmp13:
0x377: {  	(pc) =	sbr.rel .LBB2_13-.Ltmp13, $4  }
0x378: {  	_ = 	snop  }
0x379: {  	_ = 	snop  }
0x37a: {  	s14 =	simm.s32 $0x0  }
0x37b: {  	v10 =	vmov v18;
	s6 =	simm.s32 $0x10;
	s28 =	simm.s32 $0x0;
	[dreg:$0xc] =	wrdreg s14  }
.LBB2_8:
.Ltmp14:
0x37c: {  	(pc) =	sbr.rel .LBB2_13-.Ltmp14, $4  }
0x37d: {  	s5 =	smov.u32 s25;
	s6 =	simm.s32 $0x20;
	s8 =	smov.u32 s30  }
0x37e: {  	s30 =	smov.u32 s4;
	s1 =	smov.u32 s21;
	s10 =	smov.u32 s12  }
0x37f: {  	s12 =	simm.s32 $0x20;
	s0 =	smov.u32 s26;
	s11 =	smov.u32 s23  }
0x380: {  	s28 =	simm.s32 $0x10;
	s26 =	smov.u32 s1;
	s23 =	smov.u32 s0  }
.LBB2_10:
.Ltmp15:
0x381: {  	(pc) =	sbr.rel .LBB2_13-.Ltmp15, $3  }
0x382: {  	_ =	sdelay $0x1  }
0x383: {  	s2 =	rddreg [dreg:$0x10]  }
0x384: {  	v10 =	vmov v18;
	s28 =	simm.s32 $0x20;
	s29 =	simm.s32 $0x2400;
	s15 =	simm.s32 $0x4400  }
.LBB2_20:
0x385: {  	_ =	sfence.sel $0x180000  }
0x386: {  	[bflag:$0x0] =	sbarrier.arrive $0xFFFF  }
0x387: {  	_ =	strace $0x90000047  }
0x388: {  	s0 =	stileid.u32;
	[bflag:$0x2] =	sbarrier.arrive $0xFFFF  }
0x389: {  	p0 =	sne.s32 s0, $0x0;
	s0 =	rddreg [dreg:$0x5]  }
0x38a: {  	s0 =	sadd.s32 @!p0 $0x100000, s0  }
0x38b: {  	[sflag:s0] =	ssyncadd.tile.s32 @!p0 $0x1;
	_ =	shalt  }
.Lfunc_end2:
_tile_overlayer_lowered:
.L_overlay_start_2:
0x38c: {  	(tag) =	ssettag $0x2  }
0x38d: {  	s0 =	rddreg [dreg:$0x0];
	s2 =	stileid.u32  }
0x38e: {  	s1 =	rddreg [dreg:$0x1];
	p0 =	sne.s32 s2, $0x0  }
0x38f: {  	s3 =	rddreg [dreg:$0x2];
	[bflag:$0x3] =	sbarrier.arrive $0xFFFF;
	s2 =	simm.s32 @!p0 $0x1C09  }
0x390: {  	[timem:s3], [sflag:s2] =	dma.local @!p0 [hbm:s0], s1  }
0x391: {  	s0 =	simm.s32 @!p0 $0x9  }
0x392: {  	_ =	swait.ge @!p0 [sflag:s0], s1  }
0x393: {  	s1 =	ssub.s32 @!p0 $0x0, s1;
	[sflag:s0] =	ssyncset.done @!p0 $0x0  }
0x394: {  	[sflag:s0] =	ssyncadd.s32 @!p0 s1  }
0x395: {  	[bflag:$0x3] =	sbarrier.arrive $0xFFFF  }
0x396: {  	_ =	shalt  }

</sc_bundles>
